<compile_context>
chip_gen: v7x
topology: tpu7x:2x2x1
jax: 0.10.2.dev20260603
libtpu: 0.0.44.dev20260713+nightly
codegen_flags: <defaults>
</compile_context>

<pallas_src>
import dataclasses
import functools

import jax
import jax.numpy as jnp
from jax import lax
from jax.experimental import pallas as pl
from jax.experimental.pallas import tpu as pltpu
from jax.experimental.pallas import tpu_sc as plsc

B = 50
NPG = 1000
KP = 500
PN = 512
KNN = 4
NB = 50176
N_NODES = 50000
N_EDGES = 1600000

_BF = jnp.bfloat16
_F32 = jnp.float32


def _lrelu(v):
    return jnp.where(v >= 0, v, v * jnp.float32(0.01))


def _bf(x):
    return x.astype(_BF)


def _split3(x):
    h = x.astype(_BF)
    r = x - h.astype(_F32)
    m = r.astype(_BF)
    l = (r - m.astype(_F32)).astype(_BF)
    return h, m, l


def _dot(a, b):
    return jax.lax.dot(a, b, preferred_element_type=_F32)


def _mm(a, b):
    return _dot(_bf(a), _bf(b))


def _mm_onehot(o, b):
    obf = o.astype(_BF)
    bh, bm, bl = _split3(b)
    return _dot(obf, bh) + _dot(obf, bm) + _dot(obf, bl)


def _tr(x, eye_bf):
    xh, xm, xl = _split3(x)
    dn = (((0,), (0,)), ((), ()))
    f = lambda v: lax.dot_general(v, eye_bf, dn, preferred_element_type=_F32)
    return f(xh) + f(xm) + f(xl)


def _key_i32(score):
    u = lax.bitcast_convert_type(score, jnp.int32)
    return jnp.where(u >= 0, u, jnp.int32(-2147483648) - u)


def _conv(h, d2_base, lane_iota, w1at, w1bt, w2t, b1, b2):
    hh, hm, hl = _split3(h)
    xi_term = _dot(hh, _bf(w1at))
    b1r = b1[...]
    b2r = b2[...]
    w1bt_bf = _bf(w1bt)
    w2t_bf = _bf(w2t)
    out = jnp.zeros((PN, w2t.shape[1]), _F32)
    d2 = d2_base
    for _ in range(KNN):
        mv = jnp.min(d2, axis=1, keepdims=True)
        am = jnp.min(jnp.where(d2 == mv, lane_iota, jnp.float32(9e9)),
                     axis=1, keepdims=True)
        sel = lane_iota == am
        d2 = jnp.where(sel, jnp.float32(1e10), d2)
        ob = jnp.where(sel, 1.0, 0.0).astype(_BF)
        xj = (_dot(ob, hh) + _dot(ob, hm) + _dot(ob, hl))
        diff = xj - h
        h1 = _lrelu(xi_term + _dot(_bf(diff), w1bt_bf) + b1r)
        h2 = _lrelu(_dot(_bf(h1), w2t_bf) + b2r)
        out = out + h2
    return out


def _d2_of(h, eye_bf, pad_big):
    p3t = _tr(h[:, 0:3], eye_bf)
    d0 = h[:, 0:1] - p3t[0:1, :]
    d1 = h[:, 1:2] - p3t[1:2, :]
    d2c = h[:, 2:3] - p3t[2:3, :]
    d2 = (d0 * d0 + d1 * d1) + d2c * d2c
    return d2 + pad_big


def _graph_body(xg_ref, xgt_ref, agg_ref,
                tri_ref, eye_ref, sub_iota_ref, lane_iota_ref, pad_big_ref,
                wrel_ref, wroot_ref, relb_ref,
                c1a_ref, c1b_ref, c1w2_ref, c1b1_ref, c1b2_ref,
                c2a_ref, c2b_ref, c2w2_ref, c2b1_ref, c2b2_ref,
                c3a_ref, c3b_ref, c3w2_ref, c3b1_ref, c3b2_ref,
                c4a_ref, c4b_ref, c4w2_ref, c4b1_ref, c4b2_ref,
                n1x_ref, n1a_ref, n1b_ref, n1c_ref, n1d_ref, n1bias_ref,
                n2_ref, n2b_ref,
                n3a_ref, n3b_ref, n3c_ref, n3d_ref, n3bias_ref,
                n4_ref, n4b_ref,
                out_ref):
    xg = xg_ref[0]
    xgt = xgt_ref[0]

    acc = jnp.zeros((1, NPG), _F32)
    for d in range(4):
        agg_d = agg_ref[0, d:d + 1, :] + agg_ref[0, 4 + d:5 + d, :]
        acc = acc + agg_d * wrel_ref[0, d]
    root = jnp.zeros((1, NPG), _F32)
    for d in range(4):
        root = root + xgt[d:d + 1, :] * wroot_ref[0, d]
    score = _lrelu(acc + relb_ref[0, 0] + root)

    keys = _key_i32(score)
    lo0 = jnp.min(keys)
    hi0 = jnp.max(keys) + 1

    def bis(_, lh):
        lo, hi = lh
        mid = (lo >> 1) + (hi >> 1) + (lo & hi & 1)
        c = jnp.sum(jnp.where(keys >= mid, 1, 0).astype(jnp.int32))
        big = c >= KP
        return jnp.where(big, mid, lo), jnp.where(big, hi, mid)

    v500, _ = lax.fori_loop(0, 34, bis, (lo0, hi0))
    gt = keys > v500
    eq = keys == v500
    cnt_gt = jnp.sum(jnp.where(gt, 1, 0).astype(jnp.int32))
    quota = (KP - cnt_gt).astype(_F32)

    tri = tri_ref[...]
    csum_eq = _dot(jnp.where(eq, 1.0, 0.0).astype(_BF), tri)
    mask = gt | (eq & (csum_eq <= quota))
    maskf = jnp.where(mask, 1.0, 0.0)
    pos = _dot(maskf.astype(_BF), tri) - 1.0

    sub_iota = sub_iota_ref[...]
    cf = jnp.where(mask & (pos == sub_iota), 1.0, 0.0)
    x0r = _mm_onehot(cf, xg)
    ones11 = jnp.ones((1, 1), _BF)
    dn = (((0,), (0,)), ((), ()))
    sh, sm_, sl = _split3(score)
    score_col = (lax.dot_general(sh, ones11, dn, preferred_element_type=_F32)
                 + lax.dot_general(sm_, ones11, dn, preferred_element_type=_F32)
                 + lax.dot_general(sl, ones11, dn, preferred_element_type=_F32))
    s0 = _mm_onehot(cf, score_col)
    x0 = x0r * s0

    eye_bf = eye_ref[...]
    lane_iota = lane_iota_ref[...]
    pad_big = pad_big_ref[...]

    a = _conv(x0, _d2_of(x0, eye_bf, pad_big), lane_iota,
              c1a_ref[...], c1b_ref[...], c1w2_ref[...], c1b1_ref, c1b2_ref)
    bb = _conv(a, _d2_of(a, eye_bf, pad_big), lane_iota,
               c2a_ref[...], c2b_ref[...], c2w2_ref[...], c2b1_ref, c2b2_ref)
    cc = _conv(bb, _d2_of(bb, eye_bf, pad_big), lane_iota,
               c3a_ref[...], c3b_ref[...], c3w2_ref[...], c3b1_ref, c3b2_ref)
    dd = _conv(cc, _d2_of(cc, eye_bf, pad_big), lane_iota,
               c4a_ref[...], c4b_ref[...], c4w2_ref[...], c4b1_ref, c4b2_ref)

    h1 = _lrelu(_mm(x0, n1x_ref[...]) + _mm(a, n1a_ref[...])
                + _mm(bb, n1b_ref[...]) + _mm(cc, n1c_ref[...])
                + _mm(dd, n1d_ref[...]) + n1bias_ref[...])
    h2 = _mm(h1, n2_ref[...]) + n2b_ref[...]
    live = lax.broadcasted_iota(jnp.int32, (PN, 1), 0) < KP
    mx = jnp.max(jnp.where(live, h2, jnp.float32(-1e30)), axis=0, keepdims=True)
    mn = jnp.min(jnp.where(live, h2, jnp.float32(1e30)), axis=0, keepdims=True)
    sm = jnp.sum(jnp.where(live, h2, jnp.float32(0.0)), axis=0, keepdims=True)
    mean = sm / jnp.float32(KP)
    h3 = _lrelu(_mm(_lrelu(mx), n3a_ref[...]) + _mm(_lrelu(mn), n3b_ref[...])
                + _mm(_lrelu(sm), n3c_ref[...]) + _mm(_lrelu(mean), n3d_ref[...])
                + n3bias_ref[...])
    res = jnp.sum(h3 * n4_ref[...], axis=1, keepdims=True) + n4b_ref[...]
    out_ref[0] = jnp.broadcast_to(res, (1, 128))


def _run_graphs(xg3, xgt3, agg3, wrel, wroot, relb, wl):
    full = lambda shape: pl.BlockSpec(shape, lambda g: tuple(0 for _ in shape))
    tri = (jnp.arange(NPG, dtype=jnp.int32)[:, None]
           <= jnp.arange(NPG, dtype=jnp.int32)[None, :]).astype(_BF)
    eye = jnp.eye(PN, dtype=_BF)
    sub_iota = jnp.broadcast_to(
        jnp.arange(PN, dtype=_F32)[:, None], (PN, NPG))
    lane_iota = jnp.broadcast_to(
        jnp.arange(PN, dtype=_F32)[None, :], (PN, PN))
    ri = jnp.arange(PN, dtype=jnp.int32)
    pad_big = jnp.where((ri[:, None] == ri[None, :]) | (ri[None, :] >= KP),
                        jnp.float32(1e10), jnp.float32(0.0))
    consts = [tri, eye, sub_iota, lane_iota, pad_big]
    in_specs = [
        pl.BlockSpec((1, NPG, 4), lambda g: (g, 0, 0)),
        pl.BlockSpec((1, 4, NPG), lambda g: (g, 0, 0)),
        pl.BlockSpec((1, 8, NPG), lambda g: (g, 0, 0)),
    ] + [full(c.shape) for c in consts] + [
        pl.BlockSpec(memory_space=pltpu.SMEM),
        pl.BlockSpec(memory_space=pltpu.SMEM),
        pl.BlockSpec(memory_space=pltpu.SMEM),
    ] + [full(w.shape) for w in wl]
    out = pl.pallas_call(
        _graph_body,
        grid=(B,),
        out_shape=jax.ShapeDtypeStruct((B, 1, 128), _F32),
        in_specs=in_specs,
        out_specs=pl.BlockSpec((1, 1, 128), lambda g: (g, 0, 0)),
    )(xg3, xgt3, agg3, *consts, wrel, wroot, relb, *wl)
    return out[:, 0, 0:1]


E_PAD = 1605632
EPG = 200704
NCH = 196
ZS = NB // 16


def _sc_body(xt_hbm, src_hbm, dst_hbm, out_hbm,
             xcol_v, src_v, dst_v, vals_v, acc):
    c = lax.axis_index("c")
    s = lax.axis_index("s")
    d = s % 4
    g = c * 4 + s // 4
    zbase = s * ZS

    @pl.loop(0, 1024, step=16)
    def _zero(i):
        vals_v[pl.ds(i, 16)] = jnp.zeros((16,), _F32)

    for d4 in range(4):
        for k in range(3):
            pltpu.sync_copy(vals_v,
                            acc.at[pl.ds(d4 * NB + zbase + k * 1024, 1024)])
        pltpu.sync_copy(vals_v.at[pl.ds(0, 64)],
                        acc.at[pl.ds(d4 * NB + zbase + 3072, 64)])
    pltpu.sync_copy(xt_hbm.at[pl.ds(d * NB, NB)], xcol_v)
    plsc.subcore_barrier()

    ebase = g * EPG
    doff = d * NB

    @pl.loop(0, NCH)
    def _chunk(ch):
        off = ebase + ch * 1024
        pltpu.sync_copy(src_hbm.at[pl.ds(off, 1024)], src_v)
        row = g * (EPG // 128) + ch * 8
        pltpu.sync_copy(dst_hbm.at[pl.ds(row, 8)], dst_v)

        @pl.loop(0, 1024, step=16)
        def _gather(i):
            idx = src_v[pl.ds(i, 16)]
            vals_v[pl.ds(i, 16)] = plsc.load_gather(xcol_v, [idx])

        @pl.loop(0, 8)
        def _shift(j):
            @pl.loop(0, 128, step=16)
            def _sh16(i):
                dst_v[j, pl.ds(i, 16)] = dst_v[j, pl.ds(i, 16)] + doff

        for j in range(8):
            pltpu.sync_copy(vals_v.at[pl.ds(j * 128, 128)],
                            acc.at[dst_v.at[j]], add=True)

    plsc.subcore_barrier()
    obase = c * 4 * NB
    for d4 in range(4):
        for k in range(3):
            sl = pl.ds(d4 * NB + zbase + k * 1024, 1024)
            osl = pl.ds(obase + d4 * NB + zbase + k * 1024, 1024)
            pltpu.sync_copy(acc.at[sl], vals_v)
            pltpu.sync_copy(vals_v, out_hbm.at[osl])
        sl = pl.ds(d4 * NB + zbase + 3072, 64)
        osl = pl.ds(obase + d4 * NB + zbase + 3072, 64)
        pltpu.sync_copy(acc.at[sl], vals_v.at[pl.ds(0, 64)])
        pltpu.sync_copy(vals_v.at[pl.ds(0, 64)], out_hbm.at[osl])


def _edge_aggregate(x, src, dst):
    npad = E_PAD - N_EDGES
    srcp = jnp.concatenate([src, jnp.full((npad,), N_NODES, jnp.int32)])
    dstp = jnp.concatenate([dst, jnp.full((npad,), N_NODES, jnp.int32)])
    dst2 = dstp.reshape(E_PAD // 128, 128)
    xt_pad = jnp.pad(x.T, ((0, 0), (0, NB - N_NODES))).reshape(4 * NB)

    mesh = plsc.VectorSubcoreMesh(core_axis_name="c", subcore_axis_name="s")
    cp = pltpu.CompilerParams()
    if "needs_layout_passes" in pltpu.CompilerParams.__dataclass_fields__:
        cp = dataclasses.replace(cp, needs_layout_passes=False)
    f = pl.kernel(
        _sc_body,
        out_type=jax.ShapeDtypeStruct((2 * 4 * NB,), _F32),
        mesh=mesh,
        compiler_params=cp,
        scratch_types=[
            pltpu.VMEM((NB,), _F32),
            pltpu.VMEM((1024,), jnp.int32),
            pltpu.VMEM((8, 128), jnp.int32),
            pltpu.VMEM((1024,), _F32),
            pltpu.VMEM_SHARED((4 * NB,), _F32),
        ],
    )
    return f(xt_pad, srcp, dst2).reshape(2, 4, NB)


def kernel(x, params, edge_index, batch):
    p = params
    aggP = _edge_aggregate(x, edge_index[0], edge_index[1])
    agg3 = (aggP[:, :, :N_NODES].reshape(2, 4, B, NPG)
            .transpose(2, 0, 1, 3).reshape(B, 8, NPG))

    xg3 = x.reshape(B, NPG, 4)
    xgt3 = xg3.swapaxes(1, 2)

    def c_w(i):
        w1 = p['c%d_w1' % i]
        d = w1.shape[1] // 2
        w1a, w1b = w1[:, :d], w1[:, d:]
        return [w1a.T, w1b.T, p['c%d_w2' % i].T,
                p['c%d_b1' % i][None, :], p['c%d_b2' % i][None, :]]

    n1 = p['nn1_w'].T
    n1parts = [n1[0:4], n1[4:196], n1[196:388], n1[388:580], n1[580:772]]
    n3 = p['nn3_w'].T
    n3parts = [n3[0:192], n3[192:384], n3[384:576], n3[576:768]]

    wl = (c_w(1) + c_w(2) + c_w(3) + c_w(4)
          + n1parts + [p['nn1_b'][None, :], p['nn2_w'].T, p['nn2_b'][None, :]]
          + n3parts + [p['nn3_b'][None, :], p['nn4_w'], p['nn4_b'][None, :]])
    wl = [w.astype(_F32) for w in wl]

    return _run_graphs(xg3, xgt3, agg3,
                       p['sag_rel_w'], p['sag_root_w'],
                       p['sag_rel_b'][None, :], wl)

# --- scband reference (transcript-rebuilt; emitter-appended) ---
"""Pipeline reference for scband-dynedge-sag-23029614641725 (READ-ONLY COPY).

The authoritative reference and input builder live on the scoring server;
editing this copy changes nothing except your own understanding.
"""

import jax, jax.numpy as jnp
import numpy as np

N_NODES = 50000
N_EDGES = 1600000
B = 50
IN = 4
L2, L3, L4, L5, L6, L7 = 96, 192, 252, 192, 96, 1


def _lin_params(key, out_d, in_d, bias=True):
    k1, k2 = jax.random.split(key)
    lim = 1.0 / np.sqrt(in_d)
    w = jax.random.uniform(k1, (out_d, in_d), minval=-lim, maxval=lim, dtype=jnp.float32)
    if bias:
        b = jax.random.uniform(k2, (out_d,), minval=-lim, maxval=lim, dtype=jnp.float32)
        return w, b
    return w


def setup_inputs(seed: int = 0):
    key = jax.random.key(seed)
    ks = jax.random.split(key, 13)
    x = jax.random.normal(ks[0], (N_NODES, IN), dtype=jnp.float32)
    edge_index = jax.random.randint(ks[1], (2, N_EDGES), 0, N_NODES, dtype=jnp.int32)
    batch = jnp.repeat(jnp.arange(B, dtype=jnp.int32), N_NODES // B)
    p = {}
    p['sag_rel_w'], p['sag_rel_b'] = _lin_params(ks[2], 1, IN)
    p['sag_root_w'] = _lin_params(ks[3], 1, IN, bias=False)
    p['c1_w1'], p['c1_b1'] = _lin_params(ks[4], L2, 2 * IN)
    p['c1_w2'], p['c1_b2'] = _lin_params(ks[5], L3, L2)
    for i, kk in zip((2, 3, 4), (ks[6], ks[7], ks[8])):
        ka, kb = jax.random.split(kk)
        p['c%d_w1' % i], p['c%d_b1' % i] = _lin_params(ka, L4, 2 * L3)
        p['c%d_w2' % i], p['c%d_b2' % i] = _lin_params(kb, L3, L4)
    p['nn1_w'], p['nn1_b'] = _lin_params(ks[9], L4, 4 * L3 + IN)
    p['nn2_w'], p['nn2_b'] = _lin_params(ks[10], L5, L4)
    p['nn3_w'], p['nn3_b'] = _lin_params(ks[11], L6, 4 * L5)
    p['nn4_w'], p['nn4_b'] = _lin_params(ks[12], L7, L6)
    return {'x': x, 'params': p, 'edge_index': edge_index, 'batch': batch}


def _lrelu(v):
    return jax.nn.leaky_relu(v, negative_slope=0.01)


def _knn_edges(pos, b, npg, k):
    # torch_geometric.nn.knn_graph, flow='source_to_target', loop=False:
    # edge_index[0]=neighbor (source), edge_index[1]=query node (target)
    p3 = pos.reshape(b, npg, 3)
    d2 = jnp.sum((p3[:, :, None, :] - p3[:, None, :, :]) ** 2, axis=-1)
    d2 = jax.lax.stop_gradient(d2) + jnp.eye(npg, dtype=pos.dtype) * 1e10
    _, nbr = jax.lax.top_k(-d2, k)
    offs = (jnp.arange(b) * npg)[:, None, None]
    src = (nbr + offs).reshape(-1)
    dst = (jnp.broadcast_to(jnp.arange(npg)[None, :, None], (b, npg, k)) + offs).reshape(-1)
    return src, dst


def _edge_conv(x, src, dst, w1, b1, w2, b2):
    # EdgeConv(aggr='add'): sum_j nn(cat([x_i, x_j - x_i]))
    xi = x[dst]
    xj = x[src]
    m = jnp.concatenate([xi, xj - xi], axis=1)
    m = _lrelu(m @ w1.T + b1)
    m = _lrelu(m @ w2.T + b2)
    return jax.ops.segment_sum(m, dst, num_segments=x.shape[0])


def _forward(x, params, edge_index, batch):
    p = params
    n = x.shape[0]
    npg = n // B
    # SAGPooling: score = LeakyReLU(GraphConv(in,1)(x, edge_index))
    agg = jax.ops.segment_sum(x[edge_index[0]], edge_index[1], num_segments=n)
    score = agg @ p['sag_rel_w'].T + p['sag_rel_b'] + x @ p['sag_root_w'].T
    score = _lrelu(score.reshape(-1))
    k_pool = npg // 2  # ratio=0.5 top-k per graph (equal-size graphs)
    _, idx = jax.lax.top_k(jax.lax.stop_gradient(score).reshape(B, npg), k_pool)
    perm = (idx + (jnp.arange(B) * npg)[:, None]).reshape(-1)
    x0 = x[perm] * score[perm][:, None]
    batch_sel = batch[perm]
    src, dst = _knn_edges(x0[:, 0:3], B, k_pool, 4)
    a = _edge_conv(x0, src, dst, p['c1_w1'], p['c1_b1'], p['c1_w2'], p['c1_b2'])
    src, dst = _knn_edges(a[:, 0:3], B, k_pool, 4)
    bb = _edge_conv(a, src, dst, p['c2_w1'], p['c2_b1'], p['c2_w2'], p['c2_b2'])
    src, dst = _knn_edges(bb[:, 0:3], B, k_pool, 4)
    cc = _edge_conv(bb, src, dst, p['c3_w1'], p['c3_b1'], p['c3_w2'], p['c3_b2'])
    src, dst = _knn_edges(cc[:, 0:3], B, k_pool, 4)
    dd = _edge_conv(cc, src, dst, p['c4_w1'], p['c4_b1'], p['c4_w2'], p['c4_b2'])
    h = jnp.concatenate([x0, a, bb, cc, dd], axis=1)
    h = _lrelu(h @ p['nn1_w'].T + p['nn1_b'])
    h = h @ p['nn2_w'].T + p['nn2_b']
    mx = jax.ops.segment_max(h, batch_sel, num_segments=B)
    mn = jax.ops.segment_min(h, batch_sel, num_segments=B)
    sm = jax.ops.segment_sum(h, batch_sel, num_segments=B)
    cnt = jax.ops.segment_sum(jnp.ones((h.shape[0], 1), h.dtype), batch_sel, num_segments=B)
    h = jnp.concatenate([mx, mn, sm, sm / cnt], axis=1)
    h = _lrelu(h)
    h = _lrelu(h @ p['nn3_w'].T + p['nn3_b'])
    return h @ p['nn4_w'].T + p['nn4_b']


def reference(x, params, edge_index, batch):
    return _forward(x, params, edge_index, batch)

if __name__ == "__main__":
    import jax
    _d = setup_inputs()
    print(jax.jit(kernel)(*tuple(_d.values())))

</pallas_src>

<mosaic_0001>
#map = affine_map<(d0, d1) -> (0)>
#map1 = affine_map<(d0, d1) -> (0, 0)>
module attributes {stable_mosaic.version = 14 : i64} {
  func.func @_sc_body(%arg0: i32, %arg1: i32, %arg2: memref<200704xf32, #tpu.memory_space<hbm>>, %arg3: memref<1605632xi32, #tpu.memory_space<hbm>>, %arg4: memref<12544x128xi32, #tpu.memory_space<hbm>>, %arg5: memref<401408xf32, #tpu.memory_space<hbm>>, %arg6: memref<50176xf32, #tpu.memory_space<vmem>>, %arg7: memref<1024xi32, #tpu.memory_space<vmem>>, %arg8: memref<8x128xi32, #tpu.memory_space<vmem>>, %arg9: memref<1024xf32, #tpu.memory_space<vmem>>, %arg10: memref<200704xf32, #tpu.memory_space<vmem_shared>>) attributes {dimension_semantics = [#tpu.dimension_semantics<core_parallel>, #tpu.dimension_semantics<subcore_parallel>], iteration_bounds = array<i64: 2, 16>, scalar_prefetch = 0 : i64, scratch_operands = 5 : i64, tpu.core_type = #tpu.core_type<sc_vector_subcore>, window_params = [{transform_indices = #map}, {transform_indices = #map}, {transform_indices = #map1}, {transform_indices = #map}]} {
    %jit3A = arith.constant 4 : i32
    %eq3A = arith.constant 0 : i32
    %eq3A_0 = arith.cmpi eq, %jit3A, %eq3A : i32
    %jit3A_1 = arith.constant 1 : i32
    %select_n3A = arith.select %eq3A_0, %jit3A_1, %jit3A : i32
    %rem3A = arith.remsi %arg1, %select_n3A : i32
    %ne3A = arith.constant 0 : i32
    %ne3A_2 = arith.cmpi ne, %rem3A, %ne3A : i32
    %lt3A = arith.constant 0 : i32
    %lt3A_3 = arith.cmpi slt, %rem3A, %lt3A : i32
    %lt3A_4 = arith.constant 0 : i32
    %lt3A_5 = arith.cmpi slt, %select_n3A, %lt3A_4 : i32
    %ne3A_6 = arith.xori %lt3A_3, %lt3A_5 : i1
    %and3A = arith.andi %ne3A_6, %ne3A_2 : i1
    %add3A = arith.addi %rem3A, %select_n3A : i32
    %select_n3A_7 = arith.select %and3A, %add3A, %rem3A : i32
    %mul3A = arith.constant 4 : i32
    %mul3A_8 = arith.muli %arg0, %mul3A : i32
    %jit3A_9 = arith.constant 4 : i32
    %div3A = arith.divsi %arg1, %jit3A_9 : i32
    %sign3A = arith.constant 0 : i32
    %sign3A_10 = arith.cmpi sgt, %arg1, %sign3A : i32
    %sign3A_11 = arith.extui %sign3A_10 : i1 to i32
    %sign3A_12 = arith.constant 0 : i32
    %sign3A_13 = arith.cmpi slt, %arg1, %sign3A_12 : i32
    %sign3A_14 = arith.extui %sign3A_13 : i1 to i32
    %sign3A_15 = arith.subi %sign3A_11, %sign3A_14 : i32
    %sign3A_16 = arith.constant 0 : i32
    %sign3A_17 = arith.cmpi sgt, %jit3A_9, %sign3A_16 : i32
    %sign3A_18 = arith.extui %sign3A_17 : i1 to i32
    %sign3A_19 = arith.constant 0 : i32
    %sign3A_20 = arith.cmpi slt, %jit3A_9, %sign3A_19 : i32
    %sign3A_21 = arith.extui %sign3A_20 : i1 to i32
    %sign3A_22 = arith.subi %sign3A_18, %sign3A_21 : i32
    %ne3A_23 = arith.cmpi ne, %sign3A_15, %sign3A_22 : i32
    %rem3A_24 = arith.remsi %arg1, %jit3A_9 : i32
    %ne3A_25 = arith.constant 0 : i32
    %ne3A_26 = arith.cmpi ne, %rem3A_24, %ne3A_25 : i32
    %and3A_27 = arith.andi %ne3A_23, %ne3A_26 : i1
    %sub3A = arith.constant 1 : i32
    %sub3A_28 = arith.subi %div3A, %sub3A : i32
    %select_n3A_29 = arith.select %and3A_27, %sub3A_28, %div3A : i32
    %add3A_30 = arith.addi %mul3A_8, %select_n3A_29 : i32
    %mul3A_31 = arith.constant 3136 : i32
    %mul3A_32 = arith.muli %arg1, %mul3A_31 : i32
    %scan3A = arith.constant 0 : i32
    %scan3A_33 = arith.constant 64 : i32
    %scan3A_34 = arith.addi %scan3A, %scan3A_33 : i32
    %scan3A_35 = arith.constant 1 : i32
    scf.for %scan3A_261 = %scan3A to %scan3A_34 step %scan3A_35  : i32 {
      %mul3A_262 = arith.constant 16 : i32
      %mul3A_263 = arith.muli %scan3A_261, %mul3A_262 : i32
      %add3A_264 = arith.constant 0 : i32
      %add3A_265 = arith.addi %add3A_264, %mul3A_263 : i32
      %broadcast_in_dim3A = arith.constant 0.000000e+00 : f32
      %broadcast_in_dim3A_266 = vector.broadcast %broadcast_in_dim3A : f32 to vector<16xf32>
      %swap3A = arith.index_cast %add3A_265 : i32 to index
      %swap3A_267 = tpu.vector_load %arg9[%swap3A] {strides = array<i32>} : memref<1024xf32, #tpu.memory_space<vmem>>, vector<16xf32>,
      tpu.vector_store %arg9[%swap3A], %broadcast_in_dim3A_266 {strides = array<i32>} : memref<1024xf32, #tpu.memory_space<vmem>>, vector<16xf32>,
    }
    %scan3A_36 = arith.constant 64 : i32
    %add3A_37 = arith.constant 0 : i32
    %add3A_38 = arith.addi %add3A_37, %mul3A_32 : i32
    %add3A_39 = arith.constant 0 : i32
    %add3A_40 = arith.addi %add3A_38, %add3A_39 : i32
    "tpu.region"() ({
      %run_scoped3A = tpu.sem_alloc : memref<!tpu.dma_semaphore, #tpu.memory_space<semaphore_mem>>
      %dma_start3A = tpu.memref_slice %arg10[%add3A_40] : memref<200704xf32, #tpu.memory_space<vmem_shared>> -> memref<1024xf32, #tpu.memory_space<vmem_shared>>
      %dma_start3A_261 = tpu.memref_slice %arg10[%add3A_40] : memref<200704xf32, #tpu.memory_space<vmem_shared>> -> memref<1024xf32, #tpu.memory_space<vmem_shared>>
      tpu.enqueue_dma source(%arg9 : memref<1024xf32, #tpu.memory_space<vmem>>) target(%dma_start3A_261 : memref<1024xf32, #tpu.memory_space<vmem_shared>>) target_semaphore(%run_scoped3A : memref<!tpu.dma_semaphore, #tpu.memory_space<semaphore_mem>>)
      %dma_wait3A = tpu.memref_slice %arg10[%add3A_40] : memref<200704xf32, #tpu.memory_space<vmem_shared>> -> memref<1024xf32, #tpu.memory_space<vmem_shared>>
      %dma_wait3A_262 = tpu.memref_slice %arg10[%add3A_40] : memref<200704xf32, #tpu.memory_space<vmem_shared>> -> memref<1024xf32, #tpu.memory_space<vmem_shared>>
      tpu.wait_dma2 semaphore(%run_scoped3A : memref<!tpu.dma_semaphore, #tpu.memory_space<semaphore_mem>>) src(%arg9 : memref<1024xf32, #tpu.memory_space<vmem>>) dst(%dma_wait3A_262 : memref<1024xf32, #tpu.memory_space<vmem_shared>>)
      tpu.yield
    }) : () -> ()
    %add3A_41 = arith.constant 0 : i32
    %add3A_42 = arith.addi %add3A_41, %mul3A_32 : i32
    %add3A_43 = arith.constant 1024 : i32
    %add3A_44 = arith.addi %add3A_42, %add3A_43 : i32
    "tpu.region"() ({
      %run_scoped3A = tpu.sem_alloc : memref<!tpu.dma_semaphore, #tpu.memory_space<semaphore_mem>>
      %dma_start3A = tpu.memref_slice %arg10[%add3A_44] : memref<200704xf32, #tpu.memory_space<vmem_shared>> -> memref<1024xf32, #tpu.memory_space<vmem_shared>>
      %dma_start3A_261 = tpu.memref_slice %arg10[%add3A_44] : memref<200704xf32, #tpu.memory_space<vmem_shared>> -> memref<1024xf32, #tpu.memory_space<vmem_shared>>
      tpu.enqueue_dma source(%arg9 : memref<1024xf32, #tpu.memory_space<vmem>>) target(%dma_start3A_261 : memref<1024xf32, #tpu.memory_space<vmem_shared>>) target_semaphore(%run_scoped3A : memref<!tpu.dma_semaphore, #tpu.memory_space<semaphore_mem>>)
      %dma_wait3A = tpu.memref_slice %arg10[%add3A_44] : memref<200704xf32, #tpu.memory_space<vmem_shared>> -> memref<1024xf32, #tpu.memory_space<vmem_shared>>
      %dma_wait3A_262 = tpu.memref_slice %arg10[%add3A_44] : memref<200704xf32, #tpu.memory_space<vmem_shared>> -> memref<1024xf32, #tpu.memory_space<vmem_shared>>
      tpu.wait_dma2 semaphore(%run_scoped3A : memref<!tpu.dma_semaphore, #tpu.memory_space<semaphore_mem>>) src(%arg9 : memref<1024xf32, #tpu.memory_space<vmem>>) dst(%dma_wait3A_262 : memref<1024xf32, #tpu.memory_space<vmem_shared>>)
      tpu.yield
    }) : () -> ()
    %add3A_45 = arith.constant 0 : i32
    %add3A_46 = arith.addi %add3A_45, %mul3A_32 : i32
    %add3A_47 = arith.constant 2048 : i32
    %add3A_48 = arith.addi %add3A_46, %add3A_47 : i32
    "tpu.region"() ({
      %run_scoped3A = tpu.sem_alloc : memref<!tpu.dma_semaphore, #tpu.memory_space<semaphore_mem>>
      %dma_start3A = tpu.memref_slice %arg10[%add3A_48] : memref<200704xf32, #tpu.memory_space<vmem_shared>> -> memref<1024xf32, #tpu.memory_space<vmem_shared>>
      %dma_start3A_261 = tpu.memref_slice %arg10[%add3A_48] : memref<200704xf32, #tpu.memory_space<vmem_shared>> -> memref<1024xf32, #tpu.memory_space<vmem_shared>>
      tpu.enqueue_dma source(%arg9 : memref<1024xf32, #tpu.memory_space<vmem>>) target(%dma_start3A_261 : memref<1024xf32, #tpu.memory_space<vmem_shared>>) target_semaphore(%run_scoped3A : memref<!tpu.dma_semaphore, #tpu.memory_space<semaphore_mem>>)
      %dma_wait3A = tpu.memref_slice %arg10[%add3A_48] : memref<200704xf32, #tpu.memory_space<vmem_shared>> -> memref<1024xf32, #tpu.memory_space<vmem_shared>>
      %dma_wait3A_262 = tpu.memref_slice %arg10[%add3A_48] : memref<200704xf32, #tpu.memory_space<vmem_shared>> -> memref<1024xf32, #tpu.memory_space<vmem_shared>>
      tpu.wait_dma2 semaphore(%run_scoped3A : memref<!tpu.dma_semaphore, #tpu.memory_space<semaphore_mem>>) src(%arg9 : memref<1024xf32, #tpu.memory_space<vmem>>) dst(%dma_wait3A_262 : memref<1024xf32, #tpu.memory_space<vmem_shared>>)
      tpu.yield
    }) : () -> ()
    %add3A_49 = arith.constant 0 : i32
    %add3A_50 = arith.addi %add3A_49, %mul3A_32 : i32
    %add3A_51 = arith.constant 3072 : i32
    %add3A_52 = arith.addi %add3A_50, %add3A_51 : i32
    "tpu.region"() ({
      %run_scoped3A = tpu.sem_alloc : memref<!tpu.dma_semaphore, #tpu.memory_space<semaphore_mem>>
      %dma_start3A = arith.constant 0 : i32
      %dma_start3A_261 = tpu.memref_slice %arg9[%dma_start3A] : memref<1024xf32, #tpu.memory_space<vmem>> -> memref<64xf32, #tpu.memory_space<vmem>>
      %dma_start3A_262 = tpu.memref_slice %arg10[%add3A_52] : memref<200704xf32, #tpu.memory_space<vmem_shared>> -> memref<64xf32, #tpu.memory_space<vmem_shared>>
      %dma_start3A_263 = tpu.memref_slice %arg10[%add3A_52] : memref<200704xf32, #tpu.memory_space<vmem_shared>> -> memref<64xf32, #tpu.memory_space<vmem_shared>>
      %dma_start3A_264 = arith.constant 0 : i32
      %dma_start3A_265 = tpu.memref_slice %arg9[%dma_start3A_264] : memref<1024xf32, #tpu.memory_space<vmem>> -> memref<64xf32, #tpu.memory_space<vmem>>
      tpu.enqueue_dma source(%dma_start3A_265 : memref<64xf32, #tpu.memory_space<vmem>>) target(%dma_start3A_263 : memref<64xf32, #tpu.memory_space<vmem_shared>>) target_semaphore(%run_scoped3A : memref<!tpu.dma_semaphore, #tpu.memory_space<semaphore_mem>>)
      %dma_wait3A = arith.constant 0 : i32
      %dma_wait3A_266 = tpu.memref_slice %arg9[%dma_wait3A] : memref<1024xf32, #tpu.memory_space<vmem>> -> memref<64xf32, #tpu.memory_space<vmem>>
      %dma_wait3A_267 = tpu.memref_slice %arg10[%add3A_52] : memref<200704xf32, #tpu.memory_space<vmem_shared>> -> memref<64xf32, #tpu.memory_space<vmem_shared>>
      %dma_wait3A_268 = tpu.memref_slice %arg10[%add3A_52] : memref<200704xf32, #tpu.memory_space<vmem_shared>> -> memref<64xf32, #tpu.memory_space<vmem_shared>>
      %dma_wait3A_269 = arith.constant 0 : i32
      %dma_wait3A_270 = tpu.memref_slice %arg9[%dma_wait3A_269] : memref<1024xf32, #tpu.memory_space<vmem>> -> memref<64xf32, #tpu.memory_space<vmem>>
      tpu.wait_dma2 semaphore(%run_scoped3A : memref<!tpu.dma_semaphore, #tpu.memory_space<semaphore_mem>>) src(%dma_wait3A_270 : memref<64xf32, #tpu.memory_space<vmem>>) dst(%dma_wait3A_268 : memref<64xf32, #tpu.memory_space<vmem_shared>>)
      tpu.yield
    }) : () -> ()
    %add3A_53 = arith.constant 50176 : i32
    %add3A_54 = arith.addi %add3A_53, %mul3A_32 : i32
    %add3A_55 = arith.constant 0 : i32
    %add3A_56 = arith.addi %add3A_54, %add3A_55 : i32
    "tpu.region"() ({
      %run_scoped3A = tpu.sem_alloc : memref<!tpu.dma_semaphore, #tpu.memory_space<semaphore_mem>>
      %dma_start3A = tpu.memref_slice %arg10[%add3A_56] : memref<200704xf32, #tpu.memory_space<vmem_shared>> -> memref<1024xf32, #tpu.memory_space<vmem_shared>>
      %dma_start3A_261 = tpu.memref_slice %arg10[%add3A_56] : memref<200704xf32, #tpu.memory_space<vmem_shared>> -> memref<1024xf32, #tpu.memory_space<vmem_shared>>
      tpu.enqueue_dma source(%arg9 : memref<1024xf32, #tpu.memory_space<vmem>>) target(%dma_start3A_261 : memref<1024xf32, #tpu.memory_space<vmem_shared>>) target_semaphore(%run_scoped3A : memref<!tpu.dma_semaphore, #tpu.memory_space<semaphore_mem>>)
      %dma_wait3A = tpu.memref_slice %arg10[%add3A_56] : memref<200704xf32, #tpu.memory_space<vmem_shared>> -> memref<1024xf32, #tpu.memory_space<vmem_shared>>
      %dma_wait3A_262 = tpu.memref_slice %arg10[%add3A_56] : memref<200704xf32, #tpu.memory_space<vmem_shared>> -> memref<1024xf32, #tpu.memory_space<vmem_shared>>
      tpu.wait_dma2 semaphore(%run_scoped3A : memref<!tpu.dma_semaphore, #tpu.memory_space<semaphore_mem>>) src(%arg9 : memref<1024xf32, #tpu.memory_space<vmem>>) dst(%dma_wait3A_262 : memref<1024xf32, #tpu.memory_space<vmem_shared>>)
      tpu.yield
    }) : () -> ()
    %add3A_57 = arith.constant 50176 : i32
    %add3A_58 = arith.addi %add3A_57, %mul3A_32 : i32
    %add3A_59 = arith.constant 1024 : i32
    %add3A_60 = arith.addi %add3A_58, %add3A_59 : i32
    "tpu.region"() ({
      %run_scoped3A = tpu.sem_alloc : memref<!tpu.dma_semaphore, #tpu.memory_space<semaphore_mem>>
      %dma_start3A = tpu.memref_slice %arg10[%add3A_60] : memref<200704xf32, #tpu.memory_space<vmem_shared>> -> memref<1024xf32, #tpu.memory_space<vmem_shared>>
      %dma_start3A_261 = tpu.memref_slice %arg10[%add3A_60] : memref<200704xf32, #tpu.memory_space<vmem_shared>> -> memref<1024xf32, #tpu.memory_space<vmem_shared>>
      tpu.enqueue_dma source(%arg9 : memref<1024xf32, #tpu.memory_space<vmem>>) target(%dma_start3A_261 : memref<1024xf32, #tpu.memory_space<vmem_shared>>) target_semaphore(%run_scoped3A : memref<!tpu.dma_semaphore, #tpu.memory_space<semaphore_mem>>)
      %dma_wait3A = tpu.memref_slice %arg10[%add3A_60] : memref<200704xf32, #tpu.memory_space<vmem_shared>> -> memref<1024xf32, #tpu.memory_space<vmem_shared>>
      %dma_wait3A_262 = tpu.memref_slice %arg10[%add3A_60] : memref<200704xf32, #tpu.memory_space<vmem_shared>> -> memref<1024xf32, #tpu.memory_space<vmem_shared>>
      tpu.wait_dma2 semaphore(%run_scoped3A : memref<!tpu.dma_semaphore, #tpu.memory_space<semaphore_mem>>) src(%arg9 : memref<1024xf32, #tpu.memory_space<vmem>>) dst(%dma_wait3A_262 : memref<1024xf32, #tpu.memory_space<vmem_shared>>)
      tpu.yield
    }) : () -> ()
    %add3A_61 = arith.constant 50176 : i32
    %add3A_62 = arith.addi %add3A_61, %mul3A_32 : i32
    %add3A_63 = arith.constant 2048 : i32
    %add3A_64 = arith.addi %add3A_62, %add3A_63 : i32
    "tpu.region"() ({
      %run_scoped3A = tpu.sem_alloc : memref<!tpu.dma_semaphore, #tpu.memory_space<semaphore_mem>>
      %dma_start3A = tpu.memref_slice %arg10[%add3A_64] : memref<200704xf32, #tpu.memory_space<vmem_shared>> -> memref<1024xf32, #tpu.memory_space<vmem_shared>>
      %dma_start3A_261 = tpu.memref_slice %arg10[%add3A_64] : memref<200704xf32, #tpu.memory_space<vmem_shared>> -> memref<1024xf32, #tpu.memory_space<vmem_shared>>
      tpu.enqueue_dma source(%arg9 : memref<1024xf32, #tpu.memory_space<vmem>>) target(%dma_start3A_261 : memref<1024xf32, #tpu.memory_space<vmem_shared>>) target_semaphore(%run_scoped3A : memref<!tpu.dma_semaphore, #tpu.memory_space<semaphore_mem>>)
      %dma_wait3A = tpu.memref_slice %arg10[%add3A_64] : memref<200704xf32, #tpu.memory_space<vmem_shared>> -> memref<1024xf32, #tpu.memory_space<vmem_shared>>
      %dma_wait3A_262 = tpu.memref_slice %arg10[%add3A_64] : memref<200704xf32, #tpu.memory_space<vmem_shared>> -> memref<1024xf32, #tpu.memory_space<vmem_shared>>
      tpu.wait_dma2 semaphore(%run_scoped3A : memref<!tpu.dma_semaphore, #tpu.memory_space<semaphore_mem>>) src(%arg9 : memref<1024xf32, #tpu.memory_space<vmem>>) dst(%dma_wait3A_262 : memref<1024xf32, #tpu.memory_space<vmem_shared>>)
      tpu.yield
    }) : () -> ()
    %add3A_65 = arith.constant 50176 : i32
    %add3A_66 = arith.addi %add3A_65, %mul3A_32 : i32
    %add3A_67 = arith.constant 3072 : i32
    %add3A_68 = arith.addi %add3A_66, %add3A_67 : i32
    "tpu.region"() ({
      %run_scoped3A = tpu.sem_alloc : memref<!tpu.dma_semaphore, #tpu.memory_space<semaphore_mem>>
      %dma_start3A = arith.constant 0 : i32
      %dma_start3A_261 = tpu.memref_slice %arg9[%dma_start3A] : memref<1024xf32, #tpu.memory_space<vmem>> -> memref<64xf32, #tpu.memory_space<vmem>>
      %dma_start3A_262 = tpu.memref_slice %arg10[%add3A_68] : memref<200704xf32, #tpu.memory_space<vmem_shared>> -> memref<64xf32, #tpu.memory_space<vmem_shared>>
      %dma_start3A_263 = tpu.memref_slice %arg10[%add3A_68] : memref<200704xf32, #tpu.memory_space<vmem_shared>> -> memref<64xf32, #tpu.memory_space<vmem_shared>>
      %dma_start3A_264 = arith.constant 0 : i32
      %dma_start3A_265 = tpu.memref_slice %arg9[%dma_start3A_264] : memref<1024xf32, #tpu.memory_space<vmem>> -> memref<64xf32, #tpu.memory_space<vmem>>
      tpu.enqueue_dma source(%dma_start3A_265 : memref<64xf32, #tpu.memory_space<vmem>>) target(%dma_start3A_263 : memref<64xf32, #tpu.memory_space<vmem_shared>>) target_semaphore(%run_scoped3A : memref<!tpu.dma_semaphore, #tpu.memory_space<semaphore_mem>>)
      %dma_wait3A = arith.constant 0 : i32
      %dma_wait3A_266 = tpu.memref_slice %arg9[%dma_wait3A] : memref<1024xf32, #tpu.memory_space<vmem>> -> memref<64xf32, #tpu.memory_space<vmem>>
      %dma_wait3A_267 = tpu.memref_slice %arg10[%add3A_68] : memref<200704xf32, #tpu.memory_space<vmem_shared>> -> memref<64xf32, #tpu.memory_space<vmem_shared>>
      %dma_wait3A_268 = tpu.memref_slice %arg10[%add3A_68] : memref<200704xf32, #tpu.memory_space<vmem_shared>> -> memref<64xf32, #tpu.memory_space<vmem_shared>>
      %dma_wait3A_269 = arith.constant 0 : i32
      %dma_wait3A_270 = tpu.memref_slice %arg9[%dma_wait3A_269] : memref<1024xf32, #tpu.memory_space<vmem>> -> memref<64xf32, #tpu.memory_space<vmem>>
      tpu.wait_dma2 semaphore(%run_scoped3A : memref<!tpu.dma_semaphore, #tpu.memory_space<semaphore_mem>>) src(%dma_wait3A_270 : memref<64xf32, #tpu.memory_space<vmem>>) dst(%dma_wait3A_268 : memref<64xf32, #tpu.memory_space<vmem_shared>>)
      tpu.yield
    }) : () -> ()
    %add3A_69 = arith.constant 100352 : i32
    %add3A_70 = arith.addi %add3A_69, %mul3A_32 : i32
    %add3A_71 = arith.constant 0 : i32
    %add3A_72 = arith.addi %add3A_70, %add3A_71 : i32
    "tpu.region"() ({
      %run_scoped3A = tpu.sem_alloc : memref<!tpu.dma_semaphore, #tpu.memory_space<semaphore_mem>>
      %dma_start3A = tpu.memref_slice %arg10[%add3A_72] : memref<200704xf32, #tpu.memory_space<vmem_shared>> -> memref<1024xf32, #tpu.memory_space<vmem_shared>>
      %dma_start3A_261 = tpu.memref_slice %arg10[%add3A_72] : memref<200704xf32, #tpu.memory_space<vmem_shared>> -> memref<1024xf32, #tpu.memory_space<vmem_shared>>
      tpu.enqueue_dma source(%arg9 : memref<1024xf32, #tpu.memory_space<vmem>>) target(%dma_start3A_261 : memref<1024xf32, #tpu.memory_space<vmem_shared>>) target_semaphore(%run_scoped3A : memref<!tpu.dma_semaphore, #tpu.memory_space<semaphore_mem>>)
      %dma_wait3A = tpu.memref_slice %arg10[%add3A_72] : memref<200704xf32, #tpu.memory_space<vmem_shared>> -> memref<1024xf32, #tpu.memory_space<vmem_shared>>
      %dma_wait3A_262 = tpu.memref_slice %arg10[%add3A_72] : memref<200704xf32, #tpu.memory_space<vmem_shared>> -> memref<1024xf32, #tpu.memory_space<vmem_shared>>
      tpu.wait_dma2 semaphore(%run_scoped3A : memref<!tpu.dma_semaphore, #tpu.memory_space<semaphore_mem>>) src(%arg9 : memref<1024xf32, #tpu.memory_space<vmem>>) dst(%dma_wait3A_262 : memref<1024xf32, #tpu.memory_space<vmem_shared>>)
      tpu.yield
    }) : () -> ()
    %add3A_73 = arith.constant 100352 : i32
    %add3A_74 = arith.addi %add3A_73, %mul3A_32 : i32
    %add3A_75 = arith.constant 1024 : i32
    %add3A_76 = arith.addi %add3A_74, %add3A_75 : i32
    "tpu.region"() ({
      %run_scoped3A = tpu.sem_alloc : memref<!tpu.dma_semaphore, #tpu.memory_space<semaphore_mem>>
      %dma_start3A = tpu.memref_slice %arg10[%add3A_76] : memref<200704xf32, #tpu.memory_space<vmem_shared>> -> memref<1024xf32, #tpu.memory_space<vmem_shared>>
      %dma_start3A_261 = tpu.memref_slice %arg10[%add3A_76] : memref<200704xf32, #tpu.memory_space<vmem_shared>> -> memref<1024xf32, #tpu.memory_space<vmem_shared>>
      tpu.enqueue_dma source(%arg9 : memref<1024xf32, #tpu.memory_space<vmem>>) target(%dma_start3A_261 : memref<1024xf32, #tpu.memory_space<vmem_shared>>) target_semaphore(%run_scoped3A : memref<!tpu.dma_semaphore, #tpu.memory_space<semaphore_mem>>)
      %dma_wait3A = tpu.memref_slice %arg10[%add3A_76] : memref<200704xf32, #tpu.memory_space<vmem_shared>> -> memref<1024xf32, #tpu.memory_space<vmem_shared>>
      %dma_wait3A_262 = tpu.memref_slice %arg10[%add3A_76] : memref<200704xf32, #tpu.memory_space<vmem_shared>> -> memref<1024xf32, #tpu.memory_space<vmem_shared>>
      tpu.wait_dma2 semaphore(%run_scoped3A : memref<!tpu.dma_semaphore, #tpu.memory_space<semaphore_mem>>) src(%arg9 : memref<1024xf32, #tpu.memory_space<vmem>>) dst(%dma_wait3A_262 : memref<1024xf32, #tpu.memory_space<vmem_shared>>)
      tpu.yield
    }) : () -> ()
    %add3A_77 = arith.constant 100352 : i32
    %add3A_78 = arith.addi %add3A_77, %mul3A_32 : i32
    %add3A_79 = arith.constant 2048 : i32
    %add3A_80 = arith.addi %add3A_78, %add3A_79 : i32
    "tpu.region"() ({
      %run_scoped3A = tpu.sem_alloc : memref<!tpu.dma_semaphore, #tpu.memory_space<semaphore_mem>>
      %dma_start3A = tpu.memref_slice %arg10[%add3A_80] : memref<200704xf32, #tpu.memory_space<vmem_shared>> -> memref<1024xf32, #tpu.memory_space<vmem_shared>>
      %dma_start3A_261 = tpu.memref_slice %arg10[%add3A_80] : memref<200704xf32, #tpu.memory_space<vmem_shared>> -> memref<1024xf32, #tpu.memory_space<vmem_shared>>
      tpu.enqueue_dma source(%arg9 : memref<1024xf32, #tpu.memory_space<vmem>>) target(%dma_start3A_261 : memref<1024xf32, #tpu.memory_space<vmem_shared>>) target_semaphore(%run_scoped3A : memref<!tpu.dma_semaphore, #tpu.memory_space<semaphore_mem>>)
      %dma_wait3A = tpu.memref_slice %arg10[%add3A_80] : memref<200704xf32, #tpu.memory_space<vmem_shared>> -> memref<1024xf32, #tpu.memory_space<vmem_shared>>
      %dma_wait3A_262 = tpu.memref_slice %arg10[%add3A_80] : memref<200704xf32, #tpu.memory_space<vmem_shared>> -> memref<1024xf32, #tpu.memory_space<vmem_shared>>
      tpu.wait_dma2 semaphore(%run_scoped3A : memref<!tpu.dma_semaphore, #tpu.memory_space<semaphore_mem>>) src(%arg9 : memref<1024xf32, #tpu.memory_space<vmem>>) dst(%dma_wait3A_262 : memref<1024xf32, #tpu.memory_space<vmem_shared>>)
      tpu.yield
    }) : () -> ()
    %add3A_81 = arith.constant 100352 : i32
    %add3A_82 = arith.addi %add3A_81, %mul3A_32 : i32
    %add3A_83 = arith.constant 3072 : i32
    %add3A_84 = arith.addi %add3A_82, %add3A_83 : i32
    "tpu.region"() ({
      %run_scoped3A = tpu.sem_alloc : memref<!tpu.dma_semaphore, #tpu.memory_space<semaphore_mem>>
      %dma_start3A = arith.constant 0 : i32
      %dma_start3A_261 = tpu.memref_slice %arg9[%dma_start3A] : memref<1024xf32, #tpu.memory_space<vmem>> -> memref<64xf32, #tpu.memory_space<vmem>>
      %dma_start3A_262 = tpu.memref_slice %arg10[%add3A_84] : memref<200704xf32, #tpu.memory_space<vmem_shared>> -> memref<64xf32, #tpu.memory_space<vmem_shared>>
      %dma_start3A_263 = tpu.memref_slice %arg10[%add3A_84] : memref<200704xf32, #tpu.memory_space<vmem_shared>> -> memref<64xf32, #tpu.memory_space<vmem_shared>>
      %dma_start3A_264 = arith.constant 0 : i32
      %dma_start3A_265 = tpu.memref_slice %arg9[%dma_start3A_264] : memref<1024xf32, #tpu.memory_space<vmem>> -> memref<64xf32, #tpu.memory_space<vmem>>
      tpu.enqueue_dma source(%dma_start3A_265 : memref<64xf32, #tpu.memory_space<vmem>>) target(%dma_start3A_263 : memref<64xf32, #tpu.memory_space<vmem_shared>>) target_semaphore(%run_scoped3A : memref<!tpu.dma_semaphore, #tpu.memory_space<semaphore_mem>>)
      %dma_wait3A = arith.constant 0 : i32
      %dma_wait3A_266 = tpu.memref_slice %arg9[%dma_wait3A] : memref<1024xf32, #tpu.memory_space<vmem>> -> memref<64xf32, #tpu.memory_space<vmem>>
      %dma_wait3A_267 = tpu.memref_slice %arg10[%add3A_84] : memref<200704xf32, #tpu.memory_space<vmem_shared>> -> memref<64xf32, #tpu.memory_space<vmem_shared>>
      %dma_wait3A_268 = tpu.memref_slice %arg10[%add3A_84] : memref<200704xf32, #tpu.memory_space<vmem_shared>> -> memref<64xf32, #tpu.memory_space<vmem_shared>>
      %dma_wait3A_269 = arith.constant 0 : i32
      %dma_wait3A_270 = tpu.memref_slice %arg9[%dma_wait3A_269] : memref<1024xf32, #tpu.memory_space<vmem>> -> memref<64xf32, #tpu.memory_space<vmem>>
      tpu.wait_dma2 semaphore(%run_scoped3A : memref<!tpu.dma_semaphore, #tpu.memory_space<semaphore_mem>>) src(%dma_wait3A_270 : memref<64xf32, #tpu.memory_space<vmem>>) dst(%dma_wait3A_268 : memref<64xf32, #tpu.memory_space<vmem_shared>>)
      tpu.yield
    }) : () -> ()
    %add3A_85 = arith.constant 150528 : i32
    %add3A_86 = arith.addi %add3A_85, %mul3A_32 : i32
    %add3A_87 = arith.constant 0 : i32
    %add3A_88 = arith.addi %add3A_86, %add3A_87 : i32
    "tpu.region"() ({
      %run_scoped3A = tpu.sem_alloc : memref<!tpu.dma_semaphore, #tpu.memory_space<semaphore_mem>>
      %dma_start3A = tpu.memref_slice %arg10[%add3A_88] : memref<200704xf32, #tpu.memory_space<vmem_shared>> -> memref<1024xf32, #tpu.memory_space<vmem_shared>>
      %dma_start3A_261 = tpu.memref_slice %arg10[%add3A_88] : memref<200704xf32, #tpu.memory_space<vmem_shared>> -> memref<1024xf32, #tpu.memory_space<vmem_shared>>
      tpu.enqueue_dma source(%arg9 : memref<1024xf32, #tpu.memory_space<vmem>>) target(%dma_start3A_261 : memref<1024xf32, #tpu.memory_space<vmem_shared>>) target_semaphore(%run_scoped3A : memref<!tpu.dma_semaphore, #tpu.memory_space<semaphore_mem>>)
      %dma_wait3A = tpu.memref_slice %arg10[%add3A_88] : memref<200704xf32, #tpu.memory_space<vmem_shared>> -> memref<1024xf32, #tpu.memory_space<vmem_shared>>
      %dma_wait3A_262 = tpu.memref_slice %arg10[%add3A_88] : memref<200704xf32, #tpu.memory_space<vmem_shared>> -> memref<1024xf32, #tpu.memory_space<vmem_shared>>
      tpu.wait_dma2 semaphore(%run_scoped3A : memref<!tpu.dma_semaphore, #tpu.memory_space<semaphore_mem>>) src(%arg9 : memref<1024xf32, #tpu.memory_space<vmem>>) dst(%dma_wait3A_262 : memref<1024xf32, #tpu.memory_space<vmem_shared>>)
      tpu.yield
    }) : () -> ()
    %add3A_89 = arith.constant 150528 : i32
    %add3A_90 = arith.addi %add3A_89, %mul3A_32 : i32
    %add3A_91 = arith.constant 1024 : i32
    %add3A_92 = arith.addi %add3A_90, %add3A_91 : i32
    "tpu.region"() ({
      %run_scoped3A = tpu.sem_alloc : memref<!tpu.dma_semaphore, #tpu.memory_space<semaphore_mem>>
      %dma_start3A = tpu.memref_slice %arg10[%add3A_92] : memref<200704xf32, #tpu.memory_space<vmem_shared>> -> memref<1024xf32, #tpu.memory_space<vmem_shared>>
      %dma_start3A_261 = tpu.memref_slice %arg10[%add3A_92] : memref<200704xf32, #tpu.memory_space<vmem_shared>> -> memref<1024xf32, #tpu.memory_space<vmem_shared>>
      tpu.enqueue_dma source(%arg9 : memref<1024xf32, #tpu.memory_space<vmem>>) target(%dma_start3A_261 : memref<1024xf32, #tpu.memory_space<vmem_shared>>) target_semaphore(%run_scoped3A : memref<!tpu.dma_semaphore, #tpu.memory_space<semaphore_mem>>)
      %dma_wait3A = tpu.memref_slice %arg10[%add3A_92] : memref<200704xf32, #tpu.memory_space<vmem_shared>> -> memref<1024xf32, #tpu.memory_space<vmem_shared>>
      %dma_wait3A_262 = tpu.memref_slice %arg10[%add3A_92] : memref<200704xf32, #tpu.memory_space<vmem_shared>> -> memref<1024xf32, #tpu.memory_space<vmem_shared>>
      tpu.wait_dma2 semaphore(%run_scoped3A : memref<!tpu.dma_semaphore, #tpu.memory_space<semaphore_mem>>) src(%arg9 : memref<1024xf32, #tpu.memory_space<vmem>>) dst(%dma_wait3A_262 : memref<1024xf32, #tpu.memory_space<vmem_shared>>)
      tpu.yield
    }) : () -> ()
    %add3A_93 = arith.constant 150528 : i32
    %add3A_94 = arith.addi %add3A_93, %mul3A_32 : i32
    %add3A_95 = arith.constant 2048 : i32
    %add3A_96 = arith.addi %add3A_94, %add3A_95 : i32
    "tpu.region"() ({
      %run_scoped3A = tpu.sem_alloc : memref<!tpu.dma_semaphore, #tpu.memory_space<semaphore_mem>>
      %dma_start3A = tpu.memref_slice %arg10[%add3A_96] : memref<200704xf32, #tpu.memory_space<vmem_shared>> -> memref<1024xf32, #tpu.memory_space<vmem_shared>>
      %dma_start3A_261 = tpu.memref_slice %arg10[%add3A_96] : memref<200704xf32, #tpu.memory_space<vmem_shared>> -> memref<1024xf32, #tpu.memory_space<vmem_shared>>
      tpu.enqueue_dma source(%arg9 : memref<1024xf32, #tpu.memory_space<vmem>>) target(%dma_start3A_261 : memref<1024xf32, #tpu.memory_space<vmem_shared>>) target_semaphore(%run_scoped3A : memref<!tpu.dma_semaphore, #tpu.memory_space<semaphore_mem>>)
      %dma_wait3A = tpu.memref_slice %arg10[%add3A_96] : memref<200704xf32, #tpu.memory_space<vmem_shared>> -> memref<1024xf32, #tpu.memory_space<vmem_shared>>
      %dma_wait3A_262 = tpu.memref_slice %arg10[%add3A_96] : memref<200704xf32, #tpu.memory_space<vmem_shared>> -> memref<1024xf32, #tpu.memory_space<vmem_shared>>
      tpu.wait_dma2 semaphore(%run_scoped3A : memref<!tpu.dma_semaphore, #tpu.memory_space<semaphore_mem>>) src(%arg9 : memref<1024xf32, #tpu.memory_space<vmem>>) dst(%dma_wait3A_262 : memref<1024xf32, #tpu.memory_space<vmem_shared>>)
      tpu.yield
    }) : () -> ()
    %add3A_97 = arith.constant 150528 : i32
    %add3A_98 = arith.addi %add3A_97, %mul3A_32 : i32
    %add3A_99 = arith.constant 3072 : i32
    %add3A_100 = arith.addi %add3A_98, %add3A_99 : i32
    "tpu.region"() ({
      %run_scoped3A = tpu.sem_alloc : memref<!tpu.dma_semaphore, #tpu.memory_space<semaphore_mem>>
      %dma_start3A = arith.constant 0 : i32
      %dma_start3A_261 = tpu.memref_slice %arg9[%dma_start3A] : memref<1024xf32, #tpu.memory_space<vmem>> -> memref<64xf32, #tpu.memory_space<vmem>>
      %dma_start3A_262 = tpu.memref_slice %arg10[%add3A_100] : memref<200704xf32, #tpu.memory_space<vmem_shared>> -> memref<64xf32, #tpu.memory_space<vmem_shared>>
      %dma_start3A_263 = tpu.memref_slice %arg10[%add3A_100] : memref<200704xf32, #tpu.memory_space<vmem_shared>> -> memref<64xf32, #tpu.memory_space<vmem_shared>>
      %dma_start3A_264 = arith.constant 0 : i32
      %dma_start3A_265 = tpu.memref_slice %arg9[%dma_start3A_264] : memref<1024xf32, #tpu.memory_space<vmem>> -> memref<64xf32, #tpu.memory_space<vmem>>
      tpu.enqueue_dma source(%dma_start3A_265 : memref<64xf32, #tpu.memory_space<vmem>>) target(%dma_start3A_263 : memref<64xf32, #tpu.memory_space<vmem_shared>>) target_semaphore(%run_scoped3A : memref<!tpu.dma_semaphore, #tpu.memory_space<semaphore_mem>>)
      %dma_wait3A = arith.constant 0 : i32
      %dma_wait3A_266 = tpu.memref_slice %arg9[%dma_wait3A] : memref<1024xf32, #tpu.memory_space<vmem>> -> memref<64xf32, #tpu.memory_space<vmem>>
      %dma_wait3A_267 = tpu.memref_slice %arg10[%add3A_100] : memref<200704xf32, #tpu.memory_space<vmem_shared>> -> memref<64xf32, #tpu.memory_space<vmem_shared>>
      %dma_wait3A_268 = tpu.memref_slice %arg10[%add3A_100] : memref<200704xf32, #tpu.memory_space<vmem_shared>> -> memref<64xf32, #tpu.memory_space<vmem_shared>>
      %dma_wait3A_269 = arith.constant 0 : i32
      %dma_wait3A_270 = tpu.memref_slice %arg9[%dma_wait3A_269] : memref<1024xf32, #tpu.memory_space<vmem>> -> memref<64xf32, #tpu.memory_space<vmem>>
      tpu.wait_dma2 semaphore(%run_scoped3A : memref<!tpu.dma_semaphore, #tpu.memory_space<semaphore_mem>>) src(%dma_wait3A_270 : memref<64xf32, #tpu.memory_space<vmem>>) dst(%dma_wait3A_268 : memref<64xf32, #tpu.memory_space<vmem_shared>>)
      tpu.yield
    }) : () -> ()
    %mul3A_101 = arith.constant 50176 : i32
    %mul3A_102 = arith.muli %select_n3A_7, %mul3A_101 : i32
    "tpu.region"() ({
      %run_scoped3A = tpu.sem_alloc : memref<!tpu.dma_semaphore, #tpu.memory_space<semaphore_mem>>
      %dma_start3A = tpu.memref_slice %arg2[%mul3A_102] : memref<200704xf32, #tpu.memory_space<hbm>> -> memref<50176xf32, #tpu.memory_space<hbm>>
      %dma_start3A_261 = tpu.memref_slice %arg2[%mul3A_102] : memref<200704xf32, #tpu.memory_space<hbm>> -> memref<50176xf32, #tpu.memory_space<hbm>>
      tpu.enqueue_dma source(%dma_start3A_261 : memref<50176xf32, #tpu.memory_space<hbm>>) target(%arg6 : memref<50176xf32, #tpu.memory_space<vmem>>) target_semaphore(%run_scoped3A : memref<!tpu.dma_semaphore, #tpu.memory_space<semaphore_mem>>)
      %dma_wait3A = tpu.memref_slice %arg2[%mul3A_102] : memref<200704xf32, #tpu.memory_space<hbm>> -> memref<50176xf32, #tpu.memory_space<hbm>>
      %dma_wait3A_262 = tpu.memref_slice %arg2[%mul3A_102] : memref<200704xf32, #tpu.memory_space<hbm>> -> memref<50176xf32, #tpu.memory_space<hbm>>
      tpu.wait_dma2 semaphore(%run_scoped3A : memref<!tpu.dma_semaphore, #tpu.memory_space<semaphore_mem>>) src(%dma_wait3A_262 : memref<50176xf32, #tpu.memory_space<hbm>>) dst(%arg6 : memref<50176xf32, #tpu.memory_space<vmem>>)
      tpu.yield
    }) : () -> ()
    %barrier3A = arith.constant 0 : index
    tpu.barrier barrier_id(%barrier3A)
    %mul3A_103 = arith.constant 200704 : i32
    %mul3A_104 = arith.muli %add3A_30, %mul3A_103 : i32
    %mul3A_105 = arith.constant 50176 : i32
    %mul3A_106 = arith.muli %select_n3A_7, %mul3A_105 : i32
    %scan3A_107 = arith.constant 0 : i32
    %scan3A_108 = arith.constant 196 : i32
    %scan3A_109 = arith.addi %scan3A_107, %scan3A_108 : i32
    %scan3A_110 = arith.constant 1 : i32
    scf.for %scan3A_261 = %scan3A_107 to %scan3A_109 step %scan3A_110  : i32 {
      %mul3A_262 = arith.constant 1 : i32
      %mul3A_263 = arith.muli %scan3A_261, %mul3A_262 : i32
      %add3A_264 = arith.constant 0 : i32
      %add3A_265 = arith.addi %add3A_264, %mul3A_263 : i32
      %mul3A_266 = arith.constant 1024 : i32
      %mul3A_267 = arith.muli %add3A_265, %mul3A_266 : i32
      %add3A_268 = arith.addi %mul3A_104, %mul3A_267 : i32
      "tpu.region"() ({
        %run_scoped3A_291 = tpu.sem_alloc : memref<!tpu.dma_semaphore, #tpu.memory_space<semaphore_mem>>
        %dma_start3A = tpu.memref_slice %arg3[%add3A_268] : memref<1605632xi32, #tpu.memory_space<hbm>> -> memref<1024xi32, #tpu.memory_space<hbm>>
        %dma_start3A_292 = tpu.memref_slice %arg3[%add3A_268] : memref<1605632xi32, #tpu.memory_space<hbm>> -> memref<1024xi32, #tpu.memory_space<hbm>>
        tpu.enqueue_dma source(%dma_start3A_292 : memref<1024xi32, #tpu.memory_space<hbm>>) target(%arg7 : memref<1024xi32, #tpu.memory_space<vmem>>) target_semaphore(%run_scoped3A_291 : memref<!tpu.dma_semaphore, #tpu.memory_space<semaphore_mem>>)
        %dma_wait3A = tpu.memref_slice %arg3[%add3A_268] : memref<1605632xi32, #tpu.memory_space<hbm>> -> memref<1024xi32, #tpu.memory_space<hbm>>
        %dma_wait3A_293 = tpu.memref_slice %arg3[%add3A_268] : memref<1605632xi32, #tpu.memory_space<hbm>> -> memref<1024xi32, #tpu.memory_space<hbm>>
        tpu.wait_dma2 semaphore(%run_scoped3A_291 : memref<!tpu.dma_semaphore, #tpu.memory_space<semaphore_mem>>) src(%dma_wait3A_293 : memref<1024xi32, #tpu.memory_space<hbm>>) dst(%arg7 : memref<1024xi32, #tpu.memory_space<vmem>>)
        tpu.yield
      }) : () -> ()
      %mul3A_269 = arith.constant 1568 : i32
      %mul3A_270 = arith.muli %add3A_30, %mul3A_269 : i32
      %mul3A_271 = arith.constant 8 : i32
      %mul3A_272 = arith.muli %add3A_265, %mul3A_271 : i32
      %add3A_273 = arith.addi %mul3A_270, %mul3A_272 : i32
      "tpu.region"() ({
        %run_scoped3A_291 = tpu.sem_alloc : memref<!tpu.dma_semaphore, #tpu.memory_space<semaphore_mem>>
        %dma_start3A = arith.constant 0 : i32
        %dma_start3A_292 = tpu.memref_slice %arg4[%add3A_273, %dma_start3A] : memref<12544x128xi32, #tpu.memory_space<hbm>> -> memref<8x128xi32, #tpu.memory_space<hbm>>
        %dma_start3A_293 = arith.constant 0 : i32
        %dma_start3A_294 = tpu.memref_slice %arg4[%add3A_273, %dma_start3A_293] : memref<12544x128xi32, #tpu.memory_space<hbm>> -> memref<8x128xi32, #tpu.memory_space<hbm>>
        tpu.enqueue_dma source(%dma_start3A_294 : memref<8x128xi32, #tpu.memory_space<hbm>>) target(%arg8 : memref<8x128xi32, #tpu.memory_space<vmem>>) target_semaphore(%run_scoped3A_291 : memref<!tpu.dma_semaphore, #tpu.memory_space<semaphore_mem>>)
        %dma_wait3A = arith.constant 0 : i32
        %dma_wait3A_295 = tpu.memref_slice %arg4[%add3A_273, %dma_wait3A] : memref<12544x128xi32, #tpu.memory_space<hbm>> -> memref<8x128xi32, #tpu.memory_space<hbm>>
        %dma_wait3A_296 = arith.constant 0 : i32
        %dma_wait3A_297 = tpu.memref_slice %arg4[%add3A_273, %dma_wait3A_296] : memref<12544x128xi32, #tpu.memory_space<hbm>> -> memref<8x128xi32, #tpu.memory_space<hbm>>
        tpu.wait_dma2 semaphore(%run_scoped3A_291 : memref<!tpu.dma_semaphore, #tpu.memory_space<semaphore_mem>>) src(%dma_wait3A_297 : memref<8x128xi32, #tpu.memory_space<hbm>>) dst(%arg8 : memref<8x128xi32, #tpu.memory_space<vmem>>)
        tpu.yield
      }) : () -> ()
      %scan3A_274 = arith.constant 0 : i32
      %scan3A_275 = arith.constant 64 : i32
      %scan3A_276 = arith.addi %scan3A_274, %scan3A_275 : i32
      %scan3A_277 = arith.constant 1 : i32
      scf.for %scan3A_291 = %scan3A_274 to %scan3A_276 step %scan3A_277  : i32 {
        %mul3A_292 = arith.constant 16 : i32
        %mul3A_293 = arith.muli %scan3A_291, %mul3A_292 : i32
        %add3A_294 = arith.constant 0 : i32
        %add3A_295 = arith.addi %add3A_294, %mul3A_293 : i32
        %get3A = arith.index_cast %add3A_295 : i32 to index
        %get3A_296 = tpu.vector_load %arg7[%get3A] {strides = array<i32>} : memref<1024xi32, #tpu.memory_space<vmem>>, vector<16xi32>,
        %gather3A = tpu.vector_load_idx %arg6[%get3A_296] : memref<50176xf32, #tpu.memory_space<vmem>>[vector<16xi32>], vector<16xf32>,
        %swap3A = arith.index_cast %add3A_295 : i32 to index
        %swap3A_297 = tpu.vector_load %arg9[%swap3A] {strides = array<i32>} : memref<1024xf32, #tpu.memory_space<vmem>>, vector<16xf32>,
        tpu.vector_store %arg9[%swap3A], %gather3A {strides = array<i32>} : memref<1024xf32, #tpu.memory_space<vmem>>, vector<16xf32>,
      }
      %scan3A_278 = arith.constant 64 : i32
      %scan3A_279 = arith.constant 0 : i32
      %scan3A_280 = arith.constant 8 : i32
      %scan3A_281 = arith.addi %scan3A_279, %scan3A_280 : i32
      %scan3A_282 = arith.constant 1 : i32
      scf.for %scan3A_291 = %scan3A_279 to %scan3A_281 step %scan3A_282  : i32 {
        %mul3A_292 = arith.constant 1 : i32
        %mul3A_293 = arith.muli %scan3A_291, %mul3A_292 : i32
        %add3A_294 = arith.constant 0 : i32
        %add3A_295 = arith.addi %add3A_294, %mul3A_293 : i32
        %scan3A_296 = arith.constant 0 : i32
        %scan3A_297 = arith.constant 8 : i32
        %scan3A_298 = arith.addi %scan3A_296, %scan3A_297 : i32
        %scan3A_299 = arith.constant 1 : i32
        scf.for %scan3A_301 = %scan3A_296 to %scan3A_298 step %scan3A_299  : i32 {
          %mul3A_302 = arith.constant 16 : i32
          %mul3A_303 = arith.muli %scan3A_301, %mul3A_302 : i32
          %add3A_304 = arith.constant 0 : i32
          %add3A_305 = arith.addi %add3A_304, %mul3A_303 : i32
          %get3A = arith.index_cast %add3A_295 : i32 to index
          %get3A_306 = arith.index_cast %add3A_305 : i32 to index
          %get3A_307 = tpu.vector_load %arg8[%get3A, %get3A_306] {strides = array<i32>} : memref<8x128xi32, #tpu.memory_space<vmem>>, vector<16xi32>,
          %add3A_308 = vector.broadcast %mul3A_106 : i32 to vector<16xi32>
          %add3A_309 = arith.addi %get3A_307, %add3A_308 : vector<16xi32>
          %swap3A = arith.index_cast %add3A_295 : i32 to index
          %swap3A_310 = arith.index_cast %add3A_305 : i32 to index
          %swap3A_311 = tpu.vector_load %arg8[%swap3A, %swap3A_310] {strides = array<i32>} : memref<8x128xi32, #tpu.memory_space<vmem>>, vector<16xi32>,
          tpu.vector_store %arg8[%swap3A, %swap3A_310], %add3A_309 {strides = array<i32>} : memref<8x128xi32, #tpu.memory_space<vmem>>, vector<16xi32>,
        }
        %scan3A_300 = arith.constant 8 : i32
      }
      %scan3A_283 = arith.constant 8 : i32
      %run_scoped3A = arith.constant 0 : i32
      "tpu.region"() ({
        %run_scoped3A_291 = tpu.sem_alloc : memref<!tpu.dma_semaphore, #tpu.memory_space<semaphore_mem>>
        %dma_start3A = arith.constant 0 : i32
        %dma_start3A_292 = tpu.memref_slice %arg9[%dma_start3A] : memref<1024xf32, #tpu.memory_space<vmem>> -> memref<128xf32, #tpu.memory_space<vmem>>
        %dma_start3A_293 = arith.constant 0 : i32
        %dma_start3A_294 = tpu.memref_slice %arg8[%run_scoped3A, %dma_start3A_293] : memref<8x128xi32, #tpu.memory_space<vmem>> -> memref<1x128xi32, #tpu.memory_space<vmem>>
        %dma_start3A_295 = tpu.memref_squeeze %dma_start3A_294 : memref<1x128xi32, #tpu.memory_space<vmem>> -> memref<128xi32, #tpu.memory_space<vmem>>
        %dma_start3A_296 = arith.constant 0 : i32
        %dma_start3A_297 = tpu.memref_slice %arg10[%dma_start3A_296] : memref<200704xf32, #tpu.memory_space<vmem_shared>> -> memref<200704xf32, #tpu.memory_space<vmem_shared>>
        tpu.enqueue_indirect_dma source(%dma_start3A_292 : memref<128xf32, #tpu.memory_space<vmem>>) target(%dma_start3A_297 : memref<200704xf32, #tpu.memory_space<vmem_shared>>) offsets(%dma_start3A_295 : memref<128xi32, #tpu.memory_space<vmem>>) semaphore(%run_scoped3A_291 : memref<!tpu.dma_semaphore, #tpu.memory_space<semaphore_mem>>) {add = true}
        %dma_wait3A = arith.constant 0 : i32
        %dma_wait3A_298 = tpu.memref_slice %arg9[%dma_wait3A] : memref<1024xf32, #tpu.memory_space<vmem>> -> memref<128xf32, #tpu.memory_space<vmem>>
        %dma_wait3A_299 = arith.constant 0 : i32
        %dma_wait3A_300 = tpu.memref_slice %arg8[%run_scoped3A, %dma_wait3A_299] : memref<8x128xi32, #tpu.memory_space<vmem>> -> memref<1x128xi32, #tpu.memory_space<vmem>>
        %dma_wait3A_301 = tpu.memref_squeeze %dma_wait3A_300 : memref<1x128xi32, #tpu.memory_space<vmem>> -> memref<128xi32, #tpu.memory_space<vmem>>
        %dma_wait3A_302 = arith.constant 0 : i32
        %dma_wait3A_303 = tpu.memref_slice %arg10[%dma_wait3A_302] : memref<200704xf32, #tpu.memory_space<vmem_shared>> -> memref<200704xf32, #tpu.memory_space<vmem_shared>>
        tpu.wait_indirect_dma semaphore(%run_scoped3A_291 : memref<!tpu.dma_semaphore, #tpu.memory_space<semaphore_mem>>) src(%dma_wait3A_298 : memref<128xf32, #tpu.memory_space<vmem>>) dst(%dma_wait3A_303 : memref<200704xf32, #tpu.memory_space<vmem_shared>>)
        tpu.yield
      }) : () -> ()
      %run_scoped3A_284 = arith.constant 1 : i32
      "tpu.region"() ({
        %run_scoped3A_291 = tpu.sem_alloc : memref<!tpu.dma_semaphore, #tpu.memory_space<semaphore_mem>>
        %dma_start3A = arith.constant 128 : i32
        %dma_start3A_292 = tpu.memref_slice %arg9[%dma_start3A] : memref<1024xf32, #tpu.memory_space<vmem>> -> memref<128xf32, #tpu.memory_space<vmem>>
        %dma_start3A_293 = arith.constant 0 : i32
        %dma_start3A_294 = tpu.memref_slice %arg8[%run_scoped3A_284, %dma_start3A_293] : memref<8x128xi32, #tpu.memory_space<vmem>> -> memref<1x128xi32, #tpu.memory_space<vmem>>
        %dma_start3A_295 = tpu.memref_squeeze %dma_start3A_294 : memref<1x128xi32, #tpu.memory_space<vmem>> -> memref<128xi32, #tpu.memory_space<vmem>>
        %dma_start3A_296 = arith.constant 0 : i32
        %dma_start3A_297 = tpu.memref_slice %arg10[%dma_start3A_296] : memref<200704xf32, #tpu.memory_space<vmem_shared>> -> memref<200704xf32, #tpu.memory_space<vmem_shared>>
        tpu.enqueue_indirect_dma source(%dma_start3A_292 : memref<128xf32, #tpu.memory_space<vmem>>) target(%dma_start3A_297 : memref<200704xf32, #tpu.memory_space<vmem_shared>>) offsets(%dma_start3A_295 : memref<128xi32, #tpu.memory_space<vmem>>) semaphore(%run_scoped3A_291 : memref<!tpu.dma_semaphore, #tpu.memory_space<semaphore_mem>>) {add = true}
        %dma_wait3A = arith.constant 128 : i32
        %dma_wait3A_298 = tpu.memref_slice %arg9[%dma_wait3A] : memref<1024xf32, #tpu.memory_space<vmem>> -> memref<128xf32, #tpu.memory_space<vmem>>
        %dma_wait3A_299 = arith.constant 0 : i32
        %dma_wait3A_300 = tpu.memref_slice %arg8[%run_scoped3A_284, %dma_wait3A_299] : memref<8x128xi32, #tpu.memory_space<vmem>> -> memref<1x128xi32, #tpu.memory_space<vmem>>
        %dma_wait3A_301 = tpu.memref_squeeze %dma_wait3A_300 : memref<1x128xi32, #tpu.memory_space<vmem>> -> memref<128xi32, #tpu.memory_space<vmem>>
        %dma_wait3A_302 = arith.constant 0 : i32
        %dma_wait3A_303 = tpu.memref_slice %arg10[%dma_wait3A_302] : memref<200704xf32, #tpu.memory_space<vmem_shared>> -> memref<200704xf32, #tpu.memory_space<vmem_shared>>
        tpu.wait_indirect_dma semaphore(%run_scoped3A_291 : memref<!tpu.dma_semaphore, #tpu.memory_space<semaphore_mem>>) src(%dma_wait3A_298 : memref<128xf32, #tpu.memory_space<vmem>>) dst(%dma_wait3A_303 : memref<200704xf32, #tpu.memory_space<vmem_shared>>)
        tpu.yield
      }) : () -> ()
      %run_scoped3A_285 = arith.constant 2 : i32
      "tpu.region"() ({
        %run_scoped3A_291 = tpu.sem_alloc : memref<!tpu.dma_semaphore, #tpu.memory_space<semaphore_mem>>
        %dma_start3A = arith.constant 256 : i32
        %dma_start3A_292 = tpu.memref_slice %arg9[%dma_start3A] : memref<1024xf32, #tpu.memory_space<vmem>> -> memref<128xf32, #tpu.memory_space<vmem>>
        %dma_start3A_293 = arith.constant 0 : i32
        %dma_start3A_294 = tpu.memref_slice %arg8[%run_scoped3A_285, %dma_start3A_293] : memref<8x128xi32, #tpu.memory_space<vmem>> -> memref<1x128xi32, #tpu.memory_space<vmem>>
        %dma_start3A_295 = tpu.memref_squeeze %dma_start3A_294 : memref<1x128xi32, #tpu.memory_space<vmem>> -> memref<128xi32, #tpu.memory_space<vmem>>
        %dma_start3A_296 = arith.constant 0 : i32
        %dma_start3A_297 = tpu.memref_slice %arg10[%dma_start3A_296] : memref<200704xf32, #tpu.memory_space<vmem_shared>> -> memref<200704xf32, #tpu.memory_space<vmem_shared>>
        tpu.enqueue_indirect_dma source(%dma_start3A_292 : memref<128xf32, #tpu.memory_space<vmem>>) target(%dma_start3A_297 : memref<200704xf32, #tpu.memory_space<vmem_shared>>) offsets(%dma_start3A_295 : memref<128xi32, #tpu.memory_space<vmem>>) semaphore(%run_scoped3A_291 : memref<!tpu.dma_semaphore, #tpu.memory_space<semaphore_mem>>) {add = true}
        %dma_wait3A = arith.constant 256 : i32
        %dma_wait3A_298 = tpu.memref_slice %arg9[%dma_wait3A] : memref<1024xf32, #tpu.memory_space<vmem>> -> memref<128xf32, #tpu.memory_space<vmem>>
        %dma_wait3A_299 = arith.constant 0 : i32
        %dma_wait3A_300 = tpu.memref_slice %arg8[%run_scoped3A_285, %dma_wait3A_299] : memref<8x128xi32, #tpu.memory_space<vmem>> -> memref<1x128xi32, #tpu.memory_space<vmem>>
        %dma_wait3A_301 = tpu.memref_squeeze %dma_wait3A_300 : memref<1x128xi32, #tpu.memory_space<vmem>> -> memref<128xi32, #tpu.memory_space<vmem>>
        %dma_wait3A_302 = arith.constant 0 : i32
        %dma_wait3A_303 = tpu.memref_slice %arg10[%dma_wait3A_302] : memref<200704xf32, #tpu.memory_space<vmem_shared>> -> memref<200704xf32, #tpu.memory_space<vmem_shared>>
        tpu.wait_indirect_dma semaphore(%run_scoped3A_291 : memref<!tpu.dma_semaphore, #tpu.memory_space<semaphore_mem>>) src(%dma_wait3A_298 : memref<128xf32, #tpu.memory_space<vmem>>) dst(%dma_wait3A_303 : memref<200704xf32, #tpu.memory_space<vmem_shared>>)
        tpu.yield
      }) : () -> ()
      %run_scoped3A_286 = arith.constant 3 : i32
      "tpu.region"() ({
        %run_scoped3A_291 = tpu.sem_alloc : memref<!tpu.dma_semaphore, #tpu.memory_space<semaphore_mem>>
        %dma_start3A = arith.constant 384 : i32
        %dma_start3A_292 = tpu.memref_slice %arg9[%dma_start3A] : memref<1024xf32, #tpu.memory_space<vmem>> -> memref<128xf32, #tpu.memory_space<vmem>>
        %dma_start3A_293 = arith.constant 0 : i32
        %dma_start3A_294 = tpu.memref_slice %arg8[%run_scoped3A_286, %dma_start3A_293] : memref<8x128xi32, #tpu.memory_space<vmem>> -> memref<1x128xi32, #tpu.memory_space<vmem>>
        %dma_start3A_295 = tpu.memref_squeeze %dma_start3A_294 : memref<1x128xi32, #tpu.memory_space<vmem>> -> memref<128xi32, #tpu.memory_space<vmem>>
        %dma_start3A_296 = arith.constant 0 : i32
        %dma_start3A_297 = tpu.memref_slice %arg10[%dma_start3A_296] : memref<200704xf32, #tpu.memory_space<vmem_shared>> -> memref<200704xf32, #tpu.memory_space<vmem_shared>>
        tpu.enqueue_indirect_dma source(%dma_start3A_292 : memref<128xf32, #tpu.memory_space<vmem>>) target(%dma_start3A_297 : memref<200704xf32, #tpu.memory_space<vmem_shared>>) offsets(%dma_start3A_295 : memref<128xi32, #tpu.memory_space<vmem>>) semaphore(%run_scoped3A_291 : memref<!tpu.dma_semaphore, #tpu.memory_space<semaphore_mem>>) {add = true}
        %dma_wait3A = arith.constant 384 : i32
        %dma_wait3A_298 = tpu.memref_slice %arg9[%dma_wait3A] : memref<1024xf32, #tpu.memory_space<vmem>> -> memref<128xf32, #tpu.memory_space<vmem>>
        %dma_wait3A_299 = arith.constant 0 : i32
        %dma_wait3A_300 = tpu.memref_slice %arg8[%run_scoped3A_286, %dma_wait3A_299] : memref<8x128xi32, #tpu.memory_space<vmem>> -> memref<1x128xi32, #tpu.memory_space<vmem>>
        %dma_wait3A_301 = tpu.memref_squeeze %dma_wait3A_300 : memref<1x128xi32, #tpu.memory_space<vmem>> -> memref<128xi32, #tpu.memory_space<vmem>>
        %dma_wait3A_302 = arith.constant 0 : i32
        %dma_wait3A_303 = tpu.memref_slice %arg10[%dma_wait3A_302] : memref<200704xf32, #tpu.memory_space<vmem_shared>> -> memref<200704xf32, #tpu.memory_space<vmem_shared>>
        tpu.wait_indirect_dma semaphore(%run_scoped3A_291 : memref<!tpu.dma_semaphore, #tpu.memory_space<semaphore_mem>>) src(%dma_wait3A_298 : memref<128xf32, #tpu.memory_space<vmem>>) dst(%dma_wait3A_303 : memref<200704xf32, #tpu.memory_space<vmem_shared>>)
        tpu.yield
      }) : () -> ()
      %run_scoped3A_287 = arith.constant 4 : i32
      "tpu.region"() ({
        %run_scoped3A_291 = tpu.sem_alloc : memref<!tpu.dma_semaphore, #tpu.memory_space<semaphore_mem>>
        %dma_start3A = arith.constant 512 : i32
        %dma_start3A_292 = tpu.memref_slice %arg9[%dma_start3A] : memref<1024xf32, #tpu.memory_space<vmem>> -> memref<128xf32, #tpu.memory_space<vmem>>
        %dma_start3A_293 = arith.constant 0 : i32
        %dma_start3A_294 = tpu.memref_slice %arg8[%run_scoped3A_287, %dma_start3A_293] : memref<8x128xi32, #tpu.memory_space<vmem>> -> memref<1x128xi32, #tpu.memory_space<vmem>>
        %dma_start3A_295 = tpu.memref_squeeze %dma_start3A_294 : memref<1x128xi32, #tpu.memory_space<vmem>> -> memref<128xi32, #tpu.memory_space<vmem>>
        %dma_start3A_296 = arith.constant 0 : i32
        %dma_start3A_297 = tpu.memref_slice %arg10[%dma_start3A_296] : memref<200704xf32, #tpu.memory_space<vmem_shared>> -> memref<200704xf32, #tpu.memory_space<vmem_shared>>
        tpu.enqueue_indirect_dma source(%dma_start3A_292 : memref<128xf32, #tpu.memory_space<vmem>>) target(%dma_start3A_297 : memref<200704xf32, #tpu.memory_space<vmem_shared>>) offsets(%dma_start3A_295 : memref<128xi32, #tpu.memory_space<vmem>>) semaphore(%run_scoped3A_291 : memref<!tpu.dma_semaphore, #tpu.memory_space<semaphore_mem>>) {add = true}
        %dma_wait3A = arith.constant 512 : i32
        %dma_wait3A_298 = tpu.memref_slice %arg9[%dma_wait3A] : memref<1024xf32, #tpu.memory_space<vmem>> -> memref<128xf32, #tpu.memory_space<vmem>>
        %dma_wait3A_299 = arith.constant 0 : i32
        %dma_wait3A_300 = tpu.memref_slice %arg8[%run_scoped3A_287, %dma_wait3A_299] : memref<8x128xi32, #tpu.memory_space<vmem>> -> memref<1x128xi32, #tpu.memory_space<vmem>>
        %dma_wait3A_301 = tpu.memref_squeeze %dma_wait3A_300 : memref<1x128xi32, #tpu.memory_space<vmem>> -> memref<128xi32, #tpu.memory_space<vmem>>
        %dma_wait3A_302 = arith.constant 0 : i32
        %dma_wait3A_303 = tpu.memref_slice %arg10[%dma_wait3A_302] : memref<200704xf32, #tpu.memory_space<vmem_shared>> -> memref<200704xf32, #tpu.memory_space<vmem_shared>>
        tpu.wait_indirect_dma semaphore(%run_scoped3A_291 : memref<!tpu.dma_semaphore, #tpu.memory_space<semaphore_mem>>) src(%dma_wait3A_298 : memref<128xf32, #tpu.memory_space<vmem>>) dst(%dma_wait3A_303 : memref<200704xf32, #tpu.memory_space<vmem_shared>>)
        tpu.yield
      }) : () -> ()
      %run_scoped3A_288 = arith.constant 5 : i32
      "tpu.region"() ({
        %run_scoped3A_291 = tpu.sem_alloc : memref<!tpu.dma_semaphore, #tpu.memory_space<semaphore_mem>>
        %dma_start3A = arith.constant 640 : i32
        %dma_start3A_292 = tpu.memref_slice %arg9[%dma_start3A] : memref<1024xf32, #tpu.memory_space<vmem>> -> memref<128xf32, #tpu.memory_space<vmem>>
        %dma_start3A_293 = arith.constant 0 : i32
        %dma_start3A_294 = tpu.memref_slice %arg8[%run_scoped3A_288, %dma_start3A_293] : memref<8x128xi32, #tpu.memory_space<vmem>> -> memref<1x128xi32, #tpu.memory_space<vmem>>
        %dma_start3A_295 = tpu.memref_squeeze %dma_start3A_294 : memref<1x128xi32, #tpu.memory_space<vmem>> -> memref<128xi32, #tpu.memory_space<vmem>>
        %dma_start3A_296 = arith.constant 0 : i32
        %dma_start3A_297 = tpu.memref_slice %arg10[%dma_start3A_296] : memref<200704xf32, #tpu.memory_space<vmem_shared>> -> memref<200704xf32, #tpu.memory_space<vmem_shared>>
        tpu.enqueue_indirect_dma source(%dma_start3A_292 : memref<128xf32, #tpu.memory_space<vmem>>) target(%dma_start3A_297 : memref<200704xf32, #tpu.memory_space<vmem_shared>>) offsets(%dma_start3A_295 : memref<128xi32, #tpu.memory_space<vmem>>) semaphore(%run_scoped3A_291 : memref<!tpu.dma_semaphore, #tpu.memory_space<semaphore_mem>>) {add = true}
        %dma_wait3A = arith.constant 640 : i32
        %dma_wait3A_298 = tpu.memref_slice %arg9[%dma_wait3A] : memref<1024xf32, #tpu.memory_space<vmem>> -> memref<128xf32, #tpu.memory_space<vmem>>
        %dma_wait3A_299 = arith.constant 0 : i32
        %dma_wait3A_300 = tpu.memref_slice %arg8[%run_scoped3A_288, %dma_wait3A_299] : memref<8x128xi32, #tpu.memory_space<vmem>> -> memref<1x128xi32, #tpu.memory_space<vmem>>
        %dma_wait3A_301 = tpu.memref_squeeze %dma_wait3A_300 : memref<1x128xi32, #tpu.memory_space<vmem>> -> memref<128xi32, #tpu.memory_space<vmem>>
        %dma_wait3A_302 = arith.constant 0 : i32
        %dma_wait3A_303 = tpu.memref_slice %arg10[%dma_wait3A_302] : memref<200704xf32, #tpu.memory_space<vmem_shared>> -> memref<200704xf32, #tpu.memory_space<vmem_shared>>
        tpu.wait_indirect_dma semaphore(%run_scoped3A_291 : memref<!tpu.dma_semaphore, #tpu.memory_space<semaphore_mem>>) src(%dma_wait3A_298 : memref<128xf32, #tpu.memory_space<vmem>>) dst(%dma_wait3A_303 : memref<200704xf32, #tpu.memory_space<vmem_shared>>)
        tpu.yield
      }) : () -> ()
      %run_scoped3A_289 = arith.constant 6 : i32
      "tpu.region"() ({
        %run_scoped3A_291 = tpu.sem_alloc : memref<!tpu.dma_semaphore, #tpu.memory_space<semaphore_mem>>
        %dma_start3A = arith.constant 768 : i32
        %dma_start3A_292 = tpu.memref_slice %arg9[%dma_start3A] : memref<1024xf32, #tpu.memory_space<vmem>> -> memref<128xf32, #tpu.memory_space<vmem>>
        %dma_start3A_293 = arith.constant 0 : i32
        %dma_start3A_294 = tpu.memref_slice %arg8[%run_scoped3A_289, %dma_start3A_293] : memref<8x128xi32, #tpu.memory_space<vmem>> -> memref<1x128xi32, #tpu.memory_space<vmem>>
        %dma_start3A_295 = tpu.memref_squeeze %dma_start3A_294 : memref<1x128xi32, #tpu.memory_space<vmem>> -> memref<128xi32, #tpu.memory_space<vmem>>
        %dma_start3A_296 = arith.constant 0 : i32
        %dma_start3A_297 = tpu.memref_slice %arg10[%dma_start3A_296] : memref<200704xf32, #tpu.memory_space<vmem_shared>> -> memref<200704xf32, #tpu.memory_space<vmem_shared>>
        tpu.enqueue_indirect_dma source(%dma_start3A_292 : memref<128xf32, #tpu.memory_space<vmem>>) target(%dma_start3A_297 : memref<200704xf32, #tpu.memory_space<vmem_shared>>) offsets(%dma_start3A_295 : memref<128xi32, #tpu.memory_space<vmem>>) semaphore(%run_scoped3A_291 : memref<!tpu.dma_semaphore, #tpu.memory_space<semaphore_mem>>) {add = true}
        %dma_wait3A = arith.constant 768 : i32
        %dma_wait3A_298 = tpu.memref_slice %arg9[%dma_wait3A] : memref<1024xf32, #tpu.memory_space<vmem>> -> memref<128xf32, #tpu.memory_space<vmem>>
        %dma_wait3A_299 = arith.constant 0 : i32
        %dma_wait3A_300 = tpu.memref_slice %arg8[%run_scoped3A_289, %dma_wait3A_299] : memref<8x128xi32, #tpu.memory_space<vmem>> -> memref<1x128xi32, #tpu.memory_space<vmem>>
        %dma_wait3A_301 = tpu.memref_squeeze %dma_wait3A_300 : memref<1x128xi32, #tpu.memory_space<vmem>> -> memref<128xi32, #tpu.memory_space<vmem>>
        %dma_wait3A_302 = arith.constant 0 : i32
        %dma_wait3A_303 = tpu.memref_slice %arg10[%dma_wait3A_302] : memref<200704xf32, #tpu.memory_space<vmem_shared>> -> memref<200704xf32, #tpu.memory_space<vmem_shared>>
        tpu.wait_indirect_dma semaphore(%run_scoped3A_291 : memref<!tpu.dma_semaphore, #tpu.memory_space<semaphore_mem>>) src(%dma_wait3A_298 : memref<128xf32, #tpu.memory_space<vmem>>) dst(%dma_wait3A_303 : memref<200704xf32, #tpu.memory_space<vmem_shared>>)
        tpu.yield
      }) : () -> ()
      %run_scoped3A_290 = arith.constant 7 : i32
      "tpu.region"() ({
        %run_scoped3A_291 = tpu.sem_alloc : memref<!tpu.dma_semaphore, #tpu.memory_space<semaphore_mem>>
        %dma_start3A = arith.constant 896 : i32
        %dma_start3A_292 = tpu.memref_slice %arg9[%dma_start3A] : memref<1024xf32, #tpu.memory_space<vmem>> -> memref<128xf32, #tpu.memory_space<vmem>>
        %dma_start3A_293 = arith.constant 0 : i32
        %dma_start3A_294 = tpu.memref_slice %arg8[%run_scoped3A_290, %dma_start3A_293] : memref<8x128xi32, #tpu.memory_space<vmem>> -> memref<1x128xi32, #tpu.memory_space<vmem>>
        %dma_start3A_295 = tpu.memref_squeeze %dma_start3A_294 : memref<1x128xi32, #tpu.memory_space<vmem>> -> memref<128xi32, #tpu.memory_space<vmem>>
        %dma_start3A_296 = arith.constant 0 : i32
        %dma_start3A_297 = tpu.memref_slice %arg10[%dma_start3A_296] : memref<200704xf32, #tpu.memory_space<vmem_shared>> -> memref<200704xf32, #tpu.memory_space<vmem_shared>>
        tpu.enqueue_indirect_dma source(%dma_start3A_292 : memref<128xf32, #tpu.memory_space<vmem>>) target(%dma_start3A_297 : memref<200704xf32, #tpu.memory_space<vmem_shared>>) offsets(%dma_start3A_295 : memref<128xi32, #tpu.memory_space<vmem>>) semaphore(%run_scoped3A_291 : memref<!tpu.dma_semaphore, #tpu.memory_space<semaphore_mem>>) {add = true}
        %dma_wait3A = arith.constant 896 : i32
        %dma_wait3A_298 = tpu.memref_slice %arg9[%dma_wait3A] : memref<1024xf32, #tpu.memory_space<vmem>> -> memref<128xf32, #tpu.memory_space<vmem>>
        %dma_wait3A_299 = arith.constant 0 : i32
        %dma_wait3A_300 = tpu.memref_slice %arg8[%run_scoped3A_290, %dma_wait3A_299] : memref<8x128xi32, #tpu.memory_space<vmem>> -> memref<1x128xi32, #tpu.memory_space<vmem>>
        %dma_wait3A_301 = tpu.memref_squeeze %dma_wait3A_300 : memref<1x128xi32, #tpu.memory_space<vmem>> -> memref<128xi32, #tpu.memory_space<vmem>>
        %dma_wait3A_302 = arith.constant 0 : i32
        %dma_wait3A_303 = tpu.memref_slice %arg10[%dma_wait3A_302] : memref<200704xf32, #tpu.memory_space<vmem_shared>> -> memref<200704xf32, #tpu.memory_space<vmem_shared>>
        tpu.wait_indirect_dma semaphore(%run_scoped3A_291 : memref<!tpu.dma_semaphore, #tpu.memory_space<semaphore_mem>>) src(%dma_wait3A_298 : memref<128xf32, #tpu.memory_space<vmem>>) dst(%dma_wait3A_303 : memref<200704xf32, #tpu.memory_space<vmem_shared>>)
        tpu.yield
      }) : () -> ()
    }
    %scan3A_111 = arith.constant 196 : i32
    %barrier3A_112 = arith.constant 0 : index
    tpu.barrier barrier_id(%barrier3A_112)
    %mul3A_113 = arith.constant 4 : i32
    %mul3A_114 = arith.muli %arg0, %mul3A_113 : i32
    %mul3A_115 = arith.constant 50176 : i32
    %mul3A_116 = arith.muli %mul3A_114, %mul3A_115 : i32
    %add3A_117 = arith.constant 0 : i32
    %add3A_118 = arith.addi %add3A_117, %mul3A_32 : i32
    %add3A_119 = arith.constant 0 : i32
    %add3A_120 = arith.addi %add3A_118, %add3A_119 : i32
    %add3A_121 = arith.constant 0 : i32
    %add3A_122 = arith.addi %mul3A_116, %add3A_121 : i32
    %add3A_123 = arith.addi %add3A_122, %mul3A_32 : i32
    %add3A_124 = arith.constant 0 : i32
    %add3A_125 = arith.addi %add3A_123, %add3A_124 : i32
    "tpu.region"() ({
      %run_scoped3A = tpu.sem_alloc : memref<!tpu.dma_semaphore, #tpu.memory_space<semaphore_mem>>
      %dma_start3A = tpu.memref_slice %arg10[%add3A_120] : memref<200704xf32, #tpu.memory_space<vmem_shared>> -> memref<1024xf32, #tpu.memory_space<vmem_shared>>
      %dma_start3A_261 = tpu.memref_slice %arg10[%add3A_120] : memref<200704xf32, #tpu.memory_space<vmem_shared>> -> memref<1024xf32, #tpu.memory_space<vmem_shared>>
      tpu.enqueue_dma source(%dma_start3A_261 : memref<1024xf32, #tpu.memory_space<vmem_shared>>) target(%arg9 : memref<1024xf32, #tpu.memory_space<vmem>>) target_semaphore(%run_scoped3A : memref<!tpu.dma_semaphore, #tpu.memory_space<semaphore_mem>>)
      %dma_wait3A = tpu.memref_slice %arg10[%add3A_120] : memref<200704xf32, #tpu.memory_space<vmem_shared>> -> memref<1024xf32, #tpu.memory_space<vmem_shared>>
      %dma_wait3A_262 = tpu.memref_slice %arg10[%add3A_120] : memref<200704xf32, #tpu.memory_space<vmem_shared>> -> memref<1024xf32, #tpu.memory_space<vmem_shared>>
      tpu.wait_dma2 semaphore(%run_scoped3A : memref<!tpu.dma_semaphore, #tpu.memory_space<semaphore_mem>>) src(%dma_wait3A_262 : memref<1024xf32, #tpu.memory_space<vmem_shared>>) dst(%arg9 : memref<1024xf32, #tpu.memory_space<vmem>>)
      tpu.yield
    }) : () -> ()
    "tpu.region"() ({
      %run_scoped3A = tpu.sem_alloc : memref<!tpu.dma_semaphore, #tpu.memory_space<semaphore_mem>>
      %dma_start3A = tpu.memref_slice %arg5[%add3A_125] : memref<401408xf32, #tpu.memory_space<hbm>> -> memref<1024xf32, #tpu.memory_space<hbm>>
      %dma_start3A_261 = tpu.memref_slice %arg5[%add3A_125] : memref<401408xf32, #tpu.memory_space<hbm>> -> memref<1024xf32, #tpu.memory_space<hbm>>
      tpu.enqueue_dma source(%arg9 : memref<1024xf32, #tpu.memory_space<vmem>>) target(%dma_start3A_261 : memref<1024xf32, #tpu.memory_space<hbm>>) target_semaphore(%run_scoped3A : memref<!tpu.dma_semaphore, #tpu.memory_space<semaphore_mem>>)
      %dma_wait3A = tpu.memref_slice %arg5[%add3A_125] : memref<401408xf32, #tpu.memory_space<hbm>> -> memref<1024xf32, #tpu.memory_space<hbm>>
      %dma_wait3A_262 = tpu.memref_slice %arg5[%add3A_125] : memref<401408xf32, #tpu.memory_space<hbm>> -> memref<1024xf32, #tpu.memory_space<hbm>>
      tpu.wait_dma2 semaphore(%run_scoped3A : memref<!tpu.dma_semaphore, #tpu.memory_space<semaphore_mem>>) src(%arg9 : memref<1024xf32, #tpu.memory_space<vmem>>) dst(%dma_wait3A_262 : memref<1024xf32, #tpu.memory_space<hbm>>)
      tpu.yield
    }) : () -> ()
    %add3A_126 = arith.constant 0 : i32
    %add3A_127 = arith.addi %add3A_126, %mul3A_32 : i32
    %add3A_128 = arith.constant 1024 : i32
    %add3A_129 = arith.addi %add3A_127, %add3A_128 : i32
    %add3A_130 = arith.constant 0 : i32
    %add3A_131 = arith.addi %mul3A_116, %add3A_130 : i32
    %add3A_132 = arith.addi %add3A_131, %mul3A_32 : i32
    %add3A_133 = arith.constant 1024 : i32
    %add3A_134 = arith.addi %add3A_132, %add3A_133 : i32
    "tpu.region"() ({
      %run_scoped3A = tpu.sem_alloc : memref<!tpu.dma_semaphore, #tpu.memory_space<semaphore_mem>>
      %dma_start3A = tpu.memref_slice %arg10[%add3A_129] : memref<200704xf32, #tpu.memory_space<vmem_shared>> -> memref<1024xf32, #tpu.memory_space<vmem_shared>>
      %dma_start3A_261 = tpu.memref_slice %arg10[%add3A_129] : memref<200704xf32, #tpu.memory_space<vmem_shared>> -> memref<1024xf32, #tpu.memory_space<vmem_shared>>
      tpu.enqueue_dma source(%dma_start3A_261 : memref<1024xf32, #tpu.memory_space<vmem_shared>>) target(%arg9 : memref<1024xf32, #tpu.memory_space<vmem>>) target_semaphore(%run_scoped3A : memref<!tpu.dma_semaphore, #tpu.memory_space<semaphore_mem>>)
      %dma_wait3A = tpu.memref_slice %arg10[%add3A_129] : memref<200704xf32, #tpu.memory_space<vmem_shared>> -> memref<1024xf32, #tpu.memory_space<vmem_shared>>
      %dma_wait3A_262 = tpu.memref_slice %arg10[%add3A_129] : memref<200704xf32, #tpu.memory_space<vmem_shared>> -> memref<1024xf32, #tpu.memory_space<vmem_shared>>
      tpu.wait_dma2 semaphore(%run_scoped3A : memref<!tpu.dma_semaphore, #tpu.memory_space<semaphore_mem>>) src(%dma_wait3A_262 : memref<1024xf32, #tpu.memory_space<vmem_shared>>) dst(%arg9 : memref<1024xf32, #tpu.memory_space<vmem>>)
      tpu.yield
    }) : () -> ()
    "tpu.region"() ({
      %run_scoped3A = tpu.sem_alloc : memref<!tpu.dma_semaphore, #tpu.memory_space<semaphore_mem>>
      %dma_start3A = tpu.memref_slice %arg5[%add3A_134] : memref<401408xf32, #tpu.memory_space<hbm>> -> memref<1024xf32, #tpu.memory_space<hbm>>
      %dma_start3A_261 = tpu.memref_slice %arg5[%add3A_134] : memref<401408xf32, #tpu.memory_space<hbm>> -> memref<1024xf32, #tpu.memory_space<hbm>>
      tpu.enqueue_dma source(%arg9 : memref<1024xf32, #tpu.memory_space<vmem>>) target(%dma_start3A_261 : memref<1024xf32, #tpu.memory_space<hbm>>) target_semaphore(%run_scoped3A : memref<!tpu.dma_semaphore, #tpu.memory_space<semaphore_mem>>)
      %dma_wait3A = tpu.memref_slice %arg5[%add3A_134] : memref<401408xf32, #tpu.memory_space<hbm>> -> memref<1024xf32, #tpu.memory_space<hbm>>
      %dma_wait3A_262 = tpu.memref_slice %arg5[%add3A_134] : memref<401408xf32, #tpu.memory_space<hbm>> -> memref<1024xf32, #tpu.memory_space<hbm>>
      tpu.wait_dma2 semaphore(%run_scoped3A : memref<!tpu.dma_semaphore, #tpu.memory_space<semaphore_mem>>) src(%arg9 : memref<1024xf32, #tpu.memory_space<vmem>>) dst(%dma_wait3A_262 : memref<1024xf32, #tpu.memory_space<hbm>>)
      tpu.yield
    }) : () -> ()
    %add3A_135 = arith.constant 0 : i32
    %add3A_136 = arith.addi %add3A_135, %mul3A_32 : i32
    %add3A_137 = arith.constant 2048 : i32
    %add3A_138 = arith.addi %add3A_136, %add3A_137 : i32
    %add3A_139 = arith.constant 0 : i32
    %add3A_140 = arith.addi %mul3A_116, %add3A_139 : i32
    %add3A_141 = arith.addi %add3A_140, %mul3A_32 : i32
    %add3A_142 = arith.constant 2048 : i32
    %add3A_143 = arith.addi %add3A_141, %add3A_142 : i32
    "tpu.region"() ({
      %run_scoped3A = tpu.sem_alloc : memref<!tpu.dma_semaphore, #tpu.memory_space<semaphore_mem>>
      %dma_start3A = tpu.memref_slice %arg10[%add3A_138] : memref<200704xf32, #tpu.memory_space<vmem_shared>> -> memref<1024xf32, #tpu.memory_space<vmem_shared>>
      %dma_start3A_261 = tpu.memref_slice %arg10[%add3A_138] : memref<200704xf32, #tpu.memory_space<vmem_shared>> -> memref<1024xf32, #tpu.memory_space<vmem_shared>>
      tpu.enqueue_dma source(%dma_start3A_261 : memref<1024xf32, #tpu.memory_space<vmem_shared>>) target(%arg9 : memref<1024xf32, #tpu.memory_space<vmem>>) target_semaphore(%run_scoped3A : memref<!tpu.dma_semaphore, #tpu.memory_space<semaphore_mem>>)
      %dma_wait3A = tpu.memref_slice %arg10[%add3A_138] : memref<200704xf32, #tpu.memory_space<vmem_shared>> -> memref<1024xf32, #tpu.memory_space<vmem_shared>>
      %dma_wait3A_262 = tpu.memref_slice %arg10[%add3A_138] : memref<200704xf32, #tpu.memory_space<vmem_shared>> -> memref<1024xf32, #tpu.memory_space<vmem_shared>>
      tpu.wait_dma2 semaphore(%run_scoped3A : memref<!tpu.dma_semaphore, #tpu.memory_space<semaphore_mem>>) src(%dma_wait3A_262 : memref<1024xf32, #tpu.memory_space<vmem_shared>>) dst(%arg9 : memref<1024xf32, #tpu.memory_space<vmem>>)
      tpu.yield
    }) : () -> ()
    "tpu.region"() ({
      %run_scoped3A = tpu.sem_alloc : memref<!tpu.dma_semaphore, #tpu.memory_space<semaphore_mem>>
      %dma_start3A = tpu.memref_slice %arg5[%add3A_143] : memref<401408xf32, #tpu.memory_space<hbm>> -> memref<1024xf32, #tpu.memory_space<hbm>>
      %dma_start3A_261 = tpu.memref_slice %arg5[%add3A_143] : memref<401408xf32, #tpu.memory_space<hbm>> -> memref<1024xf32, #tpu.memory_space<hbm>>
      tpu.enqueue_dma source(%arg9 : memref<1024xf32, #tpu.memory_space<vmem>>) target(%dma_start3A_261 : memref<1024xf32, #tpu.memory_space<hbm>>) target_semaphore(%run_scoped3A : memref<!tpu.dma_semaphore, #tpu.memory_space<semaphore_mem>>)
      %dma_wait3A = tpu.memref_slice %arg5[%add3A_143] : memref<401408xf32, #tpu.memory_space<hbm>> -> memref<1024xf32, #tpu.memory_space<hbm>>
      %dma_wait3A_262 = tpu.memref_slice %arg5[%add3A_143] : memref<401408xf32, #tpu.memory_space<hbm>> -> memref<1024xf32, #tpu.memory_space<hbm>>
      tpu.wait_dma2 semaphore(%run_scoped3A : memref<!tpu.dma_semaphore, #tpu.memory_space<semaphore_mem>>) src(%arg9 : memref<1024xf32, #tpu.memory_space<vmem>>) dst(%dma_wait3A_262 : memref<1024xf32, #tpu.memory_space<hbm>>)
      tpu.yield
    }) : () -> ()
    %add3A_144 = arith.constant 0 : i32
    %add3A_145 = arith.addi %add3A_144, %mul3A_32 : i32
    %add3A_146 = arith.constant 3072 : i32
    %add3A_147 = arith.addi %add3A_145, %add3A_146 : i32
    %add3A_148 = arith.constant 0 : i32
    %add3A_149 = arith.addi %mul3A_116, %add3A_148 : i32
    %add3A_150 = arith.addi %add3A_149, %mul3A_32 : i32
    %add3A_151 = arith.constant 3072 : i32
    %add3A_152 = arith.addi %add3A_150, %add3A_151 : i32
    "tpu.region"() ({
      %run_scoped3A = tpu.sem_alloc : memref<!tpu.dma_semaphore, #tpu.memory_space<semaphore_mem>>
      %dma_start3A = arith.constant 0 : i32
      %dma_start3A_261 = tpu.memref_slice %arg9[%dma_start3A] : memref<1024xf32, #tpu.memory_space<vmem>> -> memref<64xf32, #tpu.memory_space<vmem>>
      %dma_start3A_262 = tpu.memref_slice %arg10[%add3A_147] : memref<200704xf32, #tpu.memory_space<vmem_shared>> -> memref<64xf32, #tpu.memory_space<vmem_shared>>
      %dma_start3A_263 = arith.constant 0 : i32
      %dma_start3A_264 = tpu.memref_slice %arg9[%dma_start3A_263] : memref<1024xf32, #tpu.memory_space<vmem>> -> memref<64xf32, #tpu.memory_space<vmem>>
      %dma_start3A_265 = tpu.memref_slice %arg10[%add3A_147] : memref<200704xf32, #tpu.memory_space<vmem_shared>> -> memref<64xf32, #tpu.memory_space<vmem_shared>>
      tpu.enqueue_dma source(%dma_start3A_265 : memref<64xf32, #tpu.memory_space<vmem_shared>>) target(%dma_start3A_264 : memref<64xf32, #tpu.memory_space<vmem>>) target_semaphore(%run_scoped3A : memref<!tpu.dma_semaphore, #tpu.memory_space<semaphore_mem>>)
      %dma_wait3A = arith.constant 0 : i32
      %dma_wait3A_266 = tpu.memref_slice %arg9[%dma_wait3A] : memref<1024xf32, #tpu.memory_space<vmem>> -> memref<64xf32, #tpu.memory_space<vmem>>
      %dma_wait3A_267 = tpu.memref_slice %arg10[%add3A_147] : memref<200704xf32, #tpu.memory_space<vmem_shared>> -> memref<64xf32, #tpu.memory_space<vmem_shared>>
      %dma_wait3A_268 = arith.constant 0 : i32
      %dma_wait3A_269 = tpu.memref_slice %arg9[%dma_wait3A_268] : memref<1024xf32, #tpu.memory_space<vmem>> -> memref<64xf32, #tpu.memory_space<vmem>>
      %dma_wait3A_270 = tpu.memref_slice %arg10[%add3A_147] : memref<200704xf32, #tpu.memory_space<vmem_shared>> -> memref<64xf32, #tpu.memory_space<vmem_shared>>
      tpu.wait_dma2 semaphore(%run_scoped3A : memref<!tpu.dma_semaphore, #tpu.memory_space<semaphore_mem>>) src(%dma_wait3A_270 : memref<64xf32, #tpu.memory_space<vmem_shared>>) dst(%dma_wait3A_269 : memref<64xf32, #tpu.memory_space<vmem>>)
      tpu.yield
    }) : () -> ()
    "tpu.region"() ({
      %run_scoped3A = tpu.sem_alloc : memref<!tpu.dma_semaphore, #tpu.memory_space<semaphore_mem>>
      %dma_start3A = arith.constant 0 : i32
      %dma_start3A_261 = tpu.memref_slice %arg9[%dma_start3A] : memref<1024xf32, #tpu.memory_space<vmem>> -> memref<64xf32, #tpu.memory_space<vmem>>
      %dma_start3A_262 = tpu.memref_slice %arg5[%add3A_152] : memref<401408xf32, #tpu.memory_space<hbm>> -> memref<64xf32, #tpu.memory_space<hbm>>
      %dma_start3A_263 = tpu.memref_slice %arg5[%add3A_152] : memref<401408xf32, #tpu.memory_space<hbm>> -> memref<64xf32, #tpu.memory_space<hbm>>
      %dma_start3A_264 = arith.constant 0 : i32
      %dma_start3A_265 = tpu.memref_slice %arg9[%dma_start3A_264] : memref<1024xf32, #tpu.memory_space<vmem>> -> memref<64xf32, #tpu.memory_space<vmem>>
      tpu.enqueue_dma source(%dma_start3A_265 : memref<64xf32, #tpu.memory_space<vmem>>) target(%dma_start3A_263 : memref<64xf32, #tpu.memory_space<hbm>>) target_semaphore(%run_scoped3A : memref<!tpu.dma_semaphore, #tpu.memory_space<semaphore_mem>>)
      %dma_wait3A = arith.constant 0 : i32
      %dma_wait3A_266 = tpu.memref_slice %arg9[%dma_wait3A] : memref<1024xf32, #tpu.memory_space<vmem>> -> memref<64xf32, #tpu.memory_space<vmem>>
      %dma_wait3A_267 = tpu.memref_slice %arg5[%add3A_152] : memref<401408xf32, #tpu.memory_space<hbm>> -> memref<64xf32, #tpu.memory_space<hbm>>
      %dma_wait3A_268 = tpu.memref_slice %arg5[%add3A_152] : memref<401408xf32, #tpu.memory_space<hbm>> -> memref<64xf32, #tpu.memory_space<hbm>>
      %dma_wait3A_269 = arith.constant 0 : i32
      %dma_wait3A_270 = tpu.memref_slice %arg9[%dma_wait3A_269] : memref<1024xf32, #tpu.memory_space<vmem>> -> memref<64xf32, #tpu.memory_space<vmem>>
      tpu.wait_dma2 semaphore(%run_scoped3A : memref<!tpu.dma_semaphore, #tpu.memory_space<semaphore_mem>>) src(%dma_wait3A_270 : memref<64xf32, #tpu.memory_space<vmem>>) dst(%dma_wait3A_268 : memref<64xf32, #tpu.memory_space<hbm>>)
      tpu.yield
    }) : () -> ()
    %add3A_153 = arith.constant 50176 : i32
    %add3A_154 = arith.addi %add3A_153, %mul3A_32 : i32
    %add3A_155 = arith.constant 0 : i32
    %add3A_156 = arith.addi %add3A_154, %add3A_155 : i32
    %add3A_157 = arith.constant 50176 : i32
    %add3A_158 = arith.addi %mul3A_116, %add3A_157 : i32
    %add3A_159 = arith.addi %add3A_158, %mul3A_32 : i32
    %add3A_160 = arith.constant 0 : i32
    %add3A_161 = arith.addi %add3A_159, %add3A_160 : i32
    "tpu.region"() ({
      %run_scoped3A = tpu.sem_alloc : memref<!tpu.dma_semaphore, #tpu.memory_space<semaphore_mem>>
      %dma_start3A = tpu.memref_slice %arg10[%add3A_156] : memref<200704xf32, #tpu.memory_space<vmem_shared>> -> memref<1024xf32, #tpu.memory_space<vmem_shared>>
      %dma_start3A_261 = tpu.memref_slice %arg10[%add3A_156] : memref<200704xf32, #tpu.memory_space<vmem_shared>> -> memref<1024xf32, #tpu.memory_space<vmem_shared>>
      tpu.enqueue_dma source(%dma_start3A_261 : memref<1024xf32, #tpu.memory_space<vmem_shared>>) target(%arg9 : memref<1024xf32, #tpu.memory_space<vmem>>) target_semaphore(%run_scoped3A : memref<!tpu.dma_semaphore, #tpu.memory_space<semaphore_mem>>)
      %dma_wait3A = tpu.memref_slice %arg10[%add3A_156] : memref<200704xf32, #tpu.memory_space<vmem_shared>> -> memref<1024xf32, #tpu.memory_space<vmem_shared>>
      %dma_wait3A_262 = tpu.memref_slice %arg10[%add3A_156] : memref<200704xf32, #tpu.memory_space<vmem_shared>> -> memref<1024xf32, #tpu.memory_space<vmem_shared>>
      tpu.wait_dma2 semaphore(%run_scoped3A : memref<!tpu.dma_semaphore, #tpu.memory_space<semaphore_mem>>) src(%dma_wait3A_262 : memref<1024xf32, #tpu.memory_space<vmem_shared>>) dst(%arg9 : memref<1024xf32, #tpu.memory_space<vmem>>)
      tpu.yield
    }) : () -> ()
    "tpu.region"() ({
      %run_scoped3A = tpu.sem_alloc : memref<!tpu.dma_semaphore, #tpu.memory_space<semaphore_mem>>
      %dma_start3A = tpu.memref_slice %arg5[%add3A_161] : memref<401408xf32, #tpu.memory_space<hbm>> -> memref<1024xf32, #tpu.memory_space<hbm>>
      %dma_start3A_261 = tpu.memref_slice %arg5[%add3A_161] : memref<401408xf32, #tpu.memory_space<hbm>> -> memref<1024xf32, #tpu.memory_space<hbm>>
      tpu.enqueue_dma source(%arg9 : memref<1024xf32, #tpu.memory_space<vmem>>) target(%dma_start3A_261 : memref<1024xf32, #tpu.memory_space<hbm>>) target_semaphore(%run_scoped3A : memref<!tpu.dma_semaphore, #tpu.memory_space<semaphore_mem>>)
      %dma_wait3A = tpu.memref_slice %arg5[%add3A_161] : memref<401408xf32, #tpu.memory_space<hbm>> -> memref<1024xf32, #tpu.memory_space<hbm>>
      %dma_wait3A_262 = tpu.memref_slice %arg5[%add3A_161] : memref<401408xf32, #tpu.memory_space<hbm>> -> memref<1024xf32, #tpu.memory_space<hbm>>
      tpu.wait_dma2 semaphore(%run_scoped3A : memref<!tpu.dma_semaphore, #tpu.memory_space<semaphore_mem>>) src(%arg9 : memref<1024xf32, #tpu.memory_space<vmem>>) dst(%dma_wait3A_262 : memref<1024xf32, #tpu.memory_space<hbm>>)
      tpu.yield
    }) : () -> ()
    %add3A_162 = arith.constant 50176 : i32
    %add3A_163 = arith.addi %add3A_162, %mul3A_32 : i32
    %add3A_164 = arith.constant 1024 : i32
    %add3A_165 = arith.addi %add3A_163, %add3A_164 : i32
    %add3A_166 = arith.constant 50176 : i32
    %add3A_167 = arith.addi %mul3A_116, %add3A_166 : i32
    %add3A_168 = arith.addi %add3A_167, %mul3A_32 : i32
    %add3A_169 = arith.constant 1024 : i32
    %add3A_170 = arith.addi %add3A_168, %add3A_169 : i32
    "tpu.region"() ({
      %run_scoped3A = tpu.sem_alloc : memref<!tpu.dma_semaphore, #tpu.memory_space<semaphore_mem>>
      %dma_start3A = tpu.memref_slice %arg10[%add3A_165] : memref<200704xf32, #tpu.memory_space<vmem_shared>> -> memref<1024xf32, #tpu.memory_space<vmem_shared>>
      %dma_start3A_261 = tpu.memref_slice %arg10[%add3A_165] : memref<200704xf32, #tpu.memory_space<vmem_shared>> -> memref<1024xf32, #tpu.memory_space<vmem_shared>>
      tpu.enqueue_dma source(%dma_start3A_261 : memref<1024xf32, #tpu.memory_space<vmem_shared>>) target(%arg9 : memref<1024xf32, #tpu.memory_space<vmem>>) target_semaphore(%run_scoped3A : memref<!tpu.dma_semaphore, #tpu.memory_space<semaphore_mem>>)
      %dma_wait3A = tpu.memref_slice %arg10[%add3A_165] : memref<200704xf32, #tpu.memory_space<vmem_shared>> -> memref<1024xf32, #tpu.memory_space<vmem_shared>>
      %dma_wait3A_262 = tpu.memref_slice %arg10[%add3A_165] : memref<200704xf32, #tpu.memory_space<vmem_shared>> -> memref<1024xf32, #tpu.memory_space<vmem_shared>>
      tpu.wait_dma2 semaphore(%run_scoped3A : memref<!tpu.dma_semaphore, #tpu.memory_space<semaphore_mem>>) src(%dma_wait3A_262 : memref<1024xf32, #tpu.memory_space<vmem_shared>>) dst(%arg9 : memref<1024xf32, #tpu.memory_space<vmem>>)
      tpu.yield
    }) : () -> ()
    "tpu.region"() ({
      %run_scoped3A = tpu.sem_alloc : memref<!tpu.dma_semaphore, #tpu.memory_space<semaphore_mem>>
      %dma_start3A = tpu.memref_slice %arg5[%add3A_170] : memref<401408xf32, #tpu.memory_space<hbm>> -> memref<1024xf32, #tpu.memory_space<hbm>>
      %dma_start3A_261 = tpu.memref_slice %arg5[%add3A_170] : memref<401408xf32, #tpu.memory_space<hbm>> -> memref<1024xf32, #tpu.memory_space<hbm>>
      tpu.enqueue_dma source(%arg9 : memref<1024xf32, #tpu.memory_space<vmem>>) target(%dma_start3A_261 : memref<1024xf32, #tpu.memory_space<hbm>>) target_semaphore(%run_scoped3A : memref<!tpu.dma_semaphore, #tpu.memory_space<semaphore_mem>>)
      %dma_wait3A = tpu.memref_slice %arg5[%add3A_170] : memref<401408xf32, #tpu.memory_space<hbm>> -> memref<1024xf32, #tpu.memory_space<hbm>>
      %dma_wait3A_262 = tpu.memref_slice %arg5[%add3A_170] : memref<401408xf32, #tpu.memory_space<hbm>> -> memref<1024xf32, #tpu.memory_space<hbm>>
      tpu.wait_dma2 semaphore(%run_scoped3A : memref<!tpu.dma_semaphore, #tpu.memory_space<semaphore_mem>>) src(%arg9 : memref<1024xf32, #tpu.memory_space<vmem>>) dst(%dma_wait3A_262 : memref<1024xf32, #tpu.memory_space<hbm>>)
      tpu.yield
    }) : () -> ()
    %add3A_171 = arith.constant 50176 : i32
    %add3A_172 = arith.addi %add3A_171, %mul3A_32 : i32
    %add3A_173 = arith.constant 2048 : i32
    %add3A_174 = arith.addi %add3A_172, %add3A_173 : i32
    %add3A_175 = arith.constant 50176 : i32
    %add3A_176 = arith.addi %mul3A_116, %add3A_175 : i32
    %add3A_177 = arith.addi %add3A_176, %mul3A_32 : i32
    %add3A_178 = arith.constant 2048 : i32
    %add3A_179 = arith.addi %add3A_177, %add3A_178 : i32
    "tpu.region"() ({
      %run_scoped3A = tpu.sem_alloc : memref<!tpu.dma_semaphore, #tpu.memory_space<semaphore_mem>>
      %dma_start3A = tpu.memref_slice %arg10[%add3A_174] : memref<200704xf32, #tpu.memory_space<vmem_shared>> -> memref<1024xf32, #tpu.memory_space<vmem_shared>>
      %dma_start3A_261 = tpu.memref_slice %arg10[%add3A_174] : memref<200704xf32, #tpu.memory_space<vmem_shared>> -> memref<1024xf32, #tpu.memory_space<vmem_shared>>
      tpu.enqueue_dma source(%dma_start3A_261 : memref<1024xf32, #tpu.memory_space<vmem_shared>>) target(%arg9 : memref<1024xf32, #tpu.memory_space<vmem>>) target_semaphore(%run_scoped3A : memref<!tpu.dma_semaphore, #tpu.memory_space<semaphore_mem>>)
      %dma_wait3A = tpu.memref_slice %arg10[%add3A_174] : memref<200704xf32, #tpu.memory_space<vmem_shared>> -> memref<1024xf32, #tpu.memory_space<vmem_shared>>
      %dma_wait3A_262 = tpu.memref_slice %arg10[%add3A_174] : memref<200704xf32, #tpu.memory_space<vmem_shared>> -> memref<1024xf32, #tpu.memory_space<vmem_shared>>
      tpu.wait_dma2 semaphore(%run_scoped3A : memref<!tpu.dma_semaphore, #tpu.memory_space<semaphore_mem>>) src(%dma_wait3A_262 : memref<1024xf32, #tpu.memory_space<vmem_shared>>) dst(%arg9 : memref<1024xf32, #tpu.memory_space<vmem>>)
      tpu.yield
    }) : () -> ()
    "tpu.region"() ({
      %run_scoped3A = tpu.sem_alloc : memref<!tpu.dma_semaphore, #tpu.memory_space<semaphore_mem>>
      %dma_start3A = tpu.memref_slice %arg5[%add3A_179] : memref<401408xf32, #tpu.memory_space<hbm>> -> memref<1024xf32, #tpu.memory_space<hbm>>
      %dma_start3A_261 = tpu.memref_slice %arg5[%add3A_179] : memref<401408xf32, #tpu.memory_space<hbm>> -> memref<1024xf32, #tpu.memory_space<hbm>>
      tpu.enqueue_dma source(%arg9 : memref<1024xf32, #tpu.memory_space<vmem>>) target(%dma_start3A_261 : memref<1024xf32, #tpu.memory_space<hbm>>) target_semaphore(%run_scoped3A : memref<!tpu.dma_semaphore, #tpu.memory_space<semaphore_mem>>)
      %dma_wait3A = tpu.memref_slice %arg5[%add3A_179] : memref<401408xf32, #tpu.memory_space<hbm>> -> memref<1024xf32, #tpu.memory_space<hbm>>
      %dma_wait3A_262 = tpu.memref_slice %arg5[%add3A_179] : memref<401408xf32, #tpu.memory_space<hbm>> -> memref<1024xf32, #tpu.memory_space<hbm>>
      tpu.wait_dma2 semaphore(%run_scoped3A : memref<!tpu.dma_semaphore, #tpu.memory_space<semaphore_mem>>) src(%arg9 : memref<1024xf32, #tpu.memory_space<vmem>>) dst(%dma_wait3A_262 : memref<1024xf32, #tpu.memory_space<hbm>>)
      tpu.yield
    }) : () -> ()
    %add3A_180 = arith.constant 50176 : i32
    %add3A_181 = arith.addi %add3A_180, %mul3A_32 : i32
    %add3A_182 = arith.constant 3072 : i32
    %add3A_183 = arith.addi %add3A_181, %add3A_182 : i32
    %add3A_184 = arith.constant 50176 : i32
    %add3A_185 = arith.addi %mul3A_116, %add3A_184 : i32
    %add3A_186 = arith.addi %add3A_185, %mul3A_32 : i32
    %add3A_187 = arith.constant 3072 : i32
    %add3A_188 = arith.addi %add3A_186, %add3A_187 : i32
    "tpu.region"() ({
      %run_scoped3A = tpu.sem_alloc : memref<!tpu.dma_semaphore, #tpu.memory_space<semaphore_mem>>
      %dma_start3A = arith.constant 0 : i32
      %dma_start3A_261 = tpu.memref_slice %arg9[%dma_start3A] : memref<1024xf32, #tpu.memory_space<vmem>> -> memref<64xf32, #tpu.memory_space<vmem>>
      %dma_start3A_262 = tpu.memref_slice %arg10[%add3A_183] : memref<200704xf32, #tpu.memory_space<vmem_shared>> -> memref<64xf32, #tpu.memory_space<vmem_shared>>
      %dma_start3A_263 = arith.constant 0 : i32
      %dma_start3A_264 = tpu.memref_slice %arg9[%dma_start3A_263] : memref<1024xf32, #tpu.memory_space<vmem>> -> memref<64xf32, #tpu.memory_space<vmem>>
      %dma_start3A_265 = tpu.memref_slice %arg10[%add3A_183] : memref<200704xf32, #tpu.memory_space<vmem_shared>> -> memref<64xf32, #tpu.memory_space<vmem_shared>>
      tpu.enqueue_dma source(%dma_start3A_265 : memref<64xf32, #tpu.memory_space<vmem_shared>>) target(%dma_start3A_264 : memref<64xf32, #tpu.memory_space<vmem>>) target_semaphore(%run_scoped3A : memref<!tpu.dma_semaphore, #tpu.memory_space<semaphore_mem>>)
      %dma_wait3A = arith.constant 0 : i32
      %dma_wait3A_266 = tpu.memref_slice %arg9[%dma_wait3A] : memref<1024xf32, #tpu.memory_space<vmem>> -> memref<64xf32, #tpu.memory_space<vmem>>
      %dma_wait3A_267 = tpu.memref_slice %arg10[%add3A_183] : memref<200704xf32, #tpu.memory_space<vmem_shared>> -> memref<64xf32, #tpu.memory_space<vmem_shared>>
      %dma_wait3A_268 = arith.constant 0 : i32
      %dma_wait3A_269 = tpu.memref_slice %arg9[%dma_wait3A_268] : memref<1024xf32, #tpu.memory_space<vmem>> -> memref<64xf32, #tpu.memory_space<vmem>>
      %dma_wait3A_270 = tpu.memref_slice %arg10[%add3A_183] : memref<200704xf32, #tpu.memory_space<vmem_shared>> -> memref<64xf32, #tpu.memory_space<vmem_shared>>
      tpu.wait_dma2 semaphore(%run_scoped3A : memref<!tpu.dma_semaphore, #tpu.memory_space<semaphore_mem>>) src(%dma_wait3A_270 : memref<64xf32, #tpu.memory_space<vmem_shared>>) dst(%dma_wait3A_269 : memref<64xf32, #tpu.memory_space<vmem>>)
      tpu.yield
    }) : () -> ()
    "tpu.region"() ({
      %run_scoped3A = tpu.sem_alloc : memref<!tpu.dma_semaphore, #tpu.memory_space<semaphore_mem>>
      %dma_start3A = arith.constant 0 : i32
      %dma_start3A_261 = tpu.memref_slice %arg9[%dma_start3A] : memref<1024xf32, #tpu.memory_space<vmem>> -> memref<64xf32, #tpu.memory_space<vmem>>
      %dma_start3A_262 = tpu.memref_slice %arg5[%add3A_188] : memref<401408xf32, #tpu.memory_space<hbm>> -> memref<64xf32, #tpu.memory_space<hbm>>
      %dma_start3A_263 = tpu.memref_slice %arg5[%add3A_188] : memref<401408xf32, #tpu.memory_space<hbm>> -> memref<64xf32, #tpu.memory_space<hbm>>
      %dma_start3A_264 = arith.constant 0 : i32
      %dma_start3A_265 = tpu.memref_slice %arg9[%dma_start3A_264] : memref<1024xf32, #tpu.memory_space<vmem>> -> memref<64xf32, #tpu.memory_space<vmem>>
      tpu.enqueue_dma source(%dma_start3A_265 : memref<64xf32, #tpu.memory_space<vmem>>) target(%dma_start3A_263 : memref<64xf32, #tpu.memory_space<hbm>>) target_semaphore(%run_scoped3A : memref<!tpu.dma_semaphore, #tpu.memory_space<semaphore_mem>>)
      %dma_wait3A = arith.constant 0 : i32
      %dma_wait3A_266 = tpu.memref_slice %arg9[%dma_wait3A] : memref<1024xf32, #tpu.memory_space<vmem>> -> memref<64xf32, #tpu.memory_space<vmem>>
      %dma_wait3A_267 = tpu.memref_slice %arg5[%add3A_188] : memref<401408xf32, #tpu.memory_space<hbm>> -> memref<64xf32, #tpu.memory_space<hbm>>
      %dma_wait3A_268 = tpu.memref_slice %arg5[%add3A_188] : memref<401408xf32, #tpu.memory_space<hbm>> -> memref<64xf32, #tpu.memory_space<hbm>>
      %dma_wait3A_269 = arith.constant 0 : i32
      %dma_wait3A_270 = tpu.memref_slice %arg9[%dma_wait3A_269] : memref<1024xf32, #tpu.memory_space<vmem>> -> memref<64xf32, #tpu.memory_space<vmem>>
      tpu.wait_dma2 semaphore(%run_scoped3A : memref<!tpu.dma_semaphore, #tpu.memory_space<semaphore_mem>>) src(%dma_wait3A_270 : memref<64xf32, #tpu.memory_space<vmem>>) dst(%dma_wait3A_268 : memref<64xf32, #tpu.memory_space<hbm>>)
      tpu.yield
    }) : () -> ()
    %add3A_189 = arith.constant 100352 : i32
    %add3A_190 = arith.addi %add3A_189, %mul3A_32 : i32
    %add3A_191 = arith.constant 0 : i32
    %add3A_192 = arith.addi %add3A_190, %add3A_191 : i32
    %add3A_193 = arith.constant 100352 : i32
    %add3A_194 = arith.addi %mul3A_116, %add3A_193 : i32
    %add3A_195 = arith.addi %add3A_194, %mul3A_32 : i32
    %add3A_196 = arith.constant 0 : i32
    %add3A_197 = arith.addi %add3A_195, %add3A_196 : i32
    "tpu.region"() ({
      %run_scoped3A = tpu.sem_alloc : memref<!tpu.dma_semaphore, #tpu.memory_space<semaphore_mem>>
      %dma_start3A = tpu.memref_slice %arg10[%add3A_192] : memref<200704xf32, #tpu.memory_space<vmem_shared>> -> memref<1024xf32, #tpu.memory_space<vmem_shared>>
      %dma_start3A_261 = tpu.memref_slice %arg10[%add3A_192] : memref<200704xf32, #tpu.memory_space<vmem_shared>> -> memref<1024xf32, #tpu.memory_space<vmem_shared>>
      tpu.enqueue_dma source(%dma_start3A_261 : memref<1024xf32, #tpu.memory_space<vmem_shared>>) target(%arg9 : memref<1024xf32, #tpu.memory_space<vmem>>) target_semaphore(%run_scoped3A : memref<!tpu.dma_semaphore, #tpu.memory_space<semaphore_mem>>)
      %dma_wait3A = tpu.memref_slice %arg10[%add3A_192] : memref<200704xf32, #tpu.memory_space<vmem_shared>> -> memref<1024xf32, #tpu.memory_space<vmem_shared>>
      %dma_wait3A_262 = tpu.memref_slice %arg10[%add3A_192] : memref<200704xf32, #tpu.memory_space<vmem_shared>> -> memref<1024xf32, #tpu.memory_space<vmem_shared>>
      tpu.wait_dma2 semaphore(%run_scoped3A : memref<!tpu.dma_semaphore, #tpu.memory_space<semaphore_mem>>) src(%dma_wait3A_262 : memref<1024xf32, #tpu.memory_space<vmem_shared>>) dst(%arg9 : memref<1024xf32, #tpu.memory_space<vmem>>)
      tpu.yield
    }) : () -> ()
    "tpu.region"() ({
      %run_scoped3A = tpu.sem_alloc : memref<!tpu.dma_semaphore, #tpu.memory_space<semaphore_mem>>
      %dma_start3A = tpu.memref_slice %arg5[%add3A_197] : memref<401408xf32, #tpu.memory_space<hbm>> -> memref<1024xf32, #tpu.memory_space<hbm>>
      %dma_start3A_261 = tpu.memref_slice %arg5[%add3A_197] : memref<401408xf32, #tpu.memory_space<hbm>> -> memref<1024xf32, #tpu.memory_space<hbm>>
      tpu.enqueue_dma source(%arg9 : memref<1024xf32, #tpu.memory_space<vmem>>) target(%dma_start3A_261 : memref<1024xf32, #tpu.memory_space<hbm>>) target_semaphore(%run_scoped3A : memref<!tpu.dma_semaphore, #tpu.memory_space<semaphore_mem>>)
      %dma_wait3A = tpu.memref_slice %arg5[%add3A_197] : memref<401408xf32, #tpu.memory_space<hbm>> -> memref<1024xf32, #tpu.memory_space<hbm>>
      %dma_wait3A_262 = tpu.memref_slice %arg5[%add3A_197] : memref<401408xf32, #tpu.memory_space<hbm>> -> memref<1024xf32, #tpu.memory_space<hbm>>
      tpu.wait_dma2 semaphore(%run_scoped3A : memref<!tpu.dma_semaphore, #tpu.memory_space<semaphore_mem>>) src(%arg9 : memref<1024xf32, #tpu.memory_space<vmem>>) dst(%dma_wait3A_262 : memref<1024xf32, #tpu.memory_space<hbm>>)
      tpu.yield
    }) : () -> ()
    %add3A_198 = arith.constant 100352 : i32
    %add3A_199 = arith.addi %add3A_198, %mul3A_32 : i32
    %add3A_200 = arith.constant 1024 : i32
    %add3A_201 = arith.addi %add3A_199, %add3A_200 : i32
    %add3A_202 = arith.constant 100352 : i32
    %add3A_203 = arith.addi %mul3A_116, %add3A_202 : i32
    %add3A_204 = arith.addi %add3A_203, %mul3A_32 : i32
    %add3A_205 = arith.constant 1024 : i32
    %add3A_206 = arith.addi %add3A_204, %add3A_205 : i32
    "tpu.region"() ({
      %run_scoped3A = tpu.sem_alloc : memref<!tpu.dma_semaphore, #tpu.memory_space<semaphore_mem>>
      %dma_start3A = tpu.memref_slice %arg10[%add3A_201] : memref<200704xf32, #tpu.memory_space<vmem_shared>> -> memref<1024xf32, #tpu.memory_space<vmem_shared>>
      %dma_start3A_261 = tpu.memref_slice %arg10[%add3A_201] : memref<200704xf32, #tpu.memory_space<vmem_shared>> -> memref<1024xf32, #tpu.memory_space<vmem_shared>>
      tpu.enqueue_dma source(%dma_start3A_261 : memref<1024xf32, #tpu.memory_space<vmem_shared>>) target(%arg9 : memref<1024xf32, #tpu.memory_space<vmem>>) target_semaphore(%run_scoped3A : memref<!tpu.dma_semaphore, #tpu.memory_space<semaphore_mem>>)
      %dma_wait3A = tpu.memref_slice %arg10[%add3A_201] : memref<200704xf32, #tpu.memory_space<vmem_shared>> -> memref<1024xf32, #tpu.memory_space<vmem_shared>>
      %dma_wait3A_262 = tpu.memref_slice %arg10[%add3A_201] : memref<200704xf32, #tpu.memory_space<vmem_shared>> -> memref<1024xf32, #tpu.memory_space<vmem_shared>>
      tpu.wait_dma2 semaphore(%run_scoped3A : memref<!tpu.dma_semaphore, #tpu.memory_space<semaphore_mem>>) src(%dma_wait3A_262 : memref<1024xf32, #tpu.memory_space<vmem_shared>>) dst(%arg9 : memref<1024xf32, #tpu.memory_space<vmem>>)
      tpu.yield
    }) : () -> ()
    "tpu.region"() ({
      %run_scoped3A = tpu.sem_alloc : memref<!tpu.dma_semaphore, #tpu.memory_space<semaphore_mem>>
      %dma_start3A = tpu.memref_slice %arg5[%add3A_206] : memref<401408xf32, #tpu.memory_space<hbm>> -> memref<1024xf32, #tpu.memory_space<hbm>>
      %dma_start3A_261 = tpu.memref_slice %arg5[%add3A_206] : memref<401408xf32, #tpu.memory_space<hbm>> -> memref<1024xf32, #tpu.memory_space<hbm>>
      tpu.enqueue_dma source(%arg9 : memref<1024xf32, #tpu.memory_space<vmem>>) target(%dma_start3A_261 : memref<1024xf32, #tpu.memory_space<hbm>>) target_semaphore(%run_scoped3A : memref<!tpu.dma_semaphore, #tpu.memory_space<semaphore_mem>>)
      %dma_wait3A = tpu.memref_slice %arg5[%add3A_206] : memref<401408xf32, #tpu.memory_space<hbm>> -> memref<1024xf32, #tpu.memory_space<hbm>>
      %dma_wait3A_262 = tpu.memref_slice %arg5[%add3A_206] : memref<401408xf32, #tpu.memory_space<hbm>> -> memref<1024xf32, #tpu.memory_space<hbm>>
      tpu.wait_dma2 semaphore(%run_scoped3A : memref<!tpu.dma_semaphore, #tpu.memory_space<semaphore_mem>>) src(%arg9 : memref<1024xf32, #tpu.memory_space<vmem>>) dst(%dma_wait3A_262 : memref<1024xf32, #tpu.memory_space<hbm>>)
      tpu.yield
    }) : () -> ()
    %add3A_207 = arith.constant 100352 : i32
    %add3A_208 = arith.addi %add3A_207, %mul3A_32 : i32
    %add3A_209 = arith.constant 2048 : i32
    %add3A_210 = arith.addi %add3A_208, %add3A_209 : i32
    %add3A_211 = arith.constant 100352 : i32
    %add3A_212 = arith.addi %mul3A_116, %add3A_211 : i32
    %add3A_213 = arith.addi %add3A_212, %mul3A_32 : i32
    %add3A_214 = arith.constant 2048 : i32
    %add3A_215 = arith.addi %add3A_213, %add3A_214 : i32
    "tpu.region"() ({
      %run_scoped3A = tpu.sem_alloc : memref<!tpu.dma_semaphore, #tpu.memory_space<semaphore_mem>>
      %dma_start3A = tpu.memref_slice %arg10[%add3A_210] : memref<200704xf32, #tpu.memory_space<vmem_shared>> -> memref<1024xf32, #tpu.memory_space<vmem_shared>>
      %dma_start3A_261 = tpu.memref_slice %arg10[%add3A_210] : memref<200704xf32, #tpu.memory_space<vmem_shared>> -> memref<1024xf32, #tpu.memory_space<vmem_shared>>
      tpu.enqueue_dma source(%dma_start3A_261 : memref<1024xf32, #tpu.memory_space<vmem_shared>>) target(%arg9 : memref<1024xf32, #tpu.memory_space<vmem>>) target_semaphore(%run_scoped3A : memref<!tpu.dma_semaphore, #tpu.memory_space<semaphore_mem>>)
      %dma_wait3A = tpu.memref_slice %arg10[%add3A_210] : memref<200704xf32, #tpu.memory_space<vmem_shared>> -> memref<1024xf32, #tpu.memory_space<vmem_shared>>
      %dma_wait3A_262 = tpu.memref_slice %arg10[%add3A_210] : memref<200704xf32, #tpu.memory_space<vmem_shared>> -> memref<1024xf32, #tpu.memory_space<vmem_shared>>
      tpu.wait_dma2 semaphore(%run_scoped3A : memref<!tpu.dma_semaphore, #tpu.memory_space<semaphore_mem>>) src(%dma_wait3A_262 : memref<1024xf32, #tpu.memory_space<vmem_shared>>) dst(%arg9 : memref<1024xf32, #tpu.memory_space<vmem>>)
      tpu.yield
    }) : () -> ()
    "tpu.region"() ({
      %run_scoped3A = tpu.sem_alloc : memref<!tpu.dma_semaphore, #tpu.memory_space<semaphore_mem>>
      %dma_start3A = tpu.memref_slice %arg5[%add3A_215] : memref<401408xf32, #tpu.memory_space<hbm>> -> memref<1024xf32, #tpu.memory_space<hbm>>
      %dma_start3A_261 = tpu.memref_slice %arg5[%add3A_215] : memref<401408xf32, #tpu.memory_space<hbm>> -> memref<1024xf32, #tpu.memory_space<hbm>>
      tpu.enqueue_dma source(%arg9 : memref<1024xf32, #tpu.memory_space<vmem>>) target(%dma_start3A_261 : memref<1024xf32, #tpu.memory_space<hbm>>) target_semaphore(%run_scoped3A : memref<!tpu.dma_semaphore, #tpu.memory_space<semaphore_mem>>)
      %dma_wait3A = tpu.memref_slice %arg5[%add3A_215] : memref<401408xf32, #tpu.memory_space<hbm>> -> memref<1024xf32, #tpu.memory_space<hbm>>
      %dma_wait3A_262 = tpu.memref_slice %arg5[%add3A_215] : memref<401408xf32, #tpu.memory_space<hbm>> -> memref<1024xf32, #tpu.memory_space<hbm>>
      tpu.wait_dma2 semaphore(%run_scoped3A : memref<!tpu.dma_semaphore, #tpu.memory_space<semaphore_mem>>) src(%arg9 : memref<1024xf32, #tpu.memory_space<vmem>>) dst(%dma_wait3A_262 : memref<1024xf32, #tpu.memory_space<hbm>>)
      tpu.yield
    }) : () -> ()
    %add3A_216 = arith.constant 100352 : i32
    %add3A_217 = arith.addi %add3A_216, %mul3A_32 : i32
    %add3A_218 = arith.constant 3072 : i32
    %add3A_219 = arith.addi %add3A_217, %add3A_218 : i32
    %add3A_220 = arith.constant 100352 : i32
    %add3A_221 = arith.addi %mul3A_116, %add3A_220 : i32
    %add3A_222 = arith.addi %add3A_221, %mul3A_32 : i32
    %add3A_223 = arith.constant 3072 : i32
    %add3A_224 = arith.addi %add3A_222, %add3A_223 : i32
    "tpu.region"() ({
      %run_scoped3A = tpu.sem_alloc : memref<!tpu.dma_semaphore, #tpu.memory_space<semaphore_mem>>
      %dma_start3A = arith.constant 0 : i32
      %dma_start3A_261 = tpu.memref_slice %arg9[%dma_start3A] : memref<1024xf32, #tpu.memory_space<vmem>> -> memref<64xf32, #tpu.memory_space<vmem>>
      %dma_start3A_262 = tpu.memref_slice %arg10[%add3A_219] : memref<200704xf32, #tpu.memory_space<vmem_shared>> -> memref<64xf32, #tpu.memory_space<vmem_shared>>
      %dma_start3A_263 = arith.constant 0 : i32
      %dma_start3A_264 = tpu.memref_slice %arg9[%dma_start3A_263] : memref<1024xf32, #tpu.memory_space<vmem>> -> memref<64xf32, #tpu.memory_space<vmem>>
      %dma_start3A_265 = tpu.memref_slice %arg10[%add3A_219] : memref<200704xf32, #tpu.memory_space<vmem_shared>> -> memref<64xf32, #tpu.memory_space<vmem_shared>>
      tpu.enqueue_dma source(%dma_start3A_265 : memref<64xf32, #tpu.memory_space<vmem_shared>>) target(%dma_start3A_264 : memref<64xf32, #tpu.memory_space<vmem>>) target_semaphore(%run_scoped3A : memref<!tpu.dma_semaphore, #tpu.memory_space<semaphore_mem>>)
      %dma_wait3A = arith.constant 0 : i32
      %dma_wait3A_266 = tpu.memref_slice %arg9[%dma_wait3A] : memref<1024xf32, #tpu.memory_space<vmem>> -> memref<64xf32, #tpu.memory_space<vmem>>
      %dma_wait3A_267 = tpu.memref_slice %arg10[%add3A_219] : memref<200704xf32, #tpu.memory_space<vmem_shared>> -> memref<64xf32, #tpu.memory_space<vmem_shared>>
      %dma_wait3A_268 = arith.constant 0 : i32
      %dma_wait3A_269 = tpu.memref_slice %arg9[%dma_wait3A_268] : memref<1024xf32, #tpu.memory_space<vmem>> -> memref<64xf32, #tpu.memory_space<vmem>>
      %dma_wait3A_270 = tpu.memref_slice %arg10[%add3A_219] : memref<200704xf32, #tpu.memory_space<vmem_shared>> -> memref<64xf32, #tpu.memory_space<vmem_shared>>
      tpu.wait_dma2 semaphore(%run_scoped3A : memref<!tpu.dma_semaphore, #tpu.memory_space<semaphore_mem>>) src(%dma_wait3A_270 : memref<64xf32, #tpu.memory_space<vmem_shared>>) dst(%dma_wait3A_269 : memref<64xf32, #tpu.memory_space<vmem>>)
      tpu.yield
    }) : () -> ()
    "tpu.region"() ({
      %run_scoped3A = tpu.sem_alloc : memref<!tpu.dma_semaphore, #tpu.memory_space<semaphore_mem>>
      %dma_start3A = arith.constant 0 : i32
      %dma_start3A_261 = tpu.memref_slice %arg9[%dma_start3A] : memref<1024xf32, #tpu.memory_space<vmem>> -> memref<64xf32, #tpu.memory_space<vmem>>
      %dma_start3A_262 = tpu.memref_slice %arg5[%add3A_224] : memref<401408xf32, #tpu.memory_space<hbm>> -> memref<64xf32, #tpu.memory_space<hbm>>
      %dma_start3A_263 = tpu.memref_slice %arg5[%add3A_224] : memref<401408xf32, #tpu.memory_space<hbm>> -> memref<64xf32, #tpu.memory_space<hbm>>
      %dma_start3A_264 = arith.constant 0 : i32
      %dma_start3A_265 = tpu.memref_slice %arg9[%dma_start3A_264] : memref<1024xf32, #tpu.memory_space<vmem>> -> memref<64xf32, #tpu.memory_space<vmem>>
      tpu.enqueue_dma source(%dma_start3A_265 : memref<64xf32, #tpu.memory_space<vmem>>) target(%dma_start3A_263 : memref<64xf32, #tpu.memory_space<hbm>>) target_semaphore(%run_scoped3A : memref<!tpu.dma_semaphore, #tpu.memory_space<semaphore_mem>>)
      %dma_wait3A = arith.constant 0 : i32
      %dma_wait3A_266 = tpu.memref_slice %arg9[%dma_wait3A] : memref<1024xf32, #tpu.memory_space<vmem>> -> memref<64xf32, #tpu.memory_space<vmem>>
      %dma_wait3A_267 = tpu.memref_slice %arg5[%add3A_224] : memref<401408xf32, #tpu.memory_space<hbm>> -> memref<64xf32, #tpu.memory_space<hbm>>
      %dma_wait3A_268 = tpu.memref_slice %arg5[%add3A_224] : memref<401408xf32, #tpu.memory_space<hbm>> -> memref<64xf32, #tpu.memory_space<hbm>>
      %dma_wait3A_269 = arith.constant 0 : i32
      %dma_wait3A_270 = tpu.memref_slice %arg9[%dma_wait3A_269] : memref<1024xf32, #tpu.memory_space<vmem>> -> memref<64xf32, #tpu.memory_space<vmem>>
      tpu.wait_dma2 semaphore(%run_scoped3A : memref<!tpu.dma_semaphore, #tpu.memory_space<semaphore_mem>>) src(%dma_wait3A_270 : memref<64xf32, #tpu.memory_space<vmem>>) dst(%dma_wait3A_268 : memref<64xf32, #tpu.memory_space<hbm>>)
      tpu.yield
    }) : () -> ()
    %add3A_225 = arith.constant 150528 : i32
    %add3A_226 = arith.addi %add3A_225, %mul3A_32 : i32
    %add3A_227 = arith.constant 0 : i32
    %add3A_228 = arith.addi %add3A_226, %add3A_227 : i32
    %add3A_229 = arith.constant 150528 : i32
    %add3A_230 = arith.addi %mul3A_116, %add3A_229 : i32
    %add3A_231 = arith.addi %add3A_230, %mul3A_32 : i32
    %add3A_232 = arith.constant 0 : i32
    %add3A_233 = arith.addi %add3A_231, %add3A_232 : i32
    "tpu.region"() ({
      %run_scoped3A = tpu.sem_alloc : memref<!tpu.dma_semaphore, #tpu.memory_space<semaphore_mem>>
      %dma_start3A = tpu.memref_slice %arg10[%add3A_228] : memref<200704xf32, #tpu.memory_space<vmem_shared>> -> memref<1024xf32, #tpu.memory_space<vmem_shared>>
      %dma_start3A_261 = tpu.memref_slice %arg10[%add3A_228] : memref<200704xf32, #tpu.memory_space<vmem_shared>> -> memref<1024xf32, #tpu.memory_space<vmem_shared>>
      tpu.enqueue_dma source(%dma_start3A_261 : memref<1024xf32, #tpu.memory_space<vmem_shared>>) target(%arg9 : memref<1024xf32, #tpu.memory_space<vmem>>) target_semaphore(%run_scoped3A : memref<!tpu.dma_semaphore, #tpu.memory_space<semaphore_mem>>)
      %dma_wait3A = tpu.memref_slice %arg10[%add3A_228] : memref<200704xf32, #tpu.memory_space<vmem_shared>> -> memref<1024xf32, #tpu.memory_space<vmem_shared>>
      %dma_wait3A_262 = tpu.memref_slice %arg10[%add3A_228] : memref<200704xf32, #tpu.memory_space<vmem_shared>> -> memref<1024xf32, #tpu.memory_space<vmem_shared>>
      tpu.wait_dma2 semaphore(%run_scoped3A : memref<!tpu.dma_semaphore, #tpu.memory_space<semaphore_mem>>) src(%dma_wait3A_262 : memref<1024xf32, #tpu.memory_space<vmem_shared>>) dst(%arg9 : memref<1024xf32, #tpu.memory_space<vmem>>)
      tpu.yield
    }) : () -> ()
    "tpu.region"() ({
      %run_scoped3A = tpu.sem_alloc : memref<!tpu.dma_semaphore, #tpu.memory_space<semaphore_mem>>
      %dma_start3A = tpu.memref_slice %arg5[%add3A_233] : memref<401408xf32, #tpu.memory_space<hbm>> -> memref<1024xf32, #tpu.memory_space<hbm>>
      %dma_start3A_261 = tpu.memref_slice %arg5[%add3A_233] : memref<401408xf32, #tpu.memory_space<hbm>> -> memref<1024xf32, #tpu.memory_space<hbm>>
      tpu.enqueue_dma source(%arg9 : memref<1024xf32, #tpu.memory_space<vmem>>) target(%dma_start3A_261 : memref<1024xf32, #tpu.memory_space<hbm>>) target_semaphore(%run_scoped3A : memref<!tpu.dma_semaphore, #tpu.memory_space<semaphore_mem>>)
      %dma_wait3A = tpu.memref_slice %arg5[%add3A_233] : memref<401408xf32, #tpu.memory_space<hbm>> -> memref<1024xf32, #tpu.memory_space<hbm>>
      %dma_wait3A_262 = tpu.memref_slice %arg5[%add3A_233] : memref<401408xf32, #tpu.memory_space<hbm>> -> memref<1024xf32, #tpu.memory_space<hbm>>
      tpu.wait_dma2 semaphore(%run_scoped3A : memref<!tpu.dma_semaphore, #tpu.memory_space<semaphore_mem>>) src(%arg9 : memref<1024xf32, #tpu.memory_space<vmem>>) dst(%dma_wait3A_262 : memref<1024xf32, #tpu.memory_space<hbm>>)
      tpu.yield
    }) : () -> ()
    %add3A_234 = arith.constant 150528 : i32
    %add3A_235 = arith.addi %add3A_234, %mul3A_32 : i32
    %add3A_236 = arith.constant 1024 : i32
    %add3A_237 = arith.addi %add3A_235, %add3A_236 : i32
    %add3A_238 = arith.constant 150528 : i32
    %add3A_239 = arith.addi %mul3A_116, %add3A_238 : i32
    %add3A_240 = arith.addi %add3A_239, %mul3A_32 : i32
    %add3A_241 = arith.constant 1024 : i32
    %add3A_242 = arith.addi %add3A_240, %add3A_241 : i32
    "tpu.region"() ({
      %run_scoped3A = tpu.sem_alloc : memref<!tpu.dma_semaphore, #tpu.memory_space<semaphore_mem>>
      %dma_start3A = tpu.memref_slice %arg10[%add3A_237] : memref<200704xf32, #tpu.memory_space<vmem_shared>> -> memref<1024xf32, #tpu.memory_space<vmem_shared>>
      %dma_start3A_261 = tpu.memref_slice %arg10[%add3A_237] : memref<200704xf32, #tpu.memory_space<vmem_shared>> -> memref<1024xf32, #tpu.memory_space<vmem_shared>>
      tpu.enqueue_dma source(%dma_start3A_261 : memref<1024xf32, #tpu.memory_space<vmem_shared>>) target(%arg9 : memref<1024xf32, #tpu.memory_space<vmem>>) target_semaphore(%run_scoped3A : memref<!tpu.dma_semaphore, #tpu.memory_space<semaphore_mem>>)
      %dma_wait3A = tpu.memref_slice %arg10[%add3A_237] : memref<200704xf32, #tpu.memory_space<vmem_shared>> -> memref<1024xf32, #tpu.memory_space<vmem_shared>>
      %dma_wait3A_262 = tpu.memref_slice %arg10[%add3A_237] : memref<200704xf32, #tpu.memory_space<vmem_shared>> -> memref<1024xf32, #tpu.memory_space<vmem_shared>>
      tpu.wait_dma2 semaphore(%run_scoped3A : memref<!tpu.dma_semaphore, #tpu.memory_space<semaphore_mem>>) src(%dma_wait3A_262 : memref<1024xf32, #tpu.memory_space<vmem_shared>>) dst(%arg9 : memref<1024xf32, #tpu.memory_space<vmem>>)
      tpu.yield
    }) : () -> ()
    "tpu.region"() ({
      %run_scoped3A = tpu.sem_alloc : memref<!tpu.dma_semaphore, #tpu.memory_space<semaphore_mem>>
      %dma_start3A = tpu.memref_slice %arg5[%add3A_242] : memref<401408xf32, #tpu.memory_space<hbm>> -> memref<1024xf32, #tpu.memory_space<hbm>>
      %dma_start3A_261 = tpu.memref_slice %arg5[%add3A_242] : memref<401408xf32, #tpu.memory_space<hbm>> -> memref<1024xf32, #tpu.memory_space<hbm>>
      tpu.enqueue_dma source(%arg9 : memref<1024xf32, #tpu.memory_space<vmem>>) target(%dma_start3A_261 : memref<1024xf32, #tpu.memory_space<hbm>>) target_semaphore(%run_scoped3A : memref<!tpu.dma_semaphore, #tpu.memory_space<semaphore_mem>>)
      %dma_wait3A = tpu.memref_slice %arg5[%add3A_242] : memref<401408xf32, #tpu.memory_space<hbm>> -> memref<1024xf32, #tpu.memory_space<hbm>>
      %dma_wait3A_262 = tpu.memref_slice %arg5[%add3A_242] : memref<401408xf32, #tpu.memory_space<hbm>> -> memref<1024xf32, #tpu.memory_space<hbm>>
      tpu.wait_dma2 semaphore(%run_scoped3A : memref<!tpu.dma_semaphore, #tpu.memory_space<semaphore_mem>>) src(%arg9 : memref<1024xf32, #tpu.memory_space<vmem>>) dst(%dma_wait3A_262 : memref<1024xf32, #tpu.memory_space<hbm>>)
      tpu.yield
    }) : () -> ()
    %add3A_243 = arith.constant 150528 : i32
    %add3A_244 = arith.addi %add3A_243, %mul3A_32 : i32
    %add3A_245 = arith.constant 2048 : i32
    %add3A_246 = arith.addi %add3A_244, %add3A_245 : i32
    %add3A_247 = arith.constant 150528 : i32
    %add3A_248 = arith.addi %mul3A_116, %add3A_247 : i32
    %add3A_249 = arith.addi %add3A_248, %mul3A_32 : i32
    %add3A_250 = arith.constant 2048 : i32
    %add3A_251 = arith.addi %add3A_249, %add3A_250 : i32
    "tpu.region"() ({
      %run_scoped3A = tpu.sem_alloc : memref<!tpu.dma_semaphore, #tpu.memory_space<semaphore_mem>>
      %dma_start3A = tpu.memref_slice %arg10[%add3A_246] : memref<200704xf32, #tpu.memory_space<vmem_shared>> -> memref<1024xf32, #tpu.memory_space<vmem_shared>>
      %dma_start3A_261 = tpu.memref_slice %arg10[%add3A_246] : memref<200704xf32, #tpu.memory_space<vmem_shared>> -> memref<1024xf32, #tpu.memory_space<vmem_shared>>
      tpu.enqueue_dma source(%dma_start3A_261 : memref<1024xf32, #tpu.memory_space<vmem_shared>>) target(%arg9 : memref<1024xf32, #tpu.memory_space<vmem>>) target_semaphore(%run_scoped3A : memref<!tpu.dma_semaphore, #tpu.memory_space<semaphore_mem>>)
      %dma_wait3A = tpu.memref_slice %arg10[%add3A_246] : memref<200704xf32, #tpu.memory_space<vmem_shared>> -> memref<1024xf32, #tpu.memory_space<vmem_shared>>
      %dma_wait3A_262 = tpu.memref_slice %arg10[%add3A_246] : memref<200704xf32, #tpu.memory_space<vmem_shared>> -> memref<1024xf32, #tpu.memory_space<vmem_shared>>
      tpu.wait_dma2 semaphore(%run_scoped3A : memref<!tpu.dma_semaphore, #tpu.memory_space<semaphore_mem>>) src(%dma_wait3A_262 : memref<1024xf32, #tpu.memory_space<vmem_shared>>) dst(%arg9 : memref<1024xf32, #tpu.memory_space<vmem>>)
      tpu.yield
    }) : () -> ()
    "tpu.region"() ({
      %run_scoped3A = tpu.sem_alloc : memref<!tpu.dma_semaphore, #tpu.memory_space<semaphore_mem>>
      %dma_start3A = tpu.memref_slice %arg5[%add3A_251] : memref<401408xf32, #tpu.memory_space<hbm>> -> memref<1024xf32, #tpu.memory_space<hbm>>
      %dma_start3A_261 = tpu.memref_slice %arg5[%add3A_251] : memref<401408xf32, #tpu.memory_space<hbm>> -> memref<1024xf32, #tpu.memory_space<hbm>>
      tpu.enqueue_dma source(%arg9 : memref<1024xf32, #tpu.memory_space<vmem>>) target(%dma_start3A_261 : memref<1024xf32, #tpu.memory_space<hbm>>) target_semaphore(%run_scoped3A : memref<!tpu.dma_semaphore, #tpu.memory_space<semaphore_mem>>)
      %dma_wait3A = tpu.memref_slice %arg5[%add3A_251] : memref<401408xf32, #tpu.memory_space<hbm>> -> memref<1024xf32, #tpu.memory_space<hbm>>
      %dma_wait3A_262 = tpu.memref_slice %arg5[%add3A_251] : memref<401408xf32, #tpu.memory_space<hbm>> -> memref<1024xf32, #tpu.memory_space<hbm>>
      tpu.wait_dma2 semaphore(%run_scoped3A : memref<!tpu.dma_semaphore, #tpu.memory_space<semaphore_mem>>) src(%arg9 : memref<1024xf32, #tpu.memory_space<vmem>>) dst(%dma_wait3A_262 : memref<1024xf32, #tpu.memory_space<hbm>>)
      tpu.yield
    }) : () -> ()
    %add3A_252 = arith.constant 150528 : i32
    %add3A_253 = arith.addi %add3A_252, %mul3A_32 : i32
    %add3A_254 = arith.constant 3072 : i32
    %add3A_255 = arith.addi %add3A_253, %add3A_254 : i32
    %add3A_256 = arith.constant 150528 : i32
    %add3A_257 = arith.addi %mul3A_116, %add3A_256 : i32
    %add3A_258 = arith.addi %add3A_257, %mul3A_32 : i32
    %add3A_259 = arith.constant 3072 : i32
    %add3A_260 = arith.addi %add3A_258, %add3A_259 : i32
    "tpu.region"() ({
      %run_scoped3A = tpu.sem_alloc : memref<!tpu.dma_semaphore, #tpu.memory_space<semaphore_mem>>
      %dma_start3A = arith.constant 0 : i32
      %dma_start3A_261 = tpu.memref_slice %arg9[%dma_start3A] : memref<1024xf32, #tpu.memory_space<vmem>> -> memref<64xf32, #tpu.memory_space<vmem>>
      %dma_start3A_262 = tpu.memref_slice %arg10[%add3A_255] : memref<200704xf32, #tpu.memory_space<vmem_shared>> -> memref<64xf32, #tpu.memory_space<vmem_shared>>
      %dma_start3A_263 = arith.constant 0 : i32
      %dma_start3A_264 = tpu.memref_slice %arg9[%dma_start3A_263] : memref<1024xf32, #tpu.memory_space<vmem>> -> memref<64xf32, #tpu.memory_space<vmem>>
      %dma_start3A_265 = tpu.memref_slice %arg10[%add3A_255] : memref<200704xf32, #tpu.memory_space<vmem_shared>> -> memref<64xf32, #tpu.memory_space<vmem_shared>>
      tpu.enqueue_dma source(%dma_start3A_265 : memref<64xf32, #tpu.memory_space<vmem_shared>>) target(%dma_start3A_264 : memref<64xf32, #tpu.memory_space<vmem>>) target_semaphore(%run_scoped3A : memref<!tpu.dma_semaphore, #tpu.memory_space<semaphore_mem>>)
      %dma_wait3A = arith.constant 0 : i32
      %dma_wait3A_266 = tpu.memref_slice %arg9[%dma_wait3A] : memref<1024xf32, #tpu.memory_space<vmem>> -> memref<64xf32, #tpu.memory_space<vmem>>
      %dma_wait3A_267 = tpu.memref_slice %arg10[%add3A_255] : memref<200704xf32, #tpu.memory_space<vmem_shared>> -> memref<64xf32, #tpu.memory_space<vmem_shared>>
      %dma_wait3A_268 = arith.constant 0 : i32
      %dma_wait3A_269 = tpu.memref_slice %arg9[%dma_wait3A_268] : memref<1024xf32, #tpu.memory_space<vmem>> -> memref<64xf32, #tpu.memory_space<vmem>>
      %dma_wait3A_270 = tpu.memref_slice %arg10[%add3A_255] : memref<200704xf32, #tpu.memory_space<vmem_shared>> -> memref<64xf32, #tpu.memory_space<vmem_shared>>
      tpu.wait_dma2 semaphore(%run_scoped3A : memref<!tpu.dma_semaphore, #tpu.memory_space<semaphore_mem>>) src(%dma_wait3A_270 : memref<64xf32, #tpu.memory_space<vmem_shared>>) dst(%dma_wait3A_269 : memref<64xf32, #tpu.memory_space<vmem>>)
      tpu.yield
    }) : () -> ()
    "tpu.region"() ({
      %run_scoped3A = tpu.sem_alloc : memref<!tpu.dma_semaphore, #tpu.memory_space<semaphore_mem>>
      %dma_start3A = arith.constant 0 : i32
      %dma_start3A_261 = tpu.memref_slice %arg9[%dma_start3A] : memref<1024xf32, #tpu.memory_space<vmem>> -> memref<64xf32, #tpu.memory_space<vmem>>
      %dma_start3A_262 = tpu.memref_slice %arg5[%add3A_260] : memref<401408xf32, #tpu.memory_space<hbm>> -> memref<64xf32, #tpu.memory_space<hbm>>
      %dma_start3A_263 = tpu.memref_slice %arg5[%add3A_260] : memref<401408xf32, #tpu.memory_space<hbm>> -> memref<64xf32, #tpu.memory_space<hbm>>
      %dma_start3A_264 = arith.constant 0 : i32
      %dma_start3A_265 = tpu.memref_slice %arg9[%dma_start3A_264] : memref<1024xf32, #tpu.memory_space<vmem>> -> memref<64xf32, #tpu.memory_space<vmem>>
      tpu.enqueue_dma source(%dma_start3A_265 : memref<64xf32, #tpu.memory_space<vmem>>) target(%dma_start3A_263 : memref<64xf32, #tpu.memory_space<hbm>>) target_semaphore(%run_scoped3A : memref<!tpu.dma_semaphore, #tpu.memory_space<semaphore_mem>>)
      %dma_wait3A = arith.constant 0 : i32
      %dma_wait3A_266 = tpu.memref_slice %arg9[%dma_wait3A] : memref<1024xf32, #tpu.memory_space<vmem>> -> memref<64xf32, #tpu.memory_space<vmem>>
      %dma_wait3A_267 = tpu.memref_slice %arg5[%add3A_260] : memref<401408xf32, #tpu.memory_space<hbm>> -> memref<64xf32, #tpu.memory_space<hbm>>
      %dma_wait3A_268 = tpu.memref_slice %arg5[%add3A_260] : memref<401408xf32, #tpu.memory_space<hbm>> -> memref<64xf32, #tpu.memory_space<hbm>>
      %dma_wait3A_269 = arith.constant 0 : i32
      %dma_wait3A_270 = tpu.memref_slice %arg9[%dma_wait3A_269] : memref<1024xf32, #tpu.memory_space<vmem>> -> memref<64xf32, #tpu.memory_space<vmem>>
      tpu.wait_dma2 semaphore(%run_scoped3A : memref<!tpu.dma_semaphore, #tpu.memory_space<semaphore_mem>>) src(%dma_wait3A_270 : memref<64xf32, #tpu.memory_space<vmem>>) dst(%dma_wait3A_268 : memref<64xf32, #tpu.memory_space<hbm>>)
      tpu.yield
    }) : () -> ()
    return
  }
}

module attributes {stable_mosaic.version = 14 : i64} {
  func.func @_graph_body(%arg0: i32, %arg1: memref<1x1000x4xf32, #tpu.memory_space<vmem>>, %arg2: memref<1x4x1000xf32, #tpu.memory_space<vmem>>, %arg3: memref<1x8x1000xf32, #tpu.memory_space<vmem>>, %arg4: memref<1000x1000xbf16, #tpu.memory_space<vmem>>, %arg5: memref<512x512xbf16, #tpu.memory_space<vmem>>, %arg6: memref<512x1000xf32, #tpu.memory_space<vmem>>, %arg7: memref<512x512xf32, #tpu.memory_space<vmem>>, %arg8: memref<512x512xf32, #tpu.memory_space<vmem>>, %arg9: memref<1x4xf32, #tpu.memory_space<smem>>, %arg10: memref<1x4xf32, #tpu.memory_space<smem>>, %arg11: memref<1x1xf32, #tpu.memory_space<smem>>, %arg12: memref<4x96xf32, #tpu.memory_space<vmem>>, %arg13: memref<4x96xf32, #tpu.memory_space<vmem>>, %arg14: memref<96x192xf32, #tpu.memory_space<vmem>>, %arg15: memref<1x96xf32, #tpu.memory_space<vmem>>, %arg16: memref<1x192xf32, #tpu.memory_space<vmem>>, %arg17: memref<192x252xf32, #tpu.memory_space<vmem>>, %arg18: memref<192x252xf32, #tpu.memory_space<vmem>>, %arg19: memref<252x192xf32, #tpu.memory_space<vmem>>, %arg20: memref<1x252xf32, #tpu.memory_space<vmem>>, %arg21: memref<1x192xf32, #tpu.memory_space<vmem>>, %arg22: memref<192x252xf32, #tpu.memory_space<vmem>>, %arg23: memref<192x252xf32, #tpu.memory_space<vmem>>, %arg24: memref<252x192xf32, #tpu.memory_space<vmem>>, %arg25: memref<1x252xf32, #tpu.memory_space<vmem>>, %arg26: memref<1x192xf32, #tpu.memory_space<vmem>>, %arg27: memref<192x252xf32, #tpu.memory_space<vmem>>, %arg28: memref<192x252xf32, #tpu.memory_space<vmem>>, %arg29: memref<252x192xf32, #tpu.memory_space<vmem>>, %arg30: memref<1x252xf32, #tpu.memory_space<vmem>>, %arg31: memref<1x192xf32, #tpu.memory_space<vmem>>, %arg32: memref<4x252xf32, #tpu.memory_space<vmem>>, %arg33: memref<192x252xf32, #tpu.memory_space<vmem>>, %arg34: memref<192x252xf32, #tpu.memory_space<vmem>>, %arg35: memref<192x252xf32, #tpu.memory_space<vmem>>, %arg36: memref<192x252xf32, #tpu.memory_space<vmem>>, %arg37: memref<1x252xf32, #tpu.memory_space<vmem>>, %arg38: memref<252x192xf32, #tpu.memory_space<vmem>>, %arg39: memref<1x192xf32, #tpu.memory_space<vmem>>, %arg40: memref<192x96xf32, #tpu.memory_space<vmem>>, %arg41: memref<192x96xf32, #tpu.memory_space<vmem>>, %arg42: memref<192x96xf32, #tpu.memory_space<vmem>>, %arg43: memref<192x96xf32, #tpu.memory_space<vmem>>, %arg44: memref<1x96xf32, #tpu.memory_space<vmem>>, %arg45: memref<1x96xf32, #tpu.memory_space<vmem>>, %arg46: memref<1x1xf32, #tpu.memory_space<vmem>>, %arg47: memref<1x1x128xf32, #tpu.memory_space<vmem>>) attributes {dimension_semantics = [#tpu.dimension_semantics<arbitrary>], iteration_bounds = array<i64: 50>, scalar_prefetch = 0 : i64, scratch_operands = 0 : i64, tpu.core_type = #tpu.core_type<tc>, window_params = [{transform_indices = @transform_0, window_bounds = array<i64: 1, 1000, 4>}, {transform_indices = @transform_1, window_bounds = array<i64: 1, 4, 1000>}, {transform_indices = @transform_2, window_bounds = array<i64: 1, 8, 1000>}, {pipeline_mode = #tpu.pipeline_mode<synchronous>, transform_indices = @transform_3, window_bounds = array<i64: 1000, 1000>}, {pipeline_mode = #tpu.pipeline_mode<synchronous>, transform_indices = @transform_4, window_bounds = array<i64: 512, 512>}, {pipeline_mode = #tpu.pipeline_mode<synchronous>, transform_indices = @transform_5, window_bounds = array<i64: 512, 1000>}, {pipeline_mode = #tpu.pipeline_mode<synchronous>, transform_indices = @transform_6, window_bounds = array<i64: 512, 512>}, {pipeline_mode = #tpu.pipeline_mode<synchronous>, transform_indices = @transform_7, window_bounds = array<i64: 512, 512>}, {transform_indices = @transform_8, window_bounds = array<i64: 1, 4>}, {transform_indices = @transform_9, window_bounds = array<i64: 1, 4>}, {transform_indices = @transform_10, window_bounds = array<i64: 1, 1>}, {pipeline_mode = #tpu.pipeline_mode<synchronous>, transform_indices = @transform_11, window_bounds = array<i64: 4, 96>}, {pipeline_mode = #tpu.pipeline_mode<synchronous>, transform_indices = @transform_12, window_bounds = array<i64: 4, 96>}, {pipeline_mode = #tpu.pipeline_mode<synchronous>, transform_indices = @transform_13, window_bounds = array<i64: 96, 192>}, {pipeline_mode = #tpu.pipeline_mode<synchronous>, transform_indices = @transform_14, window_bounds = array<i64: 1, 96>}, {pipeline_mode = #tpu.pipeline_mode<synchronous>, transform_indices = @transform_15, window_bounds = array<i64: 1, 192>}, {pipeline_mode = #tpu.pipeline_mode<synchronous>, transform_indices = @transform_16, window_bounds = array<i64: 192, 252>}, {pipeline_mode = #tpu.pipeline_mode<synchronous>, transform_indices = @transform_17, window_bounds = array<i64: 192, 252>}, {pipeline_mode = #tpu.pipeline_mode<synchronous>, transform_indices = @transform_18, window_bounds = array<i64: 252, 192>}, {pipeline_mode = #tpu.pipeline_mode<synchronous>, transform_indices = @transform_19, window_bounds = array<i64: 1, 252>}, {pipeline_mode = #tpu.pipeline_mode<synchronous>, transform_indices = @transform_20, window_bounds = array<i64: 1, 192>}, {pipeline_mode = #tpu.pipeline_mode<synchronous>, transform_indices = @transform_21, window_bounds = array<i64: 192, 252>}, {pipeline_mode = #tpu.pipeline_mode<synchronous>, transform_indices = @transform_22, window_bounds = array<i64: 192, 252>}, {pipeline_mode = #tpu.pipeline_mode<synchronous>, transform_indices = @transform_23, window_bounds = array<i64: 252, 192>}, {pipeline_mode = #tpu.pipeline_mode<synchronous>, transform_indices = @transform_24, window_bounds = array<i64: 1, 252>}, {pipeline_mode = #tpu.pipeline_mode<synchronous>, transform_indices = @transform_25, window_bounds = array<i64: 1, 192>}, {pipeline_mode = #tpu.pipeline_mode<synchronous>, transform_indices = @transform_26, window_bounds = array<i64: 192, 252>}, {pipeline_mode = #tpu.pipeline_mode<synchronous>, transform_indices = @transform_27, window_bounds = array<i64: 192, 252>}, {pipeline_mode = #tpu.pipeline_mode<synchronous>, transform_indices = @transform_28, window_bounds = array<i64: 252, 192>}, {pipeline_mode = #tpu.pipeline_mode<synchronous>, transform_indices = @transform_29, window_bounds = array<i64: 1, 252>}, {pipeline_mode = #tpu.pipeline_mode<synchronous>, transform_indices = @transform_30, window_bounds = array<i64: 1, 192>}, {pipeline_mode = #tpu.pipeline_mode<synchronous>, transform_indices = @transform_31, window_bounds = array<i64: 4, 252>}, {pipeline_mode = #tpu.pipeline_mode<synchronous>, transform_indices = @transform_32, window_bounds = array<i64: 192, 252>}, {pipeline_mode = #tpu.pipeline_mode<synchronous>, transform_indices = @transform_33, window_bounds = array<i64: 192, 252>}, {pipeline_mode = #tpu.pipeline_mode<synchronous>, transform_indices = @transform_34, window_bounds = array<i64: 192, 252>}, {pipeline_mode = #tpu.pipeline_mode<synchronous>, transform_indices = @transform_35, window_bounds = array<i64: 192, 252>}, {pipeline_mode = #tpu.pipeline_mode<synchronous>, transform_indices = @transform_36, window_bounds = array<i64: 1, 252>}, {pipeline_mode = #tpu.pipeline_mode<synchronous>, transform_indices = @transform_37, window_bounds = array<i64: 252, 192>}, {pipeline_mode = #tpu.pipeline_mode<synchronous>, transform_indices = @transform_38, window_bounds = array<i64: 1, 192>}, {pipeline_mode = #tpu.pipeline_mode<synchronous>, transform_indices = @transform_39, window_bounds = array<i64: 192, 96>}, {pipeline_mode = #tpu.pipeline_mode<synchronous>, transform_indices = @transform_40, window_bounds = array<i64: 192, 96>}, {pipeline_mode = #tpu.pipeline_mode<synchronous>, transform_indices = @transform_41, window_bounds = array<i64: 192, 96>}, {pipeline_mode = #tpu.pipeline_mode<synchronous>, transform_indices = @transform_42, window_bounds = array<i64: 192, 96>}, {pipeline_mode = #tpu.pipeline_mode<synchronous>, transform_indices = @transform_43, window_bounds = array<i64: 1, 96>}, {pipeline_mode = #tpu.pipeline_mode<synchronous>, transform_indices = @transform_44, window_bounds = array<i64: 1, 96>}, {pipeline_mode = #tpu.pipeline_mode<synchronous>, transform_indices = @transform_45, window_bounds = array<i64: 1, 1>}, {transform_indices = @transform_46, window_bounds = array<i64: 1, 1, 128>}]} {
    %get3A = arith.constant 0 : index
    %get3A_0 = arith.constant 0 : index
    %get3A_1 = arith.constant 0 : index
    %get3A_2 = vector.load %arg1[%get3A, %get3A_0, %get3A_1] : memref<1x1000x4xf32, #tpu.memory_space<vmem>>, vector<1x1000x4xf32>
    %get3A_3 = vector.shape_cast %get3A_2 : vector<1x1000x4xf32> to vector<1000x4xf32>
    %get3A_4 = arith.constant 0 : index
    %get3A_5 = arith.constant 0 : index
    %get3A_6 = arith.constant 0 : index
    %get3A_7 = vector.load %arg2[%get3A_4, %get3A_5, %get3A_6] : memref<1x4x1000xf32, #tpu.memory_space<vmem>>, vector<1x4x1000xf32>
    %get3A_8 = vector.shape_cast %get3A_7 : vector<1x4x1000xf32> to vector<4x1000xf32>
    %broadcast_in_dim3A = arith.constant 0.000000e+00 : f32
    %broadcast_in_dim3A_9 = vector.broadcast %broadcast_in_dim3A : f32 to vector<1x1000xf32>
    %get3A_10 = arith.constant 0 : index
    %get3A_11 = arith.constant 0 : index
    %get3A_12 = arith.constant 0 : index
    %get3A_13 = vector.load %arg3[%get3A_10, %get3A_11, %get3A_12] : memref<1x8x1000xf32, #tpu.memory_space<vmem>>, vector<1x1x1000xf32>
    %get3A_14 = vector.shape_cast %get3A_13 : vector<1x1x1000xf32> to vector<1x1000xf32>
    %get3A_15 = arith.constant 0 : index
    %get3A_16 = arith.constant 4 : index
    %get3A_17 = arith.constant 0 : index
    %get3A_18 = vector.load %arg3[%get3A_15, %get3A_16, %get3A_17] : memref<1x8x1000xf32, #tpu.memory_space<vmem>>, vector<1x1x1000xf32>
    %get3A_19 = vector.shape_cast %get3A_18 : vector<1x1x1000xf32> to vector<1x1000xf32>
    %add3A = arith.addf %get3A_14, %get3A_19 : vector<1x1000xf32>
    %get3A_20 = arith.constant 0 : index
    %get3A_21 = arith.constant 0 : index
    %get3A_22 = memref.load %arg9[%get3A_20, %get3A_21] : memref<1x4xf32, #tpu.memory_space<smem>>
    %mul3A = vector.broadcast %get3A_22 : f32 to vector<1x1000xf32>
    %mul3A_23 = arith.mulf %add3A, %mul3A : vector<1x1000xf32>
    %add3A_24 = arith.addf %broadcast_in_dim3A_9, %mul3A_23 : vector<1x1000xf32>
    %get3A_25 = arith.constant 0 : index
    %get3A_26 = arith.constant 1 : index
    %get3A_27 = arith.constant 0 : index
    %get3A_28 = vector.load %arg3[%get3A_25, %get3A_26, %get3A_27] : memref<1x8x1000xf32, #tpu.memory_space<vmem>>, vector<1x1x1000xf32>
    %get3A_29 = vector.shape_cast %get3A_28 : vector<1x1x1000xf32> to vector<1x1000xf32>
    %get3A_30 = arith.constant 0 : index
    %get3A_31 = arith.constant 5 : index
    %get3A_32 = arith.constant 0 : index
    %get3A_33 = vector.load %arg3[%get3A_30, %get3A_31, %get3A_32] : memref<1x8x1000xf32, #tpu.memory_space<vmem>>, vector<1x1x1000xf32>
    %get3A_34 = vector.shape_cast %get3A_33 : vector<1x1x1000xf32> to vector<1x1000xf32>
    %add3A_35 = arith.addf %get3A_29, %get3A_34 : vector<1x1000xf32>
    %get3A_36 = arith.constant 0 : index
    %get3A_37 = arith.constant 1 : index
    %get3A_38 = memref.load %arg9[%get3A_36, %get3A_37] : memref<1x4xf32, #tpu.memory_space<smem>>
    %mul3A_39 = vector.broadcast %get3A_38 : f32 to vector<1x1000xf32>
    %mul3A_40 = arith.mulf %add3A_35, %mul3A_39 : vector<1x1000xf32>
    %add3A_41 = arith.addf %add3A_24, %mul3A_40 : vector<1x1000xf32>
    %get3A_42 = arith.constant 0 : index
    %get3A_43 = arith.constant 2 : index
    %get3A_44 = arith.constant 0 : index
    %get3A_45 = vector.load %arg3[%get3A_42, %get3A_43, %get3A_44] : memref<1x8x1000xf32, #tpu.memory_space<vmem>>, vector<1x1x1000xf32>
    %get3A_46 = vector.shape_cast %get3A_45 : vector<1x1x1000xf32> to vector<1x1000xf32>
    %get3A_47 = arith.constant 0 : index
    %get3A_48 = arith.constant 6 : index
    %get3A_49 = arith.constant 0 : index
    %get3A_50 = vector.load %arg3[%get3A_47, %get3A_48, %get3A_49] : memref<1x8x1000xf32, #tpu.memory_space<vmem>>, vector<1x1x1000xf32>
    %get3A_51 = vector.shape_cast %get3A_50 : vector<1x1x1000xf32> to vector<1x1000xf32>
    %add3A_52 = arith.addf %get3A_46, %get3A_51 : vector<1x1000xf32>
    %get3A_53 = arith.constant 0 : index
    %get3A_54 = arith.constant 2 : index
    %get3A_55 = memref.load %arg9[%get3A_53, %get3A_54] : memref<1x4xf32, #tpu.memory_space<smem>>
    %mul3A_56 = vector.broadcast %get3A_55 : f32 to vector<1x1000xf32>
    %mul3A_57 = arith.mulf %add3A_52, %mul3A_56 : vector<1x1000xf32>
    %add3A_58 = arith.addf %add3A_41, %mul3A_57 : vector<1x1000xf32>
    %get3A_59 = arith.constant 0 : index
    %get3A_60 = arith.constant 3 : index
    %get3A_61 = arith.constant 0 : index
    %get3A_62 = vector.load %arg3[%get3A_59, %get3A_60, %get3A_61] : memref<1x8x1000xf32, #tpu.memory_space<vmem>>, vector<1x1x1000xf32>
    %get3A_63 = vector.shape_cast %get3A_62 : vector<1x1x1000xf32> to vector<1x1000xf32>
    %get3A_64 = arith.constant 0 : index
    %get3A_65 = arith.constant 7 : index
    %get3A_66 = arith.constant 0 : index
    %get3A_67 = vector.load %arg3[%get3A_64, %get3A_65, %get3A_66] : memref<1x8x1000xf32, #tpu.memory_space<vmem>>, vector<1x1x1000xf32>
    %get3A_68 = vector.shape_cast %get3A_67 : vector<1x1x1000xf32> to vector<1x1000xf32>
    %add3A_69 = arith.addf %get3A_63, %get3A_68 : vector<1x1000xf32>
    %get3A_70 = arith.constant 0 : index
    %get3A_71 = arith.constant 3 : index
    %get3A_72 = memref.load %arg9[%get3A_70, %get3A_71] : memref<1x4xf32, #tpu.memory_space<smem>>
    %mul3A_73 = vector.broadcast %get3A_72 : f32 to vector<1x1000xf32>
    %mul3A_74 = arith.mulf %add3A_69, %mul3A_73 : vector<1x1000xf32>
    %add3A_75 = arith.addf %add3A_58, %mul3A_74 : vector<1x1000xf32>
    %broadcast_in_dim3A_76 = arith.constant 0.000000e+00 : f32
    %broadcast_in_dim3A_77 = vector.broadcast %broadcast_in_dim3A_76 : f32 to vector<1x1000xf32>
    %slice3A = vector.extract_strided_slice %get3A_8 {offsets = [0, 0], sizes = [1, 1000], strides = [1, 1]} : vector<4x1000xf32> to vector<1x1000xf32>
    %get3A_78 = arith.constant 0 : index
    %get3A_79 = arith.constant 0 : index
    %get3A_80 = memref.load %arg10[%get3A_78, %get3A_79] : memref<1x4xf32, #tpu.memory_space<smem>>
    %mul3A_81 = vector.broadcast %get3A_80 : f32 to vector<1x1000xf32>
    %mul3A_82 = arith.mulf %slice3A, %mul3A_81 : vector<1x1000xf32>
    %add3A_83 = arith.addf %broadcast_in_dim3A_77, %mul3A_82 : vector<1x1000xf32>
    %slice3A_84 = vector.extract_strided_slice %get3A_8 {offsets = [1, 0], sizes = [1, 1000], strides = [1, 1]} : vector<4x1000xf32> to vector<1x1000xf32>
    %get3A_85 = arith.constant 0 : index
    %get3A_86 = arith.constant 1 : index
    %get3A_87 = memref.load %arg10[%get3A_85, %get3A_86] : memref<1x4xf32, #tpu.memory_space<smem>>
    %mul3A_88 = vector.broadcast %get3A_87 : f32 to vector<1x1000xf32>
    %mul3A_89 = arith.mulf %slice3A_84, %mul3A_88 : vector<1x1000xf32>
    %add3A_90 = arith.addf %add3A_83, %mul3A_89 : vector<1x1000xf32>
    %slice3A_91 = vector.extract_strided_slice %get3A_8 {offsets = [2, 0], sizes = [1, 1000], strides = [1, 1]} : vector<4x1000xf32> to vector<1x1000xf32>
    %get3A_92 = arith.constant 0 : index
    %get3A_93 = arith.constant 2 : index
    %get3A_94 = memref.load %arg10[%get3A_92, %get3A_93] : memref<1x4xf32, #tpu.memory_space<smem>>
    %mul3A_95 = vector.broadcast %get3A_94 : f32 to vector<1x1000xf32>
    %mul3A_96 = arith.mulf %slice3A_91, %mul3A_95 : vector<1x1000xf32>
    %add3A_97 = arith.addf %add3A_90, %mul3A_96 : vector<1x1000xf32>
    %slice3A_98 = vector.extract_strided_slice %get3A_8 {offsets = [3, 0], sizes = [1, 1000], strides = [1, 1]} : vector<4x1000xf32> to vector<1x1000xf32>
    %get3A_99 = arith.constant 0 : index
    %get3A_100 = arith.constant 3 : index
    %get3A_101 = memref.load %arg10[%get3A_99, %get3A_100] : memref<1x4xf32, #tpu.memory_space<smem>>
    %mul3A_102 = vector.broadcast %get3A_101 : f32 to vector<1x1000xf32>
    %mul3A_103 = arith.mulf %slice3A_98, %mul3A_102 : vector<1x1000xf32>
    %add3A_104 = arith.addf %add3A_97, %mul3A_103 : vector<1x1000xf32>
    %get3A_105 = arith.constant 0 : index
    %get3A_106 = arith.constant 0 : index
    %get3A_107 = memref.load %arg11[%get3A_105, %get3A_106] : memref<1x1xf32, #tpu.memory_space<smem>>
    %add3A_108 = vector.broadcast %get3A_107 : f32 to vector<1x1000xf32>
    %add3A_109 = arith.addf %add3A_75, %add3A_108 : vector<1x1000xf32>
    %add3A_110 = arith.addf %add3A_109, %add3A_104 : vector<1x1000xf32>
    %jit3A = arith.constant 0.00999999977 : f32
    %ge3A = arith.constant 0.000000e+00 : f32
    %ge3A_111 = vector.broadcast %ge3A : f32 to vector<1x1000xf32>
    %ge3A_112 = arith.cmpf oge, %add3A_110, %ge3A_111 : vector<1x1000xf32>
    %mul3A_113 = vector.broadcast %jit3A : f32 to vector<1x1000xf32>
    %mul3A_114 = arith.mulf %mul3A_113, %add3A_110 : vector<1x1000xf32>
    %select_n3A = arith.select %ge3A_112, %add3A_110, %mul3A_114 : vector<1x1000xi1>, vector<1x1000xf32>
    %bitcast_convert_type3A = tpu.bitcast %select_n3A : vector<1x1000xf32> -> vector<1x1000xi32>
    %ge3A_115 = arith.constant 0 : i32
    %ge3A_116 = vector.broadcast %ge3A_115 : i32 to vector<1x1000xi32>
    %ge3A_117 = arith.cmpi sge, %bitcast_convert_type3A, %ge3A_116 : vector<1x1000xi32>
    %sub3A = arith.constant -2147483648 : i32
    %sub3A_118 = vector.broadcast %sub3A : i32 to vector<1x1000xi32>
    %sub3A_119 = arith.subi %sub3A_118, %bitcast_convert_type3A : vector<1x1000xi32>
    %select_n3A_120 = arith.select %ge3A_117, %bitcast_convert_type3A, %sub3A_119 : vector<1x1000xi1>, vector<1x1000xi32>
    %reduce_min3A = vector.shape_cast %select_n3A_120 : vector<1x1000xi32> to vector<1x1x1000xi32>
    %reduce_min3A_121 = arith.constant dense<2147483647> : vector<1xi32>
    %reduce_min3A_122 = vector.multi_reduction <minsi>, %reduce_min3A, %reduce_min3A_121 [1, 2] : vector<1x1x1000xi32> to vector<1xi32>
    %reduce_min3A_123 = vector.shape_cast %reduce_min3A_122 : vector<1xi32> to vector<1x1x1xi32>
    %reduce_min3A_124 = vector.extract %reduce_min3A_123[0, 0, 0] : i32 from vector<1x1x1xi32>
    %reduce_max3A = vector.shape_cast %select_n3A_120 : vector<1x1000xi32> to vector<1x1x1000xi32>
    %reduce_max3A_125 = arith.constant dense<-2147483648> : vector<1xi32>
    %reduce_max3A_126 = vector.multi_reduction <maxsi>, %reduce_max3A, %reduce_max3A_125 [1, 2] : vector<1x1x1000xi32> to vector<1xi32>
    %reduce_max3A_127 = vector.shape_cast %reduce_max3A_126 : vector<1xi32> to vector<1x1x1xi32>
    %reduce_max3A_128 = vector.extract %reduce_max3A_127[0, 0, 0] : i32 from vector<1x1x1xi32>
    %add3A_129 = arith.constant 1 : i32
    %add3A_130 = arith.addi %reduce_max3A_128, %add3A_129 : i32
    %scan3A = arith.constant 0 : i32
    %scan3A_131 = arith.constant 34 : i32
    %scan3A_132 = arith.addi %scan3A, %scan3A_131 : i32
    %scan3A_133 = arith.constant 1 : i32
    %scan3A_134:2 = scf.for %scan3A_1585 = %scan3A to %scan3A_132 step %scan3A_133 iter_args(%scan3A_1586 = %reduce_min3A_124, %scan3A_1587 = %add3A_130) -> (i32, i32)  : i32 {
      %shift_right_arithmetic3A = arith.constant 1 : i32
      %shift_right_arithmetic3A_1588 = arith.shrsi %scan3A_1586, %shift_right_arithmetic3A : i32
      %shift_right_arithmetic3A_1589 = arith.constant 1 : i32
      %shift_right_arithmetic3A_1590 = arith.shrsi %scan3A_1587, %shift_right_arithmetic3A_1589 : i32
      %add3A_1591 = arith.addi %shift_right_arithmetic3A_1588, %shift_right_arithmetic3A_1590 : i32
      %and3A_1592 = arith.andi %scan3A_1586, %scan3A_1587 : i32
      %and3A_1593 = arith.constant 1 : i32
      %and3A_1594 = arith.andi %and3A_1592, %and3A_1593 : i32
      %add3A_1595 = arith.addi %add3A_1591, %and3A_1594 : i32
      %ge3A_1596 = vector.broadcast %add3A_1595 : i32 to vector<1x1000xi32>
      %ge3A_1597 = arith.cmpi sge, %select_n3A_120, %ge3A_1596 : vector<1x1000xi32>
      %jit3A_1598 = arith.constant 1 : i32
      %jit3A_1599 = arith.constant 0 : i32
      %broadcast_in_dim3A_1600 = vector.broadcast %jit3A_1598 : i32 to vector<1x1000xi32>
      %broadcast_in_dim3A_1601 = vector.broadcast %jit3A_1599 : i32 to vector<1x1000xi32>
      %select_n3A_1602 = arith.select %ge3A_1597, %broadcast_in_dim3A_1600, %broadcast_in_dim3A_1601 : vector<1x1000xi1>, vector<1x1000xi32>
      %reduce_sum3A_1603 = vector.shape_cast %select_n3A_1602 : vector<1x1000xi32> to vector<1x1x1000xi32>
      %reduce_sum3A_1604 = arith.constant dense<0> : vector<1xi32>
      %reduce_sum3A_1605 = vector.multi_reduction <add>, %reduce_sum3A_1603, %reduce_sum3A_1604 [1, 2] : vector<1x1x1000xi32> to vector<1xi32>
      %reduce_sum3A_1606 = vector.shape_cast %reduce_sum3A_1605 : vector<1xi32> to vector<1x1x1xi32>
      %reduce_sum3A_1607 = vector.extract %reduce_sum3A_1606[0, 0, 0] : i32 from vector<1x1x1xi32>
      %ge3A_1608 = arith.constant 500 : i32
      %ge3A_1609 = arith.cmpi sge, %reduce_sum3A_1607, %ge3A_1608 : i32
      %select_n3A_1610 = arith.select %ge3A_1609, %add3A_1595, %scan3A_1586 : i32
      %select_n3A_1611 = arith.select %ge3A_1609, %scan3A_1587, %add3A_1595 : i32
      scf.yield %select_n3A_1610, %select_n3A_1611 : i32, i32
    }
    %gt3A = vector.broadcast %scan3A_134#0 : i32 to vector<1x1000xi32>
    %gt3A_135 = arith.cmpi sgt, %select_n3A_120, %gt3A : vector<1x1000xi32>
    %eq3A = vector.broadcast %scan3A_134#0 : i32 to vector<1x1000xi32>
    %eq3A_136 = arith.cmpi eq, %select_n3A_120, %eq3A : vector<1x1000xi32>
    %jit3A_137 = arith.constant 1 : i32
    %jit3A_138 = arith.constant 0 : i32
    %broadcast_in_dim3A_139 = vector.broadcast %jit3A_137 : i32 to vector<1x1000xi32>
    %broadcast_in_dim3A_140 = vector.broadcast %jit3A_138 : i32 to vector<1x1000xi32>
    %select_n3A_141 = arith.select %gt3A_135, %broadcast_in_dim3A_139, %broadcast_in_dim3A_140 : vector<1x1000xi1>, vector<1x1000xi32>
    %reduce_sum3A = vector.shape_cast %select_n3A_141 : vector<1x1000xi32> to vector<1x1x1000xi32>
    %reduce_sum3A_142 = arith.constant dense<0> : vector<1xi32>
    %reduce_sum3A_143 = vector.multi_reduction <add>, %reduce_sum3A, %reduce_sum3A_142 [1, 2] : vector<1x1x1000xi32> to vector<1xi32>
    %reduce_sum3A_144 = vector.shape_cast %reduce_sum3A_143 : vector<1xi32> to vector<1x1x1xi32>
    %reduce_sum3A_145 = vector.extract %reduce_sum3A_144[0, 0, 0] : i32 from vector<1x1x1xi32>
    %sub3A_146 = arith.constant 500 : i32
    %sub3A_147 = arith.subi %sub3A_146, %reduce_sum3A_145 : i32
    %convert_element_type3A = arith.sitofp %sub3A_147 : i32 to f32
    %get3A_148 = arith.constant 0 : index
    %get3A_149 = arith.constant 0 : index
    %get3A_150 = vector.load %arg4[%get3A_148, %get3A_149] : memref<1000x1000xbf16, #tpu.memory_space<vmem>>, vector<1000x1000xbf16>
    %jit3A_151 = arith.constant 1.000000e+00 : f32
    %jit3A_152 = arith.constant 0.000000e+00 : f32
    %broadcast_in_dim3A_153 = vector.broadcast %jit3A_151 : f32 to vector<1x1000xf32>
    %broadcast_in_dim3A_154 = vector.broadcast %jit3A_152 : f32 to vector<1x1000xf32>
    %select_n3A_155 = arith.select %eq3A_136, %broadcast_in_dim3A_153, %broadcast_in_dim3A_154 : vector<1x1000xi1>, vector<1x1000xf32>
    %convert_element_type3A_156 = arith.truncf %select_n3A_155 : vector<1x1000xf32> to vector<1x1000xbf16>
    %dot_general3A = arith.constant dense<0.000000e+00> : vector<1x1000xf32>
    %dot_general3A_157 = tpu.matmul %convert_element_type3A_156, %get3A_150, %dot_general3A {dimension_numbers = #tpu.dot_dimension_numbers<[1], [0], [0], [1], [0, 0, 1, 1], [], []>, transpose_lhs_hint = false} : vector<1x1000xbf16>, vector<1000x1000xbf16>, vector<1x1000xf32> -> vector<1x1000xf32>
    %le3A = vector.broadcast %convert_element_type3A : f32 to vector<1x1000xf32>
    %le3A_158 = arith.cmpf ole, %dot_general3A_157, %le3A : vector<1x1000xf32>
    %and3A = arith.andi %eq3A_136, %le3A_158 : vector<1x1000xi1>
    %or3A = arith.ori %gt3A_135, %and3A : vector<1x1000xi1>
    %jit3A_159 = arith.constant 1.000000e+00 : f32
    %jit3A_160 = arith.constant 0.000000e+00 : f32
    %broadcast_in_dim3A_161 = vector.broadcast %jit3A_159 : f32 to vector<1x1000xf32>
    %broadcast_in_dim3A_162 = vector.broadcast %jit3A_160 : f32 to vector<1x1000xf32>
    %select_n3A_163 = arith.select %or3A, %broadcast_in_dim3A_161, %broadcast_in_dim3A_162 : vector<1x1000xi1>, vector<1x1000xf32>
    %convert_element_type3A_164 = arith.truncf %select_n3A_163 : vector<1x1000xf32> to vector<1x1000xbf16>
    %dot_general3A_165 = arith.constant dense<0.000000e+00> : vector<1x1000xf32>
    %dot_general3A_166 = tpu.matmul %convert_element_type3A_164, %get3A_150, %dot_general3A_165 {dimension_numbers = #tpu.dot_dimension_numbers<[1], [0], [0], [1], [0, 0, 1, 1], [], []>, transpose_lhs_hint = false} : vector<1x1000xbf16>, vector<1000x1000xbf16>, vector<1x1000xf32> -> vector<1x1000xf32>
    %sub3A_167 = arith.constant 1.000000e+00 : f32
    %sub3A_168 = vector.broadcast %sub3A_167 : f32 to vector<1x1000xf32>
    %sub3A_169 = arith.subf %dot_general3A_166, %sub3A_168 : vector<1x1000xf32>
    %get3A_170 = arith.constant 0 : index
    %get3A_171 = arith.constant 0 : index
    %get3A_172 = vector.load %arg6[%get3A_170, %get3A_171] : memref<512x1000xf32, #tpu.memory_space<vmem>>, vector<512x1000xf32>
    %eq3A_173 = vector.broadcast %sub3A_169 : vector<1x1000xf32> to vector<512x1000xf32>
    %eq3A_174 = arith.cmpf oeq, %eq3A_173, %get3A_172 : vector<512x1000xf32>
    %and3A_175 = vector.broadcast %or3A : vector<1x1000xi1> to vector<512x1000xi1>
    %and3A_176 = arith.andi %and3A_175, %eq3A_174 : vector<512x1000xi1>
    %jit3A_177 = arith.constant 1.000000e+00 : f32
    %jit3A_178 = arith.constant 0.000000e+00 : f32
    %broadcast_in_dim3A_179 = vector.broadcast %jit3A_177 : f32 to vector<512x1000xf32>
    %broadcast_in_dim3A_180 = vector.broadcast %jit3A_178 : f32 to vector<512x1000xf32>
    %select_n3A_181 = arith.select %and3A_176, %broadcast_in_dim3A_179, %broadcast_in_dim3A_180 : vector<512x1000xi1>, vector<512x1000xf32>
    %convert_element_type3A_182 = arith.truncf %select_n3A_181 : vector<512x1000xf32> to vector<512x1000xbf16>
    %convert_element_type3A_183 = arith.truncf %get3A_3 : vector<1000x4xf32> to vector<1000x4xbf16>
    %convert_element_type3A_184 = arith.extf %convert_element_type3A_183 : vector<1000x4xbf16> to vector<1000x4xf32>
    %sub3A_185 = arith.subf %get3A_3, %convert_element_type3A_184 : vector<1000x4xf32>
    %convert_element_type3A_186 = arith.truncf %sub3A_185 : vector<1000x4xf32> to vector<1000x4xbf16>
    %convert_element_type3A_187 = arith.extf %convert_element_type3A_186 : vector<1000x4xbf16> to vector<1000x4xf32>
    %sub3A_188 = arith.subf %sub3A_185, %convert_element_type3A_187 : vector<1000x4xf32>
    %convert_element_type3A_189 = arith.truncf %sub3A_188 : vector<1000x4xf32> to vector<1000x4xbf16>
    %dot_general3A_190 = arith.constant dense<0.000000e+00> : vector<512x4xf32>
    %dot_general3A_191 = tpu.matmul %convert_element_type3A_182, %convert_element_type3A_183, %dot_general3A_190 {dimension_numbers = #tpu.dot_dimension_numbers<[1], [0], [0], [1], [0, 0, 1, 1], [], []>, transpose_lhs_hint = false} : vector<512x1000xbf16>, vector<1000x4xbf16>, vector<512x4xf32> -> vector<512x4xf32>
    %dot_general3A_192 = arith.constant dense<0.000000e+00> : vector<512x4xf32>
    %dot_general3A_193 = tpu.matmul %convert_element_type3A_182, %convert_element_type3A_186, %dot_general3A_192 {dimension_numbers = #tpu.dot_dimension_numbers<[1], [0], [0], [1], [0, 0, 1, 1], [], []>, transpose_lhs_hint = false} : vector<512x1000xbf16>, vector<1000x4xbf16>, vector<512x4xf32> -> vector<512x4xf32>
    %add3A_194 = arith.addf %dot_general3A_191, %dot_general3A_193 : vector<512x4xf32>
    %dot_general3A_195 = arith.constant dense<0.000000e+00> : vector<512x4xf32>
    %dot_general3A_196 = tpu.matmul %convert_element_type3A_182, %convert_element_type3A_189, %dot_general3A_195 {dimension_numbers = #tpu.dot_dimension_numbers<[1], [0], [0], [1], [0, 0, 1, 1], [], []>, transpose_lhs_hint = false} : vector<512x1000xbf16>, vector<1000x4xbf16>, vector<512x4xf32> -> vector<512x4xf32>
    %add3A_197 = arith.addf %add3A_194, %dot_general3A_196 : vector<512x4xf32>
    %broadcast_in_dim3A_198 = arith.constant 1.000000e+00 : bf16
    %broadcast_in_dim3A_199 = vector.broadcast %broadcast_in_dim3A_198 : bf16 to vector<1x1xbf16>
    %convert_element_type3A_200 = arith.truncf %select_n3A : vector<1x1000xf32> to vector<1x1000xbf16>
    %convert_element_type3A_201 = arith.extf %convert_element_type3A_200 : vector<1x1000xbf16> to vector<1x1000xf32>
    %sub3A_202 = arith.subf %select_n3A, %convert_element_type3A_201 : vector<1x1000xf32>
    %convert_element_type3A_203 = arith.truncf %sub3A_202 : vector<1x1000xf32> to vector<1x1000xbf16>
    %convert_element_type3A_204 = arith.extf %convert_element_type3A_203 : vector<1x1000xbf16> to vector<1x1000xf32>
    %sub3A_205 = arith.subf %sub3A_202, %convert_element_type3A_204 : vector<1x1000xf32>
    %convert_element_type3A_206 = arith.truncf %sub3A_205 : vector<1x1000xf32> to vector<1x1000xbf16>
    %dot_general3A_207 = arith.constant dense<0.000000e+00> : vector<1000x1xf32>
    %dot_general3A_208 = tpu.matmul %convert_element_type3A_200, %broadcast_in_dim3A_199, %dot_general3A_207 {dimension_numbers = #tpu.dot_dimension_numbers<[0], [0], [1], [1], [0, 1, 1, 1], [], []>, transpose_lhs_hint = false} : vector<1x1000xbf16>, vector<1x1xbf16>, vector<1000x1xf32> -> vector<1000x1xf32>
    %dot_general3A_209 = arith.constant dense<0.000000e+00> : vector<1000x1xf32>
    %dot_general3A_210 = tpu.matmul %convert_element_type3A_203, %broadcast_in_dim3A_199, %dot_general3A_209 {dimension_numbers = #tpu.dot_dimension_numbers<[0], [0], [1], [1], [0, 1, 1, 1], [], []>, transpose_lhs_hint = false} : vector<1x1000xbf16>, vector<1x1xbf16>, vector<1000x1xf32> -> vector<1000x1xf32>
    %add3A_211 = arith.addf %dot_general3A_208, %dot_general3A_210 : vector<1000x1xf32>
    %dot_general3A_212 = arith.constant dense<0.000000e+00> : vector<1000x1xf32>
    %dot_general3A_213 = tpu.matmul %convert_element_type3A_206, %broadcast_in_dim3A_199, %dot_general3A_212 {dimension_numbers = #tpu.dot_dimension_numbers<[0], [0], [1], [1], [0, 1, 1, 1], [], []>, transpose_lhs_hint = false} : vector<1x1000xbf16>, vector<1x1xbf16>, vector<1000x1xf32> -> vector<1000x1xf32>
    %add3A_214 = arith.addf %add3A_211, %dot_general3A_213 : vector<1000x1xf32>
    %convert_element_type3A_215 = arith.truncf %select_n3A_181 : vector<512x1000xf32> to vector<512x1000xbf16>
    %convert_element_type3A_216 = arith.truncf %add3A_214 : vector<1000x1xf32> to vector<1000x1xbf16>
    %convert_element_type3A_217 = arith.extf %convert_element_type3A_216 : vector<1000x1xbf16> to vector<1000x1xf32>
    %sub3A_218 = arith.subf %add3A_214, %convert_element_type3A_217 : vector<1000x1xf32>
    %convert_element_type3A_219 = arith.truncf %sub3A_218 : vector<1000x1xf32> to vector<1000x1xbf16>
    %convert_element_type3A_220 = arith.extf %convert_element_type3A_219 : vector<1000x1xbf16> to vector<1000x1xf32>
    %sub3A_221 = arith.subf %sub3A_218, %convert_element_type3A_220 : vector<1000x1xf32>
    %convert_element_type3A_222 = arith.truncf %sub3A_221 : vector<1000x1xf32> to vector<1000x1xbf16>
    %dot_general3A_223 = arith.constant dense<0.000000e+00> : vector<512x1xf32>
    %dot_general3A_224 = tpu.matmul %convert_element_type3A_215, %convert_element_type3A_216, %dot_general3A_223 {dimension_numbers = #tpu.dot_dimension_numbers<[1], [0], [0], [1], [0, 0, 1, 1], [], []>, transpose_lhs_hint = false} : vector<512x1000xbf16>, vector<1000x1xbf16>, vector<512x1xf32> -> vector<512x1xf32>
    %dot_general3A_225 = arith.constant dense<0.000000e+00> : vector<512x1xf32>
    %dot_general3A_226 = tpu.matmul %convert_element_type3A_215, %convert_element_type3A_219, %dot_general3A_225 {dimension_numbers = #tpu.dot_dimension_numbers<[1], [0], [0], [1], [0, 0, 1, 1], [], []>, transpose_lhs_hint = false} : vector<512x1000xbf16>, vector<1000x1xbf16>, vector<512x1xf32> -> vector<512x1xf32>
    %add3A_227 = arith.addf %dot_general3A_224, %dot_general3A_226 : vector<512x1xf32>
    %dot_general3A_228 = arith.constant dense<0.000000e+00> : vector<512x1xf32>
    %dot_general3A_229 = tpu.matmul %convert_element_type3A_215, %convert_element_type3A_222, %dot_general3A_228 {dimension_numbers = #tpu.dot_dimension_numbers<[1], [0], [0], [1], [0, 0, 1, 1], [], []>, transpose_lhs_hint = false} : vector<512x1000xbf16>, vector<1000x1xbf16>, vector<512x1xf32> -> vector<512x1xf32>
    %add3A_230 = arith.addf %add3A_227, %dot_general3A_229 : vector<512x1xf32>
    %mul3A_231 = vector.broadcast %add3A_230 : vector<512x1xf32> to vector<512x4xf32>
    %mul3A_232 = arith.mulf %add3A_197, %mul3A_231 : vector<512x4xf32>
    %get3A_233 = arith.constant 0 : index
    %get3A_234 = arith.constant 0 : index
    %get3A_235 = vector.load %arg5[%get3A_233, %get3A_234] : memref<512x512xbf16, #tpu.memory_space<vmem>>, vector<512x512xbf16>
    %get3A_236 = arith.constant 0 : index
    %get3A_237 = arith.constant 0 : index
    %get3A_238 = vector.load %arg7[%get3A_236, %get3A_237] : memref<512x512xf32, #tpu.memory_space<vmem>>, vector<512x512xf32>
    %get3A_239 = arith.constant 0 : index
    %get3A_240 = arith.constant 0 : index
    %get3A_241 = vector.load %arg8[%get3A_239, %get3A_240] : memref<512x512xf32, #tpu.memory_space<vmem>>, vector<512x512xf32>
    %slice3A_242 = vector.extract_strided_slice %mul3A_232 {offsets = [0, 0], sizes = [512, 3], strides = [1, 1]} : vector<512x4xf32> to vector<512x3xf32>
    %convert_element_type3A_243 = arith.truncf %slice3A_242 : vector<512x3xf32> to vector<512x3xbf16>
    %convert_element_type3A_244 = arith.extf %convert_element_type3A_243 : vector<512x3xbf16> to vector<512x3xf32>
    %sub3A_245 = arith.subf %slice3A_242, %convert_element_type3A_244 : vector<512x3xf32>
    %convert_element_type3A_246 = arith.truncf %sub3A_245 : vector<512x3xf32> to vector<512x3xbf16>
    %convert_element_type3A_247 = arith.extf %convert_element_type3A_246 : vector<512x3xbf16> to vector<512x3xf32>
    %sub3A_248 = arith.subf %sub3A_245, %convert_element_type3A_247 : vector<512x3xf32>
    %convert_element_type3A_249 = arith.truncf %sub3A_248 : vector<512x3xf32> to vector<512x3xbf16>
    %dot_general3A_250 = arith.constant dense<0.000000e+00> : vector<3x512xf32>
    %dot_general3A_251 = tpu.matmul %convert_element_type3A_243, %get3A_235, %dot_general3A_250 {dimension_numbers = #tpu.dot_dimension_numbers<[0], [0], [1], [1], [0, 1, 1, 1], [], []>, transpose_lhs_hint = false} : vector<512x3xbf16>, vector<512x512xbf16>, vector<3x512xf32> -> vector<3x512xf32>
    %dot_general3A_252 = arith.constant dense<0.000000e+00> : vector<3x512xf32>
    %dot_general3A_253 = tpu.matmul %convert_element_type3A_246, %get3A_235, %dot_general3A_252 {dimension_numbers = #tpu.dot_dimension_numbers<[0], [0], [1], [1], [0, 1, 1, 1], [], []>, transpose_lhs_hint = false} : vector<512x3xbf16>, vector<512x512xbf16>, vector<3x512xf32> -> vector<3x512xf32>
    %add3A_254 = arith.addf %dot_general3A_251, %dot_general3A_253 : vector<3x512xf32>
    %dot_general3A_255 = arith.constant dense<0.000000e+00> : vector<3x512xf32>
    %dot_general3A_256 = tpu.matmul %convert_element_type3A_249, %get3A_235, %dot_general3A_255 {dimension_numbers = #tpu.dot_dimension_numbers<[0], [0], [1], [1], [0, 1, 1, 1], [], []>, transpose_lhs_hint = false} : vector<512x3xbf16>, vector<512x512xbf16>, vector<3x512xf32> -> vector<3x512xf32>
    %add3A_257 = arith.addf %add3A_254, %dot_general3A_256 : vector<3x512xf32>
    %slice3A_258 = vector.extract_strided_slice %mul3A_232 {offsets = [0, 0], sizes = [512, 1], strides = [1, 1]} : vector<512x4xf32> to vector<512x1xf32>
    %slice3A_259 = vector.extract_strided_slice %add3A_257 {offsets = [0, 0], sizes = [1, 512], strides = [1, 1]} : vector<3x512xf32> to vector<1x512xf32>
    %sub3A_260 = vector.broadcast %slice3A_258 : vector<512x1xf32> to vector<512x512xf32>
    %sub3A_261 = vector.broadcast %slice3A_259 : vector<1x512xf32> to vector<512x512xf32>
    %sub3A_262 = arith.subf %sub3A_260, %sub3A_261 : vector<512x512xf32>
    %slice3A_263 = vector.extract_strided_slice %mul3A_232 {offsets = [0, 1], sizes = [512, 1], strides = [1, 1]} : vector<512x4xf32> to vector<512x1xf32>
    %slice3A_264 = vector.extract_strided_slice %add3A_257 {offsets = [1, 0], sizes = [1, 512], strides = [1, 1]} : vector<3x512xf32> to vector<1x512xf32>
    %sub3A_265 = vector.broadcast %slice3A_263 : vector<512x1xf32> to vector<512x512xf32>
    %sub3A_266 = vector.broadcast %slice3A_264 : vector<1x512xf32> to vector<512x512xf32>
    %sub3A_267 = arith.subf %sub3A_265, %sub3A_266 : vector<512x512xf32>
    %slice3A_268 = vector.extract_strided_slice %mul3A_232 {offsets = [0, 2], sizes = [512, 1], strides = [1, 1]} : vector<512x4xf32> to vector<512x1xf32>
    %slice3A_269 = vector.extract_strided_slice %add3A_257 {offsets = [2, 0], sizes = [1, 512], strides = [1, 1]} : vector<3x512xf32> to vector<1x512xf32>
    %sub3A_270 = vector.broadcast %slice3A_268 : vector<512x1xf32> to vector<512x512xf32>
    %sub3A_271 = vector.broadcast %slice3A_269 : vector<1x512xf32> to vector<512x512xf32>
    %sub3A_272 = arith.subf %sub3A_270, %sub3A_271 : vector<512x512xf32>
    %mul3A_273 = arith.mulf %sub3A_262, %sub3A_262 : vector<512x512xf32>
    %mul3A_274 = arith.mulf %sub3A_267, %sub3A_267 : vector<512x512xf32>
    %add3A_275 = arith.addf %mul3A_273, %mul3A_274 : vector<512x512xf32>
    %mul3A_276 = arith.mulf %sub3A_272, %sub3A_272 : vector<512x512xf32>
    %add3A_277 = arith.addf %add3A_275, %mul3A_276 : vector<512x512xf32>
    %add3A_278 = arith.addf %add3A_277, %get3A_241 : vector<512x512xf32>
    %get3A_279 = arith.constant 0 : index
    %get3A_280 = arith.constant 0 : index
    %get3A_281 = vector.load %arg12[%get3A_279, %get3A_280] : memref<4x96xf32, #tpu.memory_space<vmem>>, vector<4x96xf32>
    %get3A_282 = arith.constant 0 : index
    %get3A_283 = arith.constant 0 : index
    %get3A_284 = vector.load %arg13[%get3A_282, %get3A_283] : memref<4x96xf32, #tpu.memory_space<vmem>>, vector<4x96xf32>
    %get3A_285 = arith.constant 0 : index
    %get3A_286 = arith.constant 0 : index
    %get3A_287 = vector.load %arg14[%get3A_285, %get3A_286] : memref<96x192xf32, #tpu.memory_space<vmem>>, vector<96x192xf32>
    %convert_element_type3A_288 = arith.truncf %mul3A_232 : vector<512x4xf32> to vector<512x4xbf16>
    %convert_element_type3A_289 = arith.extf %convert_element_type3A_288 : vector<512x4xbf16> to vector<512x4xf32>
    %sub3A_290 = arith.subf %mul3A_232, %convert_element_type3A_289 : vector<512x4xf32>
    %convert_element_type3A_291 = arith.truncf %sub3A_290 : vector<512x4xf32> to vector<512x4xbf16>
    %convert_element_type3A_292 = arith.extf %convert_element_type3A_291 : vector<512x4xbf16> to vector<512x4xf32>
    %sub3A_293 = arith.subf %sub3A_290, %convert_element_type3A_292 : vector<512x4xf32>
    %convert_element_type3A_294 = arith.truncf %sub3A_293 : vector<512x4xf32> to vector<512x4xbf16>
    %convert_element_type3A_295 = arith.truncf %get3A_281 : vector<4x96xf32> to vector<4x96xbf16>
    %dot_general3A_296 = arith.constant dense<0.000000e+00> : vector<512x96xf32>
    %dot_general3A_297 = tpu.matmul %convert_element_type3A_288, %convert_element_type3A_295, %dot_general3A_296 {dimension_numbers = #tpu.dot_dimension_numbers<[1], [0], [0], [1], [0, 0, 1, 1], [], []>, transpose_lhs_hint = false} : vector<512x4xbf16>, vector<4x96xbf16>, vector<512x96xf32> -> vector<512x96xf32>
    %get3A_298 = arith.constant 0 : index
    %get3A_299 = arith.constant 0 : index
    %get3A_300 = vector.load %arg15[%get3A_298, %get3A_299] : memref<1x96xf32, #tpu.memory_space<vmem>>, vector<1x96xf32>
    %get3A_301 = arith.constant 0 : index
    %get3A_302 = arith.constant 0 : index
    %get3A_303 = vector.load %arg16[%get3A_301, %get3A_302] : memref<1x192xf32, #tpu.memory_space<vmem>>, vector<1x192xf32>
    %convert_element_type3A_304 = arith.truncf %get3A_284 : vector<4x96xf32> to vector<4x96xbf16>
    %convert_element_type3A_305 = arith.truncf %get3A_287 : vector<96x192xf32> to vector<96x192xbf16>
    %broadcast_in_dim3A_306 = arith.constant 0.000000e+00 : f32
    %broadcast_in_dim3A_307 = vector.broadcast %broadcast_in_dim3A_306 : f32 to vector<512x192xf32>
    %reduce_min3A_308 = arith.constant dense<0x7F800000> : vector<512xf32>
    %reduce_min3A_309 = vector.multi_reduction <minimumf>, %add3A_278, %reduce_min3A_308 [1] : vector<512x512xf32> to vector<512xf32>
    %broadcast_in_dim3A_310 = vector.shape_cast %reduce_min3A_309 : vector<512xf32> to vector<512x1xf32>
    %eq3A_311 = vector.broadcast %broadcast_in_dim3A_310 : vector<512x1xf32> to vector<512x512xf32>
    %eq3A_312 = arith.cmpf oeq, %add3A_278, %eq3A_311 : vector<512x512xf32>
    %jit3A_313 = arith.constant 8.99999948E+9 : f32
    %broadcast_in_dim3A_314 = vector.broadcast %jit3A_313 : f32 to vector<512x512xf32>
    %select_n3A_315 = arith.select %eq3A_312, %get3A_238, %broadcast_in_dim3A_314 : vector<512x512xi1>, vector<512x512xf32>
    %reduce_min3A_316 = arith.constant dense<0x7F800000> : vector<512xf32>
    %reduce_min3A_317 = vector.multi_reduction <minimumf>, %select_n3A_315, %reduce_min3A_316 [1] : vector<512x512xf32> to vector<512xf32>
    %broadcast_in_dim3A_318 = vector.shape_cast %reduce_min3A_317 : vector<512xf32> to vector<512x1xf32>
    %eq3A_319 = vector.broadcast %broadcast_in_dim3A_318 : vector<512x1xf32> to vector<512x512xf32>
    %eq3A_320 = arith.cmpf oeq, %get3A_238, %eq3A_319 : vector<512x512xf32>
    %jit3A_321 = arith.constant 1.000000e+10 : f32
    %broadcast_in_dim3A_322 = vector.broadcast %jit3A_321 : f32 to vector<512x512xf32>
    %select_n3A_323 = arith.select %eq3A_320, %broadcast_in_dim3A_322, %add3A_278 : vector<512x512xi1>, vector<512x512xf32>
    %jit3A_324 = arith.constant 1.000000e+00 : f32
    %jit3A_325 = arith.constant 0.000000e+00 : f32
    %broadcast_in_dim3A_326 = vector.broadcast %jit3A_324 : f32 to vector<512x512xf32>
    %broadcast_in_dim3A_327 = vector.broadcast %jit3A_325 : f32 to vector<512x512xf32>
    %select_n3A_328 = arith.select %eq3A_320, %broadcast_in_dim3A_326, %broadcast_in_dim3A_327 : vector<512x512xi1>, vector<512x512xf32>
    %convert_element_type3A_329 = arith.truncf %select_n3A_328 : vector<512x512xf32> to vector<512x512xbf16>
    %dot_general3A_330 = arith.constant dense<0.000000e+00> : vector<512x4xf32>
    %dot_general3A_331 = tpu.matmul %convert_element_type3A_329, %convert_element_type3A_288, %dot_general3A_330 {dimension_numbers = #tpu.dot_dimension_numbers<[1], [0], [0], [1], [0, 0, 1, 1], [], []>, transpose_lhs_hint = false} : vector<512x512xbf16>, vector<512x4xbf16>, vector<512x4xf32> -> vector<512x4xf32>
    %dot_general3A_332 = arith.constant dense<0.000000e+00> : vector<512x4xf32>
    %dot_general3A_333 = tpu.matmul %convert_element_type3A_329, %convert_element_type3A_291, %dot_general3A_332 {dimension_numbers = #tpu.dot_dimension_numbers<[1], [0], [0], [1], [0, 0, 1, 1], [], []>, transpose_lhs_hint = false} : vector<512x512xbf16>, vector<512x4xbf16>, vector<512x4xf32> -> vector<512x4xf32>
    %add3A_334 = arith.addf %dot_general3A_331, %dot_general3A_333 : vector<512x4xf32>
    %dot_general3A_335 = arith.constant dense<0.000000e+00> : vector<512x4xf32>
    %dot_general3A_336 = tpu.matmul %convert_element_type3A_329, %convert_element_type3A_294, %dot_general3A_335 {dimension_numbers = #tpu.dot_dimension_numbers<[1], [0], [0], [1], [0, 0, 1, 1], [], []>, transpose_lhs_hint = false} : vector<512x512xbf16>, vector<512x4xbf16>, vector<512x4xf32> -> vector<512x4xf32>
    %add3A_337 = arith.addf %add3A_334, %dot_general3A_336 : vector<512x4xf32>
    %sub3A_338 = arith.subf %add3A_337, %mul3A_232 : vector<512x4xf32>
    %convert_element_type3A_339 = arith.truncf %sub3A_338 : vector<512x4xf32> to vector<512x4xbf16>
    %dot_general3A_340 = arith.constant dense<0.000000e+00> : vector<512x96xf32>
    %dot_general3A_341 = tpu.matmul %convert_element_type3A_339, %convert_element_type3A_304, %dot_general3A_340 {dimension_numbers = #tpu.dot_dimension_numbers<[1], [0], [0], [1], [0, 0, 1, 1], [], []>, transpose_lhs_hint = false} : vector<512x4xbf16>, vector<4x96xbf16>, vector<512x96xf32> -> vector<512x96xf32>
    %add3A_342 = arith.addf %dot_general3A_297, %dot_general3A_341 : vector<512x96xf32>
    %add3A_343 = vector.broadcast %get3A_300 : vector<1x96xf32> to vector<512x96xf32>
    %add3A_344 = arith.addf %add3A_342, %add3A_343 : vector<512x96xf32>
    %jit3A_345 = arith.constant 0.00999999977 : f32
    %ge3A_346 = arith.constant 0.000000e+00 : f32
    %ge3A_347 = vector.broadcast %ge3A_346 : f32 to vector<512x96xf32>
    %ge3A_348 = arith.cmpf oge, %add3A_344, %ge3A_347 : vector<512x96xf32>
    %mul3A_349 = vector.broadcast %jit3A_345 : f32 to vector<512x96xf32>
    %mul3A_350 = arith.mulf %mul3A_349, %add3A_344 : vector<512x96xf32>
    %select_n3A_351 = arith.select %ge3A_348, %add3A_344, %mul3A_350 : vector<512x96xi1>, vector<512x96xf32>
    %convert_element_type3A_352 = arith.truncf %select_n3A_351 : vector<512x96xf32> to vector<512x96xbf16>
    %dot_general3A_353 = arith.constant dense<0.000000e+00> : vector<512x192xf32>
    %dot_general3A_354 = tpu.matmul %convert_element_type3A_352, %convert_element_type3A_305, %dot_general3A_353 {dimension_numbers = #tpu.dot_dimension_numbers<[1], [0], [0], [1], [0, 0, 1, 1], [], []>, transpose_lhs_hint = false} : vector<512x96xbf16>, vector<96x192xbf16>, vector<512x192xf32> -> vector<512x192xf32>
    %add3A_355 = vector.broadcast %get3A_303 : vector<1x192xf32> to vector<512x192xf32>
    %add3A_356 = arith.addf %dot_general3A_354, %add3A_355 : vector<512x192xf32>
    %jit3A_357 = arith.constant 0.00999999977 : f32
    %ge3A_358 = arith.constant 0.000000e+00 : f32
    %ge3A_359 = vector.broadcast %ge3A_358 : f32 to vector<512x192xf32>
    %ge3A_360 = arith.cmpf oge, %add3A_356, %ge3A_359 : vector<512x192xf32>
    %mul3A_361 = vector.broadcast %jit3A_357 : f32 to vector<512x192xf32>
    %mul3A_362 = arith.mulf %mul3A_361, %add3A_356 : vector<512x192xf32>
    %select_n3A_363 = arith.select %ge3A_360, %add3A_356, %mul3A_362 : vector<512x192xi1>, vector<512x192xf32>
    %add3A_364 = arith.addf %broadcast_in_dim3A_307, %select_n3A_363 : vector<512x192xf32>
    %reduce_min3A_365 = arith.constant dense<0x7F800000> : vector<512xf32>
    %reduce_min3A_366 = vector.multi_reduction <minimumf>, %select_n3A_323, %reduce_min3A_365 [1] : vector<512x512xf32> to vector<512xf32>
    %broadcast_in_dim3A_367 = vector.shape_cast %reduce_min3A_366 : vector<512xf32> to vector<512x1xf32>
    %eq3A_368 = vector.broadcast %broadcast_in_dim3A_367 : vector<512x1xf32> to vector<512x512xf32>
    %eq3A_369 = arith.cmpf oeq, %select_n3A_323, %eq3A_368 : vector<512x512xf32>
    %jit3A_370 = arith.constant 8.99999948E+9 : f32
    %broadcast_in_dim3A_371 = vector.broadcast %jit3A_370 : f32 to vector<512x512xf32>
    %select_n3A_372 = arith.select %eq3A_369, %get3A_238, %broadcast_in_dim3A_371 : vector<512x512xi1>, vector<512x512xf32>
    %reduce_min3A_373 = arith.constant dense<0x7F800000> : vector<512xf32>
    %reduce_min3A_374 = vector.multi_reduction <minimumf>, %select_n3A_372, %reduce_min3A_373 [1] : vector<512x512xf32> to vector<512xf32>
    %broadcast_in_dim3A_375 = vector.shape_cast %reduce_min3A_374 : vector<512xf32> to vector<512x1xf32>
    %eq3A_376 = vector.broadcast %broadcast_in_dim3A_375 : vector<512x1xf32> to vector<512x512xf32>
    %eq3A_377 = arith.cmpf oeq, %get3A_238, %eq3A_376 : vector<512x512xf32>
    %jit3A_378 = arith.constant 1.000000e+10 : f32
    %broadcast_in_dim3A_379 = vector.broadcast %jit3A_378 : f32 to vector<512x512xf32>
    %select_n3A_380 = arith.select %eq3A_377, %broadcast_in_dim3A_379, %select_n3A_323 : vector<512x512xi1>, vector<512x512xf32>
    %jit3A_381 = arith.constant 1.000000e+00 : f32
    %jit3A_382 = arith.constant 0.000000e+00 : f32
    %broadcast_in_dim3A_383 = vector.broadcast %jit3A_381 : f32 to vector<512x512xf32>
    %broadcast_in_dim3A_384 = vector.broadcast %jit3A_382 : f32 to vector<512x512xf32>
    %select_n3A_385 = arith.select %eq3A_377, %broadcast_in_dim3A_383, %broadcast_in_dim3A_384 : vector<512x512xi1>, vector<512x512xf32>
    %convert_element_type3A_386 = arith.truncf %select_n3A_385 : vector<512x512xf32> to vector<512x512xbf16>
    %dot_general3A_387 = arith.constant dense<0.000000e+00> : vector<512x4xf32>
    %dot_general3A_388 = tpu.matmul %convert_element_type3A_386, %convert_element_type3A_288, %dot_general3A_387 {dimension_numbers = #tpu.dot_dimension_numbers<[1], [0], [0], [1], [0, 0, 1, 1], [], []>, transpose_lhs_hint = false} : vector<512x512xbf16>, vector<512x4xbf16>, vector<512x4xf32> -> vector<512x4xf32>
    %dot_general3A_389 = arith.constant dense<0.000000e+00> : vector<512x4xf32>
    %dot_general3A_390 = tpu.matmul %convert_element_type3A_386, %convert_element_type3A_291, %dot_general3A_389 {dimension_numbers = #tpu.dot_dimension_numbers<[1], [0], [0], [1], [0, 0, 1, 1], [], []>, transpose_lhs_hint = false} : vector<512x512xbf16>, vector<512x4xbf16>, vector<512x4xf32> -> vector<512x4xf32>
    %add3A_391 = arith.addf %dot_general3A_388, %dot_general3A_390 : vector<512x4xf32>
    %dot_general3A_392 = arith.constant dense<0.000000e+00> : vector<512x4xf32>
    %dot_general3A_393 = tpu.matmul %convert_element_type3A_386, %convert_element_type3A_294, %dot_general3A_392 {dimension_numbers = #tpu.dot_dimension_numbers<[1], [0], [0], [1], [0, 0, 1, 1], [], []>, transpose_lhs_hint = false} : vector<512x512xbf16>, vector<512x4xbf16>, vector<512x4xf32> -> vector<512x4xf32>
    %add3A_394 = arith.addf %add3A_391, %dot_general3A_393 : vector<512x4xf32>
    %sub3A_395 = arith.subf %add3A_394, %mul3A_232 : vector<512x4xf32>
    %convert_element_type3A_396 = arith.truncf %sub3A_395 : vector<512x4xf32> to vector<512x4xbf16>
    %dot_general3A_397 = arith.constant dense<0.000000e+00> : vector<512x96xf32>
    %dot_general3A_398 = tpu.matmul %convert_element_type3A_396, %convert_element_type3A_304, %dot_general3A_397 {dimension_numbers = #tpu.dot_dimension_numbers<[1], [0], [0], [1], [0, 0, 1, 1], [], []>, transpose_lhs_hint = false} : vector<512x4xbf16>, vector<4x96xbf16>, vector<512x96xf32> -> vector<512x96xf32>
    %add3A_399 = arith.addf %dot_general3A_297, %dot_general3A_398 : vector<512x96xf32>
    %add3A_400 = vector.broadcast %get3A_300 : vector<1x96xf32> to vector<512x96xf32>
    %add3A_401 = arith.addf %add3A_399, %add3A_400 : vector<512x96xf32>
    %jit3A_402 = arith.constant 0.00999999977 : f32
    %ge3A_403 = arith.constant 0.000000e+00 : f32
    %ge3A_404 = vector.broadcast %ge3A_403 : f32 to vector<512x96xf32>
    %ge3A_405 = arith.cmpf oge, %add3A_401, %ge3A_404 : vector<512x96xf32>
    %mul3A_406 = vector.broadcast %jit3A_402 : f32 to vector<512x96xf32>
    %mul3A_407 = arith.mulf %mul3A_406, %add3A_401 : vector<512x96xf32>
    %select_n3A_408 = arith.select %ge3A_405, %add3A_401, %mul3A_407 : vector<512x96xi1>, vector<512x96xf32>
    %convert_element_type3A_409 = arith.truncf %select_n3A_408 : vector<512x96xf32> to vector<512x96xbf16>
    %dot_general3A_410 = arith.constant dense<0.000000e+00> : vector<512x192xf32>
    %dot_general3A_411 = tpu.matmul %convert_element_type3A_409, %convert_element_type3A_305, %dot_general3A_410 {dimension_numbers = #tpu.dot_dimension_numbers<[1], [0], [0], [1], [0, 0, 1, 1], [], []>, transpose_lhs_hint = false} : vector<512x96xbf16>, vector<96x192xbf16>, vector<512x192xf32> -> vector<512x192xf32>
    %add3A_412 = vector.broadcast %get3A_303 : vector<1x192xf32> to vector<512x192xf32>
    %add3A_413 = arith.addf %dot_general3A_411, %add3A_412 : vector<512x192xf32>
    %jit3A_414 = arith.constant 0.00999999977 : f32
    %ge3A_415 = arith.constant 0.000000e+00 : f32
    %ge3A_416 = vector.broadcast %ge3A_415 : f32 to vector<512x192xf32>
    %ge3A_417 = arith.cmpf oge, %add3A_413, %ge3A_416 : vector<512x192xf32>
    %mul3A_418 = vector.broadcast %jit3A_414 : f32 to vector<512x192xf32>
    %mul3A_419 = arith.mulf %mul3A_418, %add3A_413 : vector<512x192xf32>
    %select_n3A_420 = arith.select %ge3A_417, %add3A_413, %mul3A_419 : vector<512x192xi1>, vector<512x192xf32>
    %add3A_421 = arith.addf %add3A_364, %select_n3A_420 : vector<512x192xf32>
    %reduce_min3A_422 = arith.constant dense<0x7F800000> : vector<512xf32>
    %reduce_min3A_423 = vector.multi_reduction <minimumf>, %select_n3A_380, %reduce_min3A_422 [1] : vector<512x512xf32> to vector<512xf32>
    %broadcast_in_dim3A_424 = vector.shape_cast %reduce_min3A_423 : vector<512xf32> to vector<512x1xf32>
    %eq3A_425 = vector.broadcast %broadcast_in_dim3A_424 : vector<512x1xf32> to vector<512x512xf32>
    %eq3A_426 = arith.cmpf oeq, %select_n3A_380, %eq3A_425 : vector<512x512xf32>
    %jit3A_427 = arith.constant 8.99999948E+9 : f32
    %broadcast_in_dim3A_428 = vector.broadcast %jit3A_427 : f32 to vector<512x512xf32>
    %select_n3A_429 = arith.select %eq3A_426, %get3A_238, %broadcast_in_dim3A_428 : vector<512x512xi1>, vector<512x512xf32>
    %reduce_min3A_430 = arith.constant dense<0x7F800000> : vector<512xf32>
    %reduce_min3A_431 = vector.multi_reduction <minimumf>, %select_n3A_429, %reduce_min3A_430 [1] : vector<512x512xf32> to vector<512xf32>
    %broadcast_in_dim3A_432 = vector.shape_cast %reduce_min3A_431 : vector<512xf32> to vector<512x1xf32>
    %eq3A_433 = vector.broadcast %broadcast_in_dim3A_432 : vector<512x1xf32> to vector<512x512xf32>
    %eq3A_434 = arith.cmpf oeq, %get3A_238, %eq3A_433 : vector<512x512xf32>
    %jit3A_435 = arith.constant 1.000000e+10 : f32
    %broadcast_in_dim3A_436 = vector.broadcast %jit3A_435 : f32 to vector<512x512xf32>
    %select_n3A_437 = arith.select %eq3A_434, %broadcast_in_dim3A_436, %select_n3A_380 : vector<512x512xi1>, vector<512x512xf32>
    %jit3A_438 = arith.constant 1.000000e+00 : f32
    %jit3A_439 = arith.constant 0.000000e+00 : f32
    %broadcast_in_dim3A_440 = vector.broadcast %jit3A_438 : f32 to vector<512x512xf32>
    %broadcast_in_dim3A_441 = vector.broadcast %jit3A_439 : f32 to vector<512x512xf32>
    %select_n3A_442 = arith.select %eq3A_434, %broadcast_in_dim3A_440, %broadcast_in_dim3A_441 : vector<512x512xi1>, vector<512x512xf32>
    %convert_element_type3A_443 = arith.truncf %select_n3A_442 : vector<512x512xf32> to vector<512x512xbf16>
    %dot_general3A_444 = arith.constant dense<0.000000e+00> : vector<512x4xf32>
    %dot_general3A_445 = tpu.matmul %convert_element_type3A_443, %convert_element_type3A_288, %dot_general3A_444 {dimension_numbers = #tpu.dot_dimension_numbers<[1], [0], [0], [1], [0, 0, 1, 1], [], []>, transpose_lhs_hint = false} : vector<512x512xbf16>, vector<512x4xbf16>, vector<512x4xf32> -> vector<512x4xf32>
    %dot_general3A_446 = arith.constant dense<0.000000e+00> : vector<512x4xf32>
    %dot_general3A_447 = tpu.matmul %convert_element_type3A_443, %convert_element_type3A_291, %dot_general3A_446 {dimension_numbers = #tpu.dot_dimension_numbers<[1], [0], [0], [1], [0, 0, 1, 1], [], []>, transpose_lhs_hint = false} : vector<512x512xbf16>, vector<512x4xbf16>, vector<512x4xf32> -> vector<512x4xf32>
    %add3A_448 = arith.addf %dot_general3A_445, %dot_general3A_447 : vector<512x4xf32>
    %dot_general3A_449 = arith.constant dense<0.000000e+00> : vector<512x4xf32>
    %dot_general3A_450 = tpu.matmul %convert_element_type3A_443, %convert_element_type3A_294, %dot_general3A_449 {dimension_numbers = #tpu.dot_dimension_numbers<[1], [0], [0], [1], [0, 0, 1, 1], [], []>, transpose_lhs_hint = false} : vector<512x512xbf16>, vector<512x4xbf16>, vector<512x4xf32> -> vector<512x4xf32>
    %add3A_451 = arith.addf %add3A_448, %dot_general3A_450 : vector<512x4xf32>
    %sub3A_452 = arith.subf %add3A_451, %mul3A_232 : vector<512x4xf32>
    %convert_element_type3A_453 = arith.truncf %sub3A_452 : vector<512x4xf32> to vector<512x4xbf16>
    %dot_general3A_454 = arith.constant dense<0.000000e+00> : vector<512x96xf32>
    %dot_general3A_455 = tpu.matmul %convert_element_type3A_453, %convert_element_type3A_304, %dot_general3A_454 {dimension_numbers = #tpu.dot_dimension_numbers<[1], [0], [0], [1], [0, 0, 1, 1], [], []>, transpose_lhs_hint = false} : vector<512x4xbf16>, vector<4x96xbf16>, vector<512x96xf32> -> vector<512x96xf32>
    %add3A_456 = arith.addf %dot_general3A_297, %dot_general3A_455 : vector<512x96xf32>
    %add3A_457 = vector.broadcast %get3A_300 : vector<1x96xf32> to vector<512x96xf32>
    %add3A_458 = arith.addf %add3A_456, %add3A_457 : vector<512x96xf32>
    %jit3A_459 = arith.constant 0.00999999977 : f32
    %ge3A_460 = arith.constant 0.000000e+00 : f32
    %ge3A_461 = vector.broadcast %ge3A_460 : f32 to vector<512x96xf32>
    %ge3A_462 = arith.cmpf oge, %add3A_458, %ge3A_461 : vector<512x96xf32>
    %mul3A_463 = vector.broadcast %jit3A_459 : f32 to vector<512x96xf32>
    %mul3A_464 = arith.mulf %mul3A_463, %add3A_458 : vector<512x96xf32>
    %select_n3A_465 = arith.select %ge3A_462, %add3A_458, %mul3A_464 : vector<512x96xi1>, vector<512x96xf32>
    %convert_element_type3A_466 = arith.truncf %select_n3A_465 : vector<512x96xf32> to vector<512x96xbf16>
    %dot_general3A_467 = arith.constant dense<0.000000e+00> : vector<512x192xf32>
    %dot_general3A_468 = tpu.matmul %convert_element_type3A_466, %convert_element_type3A_305, %dot_general3A_467 {dimension_numbers = #tpu.dot_dimension_numbers<[1], [0], [0], [1], [0, 0, 1, 1], [], []>, transpose_lhs_hint = false} : vector<512x96xbf16>, vector<96x192xbf16>, vector<512x192xf32> -> vector<512x192xf32>
    %add3A_469 = vector.broadcast %get3A_303 : vector<1x192xf32> to vector<512x192xf32>
    %add3A_470 = arith.addf %dot_general3A_468, %add3A_469 : vector<512x192xf32>
    %jit3A_471 = arith.constant 0.00999999977 : f32
    %ge3A_472 = arith.constant 0.000000e+00 : f32
    %ge3A_473 = vector.broadcast %ge3A_472 : f32 to vector<512x192xf32>
    %ge3A_474 = arith.cmpf oge, %add3A_470, %ge3A_473 : vector<512x192xf32>
    %mul3A_475 = vector.broadcast %jit3A_471 : f32 to vector<512x192xf32>
    %mul3A_476 = arith.mulf %mul3A_475, %add3A_470 : vector<512x192xf32>
    %select_n3A_477 = arith.select %ge3A_474, %add3A_470, %mul3A_476 : vector<512x192xi1>, vector<512x192xf32>
    %add3A_478 = arith.addf %add3A_421, %select_n3A_477 : vector<512x192xf32>
    %reduce_min3A_479 = arith.constant dense<0x7F800000> : vector<512xf32>
    %reduce_min3A_480 = vector.multi_reduction <minimumf>, %select_n3A_437, %reduce_min3A_479 [1] : vector<512x512xf32> to vector<512xf32>
    %broadcast_in_dim3A_481 = vector.shape_cast %reduce_min3A_480 : vector<512xf32> to vector<512x1xf32>
    %eq3A_482 = vector.broadcast %broadcast_in_dim3A_481 : vector<512x1xf32> to vector<512x512xf32>
    %eq3A_483 = arith.cmpf oeq, %select_n3A_437, %eq3A_482 : vector<512x512xf32>
    %jit3A_484 = arith.constant 8.99999948E+9 : f32
    %broadcast_in_dim3A_485 = vector.broadcast %jit3A_484 : f32 to vector<512x512xf32>
    %select_n3A_486 = arith.select %eq3A_483, %get3A_238, %broadcast_in_dim3A_485 : vector<512x512xi1>, vector<512x512xf32>
    %reduce_min3A_487 = arith.constant dense<0x7F800000> : vector<512xf32>
    %reduce_min3A_488 = vector.multi_reduction <minimumf>, %select_n3A_486, %reduce_min3A_487 [1] : vector<512x512xf32> to vector<512xf32>
    %broadcast_in_dim3A_489 = vector.shape_cast %reduce_min3A_488 : vector<512xf32> to vector<512x1xf32>
    %eq3A_490 = vector.broadcast %broadcast_in_dim3A_489 : vector<512x1xf32> to vector<512x512xf32>
    %eq3A_491 = arith.cmpf oeq, %get3A_238, %eq3A_490 : vector<512x512xf32>
    %jit3A_492 = arith.constant 1.000000e+00 : f32
    %jit3A_493 = arith.constant 0.000000e+00 : f32
    %broadcast_in_dim3A_494 = vector.broadcast %jit3A_492 : f32 to vector<512x512xf32>
    %broadcast_in_dim3A_495 = vector.broadcast %jit3A_493 : f32 to vector<512x512xf32>
    %select_n3A_496 = arith.select %eq3A_491, %broadcast_in_dim3A_494, %broadcast_in_dim3A_495 : vector<512x512xi1>, vector<512x512xf32>
    %convert_element_type3A_497 = arith.truncf %select_n3A_496 : vector<512x512xf32> to vector<512x512xbf16>
    %dot_general3A_498 = arith.constant dense<0.000000e+00> : vector<512x4xf32>
    %dot_general3A_499 = tpu.matmul %convert_element_type3A_497, %convert_element_type3A_288, %dot_general3A_498 {dimension_numbers = #tpu.dot_dimension_numbers<[1], [0], [0], [1], [0, 0, 1, 1], [], []>, transpose_lhs_hint = false} : vector<512x512xbf16>, vector<512x4xbf16>, vector<512x4xf32> -> vector<512x4xf32>
    %dot_general3A_500 = arith.constant dense<0.000000e+00> : vector<512x4xf32>
    %dot_general3A_501 = tpu.matmul %convert_element_type3A_497, %convert_element_type3A_291, %dot_general3A_500 {dimension_numbers = #tpu.dot_dimension_numbers<[1], [0], [0], [1], [0, 0, 1, 1], [], []>, transpose_lhs_hint = false} : vector<512x512xbf16>, vector<512x4xbf16>, vector<512x4xf32> -> vector<512x4xf32>
    %add3A_502 = arith.addf %dot_general3A_499, %dot_general3A_501 : vector<512x4xf32>
    %dot_general3A_503 = arith.constant dense<0.000000e+00> : vector<512x4xf32>
    %dot_general3A_504 = tpu.matmul %convert_element_type3A_497, %convert_element_type3A_294, %dot_general3A_503 {dimension_numbers = #tpu.dot_dimension_numbers<[1], [0], [0], [1], [0, 0, 1, 1], [], []>, transpose_lhs_hint = false} : vector<512x512xbf16>, vector<512x4xbf16>, vector<512x4xf32> -> vector<512x4xf32>
    %add3A_505 = arith.addf %add3A_502, %dot_general3A_504 : vector<512x4xf32>
    %sub3A_506 = arith.subf %add3A_505, %mul3A_232 : vector<512x4xf32>
    %convert_element_type3A_507 = arith.truncf %sub3A_506 : vector<512x4xf32> to vector<512x4xbf16>
    %dot_general3A_508 = arith.constant dense<0.000000e+00> : vector<512x96xf32>
    %dot_general3A_509 = tpu.matmul %convert_element_type3A_507, %convert_element_type3A_304, %dot_general3A_508 {dimension_numbers = #tpu.dot_dimension_numbers<[1], [0], [0], [1], [0, 0, 1, 1], [], []>, transpose_lhs_hint = false} : vector<512x4xbf16>, vector<4x96xbf16>, vector<512x96xf32> -> vector<512x96xf32>
    %add3A_510 = arith.addf %dot_general3A_297, %dot_general3A_509 : vector<512x96xf32>
    %add3A_511 = vector.broadcast %get3A_300 : vector<1x96xf32> to vector<512x96xf32>
    %add3A_512 = arith.addf %add3A_510, %add3A_511 : vector<512x96xf32>
    %jit3A_513 = arith.constant 0.00999999977 : f32
    %ge3A_514 = arith.constant 0.000000e+00 : f32
    %ge3A_515 = vector.broadcast %ge3A_514 : f32 to vector<512x96xf32>
    %ge3A_516 = arith.cmpf oge, %add3A_512, %ge3A_515 : vector<512x96xf32>
    %mul3A_517 = vector.broadcast %jit3A_513 : f32 to vector<512x96xf32>
    %mul3A_518 = arith.mulf %mul3A_517, %add3A_512 : vector<512x96xf32>
    %select_n3A_519 = arith.select %ge3A_516, %add3A_512, %mul3A_518 : vector<512x96xi1>, vector<512x96xf32>
    %convert_element_type3A_520 = arith.truncf %select_n3A_519 : vector<512x96xf32> to vector<512x96xbf16>
    %dot_general3A_521 = arith.constant dense<0.000000e+00> : vector<512x192xf32>
    %dot_general3A_522 = tpu.matmul %convert_element_type3A_520, %convert_element_type3A_305, %dot_general3A_521 {dimension_numbers = #tpu.dot_dimension_numbers<[1], [0], [0], [1], [0, 0, 1, 1], [], []>, transpose_lhs_hint = false} : vector<512x96xbf16>, vector<96x192xbf16>, vector<512x192xf32> -> vector<512x192xf32>
    %add3A_523 = vector.broadcast %get3A_303 : vector<1x192xf32> to vector<512x192xf32>
    %add3A_524 = arith.addf %dot_general3A_522, %add3A_523 : vector<512x192xf32>
    %jit3A_525 = arith.constant 0.00999999977 : f32
    %ge3A_526 = arith.constant 0.000000e+00 : f32
    %ge3A_527 = vector.broadcast %ge3A_526 : f32 to vector<512x192xf32>
    %ge3A_528 = arith.cmpf oge, %add3A_524, %ge3A_527 : vector<512x192xf32>
    %mul3A_529 = vector.broadcast %jit3A_525 : f32 to vector<512x192xf32>
    %mul3A_530 = arith.mulf %mul3A_529, %add3A_524 : vector<512x192xf32>
    %select_n3A_531 = arith.select %ge3A_528, %add3A_524, %mul3A_530 : vector<512x192xi1>, vector<512x192xf32>
    %add3A_532 = arith.addf %add3A_478, %select_n3A_531 : vector<512x192xf32>
    %slice3A_533 = vector.extract_strided_slice %add3A_532 {offsets = [0, 0], sizes = [512, 3], strides = [1, 1]} : vector<512x192xf32> to vector<512x3xf32>
    %convert_element_type3A_534 = arith.truncf %slice3A_533 : vector<512x3xf32> to vector<512x3xbf16>
    %convert_element_type3A_535 = arith.extf %convert_element_type3A_534 : vector<512x3xbf16> to vector<512x3xf32>
    %sub3A_536 = arith.subf %slice3A_533, %convert_element_type3A_535 : vector<512x3xf32>
    %convert_element_type3A_537 = arith.truncf %sub3A_536 : vector<512x3xf32> to vector<512x3xbf16>
    %convert_element_type3A_538 = arith.extf %convert_element_type3A_537 : vector<512x3xbf16> to vector<512x3xf32>
    %sub3A_539 = arith.subf %sub3A_536, %convert_element_type3A_538 : vector<512x3xf32>
    %convert_element_type3A_540 = arith.truncf %sub3A_539 : vector<512x3xf32> to vector<512x3xbf16>
    %dot_general3A_541 = arith.constant dense<0.000000e+00> : vector<3x512xf32>
    %dot_general3A_542 = tpu.matmul %convert_element_type3A_534, %get3A_235, %dot_general3A_541 {dimension_numbers = #tpu.dot_dimension_numbers<[0], [0], [1], [1], [0, 1, 1, 1], [], []>, transpose_lhs_hint = false} : vector<512x3xbf16>, vector<512x512xbf16>, vector<3x512xf32> -> vector<3x512xf32>
    %dot_general3A_543 = arith.constant dense<0.000000e+00> : vector<3x512xf32>
    %dot_general3A_544 = tpu.matmul %convert_element_type3A_537, %get3A_235, %dot_general3A_543 {dimension_numbers = #tpu.dot_dimension_numbers<[0], [0], [1], [1], [0, 1, 1, 1], [], []>, transpose_lhs_hint = false} : vector<512x3xbf16>, vector<512x512xbf16>, vector<3x512xf32> -> vector<3x512xf32>
    %add3A_545 = arith.addf %dot_general3A_542, %dot_general3A_544 : vector<3x512xf32>
    %dot_general3A_546 = arith.constant dense<0.000000e+00> : vector<3x512xf32>
    %dot_general3A_547 = tpu.matmul %convert_element_type3A_540, %get3A_235, %dot_general3A_546 {dimension_numbers = #tpu.dot_dimension_numbers<[0], [0], [1], [1], [0, 1, 1, 1], [], []>, transpose_lhs_hint = false} : vector<512x3xbf16>, vector<512x512xbf16>, vector<3x512xf32> -> vector<3x512xf32>
    %add3A_548 = arith.addf %add3A_545, %dot_general3A_547 : vector<3x512xf32>
    %slice3A_549 = vector.extract_strided_slice %add3A_532 {offsets = [0, 0], sizes = [512, 1], strides = [1, 1]} : vector<512x192xf32> to vector<512x1xf32>
    %slice3A_550 = vector.extract_strided_slice %add3A_548 {offsets = [0, 0], sizes = [1, 512], strides = [1, 1]} : vector<3x512xf32> to vector<1x512xf32>
    %sub3A_551 = vector.broadcast %slice3A_549 : vector<512x1xf32> to vector<512x512xf32>
    %sub3A_552 = vector.broadcast %slice3A_550 : vector<1x512xf32> to vector<512x512xf32>
    %sub3A_553 = arith.subf %sub3A_551, %sub3A_552 : vector<512x512xf32>
    %slice3A_554 = vector.extract_strided_slice %add3A_532 {offsets = [0, 1], sizes = [512, 1], strides = [1, 1]} : vector<512x192xf32> to vector<512x1xf32>
    %slice3A_555 = vector.extract_strided_slice %add3A_548 {offsets = [1, 0], sizes = [1, 512], strides = [1, 1]} : vector<3x512xf32> to vector<1x512xf32>
    %sub3A_556 = vector.broadcast %slice3A_554 : vector<512x1xf32> to vector<512x512xf32>
    %sub3A_557 = vector.broadcast %slice3A_555 : vector<1x512xf32> to vector<512x512xf32>
    %sub3A_558 = arith.subf %sub3A_556, %sub3A_557 : vector<512x512xf32>
    %slice3A_559 = vector.extract_strided_slice %add3A_532 {offsets = [0, 2], sizes = [512, 1], strides = [1, 1]} : vector<512x192xf32> to vector<512x1xf32>
    %slice3A_560 = vector.extract_strided_slice %add3A_548 {offsets = [2, 0], sizes = [1, 512], strides = [1, 1]} : vector<3x512xf32> to vector<1x512xf32>
    %sub3A_561 = vector.broadcast %slice3A_559 : vector<512x1xf32> to vector<512x512xf32>
    %sub3A_562 = vector.broadcast %slice3A_560 : vector<1x512xf32> to vector<512x512xf32>
    %sub3A_563 = arith.subf %sub3A_561, %sub3A_562 : vector<512x512xf32>
    %mul3A_564 = arith.mulf %sub3A_553, %sub3A_553 : vector<512x512xf32>
    %mul3A_565 = arith.mulf %sub3A_558, %sub3A_558 : vector<512x512xf32>
    %add3A_566 = arith.addf %mul3A_564, %mul3A_565 : vector<512x512xf32>
    %mul3A_567 = arith.mulf %sub3A_563, %sub3A_563 : vector<512x512xf32>
    %add3A_568 = arith.addf %add3A_566, %mul3A_567 : vector<512x512xf32>
    %add3A_569 = arith.addf %add3A_568, %get3A_241 : vector<512x512xf32>
    %get3A_570 = arith.constant 0 : index
    %get3A_571 = arith.constant 0 : index
    %get3A_572 = vector.load %arg17[%get3A_570, %get3A_571] : memref<192x252xf32, #tpu.memory_space<vmem>>, vector<192x252xf32>
    %get3A_573 = arith.constant 0 : index
    %get3A_574 = arith.constant 0 : index
    %get3A_575 = vector.load %arg18[%get3A_573, %get3A_574] : memref<192x252xf32, #tpu.memory_space<vmem>>, vector<192x252xf32>
    %get3A_576 = arith.constant 0 : index
    %get3A_577 = arith.constant 0 : index
    %get3A_578 = vector.load %arg19[%get3A_576, %get3A_577] : memref<252x192xf32, #tpu.memory_space<vmem>>, vector<252x192xf32>
    %convert_element_type3A_579 = arith.truncf %add3A_532 : vector<512x192xf32> to vector<512x192xbf16>
    %convert_element_type3A_580 = arith.extf %convert_element_type3A_579 : vector<512x192xbf16> to vector<512x192xf32>
    %sub3A_581 = arith.subf %add3A_532, %convert_element_type3A_580 : vector<512x192xf32>
    %convert_element_type3A_582 = arith.truncf %sub3A_581 : vector<512x192xf32> to vector<512x192xbf16>
    %convert_element_type3A_583 = arith.extf %convert_element_type3A_582 : vector<512x192xbf16> to vector<512x192xf32>
    %sub3A_584 = arith.subf %sub3A_581, %convert_element_type3A_583 : vector<512x192xf32>
    %convert_element_type3A_585 = arith.truncf %sub3A_584 : vector<512x192xf32> to vector<512x192xbf16>
    %convert_element_type3A_586 = arith.truncf %get3A_572 : vector<192x252xf32> to vector<192x252xbf16>
    %dot_general3A_587 = arith.constant dense<0.000000e+00> : vector<512x252xf32>
    %dot_general3A_588 = tpu.matmul %convert_element_type3A_579, %convert_element_type3A_586, %dot_general3A_587 {dimension_numbers = #tpu.dot_dimension_numbers<[1], [0], [0], [1], [0, 0, 1, 1], [], []>, transpose_lhs_hint = false} : vector<512x192xbf16>, vector<192x252xbf16>, vector<512x252xf32> -> vector<512x252xf32>
    %get3A_589 = arith.constant 0 : index
    %get3A_590 = arith.constant 0 : index
    %get3A_591 = vector.load %arg20[%get3A_589, %get3A_590] : memref<1x252xf32, #tpu.memory_space<vmem>>, vector<1x252xf32>
    %get3A_592 = arith.constant 0 : index
    %get3A_593 = arith.constant 0 : index
    %get3A_594 = vector.load %arg21[%get3A_592, %get3A_593] : memref<1x192xf32, #tpu.memory_space<vmem>>, vector<1x192xf32>
    %convert_element_type3A_595 = arith.truncf %get3A_575 : vector<192x252xf32> to vector<192x252xbf16>
    %convert_element_type3A_596 = arith.truncf %get3A_578 : vector<252x192xf32> to vector<252x192xbf16>
    %broadcast_in_dim3A_597 = arith.constant 0.000000e+00 : f32
    %broadcast_in_dim3A_598 = vector.broadcast %broadcast_in_dim3A_597 : f32 to vector<512x192xf32>
    %reduce_min3A_599 = arith.constant dense<0x7F800000> : vector<512xf32>
    %reduce_min3A_600 = vector.multi_reduction <minimumf>, %add3A_569, %reduce_min3A_599 [1] : vector<512x512xf32> to vector<512xf32>
    %broadcast_in_dim3A_601 = vector.shape_cast %reduce_min3A_600 : vector<512xf32> to vector<512x1xf32>
    %eq3A_602 = vector.broadcast %broadcast_in_dim3A_601 : vector<512x1xf32> to vector<512x512xf32>
    %eq3A_603 = arith.cmpf oeq, %add3A_569, %eq3A_602 : vector<512x512xf32>
    %jit3A_604 = arith.constant 8.99999948E+9 : f32
    %broadcast_in_dim3A_605 = vector.broadcast %jit3A_604 : f32 to vector<512x512xf32>
    %select_n3A_606 = arith.select %eq3A_603, %get3A_238, %broadcast_in_dim3A_605 : vector<512x512xi1>, vector<512x512xf32>
    %reduce_min3A_607 = arith.constant dense<0x7F800000> : vector<512xf32>
    %reduce_min3A_608 = vector.multi_reduction <minimumf>, %select_n3A_606, %reduce_min3A_607 [1] : vector<512x512xf32> to vector<512xf32>
    %broadcast_in_dim3A_609 = vector.shape_cast %reduce_min3A_608 : vector<512xf32> to vector<512x1xf32>
    %eq3A_610 = vector.broadcast %broadcast_in_dim3A_609 : vector<512x1xf32> to vector<512x512xf32>
    %eq3A_611 = arith.cmpf oeq, %get3A_238, %eq3A_610 : vector<512x512xf32>
    %jit3A_612 = arith.constant 1.000000e+10 : f32
    %broadcast_in_dim3A_613 = vector.broadcast %jit3A_612 : f32 to vector<512x512xf32>
    %select_n3A_614 = arith.select %eq3A_611, %broadcast_in_dim3A_613, %add3A_569 : vector<512x512xi1>, vector<512x512xf32>
    %jit3A_615 = arith.constant 1.000000e+00 : f32
    %jit3A_616 = arith.constant 0.000000e+00 : f32
    %broadcast_in_dim3A_617 = vector.broadcast %jit3A_615 : f32 to vector<512x512xf32>
    %broadcast_in_dim3A_618 = vector.broadcast %jit3A_616 : f32 to vector<512x512xf32>
    %select_n3A_619 = arith.select %eq3A_611, %broadcast_in_dim3A_617, %broadcast_in_dim3A_618 : vector<512x512xi1>, vector<512x512xf32>
    %convert_element_type3A_620 = arith.truncf %select_n3A_619 : vector<512x512xf32> to vector<512x512xbf16>
    %dot_general3A_621 = arith.constant dense<0.000000e+00> : vector<512x192xf32>
    %dot_general3A_622 = tpu.matmul %convert_element_type3A_620, %convert_element_type3A_579, %dot_general3A_621 {dimension_numbers = #tpu.dot_dimension_numbers<[1], [0], [0], [1], [0, 0, 1, 1], [], []>, transpose_lhs_hint = false} : vector<512x512xbf16>, vector<512x192xbf16>, vector<512x192xf32> -> vector<512x192xf32>
    %dot_general3A_623 = arith.constant dense<0.000000e+00> : vector<512x192xf32>
    %dot_general3A_624 = tpu.matmul %convert_element_type3A_620, %convert_element_type3A_582, %dot_general3A_623 {dimension_numbers = #tpu.dot_dimension_numbers<[1], [0], [0], [1], [0, 0, 1, 1], [], []>, transpose_lhs_hint = false} : vector<512x512xbf16>, vector<512x192xbf16>, vector<512x192xf32> -> vector<512x192xf32>
    %add3A_625 = arith.addf %dot_general3A_622, %dot_general3A_624 : vector<512x192xf32>
    %dot_general3A_626 = arith.constant dense<0.000000e+00> : vector<512x192xf32>
    %dot_general3A_627 = tpu.matmul %convert_element_type3A_620, %convert_element_type3A_585, %dot_general3A_626 {dimension_numbers = #tpu.dot_dimension_numbers<[1], [0], [0], [1], [0, 0, 1, 1], [], []>, transpose_lhs_hint = false} : vector<512x512xbf16>, vector<512x192xbf16>, vector<512x192xf32> -> vector<512x192xf32>
    %add3A_628 = arith.addf %add3A_625, %dot_general3A_627 : vector<512x192xf32>
    %sub3A_629 = arith.subf %add3A_628, %add3A_532 : vector<512x192xf32>
    %convert_element_type3A_630 = arith.truncf %sub3A_629 : vector<512x192xf32> to vector<512x192xbf16>
    %dot_general3A_631 = arith.constant dense<0.000000e+00> : vector<512x252xf32>
    %dot_general3A_632 = tpu.matmul %convert_element_type3A_630, %convert_element_type3A_595, %dot_general3A_631 {dimension_numbers = #tpu.dot_dimension_numbers<[1], [0], [0], [1], [0, 0, 1, 1], [], []>, transpose_lhs_hint = false} : vector<512x192xbf16>, vector<192x252xbf16>, vector<512x252xf32> -> vector<512x252xf32>
    %add3A_633 = arith.addf %dot_general3A_588, %dot_general3A_632 : vector<512x252xf32>
    %add3A_634 = vector.broadcast %get3A_591 : vector<1x252xf32> to vector<512x252xf32>
    %add3A_635 = arith.addf %add3A_633, %add3A_634 : vector<512x252xf32>
    %jit3A_636 = arith.constant 0.00999999977 : f32
    %ge3A_637 = arith.constant 0.000000e+00 : f32
    %ge3A_638 = vector.broadcast %ge3A_637 : f32 to vector<512x252xf32>
    %ge3A_639 = arith.cmpf oge, %add3A_635, %ge3A_638 : vector<512x252xf32>
    %mul3A_640 = vector.broadcast %jit3A_636 : f32 to vector<512x252xf32>
    %mul3A_641 = arith.mulf %mul3A_640, %add3A_635 : vector<512x252xf32>
    %select_n3A_642 = arith.select %ge3A_639, %add3A_635, %mul3A_641 : vector<512x252xi1>, vector<512x252xf32>
    %convert_element_type3A_643 = arith.truncf %select_n3A_642 : vector<512x252xf32> to vector<512x252xbf16>
    %dot_general3A_644 = arith.constant dense<0.000000e+00> : vector<512x192xf32>
    %dot_general3A_645 = tpu.matmul %convert_element_type3A_643, %convert_element_type3A_596, %dot_general3A_644 {dimension_numbers = #tpu.dot_dimension_numbers<[1], [0], [0], [1], [0, 0, 1, 1], [], []>, transpose_lhs_hint = false} : vector<512x252xbf16>, vector<252x192xbf16>, vector<512x192xf32> -> vector<512x192xf32>
    %add3A_646 = vector.broadcast %get3A_594 : vector<1x192xf32> to vector<512x192xf32>
    %add3A_647 = arith.addf %dot_general3A_645, %add3A_646 : vector<512x192xf32>
    %jit3A_648 = arith.constant 0.00999999977 : f32
    %ge3A_649 = arith.constant 0.000000e+00 : f32
    %ge3A_650 = vector.broadcast %ge3A_649 : f32 to vector<512x192xf32>
    %ge3A_651 = arith.cmpf oge, %add3A_647, %ge3A_650 : vector<512x192xf32>
    %mul3A_652 = vector.broadcast %jit3A_648 : f32 to vector<512x192xf32>
    %mul3A_653 = arith.mulf %mul3A_652, %add3A_647 : vector<512x192xf32>
    %select_n3A_654 = arith.select %ge3A_651, %add3A_647, %mul3A_653 : vector<512x192xi1>, vector<512x192xf32>
    %add3A_655 = arith.addf %broadcast_in_dim3A_598, %select_n3A_654 : vector<512x192xf32>
    %reduce_min3A_656 = arith.constant dense<0x7F800000> : vector<512xf32>
    %reduce_min3A_657 = vector.multi_reduction <minimumf>, %select_n3A_614, %reduce_min3A_656 [1] : vector<512x512xf32> to vector<512xf32>
    %broadcast_in_dim3A_658 = vector.shape_cast %reduce_min3A_657 : vector<512xf32> to vector<512x1xf32>
    %eq3A_659 = vector.broadcast %broadcast_in_dim3A_658 : vector<512x1xf32> to vector<512x512xf32>
    %eq3A_660 = arith.cmpf oeq, %select_n3A_614, %eq3A_659 : vector<512x512xf32>
    %jit3A_661 = arith.constant 8.99999948E+9 : f32
    %broadcast_in_dim3A_662 = vector.broadcast %jit3A_661 : f32 to vector<512x512xf32>
    %select_n3A_663 = arith.select %eq3A_660, %get3A_238, %broadcast_in_dim3A_662 : vector<512x512xi1>, vector<512x512xf32>
    %reduce_min3A_664 = arith.constant dense<0x7F800000> : vector<512xf32>
    %reduce_min3A_665 = vector.multi_reduction <minimumf>, %select_n3A_663, %reduce_min3A_664 [1] : vector<512x512xf32> to vector<512xf32>
    %broadcast_in_dim3A_666 = vector.shape_cast %reduce_min3A_665 : vector<512xf32> to vector<512x1xf32>
    %eq3A_667 = vector.broadcast %broadcast_in_dim3A_666 : vector<512x1xf32> to vector<512x512xf32>
    %eq3A_668 = arith.cmpf oeq, %get3A_238, %eq3A_667 : vector<512x512xf32>
    %jit3A_669 = arith.constant 1.000000e+10 : f32
    %broadcast_in_dim3A_670 = vector.broadcast %jit3A_669 : f32 to vector<512x512xf32>
    %select_n3A_671 = arith.select %eq3A_668, %broadcast_in_dim3A_670, %select_n3A_614 : vector<512x512xi1>, vector<512x512xf32>
    %jit3A_672 = arith.constant 1.000000e+00 : f32
    %jit3A_673 = arith.constant 0.000000e+00 : f32
    %broadcast_in_dim3A_674 = vector.broadcast %jit3A_672 : f32 to vector<512x512xf32>
    %broadcast_in_dim3A_675 = vector.broadcast %jit3A_673 : f32 to vector<512x512xf32>
    %select_n3A_676 = arith.select %eq3A_668, %broadcast_in_dim3A_674, %broadcast_in_dim3A_675 : vector<512x512xi1>, vector<512x512xf32>
    %convert_element_type3A_677 = arith.truncf %select_n3A_676 : vector<512x512xf32> to vector<512x512xbf16>
    %dot_general3A_678 = arith.constant dense<0.000000e+00> : vector<512x192xf32>
    %dot_general3A_679 = tpu.matmul %convert_element_type3A_677, %convert_element_type3A_579, %dot_general3A_678 {dimension_numbers = #tpu.dot_dimension_numbers<[1], [0], [0], [1], [0, 0, 1, 1], [], []>, transpose_lhs_hint = false} : vector<512x512xbf16>, vector<512x192xbf16>, vector<512x192xf32> -> vector<512x192xf32>
    %dot_general3A_680 = arith.constant dense<0.000000e+00> : vector<512x192xf32>
    %dot_general3A_681 = tpu.matmul %convert_element_type3A_677, %convert_element_type3A_582, %dot_general3A_680 {dimension_numbers = #tpu.dot_dimension_numbers<[1], [0], [0], [1], [0, 0, 1, 1], [], []>, transpose_lhs_hint = false} : vector<512x512xbf16>, vector<512x192xbf16>, vector<512x192xf32> -> vector<512x192xf32>
    %add3A_682 = arith.addf %dot_general3A_679, %dot_general3A_681 : vector<512x192xf32>
    %dot_general3A_683 = arith.constant dense<0.000000e+00> : vector<512x192xf32>
    %dot_general3A_684 = tpu.matmul %convert_element_type3A_677, %convert_element_type3A_585, %dot_general3A_683 {dimension_numbers = #tpu.dot_dimension_numbers<[1], [0], [0], [1], [0, 0, 1, 1], [], []>, transpose_lhs_hint = false} : vector<512x512xbf16>, vector<512x192xbf16>, vector<512x192xf32> -> vector<512x192xf32>
    %add3A_685 = arith.addf %add3A_682, %dot_general3A_684 : vector<512x192xf32>
    %sub3A_686 = arith.subf %add3A_685, %add3A_532 : vector<512x192xf32>
    %convert_element_type3A_687 = arith.truncf %sub3A_686 : vector<512x192xf32> to vector<512x192xbf16>
    %dot_general3A_688 = arith.constant dense<0.000000e+00> : vector<512x252xf32>
    %dot_general3A_689 = tpu.matmul %convert_element_type3A_687, %convert_element_type3A_595, %dot_general3A_688 {dimension_numbers = #tpu.dot_dimension_numbers<[1], [0], [0], [1], [0, 0, 1, 1], [], []>, transpose_lhs_hint = false} : vector<512x192xbf16>, vector<192x252xbf16>, vector<512x252xf32> -> vector<512x252xf32>
    %add3A_690 = arith.addf %dot_general3A_588, %dot_general3A_689 : vector<512x252xf32>
    %add3A_691 = vector.broadcast %get3A_591 : vector<1x252xf32> to vector<512x252xf32>
    %add3A_692 = arith.addf %add3A_690, %add3A_691 : vector<512x252xf32>
    %jit3A_693 = arith.constant 0.00999999977 : f32
    %ge3A_694 = arith.constant 0.000000e+00 : f32
    %ge3A_695 = vector.broadcast %ge3A_694 : f32 to vector<512x252xf32>
    %ge3A_696 = arith.cmpf oge, %add3A_692, %ge3A_695 : vector<512x252xf32>
    %mul3A_697 = vector.broadcast %jit3A_693 : f32 to vector<512x252xf32>
    %mul3A_698 = arith.mulf %mul3A_697, %add3A_692 : vector<512x252xf32>
    %select_n3A_699 = arith.select %ge3A_696, %add3A_692, %mul3A_698 : vector<512x252xi1>, vector<512x252xf32>
    %convert_element_type3A_700 = arith.truncf %select_n3A_699 : vector<512x252xf32> to vector<512x252xbf16>
    %dot_general3A_701 = arith.constant dense<0.000000e+00> : vector<512x192xf32>
    %dot_general3A_702 = tpu.matmul %convert_element_type3A_700, %convert_element_type3A_596, %dot_general3A_701 {dimension_numbers = #tpu.dot_dimension_numbers<[1], [0], [0], [1], [0, 0, 1, 1], [], []>, transpose_lhs_hint = false} : vector<512x252xbf16>, vector<252x192xbf16>, vector<512x192xf32> -> vector<512x192xf32>
    %add3A_703 = vector.broadcast %get3A_594 : vector<1x192xf32> to vector<512x192xf32>
    %add3A_704 = arith.addf %dot_general3A_702, %add3A_703 : vector<512x192xf32>
    %jit3A_705 = arith.constant 0.00999999977 : f32
    %ge3A_706 = arith.constant 0.000000e+00 : f32
    %ge3A_707 = vector.broadcast %ge3A_706 : f32 to vector<512x192xf32>
    %ge3A_708 = arith.cmpf oge, %add3A_704, %ge3A_707 : vector<512x192xf32>
    %mul3A_709 = vector.broadcast %jit3A_705 : f32 to vector<512x192xf32>
    %mul3A_710 = arith.mulf %mul3A_709, %add3A_704 : vector<512x192xf32>
    %select_n3A_711 = arith.select %ge3A_708, %add3A_704, %mul3A_710 : vector<512x192xi1>, vector<512x192xf32>
    %add3A_712 = arith.addf %add3A_655, %select_n3A_711 : vector<512x192xf32>
    %reduce_min3A_713 = arith.constant dense<0x7F800000> : vector<512xf32>
    %reduce_min3A_714 = vector.multi_reduction <minimumf>, %select_n3A_671, %reduce_min3A_713 [1] : vector<512x512xf32> to vector<512xf32>
    %broadcast_in_dim3A_715 = vector.shape_cast %reduce_min3A_714 : vector<512xf32> to vector<512x1xf32>
    %eq3A_716 = vector.broadcast %broadcast_in_dim3A_715 : vector<512x1xf32> to vector<512x512xf32>
    %eq3A_717 = arith.cmpf oeq, %select_n3A_671, %eq3A_716 : vector<512x512xf32>
    %jit3A_718 = arith.constant 8.99999948E+9 : f32
    %broadcast_in_dim3A_719 = vector.broadcast %jit3A_718 : f32 to vector<512x512xf32>
    %select_n3A_720 = arith.select %eq3A_717, %get3A_238, %broadcast_in_dim3A_719 : vector<512x512xi1>, vector<512x512xf32>
    %reduce_min3A_721 = arith.constant dense<0x7F800000> : vector<512xf32>
    %reduce_min3A_722 = vector.multi_reduction <minimumf>, %select_n3A_720, %reduce_min3A_721 [1] : vector<512x512xf32> to vector<512xf32>
    %broadcast_in_dim3A_723 = vector.shape_cast %reduce_min3A_722 : vector<512xf32> to vector<512x1xf32>
    %eq3A_724 = vector.broadcast %broadcast_in_dim3A_723 : vector<512x1xf32> to vector<512x512xf32>
    %eq3A_725 = arith.cmpf oeq, %get3A_238, %eq3A_724 : vector<512x512xf32>
    %jit3A_726 = arith.constant 1.000000e+10 : f32
    %broadcast_in_dim3A_727 = vector.broadcast %jit3A_726 : f32 to vector<512x512xf32>
    %select_n3A_728 = arith.select %eq3A_725, %broadcast_in_dim3A_727, %select_n3A_671 : vector<512x512xi1>, vector<512x512xf32>
    %jit3A_729 = arith.constant 1.000000e+00 : f32
    %jit3A_730 = arith.constant 0.000000e+00 : f32
    %broadcast_in_dim3A_731 = vector.broadcast %jit3A_729 : f32 to vector<512x512xf32>
    %broadcast_in_dim3A_732 = vector.broadcast %jit3A_730 : f32 to vector<512x512xf32>
    %select_n3A_733 = arith.select %eq3A_725, %broadcast_in_dim3A_731, %broadcast_in_dim3A_732 : vector<512x512xi1>, vector<512x512xf32>
    %convert_element_type3A_734 = arith.truncf %select_n3A_733 : vector<512x512xf32> to vector<512x512xbf16>
    %dot_general3A_735 = arith.constant dense<0.000000e+00> : vector<512x192xf32>
    %dot_general3A_736 = tpu.matmul %convert_element_type3A_734, %convert_element_type3A_579, %dot_general3A_735 {dimension_numbers = #tpu.dot_dimension_numbers<[1], [0], [0], [1], [0, 0, 1, 1], [], []>, transpose_lhs_hint = false} : vector<512x512xbf16>, vector<512x192xbf16>, vector<512x192xf32> -> vector<512x192xf32>
    %dot_general3A_737 = arith.constant dense<0.000000e+00> : vector<512x192xf32>
    %dot_general3A_738 = tpu.matmul %convert_element_type3A_734, %convert_element_type3A_582, %dot_general3A_737 {dimension_numbers = #tpu.dot_dimension_numbers<[1], [0], [0], [1], [0, 0, 1, 1], [], []>, transpose_lhs_hint = false} : vector<512x512xbf16>, vector<512x192xbf16>, vector<512x192xf32> -> vector<512x192xf32>
    %add3A_739 = arith.addf %dot_general3A_736, %dot_general3A_738 : vector<512x192xf32>
    %dot_general3A_740 = arith.constant dense<0.000000e+00> : vector<512x192xf32>
    %dot_general3A_741 = tpu.matmul %convert_element_type3A_734, %convert_element_type3A_585, %dot_general3A_740 {dimension_numbers = #tpu.dot_dimension_numbers<[1], [0], [0], [1], [0, 0, 1, 1], [], []>, transpose_lhs_hint = false} : vector<512x512xbf16>, vector<512x192xbf16>, vector<512x192xf32> -> vector<512x192xf32>
    %add3A_742 = arith.addf %add3A_739, %dot_general3A_741 : vector<512x192xf32>
    %sub3A_743 = arith.subf %add3A_742, %add3A_532 : vector<512x192xf32>
    %convert_element_type3A_744 = arith.truncf %sub3A_743 : vector<512x192xf32> to vector<512x192xbf16>
    %dot_general3A_745 = arith.constant dense<0.000000e+00> : vector<512x252xf32>
    %dot_general3A_746 = tpu.matmul %convert_element_type3A_744, %convert_element_type3A_595, %dot_general3A_745 {dimension_numbers = #tpu.dot_dimension_numbers<[1], [0], [0], [1], [0, 0, 1, 1], [], []>, transpose_lhs_hint = false} : vector<512x192xbf16>, vector<192x252xbf16>, vector<512x252xf32> -> vector<512x252xf32>
    %add3A_747 = arith.addf %dot_general3A_588, %dot_general3A_746 : vector<512x252xf32>
    %add3A_748 = vector.broadcast %get3A_591 : vector<1x252xf32> to vector<512x252xf32>
    %add3A_749 = arith.addf %add3A_747, %add3A_748 : vector<512x252xf32>
    %jit3A_750 = arith.constant 0.00999999977 : f32
    %ge3A_751 = arith.constant 0.000000e+00 : f32
    %ge3A_752 = vector.broadcast %ge3A_751 : f32 to vector<512x252xf32>
    %ge3A_753 = arith.cmpf oge, %add3A_749, %ge3A_752 : vector<512x252xf32>
    %mul3A_754 = vector.broadcast %jit3A_750 : f32 to vector<512x252xf32>
    %mul3A_755 = arith.mulf %mul3A_754, %add3A_749 : vector<512x252xf32>
    %select_n3A_756 = arith.select %ge3A_753, %add3A_749, %mul3A_755 : vector<512x252xi1>, vector<512x252xf32>
    %convert_element_type3A_757 = arith.truncf %select_n3A_756 : vector<512x252xf32> to vector<512x252xbf16>
    %dot_general3A_758 = arith.constant dense<0.000000e+00> : vector<512x192xf32>
    %dot_general3A_759 = tpu.matmul %convert_element_type3A_757, %convert_element_type3A_596, %dot_general3A_758 {dimension_numbers = #tpu.dot_dimension_numbers<[1], [0], [0], [1], [0, 0, 1, 1], [], []>, transpose_lhs_hint = false} : vector<512x252xbf16>, vector<252x192xbf16>, vector<512x192xf32> -> vector<512x192xf32>
    %add3A_760 = vector.broadcast %get3A_594 : vector<1x192xf32> to vector<512x192xf32>
    %add3A_761 = arith.addf %dot_general3A_759, %add3A_760 : vector<512x192xf32>
    %jit3A_762 = arith.constant 0.00999999977 : f32
    %ge3A_763 = arith.constant 0.000000e+00 : f32
    %ge3A_764 = vector.broadcast %ge3A_763 : f32 to vector<512x192xf32>
    %ge3A_765 = arith.cmpf oge, %add3A_761, %ge3A_764 : vector<512x192xf32>
    %mul3A_766 = vector.broadcast %jit3A_762 : f32 to vector<512x192xf32>
    %mul3A_767 = arith.mulf %mul3A_766, %add3A_761 : vector<512x192xf32>
    %select_n3A_768 = arith.select %ge3A_765, %add3A_761, %mul3A_767 : vector<512x192xi1>, vector<512x192xf32>
    %add3A_769 = arith.addf %add3A_712, %select_n3A_768 : vector<512x192xf32>
    %reduce_min3A_770 = arith.constant dense<0x7F800000> : vector<512xf32>
    %reduce_min3A_771 = vector.multi_reduction <minimumf>, %select_n3A_728, %reduce_min3A_770 [1] : vector<512x512xf32> to vector<512xf32>
    %broadcast_in_dim3A_772 = vector.shape_cast %reduce_min3A_771 : vector<512xf32> to vector<512x1xf32>
    %eq3A_773 = vector.broadcast %broadcast_in_dim3A_772 : vector<512x1xf32> to vector<512x512xf32>
    %eq3A_774 = arith.cmpf oeq, %select_n3A_728, %eq3A_773 : vector<512x512xf32>
    %jit3A_775 = arith.constant 8.99999948E+9 : f32
    %broadcast_in_dim3A_776 = vector.broadcast %jit3A_775 : f32 to vector<512x512xf32>
    %select_n3A_777 = arith.select %eq3A_774, %get3A_238, %broadcast_in_dim3A_776 : vector<512x512xi1>, vector<512x512xf32>
    %reduce_min3A_778 = arith.constant dense<0x7F800000> : vector<512xf32>
    %reduce_min3A_779 = vector.multi_reduction <minimumf>, %select_n3A_777, %reduce_min3A_778 [1] : vector<512x512xf32> to vector<512xf32>
    %broadcast_in_dim3A_780 = vector.shape_cast %reduce_min3A_779 : vector<512xf32> to vector<512x1xf32>
    %eq3A_781 = vector.broadcast %broadcast_in_dim3A_780 : vector<512x1xf32> to vector<512x512xf32>
    %eq3A_782 = arith.cmpf oeq, %get3A_238, %eq3A_781 : vector<512x512xf32>
    %jit3A_783 = arith.constant 1.000000e+00 : f32
    %jit3A_784 = arith.constant 0.000000e+00 : f32
    %broadcast_in_dim3A_785 = vector.broadcast %jit3A_783 : f32 to vector<512x512xf32>
    %broadcast_in_dim3A_786 = vector.broadcast %jit3A_784 : f32 to vector<512x512xf32>
    %select_n3A_787 = arith.select %eq3A_782, %broadcast_in_dim3A_785, %broadcast_in_dim3A_786 : vector<512x512xi1>, vector<512x512xf32>
    %convert_element_type3A_788 = arith.truncf %select_n3A_787 : vector<512x512xf32> to vector<512x512xbf16>
    %dot_general3A_789 = arith.constant dense<0.000000e+00> : vector<512x192xf32>
    %dot_general3A_790 = tpu.matmul %convert_element_type3A_788, %convert_element_type3A_579, %dot_general3A_789 {dimension_numbers = #tpu.dot_dimension_numbers<[1], [0], [0], [1], [0, 0, 1, 1], [], []>, transpose_lhs_hint = false} : vector<512x512xbf16>, vector<512x192xbf16>, vector<512x192xf32> -> vector<512x192xf32>
    %dot_general3A_791 = arith.constant dense<0.000000e+00> : vector<512x192xf32>
    %dot_general3A_792 = tpu.matmul %convert_element_type3A_788, %convert_element_type3A_582, %dot_general3A_791 {dimension_numbers = #tpu.dot_dimension_numbers<[1], [0], [0], [1], [0, 0, 1, 1], [], []>, transpose_lhs_hint = false} : vector<512x512xbf16>, vector<512x192xbf16>, vector<512x192xf32> -> vector<512x192xf32>
    %add3A_793 = arith.addf %dot_general3A_790, %dot_general3A_792 : vector<512x192xf32>
    %dot_general3A_794 = arith.constant dense<0.000000e+00> : vector<512x192xf32>
    %dot_general3A_795 = tpu.matmul %convert_element_type3A_788, %convert_element_type3A_585, %dot_general3A_794 {dimension_numbers = #tpu.dot_dimension_numbers<[1], [0], [0], [1], [0, 0, 1, 1], [], []>, transpose_lhs_hint = false} : vector<512x512xbf16>, vector<512x192xbf16>, vector<512x192xf32> -> vector<512x192xf32>
    %add3A_796 = arith.addf %add3A_793, %dot_general3A_795 : vector<512x192xf32>
    %sub3A_797 = arith.subf %add3A_796, %add3A_532 : vector<512x192xf32>
    %convert_element_type3A_798 = arith.truncf %sub3A_797 : vector<512x192xf32> to vector<512x192xbf16>
    %dot_general3A_799 = arith.constant dense<0.000000e+00> : vector<512x252xf32>
    %dot_general3A_800 = tpu.matmul %convert_element_type3A_798, %convert_element_type3A_595, %dot_general3A_799 {dimension_numbers = #tpu.dot_dimension_numbers<[1], [0], [0], [1], [0, 0, 1, 1], [], []>, transpose_lhs_hint = false} : vector<512x192xbf16>, vector<192x252xbf16>, vector<512x252xf32> -> vector<512x252xf32>
    %add3A_801 = arith.addf %dot_general3A_588, %dot_general3A_800 : vector<512x252xf32>
    %add3A_802 = vector.broadcast %get3A_591 : vector<1x252xf32> to vector<512x252xf32>
    %add3A_803 = arith.addf %add3A_801, %add3A_802 : vector<512x252xf32>
    %jit3A_804 = arith.constant 0.00999999977 : f32
    %ge3A_805 = arith.constant 0.000000e+00 : f32
    %ge3A_806 = vector.broadcast %ge3A_805 : f32 to vector<512x252xf32>
    %ge3A_807 = arith.cmpf oge, %add3A_803, %ge3A_806 : vector<512x252xf32>
    %mul3A_808 = vector.broadcast %jit3A_804 : f32 to vector<512x252xf32>
    %mul3A_809 = arith.mulf %mul3A_808, %add3A_803 : vector<512x252xf32>
    %select_n3A_810 = arith.select %ge3A_807, %add3A_803, %mul3A_809 : vector<512x252xi1>, vector<512x252xf32>
    %convert_element_type3A_811 = arith.truncf %select_n3A_810 : vector<512x252xf32> to vector<512x252xbf16>
    %dot_general3A_812 = arith.constant dense<0.000000e+00> : vector<512x192xf32>
    %dot_general3A_813 = tpu.matmul %convert_element_type3A_811, %convert_element_type3A_596, %dot_general3A_812 {dimension_numbers = #tpu.dot_dimension_numbers<[1], [0], [0], [1], [0, 0, 1, 1], [], []>, transpose_lhs_hint = false} : vector<512x252xbf16>, vector<252x192xbf16>, vector<512x192xf32> -> vector<512x192xf32>
    %add3A_814 = vector.broadcast %get3A_594 : vector<1x192xf32> to vector<512x192xf32>
    %add3A_815 = arith.addf %dot_general3A_813, %add3A_814 : vector<512x192xf32>
    %jit3A_816 = arith.constant 0.00999999977 : f32
    %ge3A_817 = arith.constant 0.000000e+00 : f32
    %ge3A_818 = vector.broadcast %ge3A_817 : f32 to vector<512x192xf32>
    %ge3A_819 = arith.cmpf oge, %add3A_815, %ge3A_818 : vector<512x192xf32>
    %mul3A_820 = vector.broadcast %jit3A_816 : f32 to vector<512x192xf32>
    %mul3A_821 = arith.mulf %mul3A_820, %add3A_815 : vector<512x192xf32>
    %select_n3A_822 = arith.select %ge3A_819, %add3A_815, %mul3A_821 : vector<512x192xi1>, vector<512x192xf32>
    %add3A_823 = arith.addf %add3A_769, %select_n3A_822 : vector<512x192xf32>
    %slice3A_824 = vector.extract_strided_slice %add3A_823 {offsets = [0, 0], sizes = [512, 3], strides = [1, 1]} : vector<512x192xf32> to vector<512x3xf32>
    %convert_element_type3A_825 = arith.truncf %slice3A_824 : vector<512x3xf32> to vector<512x3xbf16>
    %convert_element_type3A_826 = arith.extf %convert_element_type3A_825 : vector<512x3xbf16> to vector<512x3xf32>
    %sub3A_827 = arith.subf %slice3A_824, %convert_element_type3A_826 : vector<512x3xf32>
    %convert_element_type3A_828 = arith.truncf %sub3A_827 : vector<512x3xf32> to vector<512x3xbf16>
    %convert_element_type3A_829 = arith.extf %convert_element_type3A_828 : vector<512x3xbf16> to vector<512x3xf32>
    %sub3A_830 = arith.subf %sub3A_827, %convert_element_type3A_829 : vector<512x3xf32>
    %convert_element_type3A_831 = arith.truncf %sub3A_830 : vector<512x3xf32> to vector<512x3xbf16>
    %dot_general3A_832 = arith.constant dense<0.000000e+00> : vector<3x512xf32>
    %dot_general3A_833 = tpu.matmul %convert_element_type3A_825, %get3A_235, %dot_general3A_832 {dimension_numbers = #tpu.dot_dimension_numbers<[0], [0], [1], [1], [0, 1, 1, 1], [], []>, transpose_lhs_hint = false} : vector<512x3xbf16>, vector<512x512xbf16>, vector<3x512xf32> -> vector<3x512xf32>
    %dot_general3A_834 = arith.constant dense<0.000000e+00> : vector<3x512xf32>
    %dot_general3A_835 = tpu.matmul %convert_element_type3A_828, %get3A_235, %dot_general3A_834 {dimension_numbers = #tpu.dot_dimension_numbers<[0], [0], [1], [1], [0, 1, 1, 1], [], []>, transpose_lhs_hint = false} : vector<512x3xbf16>, vector<512x512xbf16>, vector<3x512xf32> -> vector<3x512xf32>
    %add3A_836 = arith.addf %dot_general3A_833, %dot_general3A_835 : vector<3x512xf32>
    %dot_general3A_837 = arith.constant dense<0.000000e+00> : vector<3x512xf32>
    %dot_general3A_838 = tpu.matmul %convert_element_type3A_831, %get3A_235, %dot_general3A_837 {dimension_numbers = #tpu.dot_dimension_numbers<[0], [0], [1], [1], [0, 1, 1, 1], [], []>, transpose_lhs_hint = false} : vector<512x3xbf16>, vector<512x512xbf16>, vector<3x512xf32> -> vector<3x512xf32>
    %add3A_839 = arith.addf %add3A_836, %dot_general3A_838 : vector<3x512xf32>
    %slice3A_840 = vector.extract_strided_slice %add3A_823 {offsets = [0, 0], sizes = [512, 1], strides = [1, 1]} : vector<512x192xf32> to vector<512x1xf32>
    %slice3A_841 = vector.extract_strided_slice %add3A_839 {offsets = [0, 0], sizes = [1, 512], strides = [1, 1]} : vector<3x512xf32> to vector<1x512xf32>
    %sub3A_842 = vector.broadcast %slice3A_840 : vector<512x1xf32> to vector<512x512xf32>
    %sub3A_843 = vector.broadcast %slice3A_841 : vector<1x512xf32> to vector<512x512xf32>
    %sub3A_844 = arith.subf %sub3A_842, %sub3A_843 : vector<512x512xf32>
    %slice3A_845 = vector.extract_strided_slice %add3A_823 {offsets = [0, 1], sizes = [512, 1], strides = [1, 1]} : vector<512x192xf32> to vector<512x1xf32>
    %slice3A_846 = vector.extract_strided_slice %add3A_839 {offsets = [1, 0], sizes = [1, 512], strides = [1, 1]} : vector<3x512xf32> to vector<1x512xf32>
    %sub3A_847 = vector.broadcast %slice3A_845 : vector<512x1xf32> to vector<512x512xf32>
    %sub3A_848 = vector.broadcast %slice3A_846 : vector<1x512xf32> to vector<512x512xf32>
    %sub3A_849 = arith.subf %sub3A_847, %sub3A_848 : vector<512x512xf32>
    %slice3A_850 = vector.extract_strided_slice %add3A_823 {offsets = [0, 2], sizes = [512, 1], strides = [1, 1]} : vector<512x192xf32> to vector<512x1xf32>
    %slice3A_851 = vector.extract_strided_slice %add3A_839 {offsets = [2, 0], sizes = [1, 512], strides = [1, 1]} : vector<3x512xf32> to vector<1x512xf32>
    %sub3A_852 = vector.broadcast %slice3A_850 : vector<512x1xf32> to vector<512x512xf32>
    %sub3A_853 = vector.broadcast %slice3A_851 : vector<1x512xf32> to vector<512x512xf32>
    %sub3A_854 = arith.subf %sub3A_852, %sub3A_853 : vector<512x512xf32>
    %mul3A_855 = arith.mulf %sub3A_844, %sub3A_844 : vector<512x512xf32>
    %mul3A_856 = arith.mulf %sub3A_849, %sub3A_849 : vector<512x512xf32>
    %add3A_857 = arith.addf %mul3A_855, %mul3A_856 : vector<512x512xf32>
    %mul3A_858 = arith.mulf %sub3A_854, %sub3A_854 : vector<512x512xf32>
    %add3A_859 = arith.addf %add3A_857, %mul3A_858 : vector<512x512xf32>
    %add3A_860 = arith.addf %add3A_859, %get3A_241 : vector<512x512xf32>
    %get3A_861 = arith.constant 0 : index
    %get3A_862 = arith.constant 0 : index
    %get3A_863 = vector.load %arg22[%get3A_861, %get3A_862] : memref<192x252xf32, #tpu.memory_space<vmem>>, vector<192x252xf32>
    %get3A_864 = arith.constant 0 : index
    %get3A_865 = arith.constant 0 : index
    %get3A_866 = vector.load %arg23[%get3A_864, %get3A_865] : memref<192x252xf32, #tpu.memory_space<vmem>>, vector<192x252xf32>
    %get3A_867 = arith.constant 0 : index
    %get3A_868 = arith.constant 0 : index
    %get3A_869 = vector.load %arg24[%get3A_867, %get3A_868] : memref<252x192xf32, #tpu.memory_space<vmem>>, vector<252x192xf32>
    %convert_element_type3A_870 = arith.truncf %add3A_823 : vector<512x192xf32> to vector<512x192xbf16>
    %convert_element_type3A_871 = arith.extf %convert_element_type3A_870 : vector<512x192xbf16> to vector<512x192xf32>
    %sub3A_872 = arith.subf %add3A_823, %convert_element_type3A_871 : vector<512x192xf32>
    %convert_element_type3A_873 = arith.truncf %sub3A_872 : vector<512x192xf32> to vector<512x192xbf16>
    %convert_element_type3A_874 = arith.extf %convert_element_type3A_873 : vector<512x192xbf16> to vector<512x192xf32>
    %sub3A_875 = arith.subf %sub3A_872, %convert_element_type3A_874 : vector<512x192xf32>
    %convert_element_type3A_876 = arith.truncf %sub3A_875 : vector<512x192xf32> to vector<512x192xbf16>
    %convert_element_type3A_877 = arith.truncf %get3A_863 : vector<192x252xf32> to vector<192x252xbf16>
    %dot_general3A_878 = arith.constant dense<0.000000e+00> : vector<512x252xf32>
    %dot_general3A_879 = tpu.matmul %convert_element_type3A_870, %convert_element_type3A_877, %dot_general3A_878 {dimension_numbers = #tpu.dot_dimension_numbers<[1], [0], [0], [1], [0, 0, 1, 1], [], []>, transpose_lhs_hint = false} : vector<512x192xbf16>, vector<192x252xbf16>, vector<512x252xf32> -> vector<512x252xf32>
    %get3A_880 = arith.constant 0 : index
    %get3A_881 = arith.constant 0 : index
    %get3A_882 = vector.load %arg25[%get3A_880, %get3A_881] : memref<1x252xf32, #tpu.memory_space<vmem>>, vector<1x252xf32>
    %get3A_883 = arith.constant 0 : index
    %get3A_884 = arith.constant 0 : index
    %get3A_885 = vector.load %arg26[%get3A_883, %get3A_884] : memref<1x192xf32, #tpu.memory_space<vmem>>, vector<1x192xf32>
    %convert_element_type3A_886 = arith.truncf %get3A_866 : vector<192x252xf32> to vector<192x252xbf16>
    %convert_element_type3A_887 = arith.truncf %get3A_869 : vector<252x192xf32> to vector<252x192xbf16>
    %broadcast_in_dim3A_888 = arith.constant 0.000000e+00 : f32
    %broadcast_in_dim3A_889 = vector.broadcast %broadcast_in_dim3A_888 : f32 to vector<512x192xf32>
    %reduce_min3A_890 = arith.constant dense<0x7F800000> : vector<512xf32>
    %reduce_min3A_891 = vector.multi_reduction <minimumf>, %add3A_860, %reduce_min3A_890 [1] : vector<512x512xf32> to vector<512xf32>
    %broadcast_in_dim3A_892 = vector.shape_cast %reduce_min3A_891 : vector<512xf32> to vector<512x1xf32>
    %eq3A_893 = vector.broadcast %broadcast_in_dim3A_892 : vector<512x1xf32> to vector<512x512xf32>
    %eq3A_894 = arith.cmpf oeq, %add3A_860, %eq3A_893 : vector<512x512xf32>
    %jit3A_895 = arith.constant 8.99999948E+9 : f32
    %broadcast_in_dim3A_896 = vector.broadcast %jit3A_895 : f32 to vector<512x512xf32>
    %select_n3A_897 = arith.select %eq3A_894, %get3A_238, %broadcast_in_dim3A_896 : vector<512x512xi1>, vector<512x512xf32>
    %reduce_min3A_898 = arith.constant dense<0x7F800000> : vector<512xf32>
    %reduce_min3A_899 = vector.multi_reduction <minimumf>, %select_n3A_897, %reduce_min3A_898 [1] : vector<512x512xf32> to vector<512xf32>
    %broadcast_in_dim3A_900 = vector.shape_cast %reduce_min3A_899 : vector<512xf32> to vector<512x1xf32>
    %eq3A_901 = vector.broadcast %broadcast_in_dim3A_900 : vector<512x1xf32> to vector<512x512xf32>
    %eq3A_902 = arith.cmpf oeq, %get3A_238, %eq3A_901 : vector<512x512xf32>
    %jit3A_903 = arith.constant 1.000000e+10 : f32
    %broadcast_in_dim3A_904 = vector.broadcast %jit3A_903 : f32 to vector<512x512xf32>
    %select_n3A_905 = arith.select %eq3A_902, %broadcast_in_dim3A_904, %add3A_860 : vector<512x512xi1>, vector<512x512xf32>
    %jit3A_906 = arith.constant 1.000000e+00 : f32
    %jit3A_907 = arith.constant 0.000000e+00 : f32
    %broadcast_in_dim3A_908 = vector.broadcast %jit3A_906 : f32 to vector<512x512xf32>
    %broadcast_in_dim3A_909 = vector.broadcast %jit3A_907 : f32 to vector<512x512xf32>
    %select_n3A_910 = arith.select %eq3A_902, %broadcast_in_dim3A_908, %broadcast_in_dim3A_909 : vector<512x512xi1>, vector<512x512xf32>
    %convert_element_type3A_911 = arith.truncf %select_n3A_910 : vector<512x512xf32> to vector<512x512xbf16>
    %dot_general3A_912 = arith.constant dense<0.000000e+00> : vector<512x192xf32>
    %dot_general3A_913 = tpu.matmul %convert_element_type3A_911, %convert_element_type3A_870, %dot_general3A_912 {dimension_numbers = #tpu.dot_dimension_numbers<[1], [0], [0], [1], [0, 0, 1, 1], [], []>, transpose_lhs_hint = false} : vector<512x512xbf16>, vector<512x192xbf16>, vector<512x192xf32> -> vector<512x192xf32>
    %dot_general3A_914 = arith.constant dense<0.000000e+00> : vector<512x192xf32>
    %dot_general3A_915 = tpu.matmul %convert_element_type3A_911, %convert_element_type3A_873, %dot_general3A_914 {dimension_numbers = #tpu.dot_dimension_numbers<[1], [0], [0], [1], [0, 0, 1, 1], [], []>, transpose_lhs_hint = false} : vector<512x512xbf16>, vector<512x192xbf16>, vector<512x192xf32> -> vector<512x192xf32>
    %add3A_916 = arith.addf %dot_general3A_913, %dot_general3A_915 : vector<512x192xf32>
    %dot_general3A_917 = arith.constant dense<0.000000e+00> : vector<512x192xf32>
    %dot_general3A_918 = tpu.matmul %convert_element_type3A_911, %convert_element_type3A_876, %dot_general3A_917 {dimension_numbers = #tpu.dot_dimension_numbers<[1], [0], [0], [1], [0, 0, 1, 1], [], []>, transpose_lhs_hint = false} : vector<512x512xbf16>, vector<512x192xbf16>, vector<512x192xf32> -> vector<512x192xf32>
    %add3A_919 = arith.addf %add3A_916, %dot_general3A_918 : vector<512x192xf32>
    %sub3A_920 = arith.subf %add3A_919, %add3A_823 : vector<512x192xf32>
    %convert_element_type3A_921 = arith.truncf %sub3A_920 : vector<512x192xf32> to vector<512x192xbf16>
    %dot_general3A_922 = arith.constant dense<0.000000e+00> : vector<512x252xf32>
    %dot_general3A_923 = tpu.matmul %convert_element_type3A_921, %convert_element_type3A_886, %dot_general3A_922 {dimension_numbers = #tpu.dot_dimension_numbers<[1], [0], [0], [1], [0, 0, 1, 1], [], []>, transpose_lhs_hint = false} : vector<512x192xbf16>, vector<192x252xbf16>, vector<512x252xf32> -> vector<512x252xf32>
    %add3A_924 = arith.addf %dot_general3A_879, %dot_general3A_923 : vector<512x252xf32>
    %add3A_925 = vector.broadcast %get3A_882 : vector<1x252xf32> to vector<512x252xf32>
    %add3A_926 = arith.addf %add3A_924, %add3A_925 : vector<512x252xf32>
    %jit3A_927 = arith.constant 0.00999999977 : f32
    %ge3A_928 = arith.constant 0.000000e+00 : f32
    %ge3A_929 = vector.broadcast %ge3A_928 : f32 to vector<512x252xf32>
    %ge3A_930 = arith.cmpf oge, %add3A_926, %ge3A_929 : vector<512x252xf32>
    %mul3A_931 = vector.broadcast %jit3A_927 : f32 to vector<512x252xf32>
    %mul3A_932 = arith.mulf %mul3A_931, %add3A_926 : vector<512x252xf32>
    %select_n3A_933 = arith.select %ge3A_930, %add3A_926, %mul3A_932 : vector<512x252xi1>, vector<512x252xf32>
    %convert_element_type3A_934 = arith.truncf %select_n3A_933 : vector<512x252xf32> to vector<512x252xbf16>
    %dot_general3A_935 = arith.constant dense<0.000000e+00> : vector<512x192xf32>
    %dot_general3A_936 = tpu.matmul %convert_element_type3A_934, %convert_element_type3A_887, %dot_general3A_935 {dimension_numbers = #tpu.dot_dimension_numbers<[1], [0], [0], [1], [0, 0, 1, 1], [], []>, transpose_lhs_hint = false} : vector<512x252xbf16>, vector<252x192xbf16>, vector<512x192xf32> -> vector<512x192xf32>
    %add3A_937 = vector.broadcast %get3A_885 : vector<1x192xf32> to vector<512x192xf32>
    %add3A_938 = arith.addf %dot_general3A_936, %add3A_937 : vector<512x192xf32>
    %jit3A_939 = arith.constant 0.00999999977 : f32
    %ge3A_940 = arith.constant 0.000000e+00 : f32
    %ge3A_941 = vector.broadcast %ge3A_940 : f32 to vector<512x192xf32>
    %ge3A_942 = arith.cmpf oge, %add3A_938, %ge3A_941 : vector<512x192xf32>
    %mul3A_943 = vector.broadcast %jit3A_939 : f32 to vector<512x192xf32>
    %mul3A_944 = arith.mulf %mul3A_943, %add3A_938 : vector<512x192xf32>
    %select_n3A_945 = arith.select %ge3A_942, %add3A_938, %mul3A_944 : vector<512x192xi1>, vector<512x192xf32>
    %add3A_946 = arith.addf %broadcast_in_dim3A_889, %select_n3A_945 : vector<512x192xf32>
    %reduce_min3A_947 = arith.constant dense<0x7F800000> : vector<512xf32>
    %reduce_min3A_948 = vector.multi_reduction <minimumf>, %select_n3A_905, %reduce_min3A_947 [1] : vector<512x512xf32> to vector<512xf32>
    %broadcast_in_dim3A_949 = vector.shape_cast %reduce_min3A_948 : vector<512xf32> to vector<512x1xf32>
    %eq3A_950 = vector.broadcast %broadcast_in_dim3A_949 : vector<512x1xf32> to vector<512x512xf32>
    %eq3A_951 = arith.cmpf oeq, %select_n3A_905, %eq3A_950 : vector<512x512xf32>
    %jit3A_952 = arith.constant 8.99999948E+9 : f32
    %broadcast_in_dim3A_953 = vector.broadcast %jit3A_952 : f32 to vector<512x512xf32>
    %select_n3A_954 = arith.select %eq3A_951, %get3A_238, %broadcast_in_dim3A_953 : vector<512x512xi1>, vector<512x512xf32>
    %reduce_min3A_955 = arith.constant dense<0x7F800000> : vector<512xf32>
    %reduce_min3A_956 = vector.multi_reduction <minimumf>, %select_n3A_954, %reduce_min3A_955 [1] : vector<512x512xf32> to vector<512xf32>
    %broadcast_in_dim3A_957 = vector.shape_cast %reduce_min3A_956 : vector<512xf32> to vector<512x1xf32>
    %eq3A_958 = vector.broadcast %broadcast_in_dim3A_957 : vector<512x1xf32> to vector<512x512xf32>
    %eq3A_959 = arith.cmpf oeq, %get3A_238, %eq3A_958 : vector<512x512xf32>
    %jit3A_960 = arith.constant 1.000000e+10 : f32
    %broadcast_in_dim3A_961 = vector.broadcast %jit3A_960 : f32 to vector<512x512xf32>
    %select_n3A_962 = arith.select %eq3A_959, %broadcast_in_dim3A_961, %select_n3A_905 : vector<512x512xi1>, vector<512x512xf32>
    %jit3A_963 = arith.constant 1.000000e+00 : f32
    %jit3A_964 = arith.constant 0.000000e+00 : f32
    %broadcast_in_dim3A_965 = vector.broadcast %jit3A_963 : f32 to vector<512x512xf32>
    %broadcast_in_dim3A_966 = vector.broadcast %jit3A_964 : f32 to vector<512x512xf32>
    %select_n3A_967 = arith.select %eq3A_959, %broadcast_in_dim3A_965, %broadcast_in_dim3A_966 : vector<512x512xi1>, vector<512x512xf32>
    %convert_element_type3A_968 = arith.truncf %select_n3A_967 : vector<512x512xf32> to vector<512x512xbf16>
    %dot_general3A_969 = arith.constant dense<0.000000e+00> : vector<512x192xf32>
    %dot_general3A_970 = tpu.matmul %convert_element_type3A_968, %convert_element_type3A_870, %dot_general3A_969 {dimension_numbers = #tpu.dot_dimension_numbers<[1], [0], [0], [1], [0, 0, 1, 1], [], []>, transpose_lhs_hint = false} : vector<512x512xbf16>, vector<512x192xbf16>, vector<512x192xf32> -> vector<512x192xf32>
    %dot_general3A_971 = arith.constant dense<0.000000e+00> : vector<512x192xf32>
    %dot_general3A_972 = tpu.matmul %convert_element_type3A_968, %convert_element_type3A_873, %dot_general3A_971 {dimension_numbers = #tpu.dot_dimension_numbers<[1], [0], [0], [1], [0, 0, 1, 1], [], []>, transpose_lhs_hint = false} : vector<512x512xbf16>, vector<512x192xbf16>, vector<512x192xf32> -> vector<512x192xf32>
    %add3A_973 = arith.addf %dot_general3A_970, %dot_general3A_972 : vector<512x192xf32>
    %dot_general3A_974 = arith.constant dense<0.000000e+00> : vector<512x192xf32>
    %dot_general3A_975 = tpu.matmul %convert_element_type3A_968, %convert_element_type3A_876, %dot_general3A_974 {dimension_numbers = #tpu.dot_dimension_numbers<[1], [0], [0], [1], [0, 0, 1, 1], [], []>, transpose_lhs_hint = false} : vector<512x512xbf16>, vector<512x192xbf16>, vector<512x192xf32> -> vector<512x192xf32>
    %add3A_976 = arith.addf %add3A_973, %dot_general3A_975 : vector<512x192xf32>
    %sub3A_977 = arith.subf %add3A_976, %add3A_823 : vector<512x192xf32>
    %convert_element_type3A_978 = arith.truncf %sub3A_977 : vector<512x192xf32> to vector<512x192xbf16>
    %dot_general3A_979 = arith.constant dense<0.000000e+00> : vector<512x252xf32>
    %dot_general3A_980 = tpu.matmul %convert_element_type3A_978, %convert_element_type3A_886, %dot_general3A_979 {dimension_numbers = #tpu.dot_dimension_numbers<[1], [0], [0], [1], [0, 0, 1, 1], [], []>, transpose_lhs_hint = false} : vector<512x192xbf16>, vector<192x252xbf16>, vector<512x252xf32> -> vector<512x252xf32>
    %add3A_981 = arith.addf %dot_general3A_879, %dot_general3A_980 : vector<512x252xf32>
    %add3A_982 = vector.broadcast %get3A_882 : vector<1x252xf32> to vector<512x252xf32>
    %add3A_983 = arith.addf %add3A_981, %add3A_982 : vector<512x252xf32>
    %jit3A_984 = arith.constant 0.00999999977 : f32
    %ge3A_985 = arith.constant 0.000000e+00 : f32
    %ge3A_986 = vector.broadcast %ge3A_985 : f32 to vector<512x252xf32>
    %ge3A_987 = arith.cmpf oge, %add3A_983, %ge3A_986 : vector<512x252xf32>
    %mul3A_988 = vector.broadcast %jit3A_984 : f32 to vector<512x252xf32>
    %mul3A_989 = arith.mulf %mul3A_988, %add3A_983 : vector<512x252xf32>
    %select_n3A_990 = arith.select %ge3A_987, %add3A_983, %mul3A_989 : vector<512x252xi1>, vector<512x252xf32>
    %convert_element_type3A_991 = arith.truncf %select_n3A_990 : vector<512x252xf32> to vector<512x252xbf16>
    %dot_general3A_992 = arith.constant dense<0.000000e+00> : vector<512x192xf32>
    %dot_general3A_993 = tpu.matmul %convert_element_type3A_991, %convert_element_type3A_887, %dot_general3A_992 {dimension_numbers = #tpu.dot_dimension_numbers<[1], [0], [0], [1], [0, 0, 1, 1], [], []>, transpose_lhs_hint = false} : vector<512x252xbf16>, vector<252x192xbf16>, vector<512x192xf32> -> vector<512x192xf32>
    %add3A_994 = vector.broadcast %get3A_885 : vector<1x192xf32> to vector<512x192xf32>
    %add3A_995 = arith.addf %dot_general3A_993, %add3A_994 : vector<512x192xf32>
    %jit3A_996 = arith.constant 0.00999999977 : f32
    %ge3A_997 = arith.constant 0.000000e+00 : f32
    %ge3A_998 = vector.broadcast %ge3A_997 : f32 to vector<512x192xf32>
    %ge3A_999 = arith.cmpf oge, %add3A_995, %ge3A_998 : vector<512x192xf32>
    %mul3A_1000 = vector.broadcast %jit3A_996 : f32 to vector<512x192xf32>
    %mul3A_1001 = arith.mulf %mul3A_1000, %add3A_995 : vector<512x192xf32>
    %select_n3A_1002 = arith.select %ge3A_999, %add3A_995, %mul3A_1001 : vector<512x192xi1>, vector<512x192xf32>
    %add3A_1003 = arith.addf %add3A_946, %select_n3A_1002 : vector<512x192xf32>
    %reduce_min3A_1004 = arith.constant dense<0x7F800000> : vector<512xf32>
    %reduce_min3A_1005 = vector.multi_reduction <minimumf>, %select_n3A_962, %reduce_min3A_1004 [1] : vector<512x512xf32> to vector<512xf32>
    %broadcast_in_dim3A_1006 = vector.shape_cast %reduce_min3A_1005 : vector<512xf32> to vector<512x1xf32>
    %eq3A_1007 = vector.broadcast %broadcast_in_dim3A_1006 : vector<512x1xf32> to vector<512x512xf32>
    %eq3A_1008 = arith.cmpf oeq, %select_n3A_962, %eq3A_1007 : vector<512x512xf32>
    %jit3A_1009 = arith.constant 8.99999948E+9 : f32
    %broadcast_in_dim3A_1010 = vector.broadcast %jit3A_1009 : f32 to vector<512x512xf32>
    %select_n3A_1011 = arith.select %eq3A_1008, %get3A_238, %broadcast_in_dim3A_1010 : vector<512x512xi1>, vector<512x512xf32>
    %reduce_min3A_1012 = arith.constant dense<0x7F800000> : vector<512xf32>
    %reduce_min3A_1013 = vector.multi_reduction <minimumf>, %select_n3A_1011, %reduce_min3A_1012 [1] : vector<512x512xf32> to vector<512xf32>
    %broadcast_in_dim3A_1014 = vector.shape_cast %reduce_min3A_1013 : vector<512xf32> to vector<512x1xf32>
    %eq3A_1015 = vector.broadcast %broadcast_in_dim3A_1014 : vector<512x1xf32> to vector<512x512xf32>
    %eq3A_1016 = arith.cmpf oeq, %get3A_238, %eq3A_1015 : vector<512x512xf32>
    %jit3A_1017 = arith.constant 1.000000e+10 : f32
    %broadcast_in_dim3A_1018 = vector.broadcast %jit3A_1017 : f32 to vector<512x512xf32>
    %select_n3A_1019 = arith.select %eq3A_1016, %broadcast_in_dim3A_1018, %select_n3A_962 : vector<512x512xi1>, vector<512x512xf32>
    %jit3A_1020 = arith.constant 1.000000e+00 : f32
    %jit3A_1021 = arith.constant 0.000000e+00 : f32
    %broadcast_in_dim3A_1022 = vector.broadcast %jit3A_1020 : f32 to vector<512x512xf32>
    %broadcast_in_dim3A_1023 = vector.broadcast %jit3A_1021 : f32 to vector<512x512xf32>
    %select_n3A_1024 = arith.select %eq3A_1016, %broadcast_in_dim3A_1022, %broadcast_in_dim3A_1023 : vector<512x512xi1>, vector<512x512xf32>
    %convert_element_type3A_1025 = arith.truncf %select_n3A_1024 : vector<512x512xf32> to vector<512x512xbf16>
    %dot_general3A_1026 = arith.constant dense<0.000000e+00> : vector<512x192xf32>
    %dot_general3A_1027 = tpu.matmul %convert_element_type3A_1025, %convert_element_type3A_870, %dot_general3A_1026 {dimension_numbers = #tpu.dot_dimension_numbers<[1], [0], [0], [1], [0, 0, 1, 1], [], []>, transpose_lhs_hint = false} : vector<512x512xbf16>, vector<512x192xbf16>, vector<512x192xf32> -> vector<512x192xf32>
    %dot_general3A_1028 = arith.constant dense<0.000000e+00> : vector<512x192xf32>
    %dot_general3A_1029 = tpu.matmul %convert_element_type3A_1025, %convert_element_type3A_873, %dot_general3A_1028 {dimension_numbers = #tpu.dot_dimension_numbers<[1], [0], [0], [1], [0, 0, 1, 1], [], []>, transpose_lhs_hint = false} : vector<512x512xbf16>, vector<512x192xbf16>, vector<512x192xf32> -> vector<512x192xf32>
    %add3A_1030 = arith.addf %dot_general3A_1027, %dot_general3A_1029 : vector<512x192xf32>
    %dot_general3A_1031 = arith.constant dense<0.000000e+00> : vector<512x192xf32>
    %dot_general3A_1032 = tpu.matmul %convert_element_type3A_1025, %convert_element_type3A_876, %dot_general3A_1031 {dimension_numbers = #tpu.dot_dimension_numbers<[1], [0], [0], [1], [0, 0, 1, 1], [], []>, transpose_lhs_hint = false} : vector<512x512xbf16>, vector<512x192xbf16>, vector<512x192xf32> -> vector<512x192xf32>
    %add3A_1033 = arith.addf %add3A_1030, %dot_general3A_1032 : vector<512x192xf32>
    %sub3A_1034 = arith.subf %add3A_1033, %add3A_823 : vector<512x192xf32>
    %convert_element_type3A_1035 = arith.truncf %sub3A_1034 : vector<512x192xf32> to vector<512x192xbf16>
    %dot_general3A_1036 = arith.constant dense<0.000000e+00> : vector<512x252xf32>
    %dot_general3A_1037 = tpu.matmul %convert_element_type3A_1035, %convert_element_type3A_886, %dot_general3A_1036 {dimension_numbers = #tpu.dot_dimension_numbers<[1], [0], [0], [1], [0, 0, 1, 1], [], []>, transpose_lhs_hint = false} : vector<512x192xbf16>, vector<192x252xbf16>, vector<512x252xf32> -> vector<512x252xf32>
    %add3A_1038 = arith.addf %dot_general3A_879, %dot_general3A_1037 : vector<512x252xf32>
    %add3A_1039 = vector.broadcast %get3A_882 : vector<1x252xf32> to vector<512x252xf32>
    %add3A_1040 = arith.addf %add3A_1038, %add3A_1039 : vector<512x252xf32>
    %jit3A_1041 = arith.constant 0.00999999977 : f32
    %ge3A_1042 = arith.constant 0.000000e+00 : f32
    %ge3A_1043 = vector.broadcast %ge3A_1042 : f32 to vector<512x252xf32>
    %ge3A_1044 = arith.cmpf oge, %add3A_1040, %ge3A_1043 : vector<512x252xf32>
    %mul3A_1045 = vector.broadcast %jit3A_1041 : f32 to vector<512x252xf32>
    %mul3A_1046 = arith.mulf %mul3A_1045, %add3A_1040 : vector<512x252xf32>
    %select_n3A_1047 = arith.select %ge3A_1044, %add3A_1040, %mul3A_1046 : vector<512x252xi1>, vector<512x252xf32>
    %convert_element_type3A_1048 = arith.truncf %select_n3A_1047 : vector<512x252xf32> to vector<512x252xbf16>
    %dot_general3A_1049 = arith.constant dense<0.000000e+00> : vector<512x192xf32>
    %dot_general3A_1050 = tpu.matmul %convert_element_type3A_1048, %convert_element_type3A_887, %dot_general3A_1049 {dimension_numbers = #tpu.dot_dimension_numbers<[1], [0], [0], [1], [0, 0, 1, 1], [], []>, transpose_lhs_hint = false} : vector<512x252xbf16>, vector<252x192xbf16>, vector<512x192xf32> -> vector<512x192xf32>
    %add3A_1051 = vector.broadcast %get3A_885 : vector<1x192xf32> to vector<512x192xf32>
    %add3A_1052 = arith.addf %dot_general3A_1050, %add3A_1051 : vector<512x192xf32>
    %jit3A_1053 = arith.constant 0.00999999977 : f32
    %ge3A_1054 = arith.constant 0.000000e+00 : f32
    %ge3A_1055 = vector.broadcast %ge3A_1054 : f32 to vector<512x192xf32>
    %ge3A_1056 = arith.cmpf oge, %add3A_1052, %ge3A_1055 : vector<512x192xf32>
    %mul3A_1057 = vector.broadcast %jit3A_1053 : f32 to vector<512x192xf32>
    %mul3A_1058 = arith.mulf %mul3A_1057, %add3A_1052 : vector<512x192xf32>
    %select_n3A_1059 = arith.select %ge3A_1056, %add3A_1052, %mul3A_1058 : vector<512x192xi1>, vector<512x192xf32>
    %add3A_1060 = arith.addf %add3A_1003, %select_n3A_1059 : vector<512x192xf32>
    %reduce_min3A_1061 = arith.constant dense<0x7F800000> : vector<512xf32>
    %reduce_min3A_1062 = vector.multi_reduction <minimumf>, %select_n3A_1019, %reduce_min3A_1061 [1] : vector<512x512xf32> to vector<512xf32>
    %broadcast_in_dim3A_1063 = vector.shape_cast %reduce_min3A_1062 : vector<512xf32> to vector<512x1xf32>
    %eq3A_1064 = vector.broadcast %broadcast_in_dim3A_1063 : vector<512x1xf32> to vector<512x512xf32>
    %eq3A_1065 = arith.cmpf oeq, %select_n3A_1019, %eq3A_1064 : vector<512x512xf32>
    %jit3A_1066 = arith.constant 8.99999948E+9 : f32
    %broadcast_in_dim3A_1067 = vector.broadcast %jit3A_1066 : f32 to vector<512x512xf32>
    %select_n3A_1068 = arith.select %eq3A_1065, %get3A_238, %broadcast_in_dim3A_1067 : vector<512x512xi1>, vector<512x512xf32>
    %reduce_min3A_1069 = arith.constant dense<0x7F800000> : vector<512xf32>
    %reduce_min3A_1070 = vector.multi_reduction <minimumf>, %select_n3A_1068, %reduce_min3A_1069 [1] : vector<512x512xf32> to vector<512xf32>
    %broadcast_in_dim3A_1071 = vector.shape_cast %reduce_min3A_1070 : vector<512xf32> to vector<512x1xf32>
    %eq3A_1072 = vector.broadcast %broadcast_in_dim3A_1071 : vector<512x1xf32> to vector<512x512xf32>
    %eq3A_1073 = arith.cmpf oeq, %get3A_238, %eq3A_1072 : vector<512x512xf32>
    %jit3A_1074 = arith.constant 1.000000e+00 : f32
    %jit3A_1075 = arith.constant 0.000000e+00 : f32
    %broadcast_in_dim3A_1076 = vector.broadcast %jit3A_1074 : f32 to vector<512x512xf32>
    %broadcast_in_dim3A_1077 = vector.broadcast %jit3A_1075 : f32 to vector<512x512xf32>
    %select_n3A_1078 = arith.select %eq3A_1073, %broadcast_in_dim3A_1076, %broadcast_in_dim3A_1077 : vector<512x512xi1>, vector<512x512xf32>
    %convert_element_type3A_1079 = arith.truncf %select_n3A_1078 : vector<512x512xf32> to vector<512x512xbf16>
    %dot_general3A_1080 = arith.constant dense<0.000000e+00> : vector<512x192xf32>
    %dot_general3A_1081 = tpu.matmul %convert_element_type3A_1079, %convert_element_type3A_870, %dot_general3A_1080 {dimension_numbers = #tpu.dot_dimension_numbers<[1], [0], [0], [1], [0, 0, 1, 1], [], []>, transpose_lhs_hint = false} : vector<512x512xbf16>, vector<512x192xbf16>, vector<512x192xf32> -> vector<512x192xf32>
    %dot_general3A_1082 = arith.constant dense<0.000000e+00> : vector<512x192xf32>
    %dot_general3A_1083 = tpu.matmul %convert_element_type3A_1079, %convert_element_type3A_873, %dot_general3A_1082 {dimension_numbers = #tpu.dot_dimension_numbers<[1], [0], [0], [1], [0, 0, 1, 1], [], []>, transpose_lhs_hint = false} : vector<512x512xbf16>, vector<512x192xbf16>, vector<512x192xf32> -> vector<512x192xf32>
    %add3A_1084 = arith.addf %dot_general3A_1081, %dot_general3A_1083 : vector<512x192xf32>
    %dot_general3A_1085 = arith.constant dense<0.000000e+00> : vector<512x192xf32>
    %dot_general3A_1086 = tpu.matmul %convert_element_type3A_1079, %convert_element_type3A_876, %dot_general3A_1085 {dimension_numbers = #tpu.dot_dimension_numbers<[1], [0], [0], [1], [0, 0, 1, 1], [], []>, transpose_lhs_hint = false} : vector<512x512xbf16>, vector<512x192xbf16>, vector<512x192xf32> -> vector<512x192xf32>
    %add3A_1087 = arith.addf %add3A_1084, %dot_general3A_1086 : vector<512x192xf32>
    %sub3A_1088 = arith.subf %add3A_1087, %add3A_823 : vector<512x192xf32>
    %convert_element_type3A_1089 = arith.truncf %sub3A_1088 : vector<512x192xf32> to vector<512x192xbf16>
    %dot_general3A_1090 = arith.constant dense<0.000000e+00> : vector<512x252xf32>
    %dot_general3A_1091 = tpu.matmul %convert_element_type3A_1089, %convert_element_type3A_886, %dot_general3A_1090 {dimension_numbers = #tpu.dot_dimension_numbers<[1], [0], [0], [1], [0, 0, 1, 1], [], []>, transpose_lhs_hint = false} : vector<512x192xbf16>, vector<192x252xbf16>, vector<512x252xf32> -> vector<512x252xf32>
    %add3A_1092 = arith.addf %dot_general3A_879, %dot_general3A_1091 : vector<512x252xf32>
    %add3A_1093 = vector.broadcast %get3A_882 : vector<1x252xf32> to vector<512x252xf32>
    %add3A_1094 = arith.addf %add3A_1092, %add3A_1093 : vector<512x252xf32>
    %jit3A_1095 = arith.constant 0.00999999977 : f32
    %ge3A_1096 = arith.constant 0.000000e+00 : f32
    %ge3A_1097 = vector.broadcast %ge3A_1096 : f32 to vector<512x252xf32>
    %ge3A_1098 = arith.cmpf oge, %add3A_1094, %ge3A_1097 : vector<512x252xf32>
    %mul3A_1099 = vector.broadcast %jit3A_1095 : f32 to vector<512x252xf32>
    %mul3A_1100 = arith.mulf %mul3A_1099, %add3A_1094 : vector<512x252xf32>
    %select_n3A_1101 = arith.select %ge3A_1098, %add3A_1094, %mul3A_1100 : vector<512x252xi1>, vector<512x252xf32>
    %convert_element_type3A_1102 = arith.truncf %select_n3A_1101 : vector<512x252xf32> to vector<512x252xbf16>
    %dot_general3A_1103 = arith.constant dense<0.000000e+00> : vector<512x192xf32>
    %dot_general3A_1104 = tpu.matmul %convert_element_type3A_1102, %convert_element_type3A_887, %dot_general3A_1103 {dimension_numbers = #tpu.dot_dimension_numbers<[1], [0], [0], [1], [0, 0, 1, 1], [], []>, transpose_lhs_hint = false} : vector<512x252xbf16>, vector<252x192xbf16>, vector<512x192xf32> -> vector<512x192xf32>
    %add3A_1105 = vector.broadcast %get3A_885 : vector<1x192xf32> to vector<512x192xf32>
    %add3A_1106 = arith.addf %dot_general3A_1104, %add3A_1105 : vector<512x192xf32>
    %jit3A_1107 = arith.constant 0.00999999977 : f32
    %ge3A_1108 = arith.constant 0.000000e+00 : f32
    %ge3A_1109 = vector.broadcast %ge3A_1108 : f32 to vector<512x192xf32>
    %ge3A_1110 = arith.cmpf oge, %add3A_1106, %ge3A_1109 : vector<512x192xf32>
    %mul3A_1111 = vector.broadcast %jit3A_1107 : f32 to vector<512x192xf32>
    %mul3A_1112 = arith.mulf %mul3A_1111, %add3A_1106 : vector<512x192xf32>
    %select_n3A_1113 = arith.select %ge3A_1110, %add3A_1106, %mul3A_1112 : vector<512x192xi1>, vector<512x192xf32>
    %add3A_1114 = arith.addf %add3A_1060, %select_n3A_1113 : vector<512x192xf32>
    %slice3A_1115 = vector.extract_strided_slice %add3A_1114 {offsets = [0, 0], sizes = [512, 3], strides = [1, 1]} : vector<512x192xf32> to vector<512x3xf32>
    %convert_element_type3A_1116 = arith.truncf %slice3A_1115 : vector<512x3xf32> to vector<512x3xbf16>
    %convert_element_type3A_1117 = arith.extf %convert_element_type3A_1116 : vector<512x3xbf16> to vector<512x3xf32>
    %sub3A_1118 = arith.subf %slice3A_1115, %convert_element_type3A_1117 : vector<512x3xf32>
    %convert_element_type3A_1119 = arith.truncf %sub3A_1118 : vector<512x3xf32> to vector<512x3xbf16>
    %convert_element_type3A_1120 = arith.extf %convert_element_type3A_1119 : vector<512x3xbf16> to vector<512x3xf32>
    %sub3A_1121 = arith.subf %sub3A_1118, %convert_element_type3A_1120 : vector<512x3xf32>
    %convert_element_type3A_1122 = arith.truncf %sub3A_1121 : vector<512x3xf32> to vector<512x3xbf16>
    %dot_general3A_1123 = arith.constant dense<0.000000e+00> : vector<3x512xf32>
    %dot_general3A_1124 = tpu.matmul %convert_element_type3A_1116, %get3A_235, %dot_general3A_1123 {dimension_numbers = #tpu.dot_dimension_numbers<[0], [0], [1], [1], [0, 1, 1, 1], [], []>, transpose_lhs_hint = false} : vector<512x3xbf16>, vector<512x512xbf16>, vector<3x512xf32> -> vector<3x512xf32>
    %dot_general3A_1125 = arith.constant dense<0.000000e+00> : vector<3x512xf32>
    %dot_general3A_1126 = tpu.matmul %convert_element_type3A_1119, %get3A_235, %dot_general3A_1125 {dimension_numbers = #tpu.dot_dimension_numbers<[0], [0], [1], [1], [0, 1, 1, 1], [], []>, transpose_lhs_hint = false} : vector<512x3xbf16>, vector<512x512xbf16>, vector<3x512xf32> -> vector<3x512xf32>
    %add3A_1127 = arith.addf %dot_general3A_1124, %dot_general3A_1126 : vector<3x512xf32>
    %dot_general3A_1128 = arith.constant dense<0.000000e+00> : vector<3x512xf32>
    %dot_general3A_1129 = tpu.matmul %convert_element_type3A_1122, %get3A_235, %dot_general3A_1128 {dimension_numbers = #tpu.dot_dimension_numbers<[0], [0], [1], [1], [0, 1, 1, 1], [], []>, transpose_lhs_hint = false} : vector<512x3xbf16>, vector<512x512xbf16>, vector<3x512xf32> -> vector<3x512xf32>
    %add3A_1130 = arith.addf %add3A_1127, %dot_general3A_1129 : vector<3x512xf32>
    %slice3A_1131 = vector.extract_strided_slice %add3A_1114 {offsets = [0, 0], sizes = [512, 1], strides = [1, 1]} : vector<512x192xf32> to vector<512x1xf32>
    %slice3A_1132 = vector.extract_strided_slice %add3A_1130 {offsets = [0, 0], sizes = [1, 512], strides = [1, 1]} : vector<3x512xf32> to vector<1x512xf32>
    %sub3A_1133 = vector.broadcast %slice3A_1131 : vector<512x1xf32> to vector<512x512xf32>
    %sub3A_1134 = vector.broadcast %slice3A_1132 : vector<1x512xf32> to vector<512x512xf32>
    %sub3A_1135 = arith.subf %sub3A_1133, %sub3A_1134 : vector<512x512xf32>
    %slice3A_1136 = vector.extract_strided_slice %add3A_1114 {offsets = [0, 1], sizes = [512, 1], strides = [1, 1]} : vector<512x192xf32> to vector<512x1xf32>
    %slice3A_1137 = vector.extract_strided_slice %add3A_1130 {offsets = [1, 0], sizes = [1, 512], strides = [1, 1]} : vector<3x512xf32> to vector<1x512xf32>
    %sub3A_1138 = vector.broadcast %slice3A_1136 : vector<512x1xf32> to vector<512x512xf32>
    %sub3A_1139 = vector.broadcast %slice3A_1137 : vector<1x512xf32> to vector<512x512xf32>
    %sub3A_1140 = arith.subf %sub3A_1138, %sub3A_1139 : vector<512x512xf32>
    %slice3A_1141 = vector.extract_strided_slice %add3A_1114 {offsets = [0, 2], sizes = [512, 1], strides = [1, 1]} : vector<512x192xf32> to vector<512x1xf32>
    %slice3A_1142 = vector.extract_strided_slice %add3A_1130 {offsets = [2, 0], sizes = [1, 512], strides = [1, 1]} : vector<3x512xf32> to vector<1x512xf32>
    %sub3A_1143 = vector.broadcast %slice3A_1141 : vector<512x1xf32> to vector<512x512xf32>
    %sub3A_1144 = vector.broadcast %slice3A_1142 : vector<1x512xf32> to vector<512x512xf32>
    %sub3A_1145 = arith.subf %sub3A_1143, %sub3A_1144 : vector<512x512xf32>
    %mul3A_1146 = arith.mulf %sub3A_1135, %sub3A_1135 : vector<512x512xf32>
    %mul3A_1147 = arith.mulf %sub3A_1140, %sub3A_1140 : vector<512x512xf32>
    %add3A_1148 = arith.addf %mul3A_1146, %mul3A_1147 : vector<512x512xf32>
    %mul3A_1149 = arith.mulf %sub3A_1145, %sub3A_1145 : vector<512x512xf32>
    %add3A_1150 = arith.addf %add3A_1148, %mul3A_1149 : vector<512x512xf32>
    %add3A_1151 = arith.addf %add3A_1150, %get3A_241 : vector<512x512xf32>
    %get3A_1152 = arith.constant 0 : index
    %get3A_1153 = arith.constant 0 : index
    %get3A_1154 = vector.load %arg27[%get3A_1152, %get3A_1153] : memref<192x252xf32, #tpu.memory_space<vmem>>, vector<192x252xf32>
    %get3A_1155 = arith.constant 0 : index
    %get3A_1156 = arith.constant 0 : index
    %get3A_1157 = vector.load %arg28[%get3A_1155, %get3A_1156] : memref<192x252xf32, #tpu.memory_space<vmem>>, vector<192x252xf32>
    %get3A_1158 = arith.constant 0 : index
    %get3A_1159 = arith.constant 0 : index
    %get3A_1160 = vector.load %arg29[%get3A_1158, %get3A_1159] : memref<252x192xf32, #tpu.memory_space<vmem>>, vector<252x192xf32>
    %convert_element_type3A_1161 = arith.truncf %add3A_1114 : vector<512x192xf32> to vector<512x192xbf16>
    %convert_element_type3A_1162 = arith.extf %convert_element_type3A_1161 : vector<512x192xbf16> to vector<512x192xf32>
    %sub3A_1163 = arith.subf %add3A_1114, %convert_element_type3A_1162 : vector<512x192xf32>
    %convert_element_type3A_1164 = arith.truncf %sub3A_1163 : vector<512x192xf32> to vector<512x192xbf16>
    %convert_element_type3A_1165 = arith.extf %convert_element_type3A_1164 : vector<512x192xbf16> to vector<512x192xf32>
    %sub3A_1166 = arith.subf %sub3A_1163, %convert_element_type3A_1165 : vector<512x192xf32>
    %convert_element_type3A_1167 = arith.truncf %sub3A_1166 : vector<512x192xf32> to vector<512x192xbf16>
    %convert_element_type3A_1168 = arith.truncf %get3A_1154 : vector<192x252xf32> to vector<192x252xbf16>
    %dot_general3A_1169 = arith.constant dense<0.000000e+00> : vector<512x252xf32>
    %dot_general3A_1170 = tpu.matmul %convert_element_type3A_1161, %convert_element_type3A_1168, %dot_general3A_1169 {dimension_numbers = #tpu.dot_dimension_numbers<[1], [0], [0], [1], [0, 0, 1, 1], [], []>, transpose_lhs_hint = false} : vector<512x192xbf16>, vector<192x252xbf16>, vector<512x252xf32> -> vector<512x252xf32>
    %get3A_1171 = arith.constant 0 : index
    %get3A_1172 = arith.constant 0 : index
    %get3A_1173 = vector.load %arg30[%get3A_1171, %get3A_1172] : memref<1x252xf32, #tpu.memory_space<vmem>>, vector<1x252xf32>
    %get3A_1174 = arith.constant 0 : index
    %get3A_1175 = arith.constant 0 : index
    %get3A_1176 = vector.load %arg31[%get3A_1174, %get3A_1175] : memref<1x192xf32, #tpu.memory_space<vmem>>, vector<1x192xf32>
    %convert_element_type3A_1177 = arith.truncf %get3A_1157 : vector<192x252xf32> to vector<192x252xbf16>
    %convert_element_type3A_1178 = arith.truncf %get3A_1160 : vector<252x192xf32> to vector<252x192xbf16>
    %broadcast_in_dim3A_1179 = arith.constant 0.000000e+00 : f32
    %broadcast_in_dim3A_1180 = vector.broadcast %broadcast_in_dim3A_1179 : f32 to vector<512x192xf32>
    %reduce_min3A_1181 = arith.constant dense<0x7F800000> : vector<512xf32>
    %reduce_min3A_1182 = vector.multi_reduction <minimumf>, %add3A_1151, %reduce_min3A_1181 [1] : vector<512x512xf32> to vector<512xf32>
    %broadcast_in_dim3A_1183 = vector.shape_cast %reduce_min3A_1182 : vector<512xf32> to vector<512x1xf32>
    %eq3A_1184 = vector.broadcast %broadcast_in_dim3A_1183 : vector<512x1xf32> to vector<512x512xf32>
    %eq3A_1185 = arith.cmpf oeq, %add3A_1151, %eq3A_1184 : vector<512x512xf32>
    %jit3A_1186 = arith.constant 8.99999948E+9 : f32
    %broadcast_in_dim3A_1187 = vector.broadcast %jit3A_1186 : f32 to vector<512x512xf32>
    %select_n3A_1188 = arith.select %eq3A_1185, %get3A_238, %broadcast_in_dim3A_1187 : vector<512x512xi1>, vector<512x512xf32>
    %reduce_min3A_1189 = arith.constant dense<0x7F800000> : vector<512xf32>
    %reduce_min3A_1190 = vector.multi_reduction <minimumf>, %select_n3A_1188, %reduce_min3A_1189 [1] : vector<512x512xf32> to vector<512xf32>
    %broadcast_in_dim3A_1191 = vector.shape_cast %reduce_min3A_1190 : vector<512xf32> to vector<512x1xf32>
    %eq3A_1192 = vector.broadcast %broadcast_in_dim3A_1191 : vector<512x1xf32> to vector<512x512xf32>
    %eq3A_1193 = arith.cmpf oeq, %get3A_238, %eq3A_1192 : vector<512x512xf32>
    %jit3A_1194 = arith.constant 1.000000e+10 : f32
    %broadcast_in_dim3A_1195 = vector.broadcast %jit3A_1194 : f32 to vector<512x512xf32>
    %select_n3A_1196 = arith.select %eq3A_1193, %broadcast_in_dim3A_1195, %add3A_1151 : vector<512x512xi1>, vector<512x512xf32>
    %jit3A_1197 = arith.constant 1.000000e+00 : f32
    %jit3A_1198 = arith.constant 0.000000e+00 : f32
    %broadcast_in_dim3A_1199 = vector.broadcast %jit3A_1197 : f32 to vector<512x512xf32>
    %broadcast_in_dim3A_1200 = vector.broadcast %jit3A_1198 : f32 to vector<512x512xf32>
    %select_n3A_1201 = arith.select %eq3A_1193, %broadcast_in_dim3A_1199, %broadcast_in_dim3A_1200 : vector<512x512xi1>, vector<512x512xf32>
    %convert_element_type3A_1202 = arith.truncf %select_n3A_1201 : vector<512x512xf32> to vector<512x512xbf16>
    %dot_general3A_1203 = arith.constant dense<0.000000e+00> : vector<512x192xf32>
    %dot_general3A_1204 = tpu.matmul %convert_element_type3A_1202, %convert_element_type3A_1161, %dot_general3A_1203 {dimension_numbers = #tpu.dot_dimension_numbers<[1], [0], [0], [1], [0, 0, 1, 1], [], []>, transpose_lhs_hint = false} : vector<512x512xbf16>, vector<512x192xbf16>, vector<512x192xf32> -> vector<512x192xf32>
    %dot_general3A_1205 = arith.constant dense<0.000000e+00> : vector<512x192xf32>
    %dot_general3A_1206 = tpu.matmul %convert_element_type3A_1202, %convert_element_type3A_1164, %dot_general3A_1205 {dimension_numbers = #tpu.dot_dimension_numbers<[1], [0], [0], [1], [0, 0, 1, 1], [], []>, transpose_lhs_hint = false} : vector<512x512xbf16>, vector<512x192xbf16>, vector<512x192xf32> -> vector<512x192xf32>
    %add3A_1207 = arith.addf %dot_general3A_1204, %dot_general3A_1206 : vector<512x192xf32>
    %dot_general3A_1208 = arith.constant dense<0.000000e+00> : vector<512x192xf32>
    %dot_general3A_1209 = tpu.matmul %convert_element_type3A_1202, %convert_element_type3A_1167, %dot_general3A_1208 {dimension_numbers = #tpu.dot_dimension_numbers<[1], [0], [0], [1], [0, 0, 1, 1], [], []>, transpose_lhs_hint = false} : vector<512x512xbf16>, vector<512x192xbf16>, vector<512x192xf32> -> vector<512x192xf32>
    %add3A_1210 = arith.addf %add3A_1207, %dot_general3A_1209 : vector<512x192xf32>
    %sub3A_1211 = arith.subf %add3A_1210, %add3A_1114 : vector<512x192xf32>
    %convert_element_type3A_1212 = arith.truncf %sub3A_1211 : vector<512x192xf32> to vector<512x192xbf16>
    %dot_general3A_1213 = arith.constant dense<0.000000e+00> : vector<512x252xf32>
    %dot_general3A_1214 = tpu.matmul %convert_element_type3A_1212, %convert_element_type3A_1177, %dot_general3A_1213 {dimension_numbers = #tpu.dot_dimension_numbers<[1], [0], [0], [1], [0, 0, 1, 1], [], []>, transpose_lhs_hint = false} : vector<512x192xbf16>, vector<192x252xbf16>, vector<512x252xf32> -> vector<512x252xf32>
    %add3A_1215 = arith.addf %dot_general3A_1170, %dot_general3A_1214 : vector<512x252xf32>
    %add3A_1216 = vector.broadcast %get3A_1173 : vector<1x252xf32> to vector<512x252xf32>
    %add3A_1217 = arith.addf %add3A_1215, %add3A_1216 : vector<512x252xf32>
    %jit3A_1218 = arith.constant 0.00999999977 : f32
    %ge3A_1219 = arith.constant 0.000000e+00 : f32
    %ge3A_1220 = vector.broadcast %ge3A_1219 : f32 to vector<512x252xf32>
    %ge3A_1221 = arith.cmpf oge, %add3A_1217, %ge3A_1220 : vector<512x252xf32>
    %mul3A_1222 = vector.broadcast %jit3A_1218 : f32 to vector<512x252xf32>
    %mul3A_1223 = arith.mulf %mul3A_1222, %add3A_1217 : vector<512x252xf32>
    %select_n3A_1224 = arith.select %ge3A_1221, %add3A_1217, %mul3A_1223 : vector<512x252xi1>, vector<512x252xf32>
    %convert_element_type3A_1225 = arith.truncf %select_n3A_1224 : vector<512x252xf32> to vector<512x252xbf16>
    %dot_general3A_1226 = arith.constant dense<0.000000e+00> : vector<512x192xf32>
    %dot_general3A_1227 = tpu.matmul %convert_element_type3A_1225, %convert_element_type3A_1178, %dot_general3A_1226 {dimension_numbers = #tpu.dot_dimension_numbers<[1], [0], [0], [1], [0, 0, 1, 1], [], []>, transpose_lhs_hint = false} : vector<512x252xbf16>, vector<252x192xbf16>, vector<512x192xf32> -> vector<512x192xf32>
    %add3A_1228 = vector.broadcast %get3A_1176 : vector<1x192xf32> to vector<512x192xf32>
    %add3A_1229 = arith.addf %dot_general3A_1227, %add3A_1228 : vector<512x192xf32>
    %jit3A_1230 = arith.constant 0.00999999977 : f32
    %ge3A_1231 = arith.constant 0.000000e+00 : f32
    %ge3A_1232 = vector.broadcast %ge3A_1231 : f32 to vector<512x192xf32>
    %ge3A_1233 = arith.cmpf oge, %add3A_1229, %ge3A_1232 : vector<512x192xf32>
    %mul3A_1234 = vector.broadcast %jit3A_1230 : f32 to vector<512x192xf32>
    %mul3A_1235 = arith.mulf %mul3A_1234, %add3A_1229 : vector<512x192xf32>
    %select_n3A_1236 = arith.select %ge3A_1233, %add3A_1229, %mul3A_1235 : vector<512x192xi1>, vector<512x192xf32>
    %add3A_1237 = arith.addf %broadcast_in_dim3A_1180, %select_n3A_1236 : vector<512x192xf32>
    %reduce_min3A_1238 = arith.constant dense<0x7F800000> : vector<512xf32>
    %reduce_min3A_1239 = vector.multi_reduction <minimumf>, %select_n3A_1196, %reduce_min3A_1238 [1] : vector<512x512xf32> to vector<512xf32>
    %broadcast_in_dim3A_1240 = vector.shape_cast %reduce_min3A_1239 : vector<512xf32> to vector<512x1xf32>
    %eq3A_1241 = vector.broadcast %broadcast_in_dim3A_1240 : vector<512x1xf32> to vector<512x512xf32>
    %eq3A_1242 = arith.cmpf oeq, %select_n3A_1196, %eq3A_1241 : vector<512x512xf32>
    %jit3A_1243 = arith.constant 8.99999948E+9 : f32
    %broadcast_in_dim3A_1244 = vector.broadcast %jit3A_1243 : f32 to vector<512x512xf32>
    %select_n3A_1245 = arith.select %eq3A_1242, %get3A_238, %broadcast_in_dim3A_1244 : vector<512x512xi1>, vector<512x512xf32>
    %reduce_min3A_1246 = arith.constant dense<0x7F800000> : vector<512xf32>
    %reduce_min3A_1247 = vector.multi_reduction <minimumf>, %select_n3A_1245, %reduce_min3A_1246 [1] : vector<512x512xf32> to vector<512xf32>
    %broadcast_in_dim3A_1248 = vector.shape_cast %reduce_min3A_1247 : vector<512xf32> to vector<512x1xf32>
    %eq3A_1249 = vector.broadcast %broadcast_in_dim3A_1248 : vector<512x1xf32> to vector<512x512xf32>
    %eq3A_1250 = arith.cmpf oeq, %get3A_238, %eq3A_1249 : vector<512x512xf32>
    %jit3A_1251 = arith.constant 1.000000e+10 : f32
    %broadcast_in_dim3A_1252 = vector.broadcast %jit3A_1251 : f32 to vector<512x512xf32>
    %select_n3A_1253 = arith.select %eq3A_1250, %broadcast_in_dim3A_1252, %select_n3A_1196 : vector<512x512xi1>, vector<512x512xf32>
    %jit3A_1254 = arith.constant 1.000000e+00 : f32
    %jit3A_1255 = arith.constant 0.000000e+00 : f32
    %broadcast_in_dim3A_1256 = vector.broadcast %jit3A_1254 : f32 to vector<512x512xf32>
    %broadcast_in_dim3A_1257 = vector.broadcast %jit3A_1255 : f32 to vector<512x512xf32>
    %select_n3A_1258 = arith.select %eq3A_1250, %broadcast_in_dim3A_1256, %broadcast_in_dim3A_1257 : vector<512x512xi1>, vector<512x512xf32>
    %convert_element_type3A_1259 = arith.truncf %select_n3A_1258 : vector<512x512xf32> to vector<512x512xbf16>
    %dot_general3A_1260 = arith.constant dense<0.000000e+00> : vector<512x192xf32>
    %dot_general3A_1261 = tpu.matmul %convert_element_type3A_1259, %convert_element_type3A_1161, %dot_general3A_1260 {dimension_numbers = #tpu.dot_dimension_numbers<[1], [0], [0], [1], [0, 0, 1, 1], [], []>, transpose_lhs_hint = false} : vector<512x512xbf16>, vector<512x192xbf16>, vector<512x192xf32> -> vector<512x192xf32>
    %dot_general3A_1262 = arith.constant dense<0.000000e+00> : vector<512x192xf32>
    %dot_general3A_1263 = tpu.matmul %convert_element_type3A_1259, %convert_element_type3A_1164, %dot_general3A_1262 {dimension_numbers = #tpu.dot_dimension_numbers<[1], [0], [0], [1], [0, 0, 1, 1], [], []>, transpose_lhs_hint = false} : vector<512x512xbf16>, vector<512x192xbf16>, vector<512x192xf32> -> vector<512x192xf32>
    %add3A_1264 = arith.addf %dot_general3A_1261, %dot_general3A_1263 : vector<512x192xf32>
    %dot_general3A_1265 = arith.constant dense<0.000000e+00> : vector<512x192xf32>
    %dot_general3A_1266 = tpu.matmul %convert_element_type3A_1259, %convert_element_type3A_1167, %dot_general3A_1265 {dimension_numbers = #tpu.dot_dimension_numbers<[1], [0], [0], [1], [0, 0, 1, 1], [], []>, transpose_lhs_hint = false} : vector<512x512xbf16>, vector<512x192xbf16>, vector<512x192xf32> -> vector<512x192xf32>
    %add3A_1267 = arith.addf %add3A_1264, %dot_general3A_1266 : vector<512x192xf32>
    %sub3A_1268 = arith.subf %add3A_1267, %add3A_1114 : vector<512x192xf32>
    %convert_element_type3A_1269 = arith.truncf %sub3A_1268 : vector<512x192xf32> to vector<512x192xbf16>
    %dot_general3A_1270 = arith.constant dense<0.000000e+00> : vector<512x252xf32>
    %dot_general3A_1271 = tpu.matmul %convert_element_type3A_1269, %convert_element_type3A_1177, %dot_general3A_1270 {dimension_numbers = #tpu.dot_dimension_numbers<[1], [0], [0], [1], [0, 0, 1, 1], [], []>, transpose_lhs_hint = false} : vector<512x192xbf16>, vector<192x252xbf16>, vector<512x252xf32> -> vector<512x252xf32>
    %add3A_1272 = arith.addf %dot_general3A_1170, %dot_general3A_1271 : vector<512x252xf32>
    %add3A_1273 = vector.broadcast %get3A_1173 : vector<1x252xf32> to vector<512x252xf32>
    %add3A_1274 = arith.addf %add3A_1272, %add3A_1273 : vector<512x252xf32>
    %jit3A_1275 = arith.constant 0.00999999977 : f32
    %ge3A_1276 = arith.constant 0.000000e+00 : f32
    %ge3A_1277 = vector.broadcast %ge3A_1276 : f32 to vector<512x252xf32>
    %ge3A_1278 = arith.cmpf oge, %add3A_1274, %ge3A_1277 : vector<512x252xf32>
    %mul3A_1279 = vector.broadcast %jit3A_1275 : f32 to vector<512x252xf32>
    %mul3A_1280 = arith.mulf %mul3A_1279, %add3A_1274 : vector<512x252xf32>
    %select_n3A_1281 = arith.select %ge3A_1278, %add3A_1274, %mul3A_1280 : vector<512x252xi1>, vector<512x252xf32>
    %convert_element_type3A_1282 = arith.truncf %select_n3A_1281 : vector<512x252xf32> to vector<512x252xbf16>
    %dot_general3A_1283 = arith.constant dense<0.000000e+00> : vector<512x192xf32>
    %dot_general3A_1284 = tpu.matmul %convert_element_type3A_1282, %convert_element_type3A_1178, %dot_general3A_1283 {dimension_numbers = #tpu.dot_dimension_numbers<[1], [0], [0], [1], [0, 0, 1, 1], [], []>, transpose_lhs_hint = false} : vector<512x252xbf16>, vector<252x192xbf16>, vector<512x192xf32> -> vector<512x192xf32>
    %add3A_1285 = vector.broadcast %get3A_1176 : vector<1x192xf32> to vector<512x192xf32>
    %add3A_1286 = arith.addf %dot_general3A_1284, %add3A_1285 : vector<512x192xf32>
    %jit3A_1287 = arith.constant 0.00999999977 : f32
    %ge3A_1288 = arith.constant 0.000000e+00 : f32
    %ge3A_1289 = vector.broadcast %ge3A_1288 : f32 to vector<512x192xf32>
    %ge3A_1290 = arith.cmpf oge, %add3A_1286, %ge3A_1289 : vector<512x192xf32>
    %mul3A_1291 = vector.broadcast %jit3A_1287 : f32 to vector<512x192xf32>
    %mul3A_1292 = arith.mulf %mul3A_1291, %add3A_1286 : vector<512x192xf32>
    %select_n3A_1293 = arith.select %ge3A_1290, %add3A_1286, %mul3A_1292 : vector<512x192xi1>, vector<512x192xf32>
    %add3A_1294 = arith.addf %add3A_1237, %select_n3A_1293 : vector<512x192xf32>
    %reduce_min3A_1295 = arith.constant dense<0x7F800000> : vector<512xf32>
    %reduce_min3A_1296 = vector.multi_reduction <minimumf>, %select_n3A_1253, %reduce_min3A_1295 [1] : vector<512x512xf32> to vector<512xf32>
    %broadcast_in_dim3A_1297 = vector.shape_cast %reduce_min3A_1296 : vector<512xf32> to vector<512x1xf32>
    %eq3A_1298 = vector.broadcast %broadcast_in_dim3A_1297 : vector<512x1xf32> to vector<512x512xf32>
    %eq3A_1299 = arith.cmpf oeq, %select_n3A_1253, %eq3A_1298 : vector<512x512xf32>
    %jit3A_1300 = arith.constant 8.99999948E+9 : f32
    %broadcast_in_dim3A_1301 = vector.broadcast %jit3A_1300 : f32 to vector<512x512xf32>
    %select_n3A_1302 = arith.select %eq3A_1299, %get3A_238, %broadcast_in_dim3A_1301 : vector<512x512xi1>, vector<512x512xf32>
    %reduce_min3A_1303 = arith.constant dense<0x7F800000> : vector<512xf32>
    %reduce_min3A_1304 = vector.multi_reduction <minimumf>, %select_n3A_1302, %reduce_min3A_1303 [1] : vector<512x512xf32> to vector<512xf32>
    %broadcast_in_dim3A_1305 = vector.shape_cast %reduce_min3A_1304 : vector<512xf32> to vector<512x1xf32>
    %eq3A_1306 = vector.broadcast %broadcast_in_dim3A_1305 : vector<512x1xf32> to vector<512x512xf32>
    %eq3A_1307 = arith.cmpf oeq, %get3A_238, %eq3A_1306 : vector<512x512xf32>
    %jit3A_1308 = arith.constant 1.000000e+10 : f32
    %broadcast_in_dim3A_1309 = vector.broadcast %jit3A_1308 : f32 to vector<512x512xf32>
    %select_n3A_1310 = arith.select %eq3A_1307, %broadcast_in_dim3A_1309, %select_n3A_1253 : vector<512x512xi1>, vector<512x512xf32>
    %jit3A_1311 = arith.constant 1.000000e+00 : f32
    %jit3A_1312 = arith.constant 0.000000e+00 : f32
    %broadcast_in_dim3A_1313 = vector.broadcast %jit3A_1311 : f32 to vector<512x512xf32>
    %broadcast_in_dim3A_1314 = vector.broadcast %jit3A_1312 : f32 to vector<512x512xf32>
    %select_n3A_1315 = arith.select %eq3A_1307, %broadcast_in_dim3A_1313, %broadcast_in_dim3A_1314 : vector<512x512xi1>, vector<512x512xf32>
    %convert_element_type3A_1316 = arith.truncf %select_n3A_1315 : vector<512x512xf32> to vector<512x512xbf16>
    %dot_general3A_1317 = arith.constant dense<0.000000e+00> : vector<512x192xf32>
    %dot_general3A_1318 = tpu.matmul %convert_element_type3A_1316, %convert_element_type3A_1161, %dot_general3A_1317 {dimension_numbers = #tpu.dot_dimension_numbers<[1], [0], [0], [1], [0, 0, 1, 1], [], []>, transpose_lhs_hint = false} : vector<512x512xbf16>, vector<512x192xbf16>, vector<512x192xf32> -> vector<512x192xf32>
    %dot_general3A_1319 = arith.constant dense<0.000000e+00> : vector<512x192xf32>
    %dot_general3A_1320 = tpu.matmul %convert_element_type3A_1316, %convert_element_type3A_1164, %dot_general3A_1319 {dimension_numbers = #tpu.dot_dimension_numbers<[1], [0], [0], [1], [0, 0, 1, 1], [], []>, transpose_lhs_hint = false} : vector<512x512xbf16>, vector<512x192xbf16>, vector<512x192xf32> -> vector<512x192xf32>
    %add3A_1321 = arith.addf %dot_general3A_1318, %dot_general3A_1320 : vector<512x192xf32>
    %dot_general3A_1322 = arith.constant dense<0.000000e+00> : vector<512x192xf32>
    %dot_general3A_1323 = tpu.matmul %convert_element_type3A_1316, %convert_element_type3A_1167, %dot_general3A_1322 {dimension_numbers = #tpu.dot_dimension_numbers<[1], [0], [0], [1], [0, 0, 1, 1], [], []>, transpose_lhs_hint = false} : vector<512x512xbf16>, vector<512x192xbf16>, vector<512x192xf32> -> vector<512x192xf32>
    %add3A_1324 = arith.addf %add3A_1321, %dot_general3A_1323 : vector<512x192xf32>
    %sub3A_1325 = arith.subf %add3A_1324, %add3A_1114 : vector<512x192xf32>
    %convert_element_type3A_1326 = arith.truncf %sub3A_1325 : vector<512x192xf32> to vector<512x192xbf16>
    %dot_general3A_1327 = arith.constant dense<0.000000e+00> : vector<512x252xf32>
    %dot_general3A_1328 = tpu.matmul %convert_element_type3A_1326, %convert_element_type3A_1177, %dot_general3A_1327 {dimension_numbers = #tpu.dot_dimension_numbers<[1], [0], [0], [1], [0, 0, 1, 1], [], []>, transpose_lhs_hint = false} : vector<512x192xbf16>, vector<192x252xbf16>, vector<512x252xf32> -> vector<512x252xf32>
    %add3A_1329 = arith.addf %dot_general3A_1170, %dot_general3A_1328 : vector<512x252xf32>
    %add3A_1330 = vector.broadcast %get3A_1173 : vector<1x252xf32> to vector<512x252xf32>
    %add3A_1331 = arith.addf %add3A_1329, %add3A_1330 : vector<512x252xf32>
    %jit3A_1332 = arith.constant 0.00999999977 : f32
    %ge3A_1333 = arith.constant 0.000000e+00 : f32
    %ge3A_1334 = vector.broadcast %ge3A_1333 : f32 to vector<512x252xf32>
    %ge3A_1335 = arith.cmpf oge, %add3A_1331, %ge3A_1334 : vector<512x252xf32>
    %mul3A_1336 = vector.broadcast %jit3A_1332 : f32 to vector<512x252xf32>
    %mul3A_1337 = arith.mulf %mul3A_1336, %add3A_1331 : vector<512x252xf32>
    %select_n3A_1338 = arith.select %ge3A_1335, %add3A_1331, %mul3A_1337 : vector<512x252xi1>, vector<512x252xf32>
    %convert_element_type3A_1339 = arith.truncf %select_n3A_1338 : vector<512x252xf32> to vector<512x252xbf16>
    %dot_general3A_1340 = arith.constant dense<0.000000e+00> : vector<512x192xf32>
    %dot_general3A_1341 = tpu.matmul %convert_element_type3A_1339, %convert_element_type3A_1178, %dot_general3A_1340 {dimension_numbers = #tpu.dot_dimension_numbers<[1], [0], [0], [1], [0, 0, 1, 1], [], []>, transpose_lhs_hint = false} : vector<512x252xbf16>, vector<252x192xbf16>, vector<512x192xf32> -> vector<512x192xf32>
    %add3A_1342 = vector.broadcast %get3A_1176 : vector<1x192xf32> to vector<512x192xf32>
    %add3A_1343 = arith.addf %dot_general3A_1341, %add3A_1342 : vector<512x192xf32>
    %jit3A_1344 = arith.constant 0.00999999977 : f32
    %ge3A_1345 = arith.constant 0.000000e+00 : f32
    %ge3A_1346 = vector.broadcast %ge3A_1345 : f32 to vector<512x192xf32>
    %ge3A_1347 = arith.cmpf oge, %add3A_1343, %ge3A_1346 : vector<512x192xf32>
    %mul3A_1348 = vector.broadcast %jit3A_1344 : f32 to vector<512x192xf32>
    %mul3A_1349 = arith.mulf %mul3A_1348, %add3A_1343 : vector<512x192xf32>
    %select_n3A_1350 = arith.select %ge3A_1347, %add3A_1343, %mul3A_1349 : vector<512x192xi1>, vector<512x192xf32>
    %add3A_1351 = arith.addf %add3A_1294, %select_n3A_1350 : vector<512x192xf32>
    %reduce_min3A_1352 = arith.constant dense<0x7F800000> : vector<512xf32>
    %reduce_min3A_1353 = vector.multi_reduction <minimumf>, %select_n3A_1310, %reduce_min3A_1352 [1] : vector<512x512xf32> to vector<512xf32>
    %broadcast_in_dim3A_1354 = vector.shape_cast %reduce_min3A_1353 : vector<512xf32> to vector<512x1xf32>
    %eq3A_1355 = vector.broadcast %broadcast_in_dim3A_1354 : vector<512x1xf32> to vector<512x512xf32>
    %eq3A_1356 = arith.cmpf oeq, %select_n3A_1310, %eq3A_1355 : vector<512x512xf32>
    %jit3A_1357 = arith.constant 8.99999948E+9 : f32
    %broadcast_in_dim3A_1358 = vector.broadcast %jit3A_1357 : f32 to vector<512x512xf32>
    %select_n3A_1359 = arith.select %eq3A_1356, %get3A_238, %broadcast_in_dim3A_1358 : vector<512x512xi1>, vector<512x512xf32>
    %reduce_min3A_1360 = arith.constant dense<0x7F800000> : vector<512xf32>
    %reduce_min3A_1361 = vector.multi_reduction <minimumf>, %select_n3A_1359, %reduce_min3A_1360 [1] : vector<512x512xf32> to vector<512xf32>
    %broadcast_in_dim3A_1362 = vector.shape_cast %reduce_min3A_1361 : vector<512xf32> to vector<512x1xf32>
    %eq3A_1363 = vector.broadcast %broadcast_in_dim3A_1362 : vector<512x1xf32> to vector<512x512xf32>
    %eq3A_1364 = arith.cmpf oeq, %get3A_238, %eq3A_1363 : vector<512x512xf32>
    %jit3A_1365 = arith.constant 1.000000e+00 : f32
    %jit3A_1366 = arith.constant 0.000000e+00 : f32
    %broadcast_in_dim3A_1367 = vector.broadcast %jit3A_1365 : f32 to vector<512x512xf32>
    %broadcast_in_dim3A_1368 = vector.broadcast %jit3A_1366 : f32 to vector<512x512xf32>
    %select_n3A_1369 = arith.select %eq3A_1364, %broadcast_in_dim3A_1367, %broadcast_in_dim3A_1368 : vector<512x512xi1>, vector<512x512xf32>
    %convert_element_type3A_1370 = arith.truncf %select_n3A_1369 : vector<512x512xf32> to vector<512x512xbf16>
    %dot_general3A_1371 = arith.constant dense<0.000000e+00> : vector<512x192xf32>
    %dot_general3A_1372 = tpu.matmul %convert_element_type3A_1370, %convert_element_type3A_1161, %dot_general3A_1371 {dimension_numbers = #tpu.dot_dimension_numbers<[1], [0], [0], [1], [0, 0, 1, 1], [], []>, transpose_lhs_hint = false} : vector<512x512xbf16>, vector<512x192xbf16>, vector<512x192xf32> -> vector<512x192xf32>
    %dot_general3A_1373 = arith.constant dense<0.000000e+00> : vector<512x192xf32>
    %dot_general3A_1374 = tpu.matmul %convert_element_type3A_1370, %convert_element_type3A_1164, %dot_general3A_1373 {dimension_numbers = #tpu.dot_dimension_numbers<[1], [0], [0], [1], [0, 0, 1, 1], [], []>, transpose_lhs_hint = false} : vector<512x512xbf16>, vector<512x192xbf16>, vector<512x192xf32> -> vector<512x192xf32>
    %add3A_1375 = arith.addf %dot_general3A_1372, %dot_general3A_1374 : vector<512x192xf32>
    %dot_general3A_1376 = arith.constant dense<0.000000e+00> : vector<512x192xf32>
    %dot_general3A_1377 = tpu.matmul %convert_element_type3A_1370, %convert_element_type3A_1167, %dot_general3A_1376 {dimension_numbers = #tpu.dot_dimension_numbers<[1], [0], [0], [1], [0, 0, 1, 1], [], []>, transpose_lhs_hint = false} : vector<512x512xbf16>, vector<512x192xbf16>, vector<512x192xf32> -> vector<512x192xf32>
    %add3A_1378 = arith.addf %add3A_1375, %dot_general3A_1377 : vector<512x192xf32>
    %sub3A_1379 = arith.subf %add3A_1378, %add3A_1114 : vector<512x192xf32>
    %convert_element_type3A_1380 = arith.truncf %sub3A_1379 : vector<512x192xf32> to vector<512x192xbf16>
    %dot_general3A_1381 = arith.constant dense<0.000000e+00> : vector<512x252xf32>
    %dot_general3A_1382 = tpu.matmul %convert_element_type3A_1380, %convert_element_type3A_1177, %dot_general3A_1381 {dimension_numbers = #tpu.dot_dimension_numbers<[1], [0], [0], [1], [0, 0, 1, 1], [], []>, transpose_lhs_hint = false} : vector<512x192xbf16>, vector<192x252xbf16>, vector<512x252xf32> -> vector<512x252xf32>
    %add3A_1383 = arith.addf %dot_general3A_1170, %dot_general3A_1382 : vector<512x252xf32>
    %add3A_1384 = vector.broadcast %get3A_1173 : vector<1x252xf32> to vector<512x252xf32>
    %add3A_1385 = arith.addf %add3A_1383, %add3A_1384 : vector<512x252xf32>
    %jit3A_1386 = arith.constant 0.00999999977 : f32
    %ge3A_1387 = arith.constant 0.000000e+00 : f32
    %ge3A_1388 = vector.broadcast %ge3A_1387 : f32 to vector<512x252xf32>
    %ge3A_1389 = arith.cmpf oge, %add3A_1385, %ge3A_1388 : vector<512x252xf32>
    %mul3A_1390 = vector.broadcast %jit3A_1386 : f32 to vector<512x252xf32>
    %mul3A_1391 = arith.mulf %mul3A_1390, %add3A_1385 : vector<512x252xf32>
    %select_n3A_1392 = arith.select %ge3A_1389, %add3A_1385, %mul3A_1391 : vector<512x252xi1>, vector<512x252xf32>
    %convert_element_type3A_1393 = arith.truncf %select_n3A_1392 : vector<512x252xf32> to vector<512x252xbf16>
    %dot_general3A_1394 = arith.constant dense<0.000000e+00> : vector<512x192xf32>
    %dot_general3A_1395 = tpu.matmul %convert_element_type3A_1393, %convert_element_type3A_1178, %dot_general3A_1394 {dimension_numbers = #tpu.dot_dimension_numbers<[1], [0], [0], [1], [0, 0, 1, 1], [], []>, transpose_lhs_hint = false} : vector<512x252xbf16>, vector<252x192xbf16>, vector<512x192xf32> -> vector<512x192xf32>
    %add3A_1396 = vector.broadcast %get3A_1176 : vector<1x192xf32> to vector<512x192xf32>
    %add3A_1397 = arith.addf %dot_general3A_1395, %add3A_1396 : vector<512x192xf32>
    %jit3A_1398 = arith.constant 0.00999999977 : f32
    %ge3A_1399 = arith.constant 0.000000e+00 : f32
    %ge3A_1400 = vector.broadcast %ge3A_1399 : f32 to vector<512x192xf32>
    %ge3A_1401 = arith.cmpf oge, %add3A_1397, %ge3A_1400 : vector<512x192xf32>
    %mul3A_1402 = vector.broadcast %jit3A_1398 : f32 to vector<512x192xf32>
    %mul3A_1403 = arith.mulf %mul3A_1402, %add3A_1397 : vector<512x192xf32>
    %select_n3A_1404 = arith.select %ge3A_1401, %add3A_1397, %mul3A_1403 : vector<512x192xi1>, vector<512x192xf32>
    %add3A_1405 = arith.addf %add3A_1351, %select_n3A_1404 : vector<512x192xf32>
    %get3A_1406 = arith.constant 0 : index
    %get3A_1407 = arith.constant 0 : index
    %get3A_1408 = vector.load %arg32[%get3A_1406, %get3A_1407] : memref<4x252xf32, #tpu.memory_space<vmem>>, vector<4x252xf32>
    %convert_element_type3A_1409 = arith.truncf %mul3A_232 : vector<512x4xf32> to vector<512x4xbf16>
    %convert_element_type3A_1410 = arith.truncf %get3A_1408 : vector<4x252xf32> to vector<4x252xbf16>
    %dot_general3A_1411 = arith.constant dense<0.000000e+00> : vector<512x252xf32>
    %dot_general3A_1412 = tpu.matmul %convert_element_type3A_1409, %convert_element_type3A_1410, %dot_general3A_1411 {dimension_numbers = #tpu.dot_dimension_numbers<[1], [0], [0], [1], [0, 0, 1, 1], [], []>, transpose_lhs_hint = false} : vector<512x4xbf16>, vector<4x252xbf16>, vector<512x252xf32> -> vector<512x252xf32>
    %get3A_1413 = arith.constant 0 : index
    %get3A_1414 = arith.constant 0 : index
    %get3A_1415 = vector.load %arg33[%get3A_1413, %get3A_1414] : memref<192x252xf32, #tpu.memory_space<vmem>>, vector<192x252xf32>
    %convert_element_type3A_1416 = arith.truncf %add3A_532 : vector<512x192xf32> to vector<512x192xbf16>
    %convert_element_type3A_1417 = arith.truncf %get3A_1415 : vector<192x252xf32> to vector<192x252xbf16>
    %dot_general3A_1418 = arith.constant dense<0.000000e+00> : vector<512x252xf32>
    %dot_general3A_1419 = tpu.matmul %convert_element_type3A_1416, %convert_element_type3A_1417, %dot_general3A_1418 {dimension_numbers = #tpu.dot_dimension_numbers<[1], [0], [0], [1], [0, 0, 1, 1], [], []>, transpose_lhs_hint = false} : vector<512x192xbf16>, vector<192x252xbf16>, vector<512x252xf32> -> vector<512x252xf32>
    %add3A_1420 = arith.addf %dot_general3A_1412, %dot_general3A_1419 : vector<512x252xf32>
    %get3A_1421 = arith.constant 0 : index
    %get3A_1422 = arith.constant 0 : index
    %get3A_1423 = vector.load %arg34[%get3A_1421, %get3A_1422] : memref<192x252xf32, #tpu.memory_space<vmem>>, vector<192x252xf32>
    %convert_element_type3A_1424 = arith.truncf %add3A_823 : vector<512x192xf32> to vector<512x192xbf16>
    %convert_element_type3A_1425 = arith.truncf %get3A_1423 : vector<192x252xf32> to vector<192x252xbf16>
    %dot_general3A_1426 = arith.constant dense<0.000000e+00> : vector<512x252xf32>
    %dot_general3A_1427 = tpu.matmul %convert_element_type3A_1424, %convert_element_type3A_1425, %dot_general3A_1426 {dimension_numbers = #tpu.dot_dimension_numbers<[1], [0], [0], [1], [0, 0, 1, 1], [], []>, transpose_lhs_hint = false} : vector<512x192xbf16>, vector<192x252xbf16>, vector<512x252xf32> -> vector<512x252xf32>
    %add3A_1428 = arith.addf %add3A_1420, %dot_general3A_1427 : vector<512x252xf32>
    %get3A_1429 = arith.constant 0 : index
    %get3A_1430 = arith.constant 0 : index
    %get3A_1431 = vector.load %arg35[%get3A_1429, %get3A_1430] : memref<192x252xf32, #tpu.memory_space<vmem>>, vector<192x252xf32>
    %convert_element_type3A_1432 = arith.truncf %add3A_1114 : vector<512x192xf32> to vector<512x192xbf16>
    %convert_element_type3A_1433 = arith.truncf %get3A_1431 : vector<192x252xf32> to vector<192x252xbf16>
    %dot_general3A_1434 = arith.constant dense<0.000000e+00> : vector<512x252xf32>
    %dot_general3A_1435 = tpu.matmul %convert_element_type3A_1432, %convert_element_type3A_1433, %dot_general3A_1434 {dimension_numbers = #tpu.dot_dimension_numbers<[1], [0], [0], [1], [0, 0, 1, 1], [], []>, transpose_lhs_hint = false} : vector<512x192xbf16>, vector<192x252xbf16>, vector<512x252xf32> -> vector<512x252xf32>
    %add3A_1436 = arith.addf %add3A_1428, %dot_general3A_1435 : vector<512x252xf32>
    %get3A_1437 = arith.constant 0 : index
    %get3A_1438 = arith.constant 0 : index
    %get3A_1439 = vector.load %arg36[%get3A_1437, %get3A_1438] : memref<192x252xf32, #tpu.memory_space<vmem>>, vector<192x252xf32>
    %convert_element_type3A_1440 = arith.truncf %add3A_1405 : vector<512x192xf32> to vector<512x192xbf16>
    %convert_element_type3A_1441 = arith.truncf %get3A_1439 : vector<192x252xf32> to vector<192x252xbf16>
    %dot_general3A_1442 = arith.constant dense<0.000000e+00> : vector<512x252xf32>
    %dot_general3A_1443 = tpu.matmul %convert_element_type3A_1440, %convert_element_type3A_1441, %dot_general3A_1442 {dimension_numbers = #tpu.dot_dimension_numbers<[1], [0], [0], [1], [0, 0, 1, 1], [], []>, transpose_lhs_hint = false} : vector<512x192xbf16>, vector<192x252xbf16>, vector<512x252xf32> -> vector<512x252xf32>
    %add3A_1444 = arith.addf %add3A_1436, %dot_general3A_1443 : vector<512x252xf32>
    %get3A_1445 = arith.constant 0 : index
    %get3A_1446 = arith.constant 0 : index
    %get3A_1447 = vector.load %arg37[%get3A_1445, %get3A_1446] : memref<1x252xf32, #tpu.memory_space<vmem>>, vector<1x252xf32>
    %add3A_1448 = vector.broadcast %get3A_1447 : vector<1x252xf32> to vector<512x252xf32>
    %add3A_1449 = arith.addf %add3A_1444, %add3A_1448 : vector<512x252xf32>
    %jit3A_1450 = arith.constant 0.00999999977 : f32
    %ge3A_1451 = arith.constant 0.000000e+00 : f32
    %ge3A_1452 = vector.broadcast %ge3A_1451 : f32 to vector<512x252xf32>
    %ge3A_1453 = arith.cmpf oge, %add3A_1449, %ge3A_1452 : vector<512x252xf32>
    %mul3A_1454 = vector.broadcast %jit3A_1450 : f32 to vector<512x252xf32>
    %mul3A_1455 = arith.mulf %mul3A_1454, %add3A_1449 : vector<512x252xf32>
    %select_n3A_1456 = arith.select %ge3A_1453, %add3A_1449, %mul3A_1455 : vector<512x252xi1>, vector<512x252xf32>
    %get3A_1457 = arith.constant 0 : index
    %get3A_1458 = arith.constant 0 : index
    %get3A_1459 = vector.load %arg38[%get3A_1457, %get3A_1458] : memref<252x192xf32, #tpu.memory_space<vmem>>, vector<252x192xf32>
    %convert_element_type3A_1460 = arith.truncf %select_n3A_1456 : vector<512x252xf32> to vector<512x252xbf16>
    %convert_element_type3A_1461 = arith.truncf %get3A_1459 : vector<252x192xf32> to vector<252x192xbf16>
    %dot_general3A_1462 = arith.constant dense<0.000000e+00> : vector<512x192xf32>
    %dot_general3A_1463 = tpu.matmul %convert_element_type3A_1460, %convert_element_type3A_1461, %dot_general3A_1462 {dimension_numbers = #tpu.dot_dimension_numbers<[1], [0], [0], [1], [0, 0, 1, 1], [], []>, transpose_lhs_hint = false} : vector<512x252xbf16>, vector<252x192xbf16>, vector<512x192xf32> -> vector<512x192xf32>
    %get3A_1464 = arith.constant 0 : index
    %get3A_1465 = arith.constant 0 : index
    %get3A_1466 = vector.load %arg39[%get3A_1464, %get3A_1465] : memref<1x192xf32, #tpu.memory_space<vmem>>, vector<1x192xf32>
    %add3A_1467 = vector.broadcast %get3A_1466 : vector<1x192xf32> to vector<512x192xf32>
    %add3A_1468 = arith.addf %dot_general3A_1463, %add3A_1467 : vector<512x192xf32>
    %iota3A = tpu.iota {dimensions = array<i32: 0>} : vector<512x1xi32>
    %lt3A = arith.constant 500 : i32
    %lt3A_1469 = vector.broadcast %lt3A : i32 to vector<512x1xi32>
    %lt3A_1470 = arith.cmpi slt, %iota3A, %lt3A_1469 : vector<512x1xi32>
    %jit3A_1471 = arith.constant -1.000000e+30 : f32
    %broadcast_in_dim3A_1472 = vector.shape_cast %lt3A_1470 : vector<512x1xi1> to vector<512x1xi1>
    %broadcast_in_dim3A_1473 = vector.broadcast %broadcast_in_dim3A_1472 : vector<512x1xi1> to vector<512x192xi1>
    %broadcast_in_dim3A_1474 = vector.broadcast %jit3A_1471 : f32 to vector<512x192xf32>
    %select_n3A_1475 = arith.select %broadcast_in_dim3A_1473, %add3A_1468, %broadcast_in_dim3A_1474 : vector<512x192xi1>, vector<512x192xf32>
    %reduce_max3A_1476 = arith.constant dense<0xFF800000> : vector<192xf32>
    %reduce_max3A_1477 = vector.multi_reduction <maximumf>, %select_n3A_1475, %reduce_max3A_1476 [0] : vector<512x192xf32> to vector<192xf32>
    %broadcast_in_dim3A_1478 = vector.shape_cast %reduce_max3A_1477 : vector<192xf32> to vector<1x192xf32>
    %jit3A_1479 = arith.constant 1.000000e+30 : f32
    %broadcast_in_dim3A_1480 = vector.shape_cast %lt3A_1470 : vector<512x1xi1> to vector<512x1xi1>
    %broadcast_in_dim3A_1481 = vector.broadcast %broadcast_in_dim3A_1480 : vector<512x1xi1> to vector<512x192xi1>
    %broadcast_in_dim3A_1482 = vector.broadcast %jit3A_1479 : f32 to vector<512x192xf32>
    %select_n3A_1483 = arith.select %broadcast_in_dim3A_1481, %add3A_1468, %broadcast_in_dim3A_1482 : vector<512x192xi1>, vector<512x192xf32>
    %reduce_min3A_1484 = arith.constant dense<0x7F800000> : vector<192xf32>
    %reduce_min3A_1485 = vector.multi_reduction <minimumf>, %select_n3A_1483, %reduce_min3A_1484 [0] : vector<512x192xf32> to vector<192xf32>
    %broadcast_in_dim3A_1486 = vector.shape_cast %reduce_min3A_1485 : vector<192xf32> to vector<1x192xf32>
    %jit3A_1487 = arith.constant 0.000000e+00 : f32
    %broadcast_in_dim3A_1488 = vector.shape_cast %lt3A_1470 : vector<512x1xi1> to vector<512x1xi1>
    %broadcast_in_dim3A_1489 = vector.broadcast %broadcast_in_dim3A_1488 : vector<512x1xi1> to vector<512x192xi1>
    %broadcast_in_dim3A_1490 = vector.broadcast %jit3A_1487 : f32 to vector<512x192xf32>
    %select_n3A_1491 = arith.select %broadcast_in_dim3A_1489, %add3A_1468, %broadcast_in_dim3A_1490 : vector<512x192xi1>, vector<512x192xf32>
    %reduce_sum3A_1492 = arith.constant dense<0.000000e+00> : vector<192xf32>
    %reduce_sum3A_1493 = vector.multi_reduction <add>, %select_n3A_1491, %reduce_sum3A_1492 [0] : vector<512x192xf32> to vector<192xf32>
    %broadcast_in_dim3A_1494 = vector.shape_cast %reduce_sum3A_1493 : vector<192xf32> to vector<1x192xf32>
    %div3A = arith.constant 5.000000e+02 : f32
    %div3A_1495 = vector.broadcast %div3A : f32 to vector<1x192xf32>
    %div3A_1496 = arith.divf %broadcast_in_dim3A_1494, %div3A_1495 : vector<1x192xf32>
    %jit3A_1497 = arith.constant 0.00999999977 : f32
    %ge3A_1498 = arith.constant 0.000000e+00 : f32
    %ge3A_1499 = vector.broadcast %ge3A_1498 : f32 to vector<1x192xf32>
    %ge3A_1500 = arith.cmpf oge, %broadcast_in_dim3A_1478, %ge3A_1499 : vector<1x192xf32>
    %mul3A_1501 = vector.broadcast %jit3A_1497 : f32 to vector<1x192xf32>
    %mul3A_1502 = arith.mulf %mul3A_1501, %broadcast_in_dim3A_1478 : vector<1x192xf32>
    %select_n3A_1503 = arith.select %ge3A_1500, %broadcast_in_dim3A_1478, %mul3A_1502 : vector<1x192xi1>, vector<1x192xf32>
    %get3A_1504 = arith.constant 0 : index
    %get3A_1505 = arith.constant 0 : index
    %get3A_1506 = vector.load %arg40[%get3A_1504, %get3A_1505] : memref<192x96xf32, #tpu.memory_space<vmem>>, vector<192x96xf32>
    %convert_element_type3A_1507 = arith.truncf %select_n3A_1503 : vector<1x192xf32> to vector<1x192xbf16>
    %convert_element_type3A_1508 = arith.truncf %get3A_1506 : vector<192x96xf32> to vector<192x96xbf16>
    %dot_general3A_1509 = arith.constant dense<0.000000e+00> : vector<1x96xf32>
    %dot_general3A_1510 = tpu.matmul %convert_element_type3A_1507, %convert_element_type3A_1508, %dot_general3A_1509 {dimension_numbers = #tpu.dot_dimension_numbers<[1], [0], [0], [1], [0, 0, 1, 1], [], []>, transpose_lhs_hint = false} : vector<1x192xbf16>, vector<192x96xbf16>, vector<1x96xf32> -> vector<1x96xf32>
    %jit3A_1511 = arith.constant 0.00999999977 : f32
    %ge3A_1512 = arith.constant 0.000000e+00 : f32
    %ge3A_1513 = vector.broadcast %ge3A_1512 : f32 to vector<1x192xf32>
    %ge3A_1514 = arith.cmpf oge, %broadcast_in_dim3A_1486, %ge3A_1513 : vector<1x192xf32>
    %mul3A_1515 = vector.broadcast %jit3A_1511 : f32 to vector<1x192xf32>
    %mul3A_1516 = arith.mulf %mul3A_1515, %broadcast_in_dim3A_1486 : vector<1x192xf32>
    %select_n3A_1517 = arith.select %ge3A_1514, %broadcast_in_dim3A_1486, %mul3A_1516 : vector<1x192xi1>, vector<1x192xf32>
    %get3A_1518 = arith.constant 0 : index
    %get3A_1519 = arith.constant 0 : index
    %get3A_1520 = vector.load %arg41[%get3A_1518, %get3A_1519] : memref<192x96xf32, #tpu.memory_space<vmem>>, vector<192x96xf32>
    %convert_element_type3A_1521 = arith.truncf %select_n3A_1517 : vector<1x192xf32> to vector<1x192xbf16>
    %convert_element_type3A_1522 = arith.truncf %get3A_1520 : vector<192x96xf32> to vector<192x96xbf16>
    %dot_general3A_1523 = arith.constant dense<0.000000e+00> : vector<1x96xf32>
    %dot_general3A_1524 = tpu.matmul %convert_element_type3A_1521, %convert_element_type3A_1522, %dot_general3A_1523 {dimension_numbers = #tpu.dot_dimension_numbers<[1], [0], [0], [1], [0, 0, 1, 1], [], []>, transpose_lhs_hint = false} : vector<1x192xbf16>, vector<192x96xbf16>, vector<1x96xf32> -> vector<1x96xf32>
    %add3A_1525 = arith.addf %dot_general3A_1510, %dot_general3A_1524 : vector<1x96xf32>
    %jit3A_1526 = arith.constant 0.00999999977 : f32
    %ge3A_1527 = arith.constant 0.000000e+00 : f32
    %ge3A_1528 = vector.broadcast %ge3A_1527 : f32 to vector<1x192xf32>
    %ge3A_1529 = arith.cmpf oge, %broadcast_in_dim3A_1494, %ge3A_1528 : vector<1x192xf32>
    %mul3A_1530 = vector.broadcast %jit3A_1526 : f32 to vector<1x192xf32>
    %mul3A_1531 = arith.mulf %mul3A_1530, %broadcast_in_dim3A_1494 : vector<1x192xf32>
    %select_n3A_1532 = arith.select %ge3A_1529, %broadcast_in_dim3A_1494, %mul3A_1531 : vector<1x192xi1>, vector<1x192xf32>
    %get3A_1533 = arith.constant 0 : index
    %get3A_1534 = arith.constant 0 : index
    %get3A_1535 = vector.load %arg42[%get3A_1533, %get3A_1534] : memref<192x96xf32, #tpu.memory_space<vmem>>, vector<192x96xf32>
    %convert_element_type3A_1536 = arith.truncf %select_n3A_1532 : vector<1x192xf32> to vector<1x192xbf16>
    %convert_element_type3A_1537 = arith.truncf %get3A_1535 : vector<192x96xf32> to vector<192x96xbf16>
    %dot_general3A_1538 = arith.constant dense<0.000000e+00> : vector<1x96xf32>
    %dot_general3A_1539 = tpu.matmul %convert_element_type3A_1536, %convert_element_type3A_1537, %dot_general3A_1538 {dimension_numbers = #tpu.dot_dimension_numbers<[1], [0], [0], [1], [0, 0, 1, 1], [], []>, transpose_lhs_hint = false} : vector<1x192xbf16>, vector<192x96xbf16>, vector<1x96xf32> -> vector<1x96xf32>
    %add3A_1540 = arith.addf %add3A_1525, %dot_general3A_1539 : vector<1x96xf32>
    %jit3A_1541 = arith.constant 0.00999999977 : f32
    %ge3A_1542 = arith.constant 0.000000e+00 : f32
    %ge3A_1543 = vector.broadcast %ge3A_1542 : f32 to vector<1x192xf32>
    %ge3A_1544 = arith.cmpf oge, %div3A_1496, %ge3A_1543 : vector<1x192xf32>
    %mul3A_1545 = vector.broadcast %jit3A_1541 : f32 to vector<1x192xf32>
    %mul3A_1546 = arith.mulf %mul3A_1545, %div3A_1496 : vector<1x192xf32>
    %select_n3A_1547 = arith.select %ge3A_1544, %div3A_1496, %mul3A_1546 : vector<1x192xi1>, vector<1x192xf32>
    %get3A_1548 = arith.constant 0 : index
    %get3A_1549 = arith.constant 0 : index
    %get3A_1550 = vector.load %arg43[%get3A_1548, %get3A_1549] : memref<192x96xf32, #tpu.memory_space<vmem>>, vector<192x96xf32>
    %convert_element_type3A_1551 = arith.truncf %select_n3A_1547 : vector<1x192xf32> to vector<1x192xbf16>
    %convert_element_type3A_1552 = arith.truncf %get3A_1550 : vector<192x96xf32> to vector<192x96xbf16>
    %dot_general3A_1553 = arith.constant dense<0.000000e+00> : vector<1x96xf32>
    %dot_general3A_1554 = tpu.matmul %convert_element_type3A_1551, %convert_element_type3A_1552, %dot_general3A_1553 {dimension_numbers = #tpu.dot_dimension_numbers<[1], [0], [0], [1], [0, 0, 1, 1], [], []>, transpose_lhs_hint = false} : vector<1x192xbf16>, vector<192x96xbf16>, vector<1x96xf32> -> vector<1x96xf32>
    %add3A_1555 = arith.addf %add3A_1540, %dot_general3A_1554 : vector<1x96xf32>
    %get3A_1556 = arith.constant 0 : index
    %get3A_1557 = arith.constant 0 : index
    %get3A_1558 = vector.load %arg44[%get3A_1556, %get3A_1557] : memref<1x96xf32, #tpu.memory_space<vmem>>, vector<1x96xf32>
    %add3A_1559 = arith.addf %add3A_1555, %get3A_1558 : vector<1x96xf32>
    %jit3A_1560 = arith.constant 0.00999999977 : f32
    %ge3A_1561 = arith.constant 0.000000e+00 : f32
    %ge3A_1562 = vector.broadcast %ge3A_1561 : f32 to vector<1x96xf32>
    %ge3A_1563 = arith.cmpf oge, %add3A_1559, %ge3A_1562 : vector<1x96xf32>
    %mul3A_1564 = vector.broadcast %jit3A_1560 : f32 to vector<1x96xf32>
    %mul3A_1565 = arith.mulf %mul3A_1564, %add3A_1559 : vector<1x96xf32>
    %select_n3A_1566 = arith.select %ge3A_1563, %add3A_1559, %mul3A_1565 : vector<1x96xi1>, vector<1x96xf32>
    %get3A_1567 = arith.constant 0 : index
    %get3A_1568 = arith.constant 0 : index
    %get3A_1569 = vector.load %arg45[%get3A_1567, %get3A_1568] : memref<1x96xf32, #tpu.memory_space<vmem>>, vector<1x96xf32>
    %mul3A_1570 = arith.mulf %select_n3A_1566, %get3A_1569 : vector<1x96xf32>
    %reduce_sum3A_1571 = arith.constant dense<0.000000e+00> : vector<1xf32>
    %reduce_sum3A_1572 = vector.multi_reduction <add>, %mul3A_1570, %reduce_sum3A_1571 [1] : vector<1x96xf32> to vector<1xf32>
    %broadcast_in_dim3A_1573 = vector.shape_cast %reduce_sum3A_1572 : vector<1xf32> to vector<1x1xf32>
    %get3A_1574 = arith.constant 0 : index
    %get3A_1575 = arith.constant 0 : index
    %get3A_1576 = vector.load %arg46[%get3A_1574, %get3A_1575] : memref<1x1xf32, #tpu.memory_space<vmem>>, vector<1x1xf32>
    %add3A_1577 = arith.addf %broadcast_in_dim3A_1573, %get3A_1576 : vector<1x1xf32>
    %broadcast_in_dim3A_1578 = vector.shape_cast %add3A_1577 : vector<1x1xf32> to vector<1x1xf32>
    %broadcast_in_dim3A_1579 = vector.broadcast %broadcast_in_dim3A_1578 : vector<1x1xf32> to vector<1x128xf32>
    %swap3A = arith.constant 0 : index
    %swap3A_1580 = arith.constant 0 : index
    %swap3A_1581 = arith.constant 0 : index
    %swap3A_1582 = vector.load %arg47[%swap3A, %swap3A_1580, %swap3A_1581] : memref<1x1x128xf32, #tpu.memory_space<vmem>>, vector<1x1x128xf32>
    %swap3A_1583 = vector.shape_cast %swap3A_1582 : vector<1x1x128xf32> to vector<1x128xf32>
    %swap3A_1584 = vector.shape_cast %broadcast_in_dim3A_1579 : vector<1x128xf32> to vector<1x1x128xf32>
    tpu.vector_store %arg47[%swap3A, %swap3A_1580, %swap3A_1581], %swap3A_1584 {strides = array<i32>} : memref<1x1x128xf32, #tpu.memory_space<vmem>>, vector<1x1x128xf32>,
    return
  }
  func.func @transform_0(%arg0: i32) -> (i32, i32, i32) {
    %c0_i32 = arith.constant 0 : i32
    %c0_i32_0 = arith.constant 0 : i32
    %c0_i32_1 = arith.constant 0 : i32
    return %arg0, %c0_i32, %c0_i32_0 : i32, i32, i32
  }
  func.func @transform_1(%arg0: i32) -> (i32, i32, i32) {
    %c0_i32 = arith.constant 0 : i32
    %c0_i32_0 = arith.constant 0 : i32
    %c0_i32_1 = arith.constant 0 : i32
    return %arg0, %c0_i32, %c0_i32_0 : i32, i32, i32
  }
  func.func @transform_2(%arg0: i32) -> (i32, i32, i32) {
    %c0_i32 = arith.constant 0 : i32
    %c0_i32_0 = arith.constant 0 : i32
    %c0_i32_1 = arith.constant 0 : i32
    return %arg0, %c0_i32, %c0_i32_0 : i32, i32, i32
  }
  func.func @transform_3(%arg0: i32) -> (i32, i32) {
    %c0_i32 = arith.constant 0 : i32
    %c0_i32_0 = arith.constant 0 : i32
    %c0_i32_1 = arith.constant 0 : i32
    return %c0_i32, %c0_i32_0 : i32, i32
  }
  func.func @transform_4(%arg0: i32) -> (i32, i32) {
    %c0_i32 = arith.constant 0 : i32
    %c0_i32_0 = arith.constant 0 : i32
    %c0_i32_1 = arith.constant 0 : i32
    return %c0_i32, %c0_i32_0 : i32, i32
  }
  func.func @transform_5(%arg0: i32) -> (i32, i32) {
    %c0_i32 = arith.constant 0 : i32
    %c0_i32_0 = arith.constant 0 : i32
    %c0_i32_1 = arith.constant 0 : i32
    return %c0_i32, %c0_i32_0 : i32, i32
  }
  func.func @transform_6(%arg0: i32) -> (i32, i32) {
    %c0_i32 = arith.constant 0 : i32
    %c0_i32_0 = arith.constant 0 : i32
    %c0_i32_1 = arith.constant 0 : i32
    return %c0_i32, %c0_i32_0 : i32, i32
  }
  func.func @transform_7(%arg0: i32) -> (i32, i32) {
    %c0_i32 = arith.constant 0 : i32
    %c0_i32_0 = arith.constant 0 : i32
    %c0_i32_1 = arith.constant 0 : i32
    return %c0_i32, %c0_i32_0 : i32, i32
  }
  func.func @transform_8(%arg0: i32) -> (i32, i32) {
    %c0_i32 = arith.constant 0 : i32
    %c0_i32_0 = arith.constant 0 : i32
    %c0_i32_1 = arith.constant 0 : i32
    return %c0_i32, %c0_i32_0 : i32, i32
  }
  func.func @transform_9(%arg0: i32) -> (i32, i32) {
    %c0_i32 = arith.constant 0 : i32
    %c0_i32_0 = arith.constant 0 : i32
    %c0_i32_1 = arith.constant 0 : i32
    return %c0_i32, %c0_i32_0 : i32, i32
  }
  func.func @transform_10(%arg0: i32) -> (i32, i32) {
    %c0_i32 = arith.constant 0 : i32
    %c0_i32_0 = arith.constant 0 : i32
    %c0_i32_1 = arith.constant 0 : i32
    return %c0_i32, %c0_i32_0 : i32, i32
  }
  func.func @transform_11(%arg0: i32) -> (i32, i32) {
    %c0_i32 = arith.constant 0 : i32
    %c0_i32_0 = arith.constant 0 : i32
    %c0_i32_1 = arith.constant 0 : i32
    return %c0_i32, %c0_i32_0 : i32, i32
  }
  func.func @transform_12(%arg0: i32) -> (i32, i32) {
    %c0_i32 = arith.constant 0 : i32
    %c0_i32_0 = arith.constant 0 : i32
    %c0_i32_1 = arith.constant 0 : i32
    return %c0_i32, %c0_i32_0 : i32, i32
  }
  func.func @transform_13(%arg0: i32) -> (i32, i32) {
    %c0_i32 = arith.constant 0 : i32
    %c0_i32_0 = arith.constant 0 : i32
    %c0_i32_1 = arith.constant 0 : i32
    return %c0_i32, %c0_i32_0 : i32, i32
  }
  func.func @transform_14(%arg0: i32) -> (i32, i32) {
    %c0_i32 = arith.constant 0 : i32
    %c0_i32_0 = arith.constant 0 : i32
    %c0_i32_1 = arith.constant 0 : i32
    return %c0_i32, %c0_i32_0 : i32, i32
  }
  func.func @transform_15(%arg0: i32) -> (i32, i32) {
    %c0_i32 = arith.constant 0 : i32
    %c0_i32_0 = arith.constant 0 : i32
    %c0_i32_1 = arith.constant 0 : i32
    return %c0_i32, %c0_i32_0 : i32, i32
  }
  func.func @transform_16(%arg0: i32) -> (i32, i32) {
    %c0_i32 = arith.constant 0 : i32
    %c0_i32_0 = arith.constant 0 : i32
    %c0_i32_1 = arith.constant 0 : i32
    return %c0_i32, %c0_i32_0 : i32, i32
  }
  func.func @transform_17(%arg0: i32) -> (i32, i32) {
    %c0_i32 = arith.constant 0 : i32
    %c0_i32_0 = arith.constant 0 : i32
    %c0_i32_1 = arith.constant 0 : i32
    return %c0_i32, %c0_i32_0 : i32, i32
  }
  func.func @transform_18(%arg0: i32) -> (i32, i32) {
    %c0_i32 = arith.constant 0 : i32
    %c0_i32_0 = arith.constant 0 : i32
    %c0_i32_1 = arith.constant 0 : i32
    return %c0_i32, %c0_i32_0 : i32, i32
  }
  func.func @transform_19(%arg0: i32) -> (i32, i32) {
    %c0_i32 = arith.constant 0 : i32
    %c0_i32_0 = arith.constant 0 : i32
    %c0_i32_1 = arith.constant 0 : i32
    return %c0_i32, %c0_i32_0 : i32, i32
  }
  func.func @transform_20(%arg0: i32) -> (i32, i32) {
    %c0_i32 = arith.constant 0 : i32
    %c0_i32_0 = arith.constant 0 : i32
    %c0_i32_1 = arith.constant 0 : i32
    return %c0_i32, %c0_i32_0 : i32, i32
  }
  func.func @transform_21(%arg0: i32) -> (i32, i32) {
    %c0_i32 = arith.constant 0 : i32
    %c0_i32_0 = arith.constant 0 : i32
    %c0_i32_1 = arith.constant 0 : i32
    return %c0_i32, %c0_i32_0 : i32, i32
  }
  func.func @transform_22(%arg0: i32) -> (i32, i32) {
    %c0_i32 = arith.constant 0 : i32
    %c0_i32_0 = arith.constant 0 : i32
    %c0_i32_1 = arith.constant 0 : i32
    return %c0_i32, %c0_i32_0 : i32, i32
  }
  func.func @transform_23(%arg0: i32) -> (i32, i32) {
    %c0_i32 = arith.constant 0 : i32
    %c0_i32_0 = arith.constant 0 : i32
    %c0_i32_1 = arith.constant 0 : i32
    return %c0_i32, %c0_i32_0 : i32, i32
  }
  func.func @transform_24(%arg0: i32) -> (i32, i32) {
    %c0_i32 = arith.constant 0 : i32
    %c0_i32_0 = arith.constant 0 : i32
    %c0_i32_1 = arith.constant 0 : i32
    return %c0_i32, %c0_i32_0 : i32, i32
  }
  func.func @transform_25(%arg0: i32) -> (i32, i32) {
    %c0_i32 = arith.constant 0 : i32
    %c0_i32_0 = arith.constant 0 : i32
    %c0_i32_1 = arith.constant 0 : i32
    return %c0_i32, %c0_i32_0 : i32, i32
  }
  func.func @transform_26(%arg0: i32) -> (i32, i32) {
    %c0_i32 = arith.constant 0 : i32
    %c0_i32_0 = arith.constant 0 : i32
    %c0_i32_1 = arith.constant 0 : i32
    return %c0_i32, %c0_i32_0 : i32, i32
  }
  func.func @transform_27(%arg0: i32) -> (i32, i32) {
    %c0_i32 = arith.constant 0 : i32
    %c0_i32_0 = arith.constant 0 : i32
    %c0_i32_1 = arith.constant 0 : i32
    return %c0_i32, %c0_i32_0 : i32, i32
  }
  func.func @transform_28(%arg0: i32) -> (i32, i32) {
    %c0_i32 = arith.constant 0 : i32
    %c0_i32_0 = arith.constant 0 : i32
    %c0_i32_1 = arith.constant 0 : i32
    return %c0_i32, %c0_i32_0 : i32, i32
  }
  func.func @transform_29(%arg0: i32) -> (i32, i32) {
    %c0_i32 = arith.constant 0 : i32
    %c0_i32_0 = arith.constant 0 : i32
    %c0_i32_1 = arith.constant 0 : i32
    return %c0_i32, %c0_i32_0 : i32, i32
  }
  func.func @transform_30(%arg0: i32) -> (i32, i32) {
    %c0_i32 = arith.constant 0 : i32
    %c0_i32_0 = arith.constant 0 : i32
    %c0_i32_1 = arith.constant 0 : i32
    return %c0_i32, %c0_i32_0 : i32, i32
  }
  func.func @transform_31(%arg0: i32) -> (i32, i32) {
    %c0_i32 = arith.constant 0 : i32
    %c0_i32_0 = arith.constant 0 : i32
    %c0_i32_1 = arith.constant 0 : i32
    return %c0_i32, %c0_i32_0 : i32, i32
  }
  func.func @transform_32(%arg0: i32) -> (i32, i32) {
    %c0_i32 = arith.constant 0 : i32
    %c0_i32_0 = arith.constant 0 : i32
    %c0_i32_1 = arith.constant 0 : i32
    return %c0_i32, %c0_i32_0 : i32, i32
  }
  func.func @transform_33(%arg0: i32) -> (i32, i32) {
    %c0_i32 = arith.constant 0 : i32
    %c0_i32_0 = arith.constant 0 : i32
    %c0_i32_1 = arith.constant 0 : i32
    return %c0_i32, %c0_i32_0 : i32, i32
  }
  func.func @transform_34(%arg0: i32) -> (i32, i32) {
    %c0_i32 = arith.constant 0 : i32
    %c0_i32_0 = arith.constant 0 : i32
    %c0_i32_1 = arith.constant 0 : i32
    return %c0_i32, %c0_i32_0 : i32, i32
  }
  func.func @transform_35(%arg0: i32) -> (i32, i32) {
    %c0_i32 = arith.constant 0 : i32
    %c0_i32_0 = arith.constant 0 : i32
    %c0_i32_1 = arith.constant 0 : i32
    return %c0_i32, %c0_i32_0 : i32, i32
  }
  func.func @transform_36(%arg0: i32) -> (i32, i32) {
    %c0_i32 = arith.constant 0 : i32
    %c0_i32_0 = arith.constant 0 : i32
    %c0_i32_1 = arith.constant 0 : i32
    return %c0_i32, %c0_i32_0 : i32, i32
  }
  func.func @transform_37(%arg0: i32) -> (i32, i32) {
    %c0_i32 = arith.constant 0 : i32
    %c0_i32_0 = arith.constant 0 : i32
    %c0_i32_1 = arith.constant 0 : i32
    return %c0_i32, %c0_i32_0 : i32, i32
  }
  func.func @transform_38(%arg0: i32) -> (i32, i32) {
    %c0_i32 = arith.constant 0 : i32
    %c0_i32_0 = arith.constant 0 : i32
    %c0_i32_1 = arith.constant 0 : i32
    return %c0_i32, %c0_i32_0 : i32, i32
  }
  func.func @transform_39(%arg0: i32) -> (i32, i32) {
    %c0_i32 = arith.constant 0 : i32
    %c0_i32_0 = arith.constant 0 : i32
    %c0_i32_1 = arith.constant 0 : i32
    return %c0_i32, %c0_i32_0 : i32, i32
  }
  func.func @transform_40(%arg0: i32) -> (i32, i32) {
    %c0_i32 = arith.constant 0 : i32
    %c0_i32_0 = arith.constant 0 : i32
    %c0_i32_1 = arith.constant 0 : i32
    return %c0_i32, %c0_i32_0 : i32, i32
  }
  func.func @transform_41(%arg0: i32) -> (i32, i32) {
    %c0_i32 = arith.constant 0 : i32
    %c0_i32_0 = arith.constant 0 : i32
    %c0_i32_1 = arith.constant 0 : i32
    return %c0_i32, %c0_i32_0 : i32, i32
  }
  func.func @transform_42(%arg0: i32) -> (i32, i32) {
    %c0_i32 = arith.constant 0 : i32
    %c0_i32_0 = arith.constant 0 : i32
    %c0_i32_1 = arith.constant 0 : i32
    return %c0_i32, %c0_i32_0 : i32, i32
  }
  func.func @transform_43(%arg0: i32) -> (i32, i32) {
    %c0_i32 = arith.constant 0 : i32
    %c0_i32_0 = arith.constant 0 : i32
    %c0_i32_1 = arith.constant 0 : i32
    return %c0_i32, %c0_i32_0 : i32, i32
  }
  func.func @transform_44(%arg0: i32) -> (i32, i32) {
    %c0_i32 = arith.constant 0 : i32
    %c0_i32_0 = arith.constant 0 : i32
    %c0_i32_1 = arith.constant 0 : i32
    return %c0_i32, %c0_i32_0 : i32, i32
  }
  func.func @transform_45(%arg0: i32) -> (i32, i32) {
    %c0_i32 = arith.constant 0 : i32
    %c0_i32_0 = arith.constant 0 : i32
    %c0_i32_1 = arith.constant 0 : i32
    return %c0_i32, %c0_i32_0 : i32, i32
  }
  func.func @transform_46(%arg0: i32) -> (i32, i32, i32) {
    %c0_i32 = arith.constant 0 : i32
    %c0_i32_0 = arith.constant 0 : i32
    %c0_i32_1 = arith.constant 0 : i32
    return %arg0, %c0_i32, %c0_i32_0 : i32, i32, i32
  }
}

</mosaic_0001>

<sc_bundles>
// kernel: kernel.4.cloned.1.call-start
scs
__scs_entry_jumppad:
0x0: {  	(pc) =	sbr.rel $0x88, $3  }
0x1: {  	(tag) =	ssettag $0x0;
	lr =	simm.s32 $0x1  }
0x2: {  	[smem:$0x3F84] =	sst lr;
	_ =	strace $0xD0000000  }
0x3: {  	_ = 	snop  }
0x4: {  	_ = 	snop  }
0x5: {  	_ = 	snop  }
0x6: {  	_ = 	snop  }
0x7: {  	_ = 	snop  }
__scs_overlays_trampoline_lowered:
0x8: {  	[smem:$0x3F93] =	sst s0  }
0x9: {  	[smem:$0x3F94] =	sst s1  }
0xa: {  	[smem:$0x3F95] =	sst s2  }
0xb: {  	[smem:$0x3F96] =	sst s3  }
0xc: {  	[smem:$0x3F97] =	sst s4  }
0xd: {  	[smem:$0x3F98] =	sst s5  }
0xe: {  	[smem:$0x3F99] =	sst s6  }
0xf: {  	[smem:$0x3F9A] =	sst s7  }
0x10: {  	[smem:$0x3F9B] =	sst s8  }
0x11: {  	[smem:$0x3F9C] =	sst s9;
	s0 =	simm.s32 @!p0 $0x0  }
0x12: {  	s1 =	sld [smem:$0x3F82];
	s0 =	simm.s32 @p0 $0x1  }
0x13: {  	[smem:$0x3F9D] =	sst s0;
	s0 =	simm.s32 @!p1 $0x0  }
0x14: {  	s2 =	sld [smem:$0x3F81];
	s0 =	simm.s32 @p1 $0x1  }
0x15: {  	[smem:$0x3F9E] =	sst s0;
	s0 =	simm.s32 @!p2 $0x0  }
0x16: {  	s3 =	sld [smem:$0x3FDB];
	s0 =	simm.s32 @p2 $0x1  }
0x17: {  	s4 =	simm.s32 $0x1BF5;
	[smem:$0x3FA0] =	sst s0  }
0x18: {  	s0 =	sld [smem:$0x3F83];
	_ =	swait.ge [sflag:s4], $0x0  }
0x19: {  	s7 =	sld [smem:$0x3F84]  }
0x1a: {  	s8 =	sadd.s32 $0xFFFFE003, lr  }
0x1b: {  	s9 =	sadd.s32 $0xFFFFFEF7, lr;
	s5 =	simm.s32 $0xFFFFFFFF;
	p2 =	slt.u32 s8, $0xFFFFF086  }
0x1c: {  	p1 =	slt.u32 s9, $0xF7A;
	s5 =	simm.s32 @!p2 $0x0  }
0x1d: {  	s5 =	simm.s32 @p1 $0x1;
	p0 =	seq.s32 s7, s2  }
0x1e: {  	s7 =	smul.u32 @!p0 $0xF7A, s2;
	p2 =	seq.s32 @!p0 s5, $0x0  }
0x1f: {  	s9 =	smul.u32 $0xF7A, s1;
	s8 =	simm.s32 @!p0 $0x1BF5;
	p2 =	por !p2, p0  }
0x20: {  	[sflag:s8] =	ssyncset.s32 @!p0 $0xFFFFF086;
	s6 =	sadd.s32 @!p0 s3, s7;
	s7 =	simm.s32 @!p0 $0x108  }
0x21: {  	s3 =	sadd.s32 s3, s9;
	s6 =	sadd.s32 @!p0 $0x88, s6;
	s7 =	simm.s32 @p2 $0x1082  }
0x22: {  	[simem:s7], [sflag:s8] =	dma.local @!p0 [hbm:s6], $0xF7A  }
0x23: {  	s9 =	sor.u32 $0xD0000000, s2;
	s6 =	simm.s32 $0x108;
	_ =	swait.ge @!p0 [sflag:s8], $0x0  }
0x24: {  	s3 =	sadd.s32 $0x88, s3;
	s6 =	simm.s32 @!p1 $0x1082;
	[sflag:s4] =	ssyncset.s32 $0xFFFFF086  }
0x25: {  	[simem:s6], [sflag:s4] =	dma.local [hbm:s3], $0xF7A  }
0x26: {  	[smem:$0x3F84] =	sst s1;
	(tag) =	ssettag s2;
	_ =	strace s9  }
0x27: {  	s1 =	sld [smem:$0x3F94]  }
0x28: {  	s2 =	sld [smem:$0x3F95]  }
0x29: {  	s4 =	sld [smem:$0x3F97]  }
0x2a: {  	p0 =	seq.s32 s5, $0x0;
	s5 =	sld [smem:$0x3F98]  }
0x2b: {  	s6 =	sld [smem:$0x3F99]  }
0x2c: {  	s7 =	sld [smem:$0x3F9A]  }
0x2d: {  	s3 =	simm.s32 $0x108;
	s8 =	sld [smem:$0x3F9B]  }
0x2e: {  	s3 =	simm.s32 @!p0 $0x1082;
	s9 =	sld [smem:$0x3F9C]  }
0x2f: {  	lr =	sadd.s32 s0, s3;
	s0 =	sld [smem:$0x3F93]  }
0x30: {  	s3 =	sld [smem:$0x3F96]  }
0x31: {  	[smem:$0x3F9F] =	sst s10  }
0x32: {  	s10 =	sld [smem:$0x3F9D];
	_ =	sdelay $0x3  }
0x33: {  	p0 =	seq.s32 s10, $0x1;
	s10 =	sld [smem:$0x3F9F];
	_ =	sdelay $0x3  }
0x34: {  	[smem:$0x3F9F] =	sst s10  }
0x35: {  	s10 =	sld [smem:$0x3F9E];
	_ =	sdelay $0x3  }
0x36: {  	p1 =	seq.s32 s10, $0x1;
	s10 =	sld [smem:$0x3F9F];
	_ =	sdelay $0x3  }
0x37: {  	[smem:$0x3F9F] =	sst s10  }
0x38: {  	s10 =	sld [smem:$0x3FA0]  }
0x39: {  	_ = 	snop;
	(pc) =	sbr.ind lr, $3  }
0x3a: {  	_ = 	snop  }
0x3b: {  	_ = 	snop  }
0x3c: {  	p2 =	seq.s32 s10, $0x1;
	s10 =	sld [smem:$0x3F9F]  }
0x3d: {  	_ =	shalt  }
0x3e: {  	_ =	shalt  }
0x3f: {  	_ =	shalt  }
0x40: {  	_ =	shalt  }
0x41: {  	_ =	shalt  }
0x42: {  	_ =	shalt  }
0x43: {  	_ =	shalt  }
0x44: {  	_ =	shalt  }
0x45: {  	_ =	shalt  }
0x46: {  	_ =	shalt  }
0x47: {  	_ =	shalt  }
0x48: {  	_ =	shalt  }
0x49: {  	_ =	shalt  }
0x4a: {  	_ =	shalt  }
0x4b: {  	_ =	shalt  }
0x4c: {  	_ =	shalt  }
0x4d: {  	_ =	shalt  }
0x4e: {  	_ =	shalt  }
0x4f: {  	_ =	shalt  }
0x50: {  	_ =	shalt  }
0x51: {  	_ =	shalt  }
0x52: {  	_ =	shalt  }
0x53: {  	_ =	shalt  }
0x54: {  	_ =	shalt  }
0x55: {  	_ =	shalt  }
0x56: {  	_ =	shalt  }
0x57: {  	_ =	shalt  }
0x58: {  	_ =	shalt  }
0x59: {  	_ =	shalt  }
0x5a: {  	_ =	shalt  }
0x5b: {  	_ =	shalt  }
0x5c: {  	_ =	shalt  }
0x5d: {  	_ =	shalt  }
0x5e: {  	_ =	shalt  }
0x5f: {  	_ =	shalt  }
0x60: {  	_ =	shalt  }
0x61: {  	_ =	shalt  }
0x62: {  	_ =	shalt  }
0x63: {  	_ =	shalt  }
0x64: {  	_ =	shalt  }
0x65: {  	_ =	shalt  }
0x66: {  	_ =	shalt  }
0x67: {  	_ =	shalt  }
0x68: {  	_ =	shalt  }
0x69: {  	_ =	shalt  }
0x6a: {  	_ =	shalt  }
0x6b: {  	_ =	shalt  }
0x6c: {  	_ =	shalt  }
0x6d: {  	_ =	shalt  }
0x6e: {  	_ =	shalt  }
0x6f: {  	_ =	shalt  }
0x70: {  	_ =	shalt  }
0x71: {  	_ =	shalt  }
0x72: {  	_ =	shalt  }
0x73: {  	_ =	shalt  }
0x74: {  	_ =	shalt  }
0x75: {  	_ =	shalt  }
0x76: {  	_ =	shalt  }
0x77: {  	_ =	shalt  }
0x78: {  	_ =	shalt  }
0x79: {  	_ =	shalt  }
0x7a: {  	_ =	shalt  }
0x7b: {  	_ =	shalt  }
0x7c: {  	_ =	shalt  }
0x7d: {  	_ =	shalt  }
0x7e: {  	_ =	shalt  }
0x7f: {  	_ =	shalt  }
0x80: {  	_ =	shalt  }
0x81: {  	_ =	shalt  }
0x82: {  	_ =	shalt  }
0x83: {  	_ =	shalt  }
0x84: {  	_ =	shalt  }
0x85: {  	_ =	shalt  }
0x86: {  	_ =	shalt  }
0x87: {  	_ =	shalt  }
.Lfunc_end0:
.L_simem_size_0:
called_computation_lowered:
.L_overlay_start_0:
0x88: {  	s2 =	sld [smem:$0x3FD9]  }
0x89: {  	s3 =	sld [smem:$0x3FFE];
	_ =	sdelay $0x1  }
0x8a: {  	s1 =	srdreg.scid  }
0x8b: {  	s0 =	sand.u32 $0x1, s1  }
0x8c: {  	s16 =	sshll.u32 s0, $0xA;
	s2 =	sadd.s32 s3, s2  }
0x8d: {  	s2 =	sadd.s32 s2, s16  }
0x8e: {  	[smem:$0x3FAB] =	sst s2  }
0x8f: {  	_ = 	snop  }
0x90: {  	(tm) =	ssettm $0x1  }
0x91: {  	s17 =	sld [smem:$0x3FFB];
	_ =	sdelay $0x3  }
0x92: {  	_ =	strace s17  }
0x93: {  	s2 =	sld [smem:$0x3FFC];
	_ =	sdelay $0x3  }
0x94: {  	_ =	strace s2  }
0x95: {  	s2 =	sld [smem:$0x3FFD];
	_ =	sdelay $0x3  }
0x96: {  	_ =	strace s2  }
0x97: {  	_ =	strace $0x8FFFFFFF  }
0x98: {  	s18 =	sld [smem:$0x3FDB];
	_ =	sdelay $0x1  }
0x99: {  	s19 =	simm.s32 $_scs_section_size  }
0x9a: {  	s4 =	simm.s32 $_size__tile_overlayer_lowered;
	s5 =	simm.s32 $_tile_overlayer_lowered  }
0x9b: {  	s22 =	simm.s32 $0x1BFF;
	s21 =	sshll.u32 s5, $0x1;
	s2 =	sadd.s32 s19, s18  }
0x9c: {  	s6 =	simm.s32 $0x0;
	s20 =	sshll.u32 s4, $0x1;
	s4 =	sadd.s32 s21, s2  }
0x9d: {  	[timem:s6], [sflag:s22] =	dma.local [hbm:s4], s20  }
0x9e: {  	_ =	swait.ge [sflag:s22], s20  }
0x9f: {  	s3 =	ssub.s32 $0x0, s20;
	[sflag:s22] =	ssyncset.done $0x0  }
0xa0: {  	[sflag:s22] =	ssyncadd.s32 s3;
	_ =	sdelay $0x1  }
0xa1: {  	s23 =	simm.s32 $0x1B8B  }
0xa2: {  	_ =	swait.ge [sflag:s23], $0x1  }
0xa3: {  	[sflag:s23] =	ssyncset.done $0x0  }
0xa4: {  	s25 =	simm.s32 $0x1B8E;
	s24 =	sld [smem:$0x3FFE];
	[sflag:s23] =	ssyncadd.s32 $0xFFFFFFFF  }
0xa5: {  	s26 =	simm.s32 $execute0_lowered;
	[smem:$0x3FD2] =	sst s25  }
0xa6: {  	s4 =	sshll.u32 s26, $0x1;
	_ =	strace $0x80000046;
	[dreg:$0x1] =	wrdreg $0xFFFFFFFF  }
0xa7: {  	s28 =	simm.s32 $_size_execute0_lowered;
	s2 =	sadd.s32 s2, s4;
	[dreg:$0x0] =	wrdreg $0x0  }
0xa8: {  	s4 =	sshll.u32 s28, $0x1;
	[dreg:$0x2] =	wrdreg s2  }
0xa9: {  	[dreg:$0x3] =	wrdreg s4  }
0xaa: {  	[dreg:$0x4] =	wrdreg $0xC0  }
0xab: {  	_ =	task [dreg:s6], $0x5FFFF  }
0xac: {  	[dreg:$0x1] =	wrdreg $0xFFFFFFFF  }
0xad: {  	[dreg:$0x0] =	wrdreg $0x60  }
0xae: {  	[dreg:$0x2] =	wrdreg s24  }
0xaf: {  	[dreg:$0x3] =	wrdreg $0xD0000  }
0xb0: {  	[dreg:$0x4] =	wrdreg $0x9  }
0xb1: {  	_ =	task.clear_ibuf [dreg:s6], $0x5FFFF;
	_ =	strace $0x90000046  }
0xb2: {  	s29 =	simm.s32 $0x9;
	_ =	strace $0x80000048  }
0xb3: {  	_ =	swait.ge [sflag:s29], $0x1  }
0xb4: {  	[sflag:s29] =	ssyncadd.s32 $0xFFFFFFFF  }
0xb5: {  	_ =	strace $0x90000048  }
0xb6: {  	_ =	sfence  }
0xb7: {  	s30 =	sld [smem:$0x0];
	_ =	sdelay $0x2  }
0xb8: {  	s31 =	sshll.u32 s1, $0xD;
	s1 =	sshrl.u32 s1, $0x2  }
0xb9: {  	s3 =	sand.u32 $0x4000, s31;
	s1 =	sadd.s32 s1, s30  }
0xba: {  	s0 =	sor.u32 s3, s0;
	s1 =	sshll.u32 s1, $0x11  }
0xbb: {  	s0 =	sor.u32 s1, s0  }
0xbc: {  	s0 =	sadd.s32 $0x8F2B, s0  }
0xbd: {  	[sflag:s0] =	ssyncadd.remote.s32 $0x1  }
0xbe: {  	_ =	sfence.sel $0xFFFF  }
0xbf: {  	[dreg:$0x0] =	wrdreg $0xFFFFFFFF;
	(pc) =	sbr.abs _section_cstart, $3  }
0xc0: {  	[dreg:$0x1] =	wrdreg $0xFFFFFFFF  }
0xc1: {  	_ =	task.clear_ibuf [dreg:s6], $0x2FFFF;
	_ =	strace $0x9FFFFFFF  }
0xc2: {  	(tm) =	ssettm $0x7FFFFFFF  }
0xc3: {  	_ =	shalt  }
tec
execute0_lowered:
.L_overlay_start_1:
0x0: {  	(tag) =	ssettag $0x1  }
0x1: {  	s9 =	stileid.u32;
	s1 =	rddreg [dreg:$0x0]  }
0x2: {  	s0 =	srdreg.scid;
	s2 =	rddreg [dreg:$0x1]  }
0x3: {  	s7 =	simm.s32 $0x0;
	s0 =	sand.u32 $0x1, s0;
	s3 =	smul.u32 $0xC40, s9  }
0x4: {  	s6 =	sand.u32 $0x3, s9;
	[smem:$0x7FF] =	sst s7;
	s4 =	smul.u32 $0x31000, s0  }
0x5: {  	s5 =	smul.u32 $0x1880, s6;
	_ =	strace $0x80000047;
	s26 =	ssub.s32 $0x2, s0  }
0x6: {  	s10 =	sshrl.u32 s26, $0x1;
	s14 =	sadd.s32 s3, s2;
	s4 =	sadd.s32 s3, s4  }
0x7: {  	s8 =	sadd.s32 s5, s1;
	s5 =	sadd.s32 $0x3600, s1;
	s10 =	ssub.s32 s26, s10  }
0x8: {  	[dreg:$0x3] =	wrdreg s14;
	s25 =	sshrl.u32 s4, $0x3;
	s11 =	sadd.s32 $0x34600, s8  }
0x9: {  	s4 =	sadd.s32 $0x3A800, s1;
	s10 =	smax.u32 s10, $0x1;
	[dreg:$0x4] =	wrdreg s11  }
0xa: {  	s1 =	sadd.s32 s25, s1;
	[dreg:$0x15] =	wrdreg s10;
	s11 =	sadd.s32 $0xC400, s14  }
0xb: {  	s12 =	sadd.s32 $0x6B800, s1;
	[dreg:$0x19] =	wrdreg s11  }
0xc: {  	s13 =	sadd.s32 $0x6B880, s1;
	[dreg:$0x5] =	wrdreg s12  }
0xd: {  	s15 =	sadd.s32 $0x6B900, s1;
	[dreg:$0x6] =	wrdreg s13  }
0xe: {  	s16 =	sadd.s32 $0x6B980, s1;
	[dreg:$0x7] =	wrdreg s15  }
0xf: {  	s17 =	sadd.s32 $0x6D080, s1;
	[dreg:$0x8] =	wrdreg s16  }
0x10: {  	s18 =	sadd.s32 $0x6D100, s1;
	[dreg:$0x9] =	wrdreg s17  }
0x11: {  	s19 =	sadd.s32 $0x6D180, s1;
	[dreg:$0xa] =	wrdreg s18  }
0x12: {  	s20 =	sadd.s32 $0x6D200, s1;
	[dreg:$0xb] =	wrdreg s19  }
0x13: {  	s21 =	sadd.s32 $0x6E900, s1;
	[dreg:$0xc] =	wrdreg s20  }
0x14: {  	s28 =	simm.s32 $0xC980;
	s22 =	sadd.s32 $0x6E980, s1;
	[dreg:$0xd] =	wrdreg s21  }
0x15: {  	s29 =	simm.s32 $0xCD80;
	s23 =	sadd.s32 $0x6EA00, s1;
	[dreg:$0xe] =	wrdreg s22  }
0x16: {  	s30 =	simm.s32 $0xCA00;
	s24 =	sadd.s32 $0x6EA80, s1;
	[dreg:$0xf] =	wrdreg s23  }
0x17: {  	s31 =	simm.s32 $0xCE00;
	s25 =	sadd.s32 $0x70180, s1;
	[dreg:$0x10] =	wrdreg s24  }
0x18: {  	s9 =	sshrl.u32 s9, $0x2;
	s26 =	sadd.s32 $0x70200, s1;
	[dreg:$0x11] =	wrdreg s25  }
0x19: {  	s0 =	sshll.u32 s0, $0x2;
	s3 =	sadd.s32 $0x70280, s1;
	[dreg:$0x12] =	wrdreg s26  }
0x1a: {  	s6 =	smul.u32 $0xC400, s6;
	s8 =	sadd.s32 $0x70300, s1;
	[dreg:$0x13] =	wrdreg s3  }
0x1b: {  	s0 =	sor.u32 s9, s0;
	[dreg:$0x14] =	wrdreg s8;
	s12 =	sadd.s32 $0xC800, s14  }
0x1c: {  	s7 =	smul.u32 $0x31000, s0;
	s13 =	sadd.s32 $0xCC00, s14;
	[dreg:$0x1a] =	wrdreg s12  }
0x1d: {  	s9 =	smul.u32 $0xC4, s0;
	s18 =	sadd.s32 $0xD000, s14;
	[dreg:$0x1b] =	wrdreg s13  }
0x1e: {  	s0 =	simm.s32 $0xCE80;
	s19 =	sadd.s32 $0x18800, s14;
	[dreg:$0x1c] =	wrdreg s18  }
0x1f: {  	s10 =	simm.s32 $0xCF00;
	s20 =	sadd.s32 $0x18C00, s14;
	[dreg:$0x1d] =	wrdreg s19  }
0x20: {  	s1 =	simm.s32 $0xCA80;
	s21 =	sadd.s32 $0x19000, s14;
	[dreg:$0x1e] =	wrdreg s20  }
0x21: {  	s11 =	simm.s32 $0xCB80;
	s22 =	sadd.s32 $0x19400, s14;
	[dreg:$0x1f] =	wrdreg s21  }
0x22: {  	s15 =	sadd.s32 $0x400, s14;
	s23 =	sadd.s32 $0x24C00, s14;
	[smem:$0x7F9] =	sst s22  }
0x23: {  	s16 =	sadd.s32 $0x800, s14;
	s24 =	sadd.s32 $0x25000, s14;
	[smem:$0x7FA] =	sst s23  }
0x24: {  	s17 =	sadd.s32 $0xC00, s14;
	s25 =	sadd.s32 $0x25400, s14;
	[smem:$0x7FB] =	sst s24  }
0x25: {  	s26 =	sadd.s32 $0x25800, s14;
	s8 =	simm.s32 $0xCB00;
	[smem:$0x7FC] =	sst s25  }
0x26: {  	[smem:$0x7FD] =	sst s26;
	s18 =	simm.s32 $0xCC00;
	s19 =	simm.s32 $0x1  }
0x27: {  	s20 =	simm.s32 $0xC400;
	s21 =	simm.s32 $0xC800;
	s22 =	simm.s32 $0x80  }
0x28: {  	s23 =	simm.s32 $0xC880;
	s24 =	simm.s32 $0xCC80;
	[dreg:$0x16] =	wrdreg s15  }
0x29: {  	s25 =	simm.s32 $0xC900;
	s26 =	simm.s32 $0xCD00;
	[dreg:$0x17] =	wrdreg s16  }
0x2a: {  	v1 =	vimm.f32 $0.0e+00;
	v0 =	vmov s6;
	s12 =	simm.s32 $0xCF80;
	s13 =	simm.s32 $0x0;
	[dreg:$0x18] =	wrdreg s17  }
.LBB2_1:
0x2b: {  	s6 =	simm.s32 $0x40;
	s3 =	simm.s32 $0x0  }
.LBB2_2:
0x2c: {  	p0 =	sne.s32 s6, $0xFC0;
	[tilespmem:s3+$0xCC00] =	vst v1;
	s3 =	smov.u32 s6;
	s6 =	sadd.s32 $0x40, s6  }
.Ltmp0:
0x2d: {  	(pc) =	sbr.rel @p0 .LBB2_2-.Ltmp0, $2  }
0x2e: {  	_ =	sdelay $0x2  }
0x2f: {  	s3 =	sshra.s32 s3, $0x2  }
0x30: {  	[tilespmem:s3+$0xCC00] =	vst v1  }
0x31: {  	[spmem:s14] =	stream.linear.scatter [tilespmem:s18], [sflag:$0x1], $0x400, $0x38;
	[tilespmem:$0x10100] =	vst v63  }
0x32: {  	_ =	swait.ge [sflag:s19], $0x400  }
0x33: {  	[sflag:s19] =	ssyncset.done $0x0  }
0x34: {  	[sflag:s19] =	ssyncadd.s32 $0xFFFFFC00  }
0x35: {  	[spmem:s15] =	stream.linear.scatter [tilespmem:s18], [sflag:$0x1], $0x400, $0x38;
	[tilespmem:$0x10100] =	vst v63  }
0x36: {  	_ =	swait.ge [sflag:s19], $0x400  }
0x37: {  	[sflag:s19] =	ssyncset.done $0x0  }
0x38: {  	[sflag:s19] =	ssyncadd.s32 $0xFFFFFC00  }
0x39: {  	[spmem:s16] =	stream.linear.scatter [tilespmem:s18], [sflag:$0x1], $0x400, $0x38;
	[tilespmem:$0x10100] =	vst v63  }
0x3a: {  	_ =	swait.ge [sflag:s19], $0x400  }
0x3b: {  	[sflag:s19] =	ssyncset.done $0x0  }
0x3c: {  	[sflag:s19] =	ssyncadd.s32 $0xFFFFFC00  }
0x3d: {  	[spmem:s17] =	stream.linear.scatter [tilespmem:s18], [sflag:$0x1], $0x40, $0x38;
	[tilespmem:$0x10100] =	vst v63  }
0x3e: {  	_ =	swait.ge [sflag:s19], $0x40  }
0x3f: {  	[sflag:s19] =	ssyncset.done $0x0  }
0x40: {  	s15 =	rddreg [dreg:$0x19];
	[sflag:s19] =	ssyncadd.s32 $0xFFFFFFC0  }
0x41: {  	[spmem:s15] =	stream.linear.scatter [tilespmem:s18], [sflag:$0x1], $0x400, $0x38;
	[tilespmem:$0x10100] =	vst v63  }
0x42: {  	_ =	swait.ge [sflag:s19], $0x400  }
0x43: {  	[sflag:s19] =	ssyncset.done $0x0  }
0x44: {  	s16 =	rddreg [dreg:$0x1a];
	[sflag:s19] =	ssyncadd.s32 $0xFFFFFC00  }
0x45: {  	[spmem:s16] =	stream.linear.scatter [tilespmem:s18], [sflag:$0x1], $0x400, $0x38;
	[tilespmem:$0x10100] =	vst v63  }
0x46: {  	_ =	swait.ge [sflag:s19], $0x400  }
0x47: {  	[sflag:s19] =	ssyncset.done $0x0  }
0x48: {  	s17 =	rddreg [dreg:$0x1b];
	[sflag:s19] =	ssyncadd.s32 $0xFFFFFC00  }
0x49: {  	[spmem:s17] =	stream.linear.scatter [tilespmem:s18], [sflag:$0x1], $0x400, $0x38;
	[tilespmem:$0x10100] =	vst v63  }
0x4a: {  	_ =	swait.ge [sflag:s19], $0x400  }
0x4b: {  	[sflag:s19] =	ssyncset.done $0x0  }
0x4c: {  	s6 =	rddreg [dreg:$0x1c];
	[sflag:s19] =	ssyncadd.s32 $0xFFFFFC00  }
0x4d: {  	[spmem:s6] =	stream.linear.scatter [tilespmem:s18], [sflag:$0x1], $0x40, $0x38;
	[tilespmem:$0x10100] =	vst v63  }
0x4e: {  	_ =	swait.ge [sflag:s19], $0x40  }
0x4f: {  	[sflag:s19] =	ssyncset.done $0x0  }
0x50: {  	s14 =	rddreg [dreg:$0x1d];
	[sflag:s19] =	ssyncadd.s32 $0xFFFFFFC0  }
0x51: {  	[spmem:s14] =	stream.linear.scatter [tilespmem:s18], [sflag:$0x1], $0x400, $0x38;
	[tilespmem:$0x10100] =	vst v63  }
0x52: {  	_ =	swait.ge [sflag:s19], $0x400  }
0x53: {  	[sflag:s19] =	ssyncset.done $0x0  }
0x54: {  	s15 =	rddreg [dreg:$0x1e];
	[sflag:s19] =	ssyncadd.s32 $0xFFFFFC00  }
0x55: {  	[spmem:s15] =	stream.linear.scatter [tilespmem:s18], [sflag:$0x1], $0x400, $0x38;
	[tilespmem:$0x10100] =	vst v63  }
0x56: {  	_ =	swait.ge [sflag:s19], $0x400  }
0x57: {  	[sflag:s19] =	ssyncset.done $0x0  }
0x58: {  	s16 =	rddreg [dreg:$0x1f];
	[sflag:s19] =	ssyncadd.s32 $0xFFFFFC00  }
0x59: {  	[spmem:s16] =	stream.linear.scatter [tilespmem:s18], [sflag:$0x1], $0x400, $0x38;
	[tilespmem:$0x10100] =	vst v63  }
0x5a: {  	_ =	swait.ge [sflag:s19], $0x400  }
0x5b: {  	s17 =	sld [smem:$0x7F9]  }
0x5c: {  	[sflag:s19] =	ssyncset.done $0x0  }
0x5d: {  	[sflag:s19] =	ssyncadd.s32 $0xFFFFFC00  }
0x5e: {  	[spmem:s17] =	stream.linear.scatter [tilespmem:s18], [sflag:$0x1], $0x40, $0x38;
	[tilespmem:$0x10100] =	vst v63  }
0x5f: {  	_ =	swait.ge [sflag:s19], $0x40  }
0x60: {  	s6 =	sld [smem:$0x7FA]  }
0x61: {  	[sflag:s19] =	ssyncset.done $0x0  }
0x62: {  	[sflag:s19] =	ssyncadd.s32 $0xFFFFFFC0  }
0x63: {  	[spmem:s6] =	stream.linear.scatter [tilespmem:s18], [sflag:$0x1], $0x400, $0x38;
	[tilespmem:$0x10100] =	vst v63  }
0x64: {  	_ =	swait.ge [sflag:s19], $0x400  }
0x65: {  	s14 =	sld [smem:$0x7FB]  }
0x66: {  	[sflag:s19] =	ssyncset.done $0x0  }
0x67: {  	[sflag:s19] =	ssyncadd.s32 $0xFFFFFC00  }
0x68: {  	[spmem:s14] =	stream.linear.scatter [tilespmem:s18], [sflag:$0x1], $0x400, $0x38;
	[tilespmem:$0x10100] =	vst v63  }
0x69: {  	_ =	swait.ge [sflag:s19], $0x400  }
0x6a: {  	s15 =	sld [smem:$0x7FC]  }
0x6b: {  	[sflag:s19] =	ssyncset.done $0x0  }
0x6c: {  	[sflag:s19] =	ssyncadd.s32 $0xFFFFFC00  }
0x6d: {  	[spmem:s15] =	stream.linear.scatter [tilespmem:s18], [sflag:$0x1], $0x400, $0x38;
	[tilespmem:$0x10100] =	vst v63  }
0x6e: {  	_ =	swait.ge [sflag:s19], $0x400  }
0x6f: {  	s16 =	sld [smem:$0x7FD]  }
0x70: {  	[sflag:s19] =	ssyncset.done $0x0  }
0x71: {  	[sflag:s19] =	ssyncadd.s32 $0xFFFFFC00  }
0x72: {  	[spmem:s16] =	stream.linear.scatter [tilespmem:s18], [sflag:$0x1], $0x40, $0x38;
	[tilespmem:$0x10100] =	vst v63  }
0x73: {  	_ =	swait.ge [sflag:s19], $0x40  }
0x74: {  	[sflag:s19] =	ssyncset.done $0x0  }
0x75: {  	s14 =	simm.s32 $0x0;
	s17 =	rddreg [dreg:$0x4];
	[sflag:s19] =	ssyncadd.s32 $0xFFFFFFC0  }
0x76: {  	[tilespmem:s14], [sflag:$0x1] =	stream.linear.gather [hbm4b:s17+s14], $0xC400, $0x38;
	[tilespmem:$0x10100] =	vst v63  }
0x77: {  	_ =	swait.ge [sflag:s19], $0xC400  }
0x78: {  	[sflag:s19] =	ssyncset.done $0x0  }
0x79: {  	[sflag:s19] =	ssyncadd.s32 $0xFFFF3C00  }
0x7a: {  	s15 =	simm.s32 $0x0;
	[bflag:$0x0] =	sbarrier.arrive $0xFFFF  }
.LBB2_4:
0x7b: {  	s3 =	sshll.u32 s15, $0xA  }
0x7c: {  	s3 =	sadd.s32 s7, s3  }
0x7d: {  	s3 =	sshrl.u32 s3, $0x3  }
0x7e: {  	s3 =	sadd.s32 s4, s3  }
0x7f: {  	[tilespmem:s20], [sflag:$0x1] =	stream.linear.gather [hbm4b:s3+s14], $0x400, $0x38;
	[tilespmem:$0x10100] =	vst v63  }
0x80: {  	s17 =	sadd.s32 s9, s15;
	_ =	swait.ge [sflag:s19], $0x400  }
0x81: {  	s3 =	sshll.u32 s17, $0x7;
	[sflag:s19] =	ssyncset.done $0x0  }
0x82: {  	s3 =	sadd.s32 s5, s3;
	[sflag:s19] =	ssyncadd.s32 $0xFFFFFC00  }
0x83: {  	[tilespmem:s21], [sflag:$0x1] =	stream.linear.gather [hbm4b:s3+s14], $0x400, $0x38;
	[tilespmem:$0x10100] =	vst v63  }
0x84: {  	_ =	swait.ge [sflag:s19], $0x400  }
0x85: {  	[sflag:s19] =	ssyncset.done $0x0  }
0x86: {  	s16 =	simm.s32 $0x0;
	[sflag:s19] =	ssyncadd.s32 $0xFFFFFC00  }
0x87: {  	v2 =	vld [tilespmem:s16+$0xC400];
	_ =	sdelay $0x7  }
0x88: {  	s6 =	simm.s32 $0x80;
	s17 =	simm.s32 $0x10;
	v2 =	vld.idx.msk [tilespmem:v2+s14+$0x0], $0xffff  }
.LBB2_5:
0x89: {  	p0 =	sne.s32 s6, $0xFC0;
	v3 =	vld [tilespmem:s17+$0xC400];
	_ =	sdelay $0x3  }
.Ltmp1:
0x8a: {  	(pc) =	sbr.rel @p0 .LBB2_5-.Ltmp1, $3  }
0x8b: {  	[tilespmem:s16+$0xCC00] =	vst v2;
	s16 =	smov.u32 s17;
	_ =	sdelay $0x1  }
0x8c: {  	s3 =	simm.s32 $0x0  }
0x8d: {  	s17 =	sshra.s32 s6, $0x2;
	s6 =	sadd.s32 $0x40, s6;
	v2 =	vld.idx.msk [tilespmem:v3+s3+$0x0], $0xffff  }
0x8e: {  	v3 =	vld [tilespmem:s17+$0xC400];
	_ =	sdelay $0x6  }
0x8f: {  	[tilespmem:s16+$0xCC00] =	vst v2  }
0x90: {  	v2 =	vld.idx.msk [tilespmem:v3+s3+$0x0], $0xffff;
	_ =	sdelay $0x4  }
0x91: {  	s16 =	simm.s32 $0x0;
	[tilespmem:s17+$0xCC00] =	vst v2  }
0x92: {  	v4 =	vld [tilespmem:s16+$0xC800]  }
0x93: {  	p0 =	por $0x1, $0x1;
	v6 =	vld [tilespmem:s16+$0xC810]  }
.Ltmp2:
0x94: {  	v5 =	vld [tilespmem:s16+$0xC820];
	(pc) =	sbr.rel @!p0 .LBB2_8-.Ltmp2, $4  }
0x95: {  	v3 =	vld [tilespmem:s16+$0xC830]  }
0x96: {  	v2 =	vld [tilespmem:s16+$0xC840]  }
0x97: {  	v7 =	vadd.s32 v0, v4;
	v4 =	vld [tilespmem:s16+$0xC850]  }
0x98: {  	s17 =	simm.s32 $0x200;
	[tilespmem:s16+$0xC800] =	vst v7;
	v7 =	vadd.s32 v0, v6;
	v6 =	vld [tilespmem:s16+$0xC860]  }
.LBB2_7:
0x99: {  	s3 =	sshra.s32 s17, $0x2;
	p0 =	sne.s32 s17, $0xE00;
	[tilespmem:s16+$0xC810] =	vst v7;
	v5 =	vadd.s32 v0, v5;
	v7 =	vld [tilespmem:s16+$0xC870]  }
0x9a: {  	v8 =	vld [tilespmem:s3+$0xC800];
	[tilespmem:s16+$0xC820] =	vst v5;
	v3 =	vadd.s32 v0, v3  }
0x9b: {  	v9 =	vld [tilespmem:s3+$0xC810];
	[tilespmem:s16+$0xC830] =	vst v3;
	v2 =	vadd.s32 v0, v2  }
.Ltmp3:
0x9c: {  	v5 =	vld [tilespmem:s3+$0xC820];
	[tilespmem:s16+$0xC840] =	vst v2;
	v2 =	vadd.s32 v0, v4;
	(pc) =	sbr.rel @p0 .LBB2_7-.Ltmp3, $4  }
0x9d: {  	v3 =	vld [tilespmem:s3+$0xC830];
	[tilespmem:s16+$0xC850] =	vst v2;
	v4 =	vadd.s32 v0, v6  }
0x9e: {  	v2 =	vld [tilespmem:s3+$0xC840];
	[tilespmem:s16+$0xC860] =	vst v4;
	v6 =	vadd.s32 v0, v7  }
0x9f: {  	v7 =	vadd.s32 v0, v8;
	v4 =	vld [tilespmem:s3+$0xC850];
	[tilespmem:s16+$0xC870] =	vst v6;
	s16 =	smov.u32 s3  }
0xa0: {  	s17 =	sadd.s32 $0x200, s17;
	[tilespmem:s16+$0xC800] =	vst v7;
	v7 =	vadd.s32 v0, v9;
	v6 =	vld [tilespmem:s16+$0xC860]  }
.LBB2_8:
0xa1: {  	[tilespmem:s16+$0xC810] =	vst v7;
	v5 =	vadd.s32 v0, v5;
	v63 =	vld [tilespmem:s16+$0xC870]  }
0xa2: {  	[tilespmem:s16+$0xC820] =	vst v5;
	v3 =	vadd.s32 v0, v3  }
0xa3: {  	[tilespmem:s16+$0xC830] =	vst v3;
	v2 =	vadd.s32 v0, v2  }
0xa4: {  	[tilespmem:s16+$0xC840] =	vst v2;
	v2 =	vadd.s32 v0, v4  }
0xa5: {  	[tilespmem:s16+$0xC850] =	vst v2;
	v2 =	vadd.s32 v0, v6  }
0xa6: {  	[tilespmem:s16+$0xC860] =	vst v2;
	v2 =	vadd.s32 v0, v63  }
0xa7: {  	[tilespmem:s16+$0xC870] =	vst v2  }
0xa8: {  	[spmem:s2] =	stream.indirect.scatter.add.f32 [tilespmem:s18], [sflag:$0x1], $0x1, s21, s22, $0xb8;
	[tilespmem:$0x10100] =	vst v63  }
0xa9: {  	_ =	swait.ge [sflag:s19], $0x80  }
0xaa: {  	[sflag:s19] =	ssyncset.done $0x0  }
0xab: {  	[sflag:s19] =	ssyncadd.s32 $0xFFFFFF80  }
0xac: {  	[spmem:s2] =	stream.indirect.scatter.add.f32 [tilespmem:s24], [sflag:$0x1], $0x1, s23, s22, $0xb8;
	[tilespmem:$0x10100] =	vst v63  }
0xad: {  	_ =	swait.ge [sflag:s19], $0x80  }
0xae: {  	[sflag:s19] =	ssyncset.done $0x0  }
0xaf: {  	[sflag:s19] =	ssyncadd.s32 $0xFFFFFF80  }
0xb0: {  	[spmem:s2] =	stream.indirect.scatter.add.f32 [tilespmem:s26], [sflag:$0x1], $0x1, s25, s22, $0xb8;
	[tilespmem:$0x10100] =	vst v63  }
0xb1: {  	_ =	swait.ge [sflag:s19], $0x80  }
0xb2: {  	[sflag:s19] =	ssyncset.done $0x0  }
0xb3: {  	[sflag:s19] =	ssyncadd.s32 $0xFFFFFF80  }
0xb4: {  	[spmem:s2] =	stream.indirect.scatter.add.f32 [tilespmem:s29], [sflag:$0x1], $0x1, s28, s22, $0xb8;
	[tilespmem:$0x10100] =	vst v63  }
0xb5: {  	_ =	swait.ge [sflag:s19], $0x80  }
0xb6: {  	[sflag:s19] =	ssyncset.done $0x0  }
0xb7: {  	[sflag:s19] =	ssyncadd.s32 $0xFFFFFF80  }
0xb8: {  	[spmem:s2] =	stream.indirect.scatter.add.f32 [tilespmem:s31], [sflag:$0x1], $0x1, s30, s22, $0xb8;
	[tilespmem:$0x10100] =	vst v63  }
0xb9: {  	_ =	swait.ge [sflag:s19], $0x80  }
0xba: {  	[sflag:s19] =	ssyncset.done $0x0  }
0xbb: {  	[sflag:s19] =	ssyncadd.s32 $0xFFFFFF80  }
0xbc: {  	[spmem:s2] =	stream.indirect.scatter.add.f32 [tilespmem:s0], [sflag:$0x1], $0x1, s1, s22, $0xb8;
	[tilespmem:$0x10100] =	vst v63  }
0xbd: {  	_ =	swait.ge [sflag:s19], $0x80  }
0xbe: {  	[sflag:s19] =	ssyncset.done $0x0  }
0xbf: {  	[sflag:s19] =	ssyncadd.s32 $0xFFFFFF80  }
0xc0: {  	[spmem:s2] =	stream.indirect.scatter.add.f32 [tilespmem:s10], [sflag:$0x1], $0x1, s8, s22, $0xb8;
	[tilespmem:$0x10100] =	vst v63  }
0xc1: {  	s15 =	sadd.s32 $0x1, s15;
	_ =	swait.ge [sflag:s19], $0x80  }
0xc2: {  	p0 =	sne.s32 s15, $0xC4;
	[sflag:s19] =	ssyncset.done $0x0  }
.Ltmp4:
0xc3: {  	[sflag:s19] =	ssyncadd.s32 $0xFFFFFF80;
	(pc) =	sbr.rel @p0 .LBB2_4-.Ltmp4, $4  }
0xc4: {  	[spmem:s2] =	stream.indirect.scatter.add.f32 [tilespmem:s12], [sflag:$0x1], $0x1, s11, s22, $0xb8;
	[tilespmem:$0x10100] =	vst v63  }
0xc5: {  	_ =	swait.ge [sflag:s19], $0x80  }
0xc6: {  	[sflag:s19] =	ssyncset.done $0x0  }
0xc7: {  	[sflag:s19] =	ssyncadd.s32 $0xFFFFFF80  }
0xc8: {  	[bflag:$0x0] =	sbarrier.arrive $0xFFFF  }
0xc9: {  	s14 =	rddreg [dreg:$0x3]  }
0xca: {  	[tilespmem:s18], [sflag:$0x1] =	stream.linear.gather [spmem:s14], $0x400, $0x38;
	[tilespmem:$0x10100] =	vst v63  }
0xcb: {  	_ =	swait.ge [sflag:s19], $0x400  }
0xcc: {  	[sflag:s19] =	ssyncset.done $0x0  }
0xcd: {  	s3 =	simm.s32 $0x0;
	s6 =	rddreg [dreg:$0x5];
	[sflag:s19] =	ssyncadd.s32 $0xFFFFFC00  }
0xce: {  	[hbm4b:s6+s3] =	stream.linear.scatter [tilespmem:s18], [sflag:$0x1], $0x400, $0x38;
	[tilespmem:$0x10100] =	vst v63  }
0xcf: {  	_ =	swait.ge [sflag:s19], $0x400  }
0xd0: {  	[sflag:s19] =	ssyncset.done $0x0  }
0xd1: {  	s15 =	rddreg [dreg:$0x16];
	[sflag:s19] =	ssyncadd.s32 $0xFFFFFC00  }
0xd2: {  	[tilespmem:s18], [sflag:$0x1] =	stream.linear.gather [spmem:s15], $0x400, $0x38;
	[tilespmem:$0x10100] =	vst v63  }
0xd3: {  	_ =	swait.ge [sflag:s19], $0x400  }
0xd4: {  	[sflag:s19] =	ssyncset.done $0x0  }
0xd5: {  	s16 =	rddreg [dreg:$0x6];
	[sflag:s19] =	ssyncadd.s32 $0xFFFFFC00  }
0xd6: {  	[hbm4b:s16+s3] =	stream.linear.scatter [tilespmem:s18], [sflag:$0x1], $0x400, $0x38;
	[tilespmem:$0x10100] =	vst v63  }
0xd7: {  	_ =	swait.ge [sflag:s19], $0x400  }
0xd8: {  	[sflag:s19] =	ssyncset.done $0x0  }
0xd9: {  	s16 =	rddreg [dreg:$0x17];
	[sflag:s19] =	ssyncadd.s32 $0xFFFFFC00  }
0xda: {  	[tilespmem:s18], [sflag:$0x1] =	stream.linear.gather [spmem:s16], $0x400, $0x38;
	[tilespmem:$0x10100] =	vst v63  }
0xdb: {  	_ =	swait.ge [sflag:s19], $0x400  }
0xdc: {  	[sflag:s19] =	ssyncset.done $0x0  }
0xdd: {  	s17 =	rddreg [dreg:$0x7];
	[sflag:s19] =	ssyncadd.s32 $0xFFFFFC00  }
0xde: {  	[hbm4b:s17+s3] =	stream.linear.scatter [tilespmem:s18], [sflag:$0x1], $0x400, $0x38;
	[tilespmem:$0x10100] =	vst v63  }
0xdf: {  	_ =	swait.ge [sflag:s19], $0x400  }
0xe0: {  	[sflag:s19] =	ssyncset.done $0x0  }
0xe1: {  	s17 =	rddreg [dreg:$0x18];
	[sflag:s19] =	ssyncadd.s32 $0xFFFFFC00  }
0xe2: {  	[tilespmem:s18], [sflag:$0x1] =	stream.linear.gather [spmem:s17], $0x40, $0x38;
	[tilespmem:$0x10100] =	vst v63  }
0xe3: {  	_ =	swait.ge [sflag:s19], $0x40  }
0xe4: {  	[sflag:s19] =	ssyncset.done $0x0  }
0xe5: {  	s6 =	rddreg [dreg:$0x8];
	[sflag:s19] =	ssyncadd.s32 $0xFFFFFFC0  }
0xe6: {  	[hbm4b:s6+s3] =	stream.linear.scatter [tilespmem:s18], [sflag:$0x1], $0x40, $0x38;
	[tilespmem:$0x10100] =	vst v63  }
0xe7: {  	_ =	swait.ge [sflag:s19], $0x40  }
0xe8: {  	[sflag:s19] =	ssyncset.done $0x0  }
0xe9: {  	s6 =	rddreg [dreg:$0x19];
	[sflag:s19] =	ssyncadd.s32 $0xFFFFFFC0  }
0xea: {  	[tilespmem:s18], [sflag:$0x1] =	stream.linear.gather [spmem:s6], $0x400, $0x38;
	[tilespmem:$0x10100] =	vst v63  }
0xeb: {  	_ =	swait.ge [sflag:s19], $0x400  }
0xec: {  	[sflag:s19] =	ssyncset.done $0x0  }
0xed: {  	s6 =	rddreg [dreg:$0x9];
	[sflag:s19] =	ssyncadd.s32 $0xFFFFFC00  }
0xee: {  	[hbm4b:s6+s3] =	stream.linear.scatter [tilespmem:s18], [sflag:$0x1], $0x400, $0x38;
	[tilespmem:$0x10100] =	vst v63  }
0xef: {  	_ =	swait.ge [sflag:s19], $0x400  }
0xf0: {  	[sflag:s19] =	ssyncset.done $0x0  }
0xf1: {  	s6 =	rddreg [dreg:$0x1a];
	[sflag:s19] =	ssyncadd.s32 $0xFFFFFC00  }
0xf2: {  	[tilespmem:s18], [sflag:$0x1] =	stream.linear.gather [spmem:s6], $0x400, $0x38;
	[tilespmem:$0x10100] =	vst v63  }
0xf3: {  	_ =	swait.ge [sflag:s19], $0x400  }
0xf4: {  	[sflag:s19] =	ssyncset.done $0x0  }
0xf5: {  	s6 =	rddreg [dreg:$0xa];
	[sflag:s19] =	ssyncadd.s32 $0xFFFFFC00  }
0xf6: {  	[hbm4b:s6+s3] =	stream.linear.scatter [tilespmem:s18], [sflag:$0x1], $0x400, $0x38;
	[tilespmem:$0x10100] =	vst v63  }
0xf7: {  	_ =	swait.ge [sflag:s19], $0x400  }
0xf8: {  	[sflag:s19] =	ssyncset.done $0x0  }
0xf9: {  	s6 =	rddreg [dreg:$0x1b];
	[sflag:s19] =	ssyncadd.s32 $0xFFFFFC00  }
0xfa: {  	[tilespmem:s18], [sflag:$0x1] =	stream.linear.gather [spmem:s6], $0x400, $0x38;
	[tilespmem:$0x10100] =	vst v63  }
0xfb: {  	_ =	swait.ge [sflag:s19], $0x400  }
0xfc: {  	[sflag:s19] =	ssyncset.done $0x0  }
0xfd: {  	s6 =	rddreg [dreg:$0xb];
	[sflag:s19] =	ssyncadd.s32 $0xFFFFFC00  }
0xfe: {  	[hbm4b:s6+s3] =	stream.linear.scatter [tilespmem:s18], [sflag:$0x1], $0x400, $0x38;
	[tilespmem:$0x10100] =	vst v63  }
0xff: {  	_ =	swait.ge [sflag:s19], $0x400  }
0x100: {  	[sflag:s19] =	ssyncset.done $0x0  }
0x101: {  	s6 =	rddreg [dreg:$0x1c];
	[sflag:s19] =	ssyncadd.s32 $0xFFFFFC00  }
0x102: {  	[tilespmem:s18], [sflag:$0x1] =	stream.linear.gather [spmem:s6], $0x40, $0x38;
	[tilespmem:$0x10100] =	vst v63  }
0x103: {  	_ =	swait.ge [sflag:s19], $0x40  }
0x104: {  	[sflag:s19] =	ssyncset.done $0x0  }
0x105: {  	s6 =	rddreg [dreg:$0xc];
	[sflag:s19] =	ssyncadd.s32 $0xFFFFFFC0  }
0x106: {  	[hbm4b:s6+s3] =	stream.linear.scatter [tilespmem:s18], [sflag:$0x1], $0x40, $0x38;
	[tilespmem:$0x10100] =	vst v63  }
0x107: {  	_ =	swait.ge [sflag:s19], $0x40  }
0x108: {  	[sflag:s19] =	ssyncset.done $0x0  }
0x109: {  	s6 =	rddreg [dreg:$0x1d];
	[sflag:s19] =	ssyncadd.s32 $0xFFFFFFC0  }
0x10a: {  	[tilespmem:s18], [sflag:$0x1] =	stream.linear.gather [spmem:s6], $0x400, $0x38;
	[tilespmem:$0x10100] =	vst v63  }
0x10b: {  	_ =	swait.ge [sflag:s19], $0x400  }
0x10c: {  	[sflag:s19] =	ssyncset.done $0x0  }
0x10d: {  	s6 =	rddreg [dreg:$0xd];
	[sflag:s19] =	ssyncadd.s32 $0xFFFFFC00  }
0x10e: {  	[hbm4b:s6+s3] =	stream.linear.scatter [tilespmem:s18], [sflag:$0x1], $0x400, $0x38;
	[tilespmem:$0x10100] =	vst v63  }
0x10f: {  	_ =	swait.ge [sflag:s19], $0x400  }
0x110: {  	[sflag:s19] =	ssyncset.done $0x0  }
0x111: {  	s6 =	rddreg [dreg:$0x1e];
	[sflag:s19] =	ssyncadd.s32 $0xFFFFFC00  }
0x112: {  	[tilespmem:s18], [sflag:$0x1] =	stream.linear.gather [spmem:s6], $0x400, $0x38;
	[tilespmem:$0x10100] =	vst v63  }
0x113: {  	_ =	swait.ge [sflag:s19], $0x400  }
0x114: {  	[sflag:s19] =	ssyncset.done $0x0  }
0x115: {  	s6 =	rddreg [dreg:$0xe];
	[sflag:s19] =	ssyncadd.s32 $0xFFFFFC00  }
0x116: {  	[hbm4b:s6+s3] =	stream.linear.scatter [tilespmem:s18], [sflag:$0x1], $0x400, $0x38;
	[tilespmem:$0x10100] =	vst v63  }
0x117: {  	_ =	swait.ge [sflag:s19], $0x400  }
0x118: {  	[sflag:s19] =	ssyncset.done $0x0  }
0x119: {  	s6 =	rddreg [dreg:$0x1f];
	[sflag:s19] =	ssyncadd.s32 $0xFFFFFC00  }
0x11a: {  	[tilespmem:s18], [sflag:$0x1] =	stream.linear.gather [spmem:s6], $0x400, $0x38;
	[tilespmem:$0x10100] =	vst v63  }
0x11b: {  	_ =	swait.ge [sflag:s19], $0x400  }
0x11c: {  	[sflag:s19] =	ssyncset.done $0x0  }
0x11d: {  	s6 =	rddreg [dreg:$0xf];
	[sflag:s19] =	ssyncadd.s32 $0xFFFFFC00  }
0x11e: {  	[hbm4b:s6+s3] =	stream.linear.scatter [tilespmem:s18], [sflag:$0x1], $0x400, $0x38;
	[tilespmem:$0x10100] =	vst v63  }
0x11f: {  	_ =	swait.ge [sflag:s19], $0x400  }
0x120: {  	s6 =	sld [smem:$0x7F9]  }
0x121: {  	[sflag:s19] =	ssyncset.done $0x0  }
0x122: {  	[sflag:s19] =	ssyncadd.s32 $0xFFFFFC00  }
0x123: {  	[tilespmem:s18], [sflag:$0x1] =	stream.linear.gather [spmem:s6], $0x40, $0x38;
	[tilespmem:$0x10100] =	vst v63  }
0x124: {  	_ =	swait.ge [sflag:s19], $0x40  }
0x125: {  	[sflag:s19] =	ssyncset.done $0x0  }
0x126: {  	s6 =	rddreg [dreg:$0x10];
	[sflag:s19] =	ssyncadd.s32 $0xFFFFFFC0  }
0x127: {  	[hbm4b:s6+s3] =	stream.linear.scatter [tilespmem:s18], [sflag:$0x1], $0x40, $0x38;
	[tilespmem:$0x10100] =	vst v63  }
0x128: {  	_ =	swait.ge [sflag:s19], $0x40  }
0x129: {  	s6 =	sld [smem:$0x7FA]  }
0x12a: {  	[sflag:s19] =	ssyncset.done $0x0  }
0x12b: {  	[sflag:s19] =	ssyncadd.s32 $0xFFFFFFC0  }
0x12c: {  	[tilespmem:s18], [sflag:$0x1] =	stream.linear.gather [spmem:s6], $0x400, $0x38;
	[tilespmem:$0x10100] =	vst v63  }
0x12d: {  	_ =	swait.ge [sflag:s19], $0x400  }
0x12e: {  	[sflag:s19] =	ssyncset.done $0x0  }
0x12f: {  	s6 =	rddreg [dreg:$0x11];
	[sflag:s19] =	ssyncadd.s32 $0xFFFFFC00  }
0x130: {  	[hbm4b:s6+s3] =	stream.linear.scatter [tilespmem:s18], [sflag:$0x1], $0x400, $0x38;
	[tilespmem:$0x10100] =	vst v63  }
0x131: {  	_ =	swait.ge [sflag:s19], $0x400  }
0x132: {  	s6 =	sld [smem:$0x7FB]  }
0x133: {  	[sflag:s19] =	ssyncset.done $0x0  }
0x134: {  	[sflag:s19] =	ssyncadd.s32 $0xFFFFFC00  }
0x135: {  	[tilespmem:s18], [sflag:$0x1] =	stream.linear.gather [spmem:s6], $0x400, $0x38;
	[tilespmem:$0x10100] =	vst v63  }
0x136: {  	_ =	swait.ge [sflag:s19], $0x400  }
0x137: {  	[sflag:s19] =	ssyncset.done $0x0  }
0x138: {  	s6 =	rddreg [dreg:$0x12];
	[sflag:s19] =	ssyncadd.s32 $0xFFFFFC00  }
0x139: {  	[hbm4b:s6+s3] =	stream.linear.scatter [tilespmem:s18], [sflag:$0x1], $0x400, $0x38;
	[tilespmem:$0x10100] =	vst v63  }
0x13a: {  	_ =	swait.ge [sflag:s19], $0x400  }
0x13b: {  	s6 =	sld [smem:$0x7FC]  }
0x13c: {  	[sflag:s19] =	ssyncset.done $0x0  }
0x13d: {  	[sflag:s19] =	ssyncadd.s32 $0xFFFFFC00  }
0x13e: {  	[tilespmem:s18], [sflag:$0x1] =	stream.linear.gather [spmem:s6], $0x400, $0x38;
	[tilespmem:$0x10100] =	vst v63  }
0x13f: {  	_ =	swait.ge [sflag:s19], $0x400  }
0x140: {  	[sflag:s19] =	ssyncset.done $0x0  }
0x141: {  	s6 =	rddreg [dreg:$0x13];
	[sflag:s19] =	ssyncadd.s32 $0xFFFFFC00  }
0x142: {  	[hbm4b:s6+s3] =	stream.linear.scatter [tilespmem:s18], [sflag:$0x1], $0x400, $0x38;
	[tilespmem:$0x10100] =	vst v63  }
0x143: {  	_ =	swait.ge [sflag:s19], $0x400  }
0x144: {  	s6 =	sld [smem:$0x7FD]  }
0x145: {  	[sflag:s19] =	ssyncset.done $0x0  }
0x146: {  	[sflag:s19] =	ssyncadd.s32 $0xFFFFFC00  }
0x147: {  	[tilespmem:s18], [sflag:$0x1] =	stream.linear.gather [spmem:s6], $0x40, $0x38;
	[tilespmem:$0x10100] =	vst v63  }
0x148: {  	_ =	swait.ge [sflag:s19], $0x40  }
0x149: {  	[sflag:s19] =	ssyncset.done $0x0  }
0x14a: {  	s6 =	rddreg [dreg:$0x14];
	[sflag:s19] =	ssyncadd.s32 $0xFFFFFFC0  }
0x14b: {  	[hbm4b:s6+s3] =	stream.linear.scatter [tilespmem:s18], [sflag:$0x1], $0x40, $0x38;
	[tilespmem:$0x10100] =	vst v63  }
0x14c: {  	_ =	swait.ge [sflag:s19], $0x40  }
0x14d: {  	s13 =	sadd.s32 $0x1, s13;
	s6 =	rddreg [dreg:$0x15]  }
0x14e: {  	p0 =	sne.s32 s13, s6  }
.Ltmp5:
0x14f: {  	_ = 	snop;
	(pc) =	sbr.rel @p0 .LBB2_1-.Ltmp5, $3  }
0x150: {  	_ =	sdelay $0x1  }
0x151: {  	[sflag:s19] =	ssyncset.done $0x0  }
0x152: {  	[sflag:s19] =	ssyncadd.s32 $0xFFFFFFC0  }
0x153: {  	_ =	sfence.sel $0x180000  }
0x154: {  	[bflag:$0x0] =	sbarrier.arrive $0xFFFF  }
0x155: {  	_ =	strace $0x90000047  }
0x156: {  	s0 =	stileid.u32;
	[bflag:$0x2] =	sbarrier.arrive $0xFFFF  }
0x157: {  	p0 =	sne.s32 s0, $0x0;
	s0 =	rddreg [dreg:$0x2]  }
0x158: {  	s0 =	sadd.s32 @!p0 $0x100000, s0  }
0x159: {  	[sflag:s0] =	ssyncadd.tile.s32 @!p0 $0x1;
	_ =	shalt  }
.Lfunc_end2:
_tile_overlayer_lowered:
.L_overlay_start_2:
0x15a: {  	(tag) =	ssettag $0x2  }
0x15b: {  	s0 =	rddreg [dreg:$0x0];
	s2 =	stileid.u32  }
0x15c: {  	s1 =	rddreg [dreg:$0x1];
	p0 =	sne.s32 s2, $0x0  }
0x15d: {  	s3 =	rddreg [dreg:$0x2];
	[bflag:$0x3] =	sbarrier.arrive $0xFFFF;
	s2 =	simm.s32 @!p0 $0x1C01  }
0x15e: {  	[timem:s3], [sflag:s2] =	dma.local @!p0 [hbm:s0], s1  }
0x15f: {  	s0 =	simm.s32 @!p0 $0x1  }
0x160: {  	_ =	swait.ge @!p0 [sflag:s0], s1  }
0x161: {  	s1 =	ssub.s32 @!p0 $0x0, s1;
	[sflag:s0] =	ssyncset.done @!p0 $0x0  }
0x162: {  	[sflag:s0] =	ssyncadd.s32 @!p0 s1  }
0x163: {  	[bflag:$0x3] =	sbarrier.arrive $0xFFFF  }
0x164: {  	_ =	shalt  }

</sc_bundles>
